<compile_context>
chip_gen: v7x
topology: tpu7x:2x2x1
jax: 0.10.2.dev20260603
libtpu: 0.0.44.dev20260713+nightly
codegen_flags: <defaults>
</compile_context>

<pallas_src>
import functools

import jax
import jax.numpy as jnp
from jax import lax
from jax.experimental import pallas as pl
from jax.experimental.pallas import tpu as pltpu
from jax.experimental.pallas import tpu_sc as plsc

_B = 16384
_D = 32
_CHUNK = 4
_SLOTS = 6


@functools.cache
def _build():
    info = plsc.get_sparse_core_info()
    nw = info.num_cores * info.num_subcores
    b_per_w = _B // nw
    mesh = plsc.VectorSubcoreMesh(core_axis_name="c", subcore_axis_name="s")

    @functools.partial(
        pl.kernel,
        mesh=mesh,
        compiler_params=pltpu.CompilerParams(needs_layout_passes=False),
        out_type=jax.ShapeDtypeStruct((_D, _B), jnp.float32),
        scratch_types=[
            pltpu.VMEM((b_per_w + 16,), jnp.int32),
            pltpu.VMEM((_SLOTS, _CHUNK, _D, 128), jnp.float32),
            pltpu.VMEM((_D, b_per_w), jnp.float32),
            pltpu.SemaphoreType.DMA,
        ] + [pltpu.SemaphoreType.DMA] * _SLOTS,
    )
    def gather_kernel(
        idx_hbm, tab_hbm, out_hbm, idx_v, blk_v, rows_v, sem_i, *sems
    ):
        wid = lax.axis_index("s") * info.num_cores + lax.axis_index("c")
        base = pl.multiple_of(wid * b_per_w, 128)
        pltpu.async_copy(
            idx_hbm.at[pl.ds(base, b_per_w)], idx_v.at[pl.ds(0, b_per_w)], sem_i
        ).wait()
        lane = lax.iota(jnp.int32, 16)
        n_chunks = b_per_w // _CHUNK

        def fire(k, buf, sem):
            cv = idx_v[pl.ds(k * _CHUNK, 16)]
            for kk in range(_CHUNK):
                c = cv[kk]
                t = pl.multiple_of(c - c % 128, 128)
                pltpu.async_copy(
                    tab_hbm.at[:, pl.ds(t, 128)], blk_v.at[buf, kk], sem
                )

        def drain(sem):
            for kk in range(_CHUNK):
                pltpu.make_async_copy(
                    tab_hbm.at[:, pl.ds(0, 128)], blk_v.at[0, kk], sem
                ).wait()

        def extract(k, buf):
            cv = idx_v[pl.ds(k * _CHUNK, 16)]
            jbase = k * _CHUNK
            for kk in range(_CHUNK):
                c = cv[kk]
                r = c % 128
                kcol = jnp.full((16,), kk, dtype=jnp.int32)
                bcol = jnp.full((16,), buf, dtype=jnp.int32)
                rcol = jnp.full((16,), r, dtype=jnp.int32)
                jcol = jnp.full((16,), jbase + kk, dtype=jnp.int32)
                lo = plsc.load_gather(blk_v, [bcol, kcol, lane, rcol])
                hi = plsc.load_gather(blk_v, [bcol, kcol, lane + 16, rcol])
                plsc.store_scatter(rows_v, [lane, jcol], lo)
                plsc.store_scatter(rows_v, [lane + 16, jcol], hi)

        for pre in range(_SLOTS - 1):
            fire(pre, pre, sems[pre])

        @pl.loop(0, n_chunks)
        def _chunk(k):
            for s in range(_SLOTS):
                @pl.when((k % _SLOTS) == s)
                def _slot(s=s):
                    nxt = (s + _SLOTS - 1) % _SLOTS

                    @pl.when(k + _SLOTS - 1 < n_chunks)
                    def _pf():
                        fire(k + _SLOTS - 1, nxt, sems[nxt])

                    drain(sems[s])
                    extract(k, s)

        pltpu.sync_copy(rows_v, out_hbm.at[:, pl.ds(base, b_per_w)])

    return gather_kernel


def kernel(beta, Emb):
    out_t = _build()(beta.astype(jnp.int32), Emb.T)
    return out_t.T

# --- scband reference (transcript-rebuilt; emitter-appended) ---
"""Pipeline reference for scband-beta-embedding-57801669870076 (READ-ONLY COPY).

The authoritative reference and input builder live on the scoring server;
editing this copy changes nothing except your own understanding.
"""

import jax, jax.numpy as jnp
import numpy as np


def setup_inputs(seed: int = 0) -> dict:
    key = jax.random.key(seed)
    k1, k2 = jax.random.split(key)
    beta = jax.random.randint(k1, (16384,), 0, 1000000, dtype=jnp.int64 if jax.config.read('jax_enable_x64') else jnp.int32)
    Emb = jax.random.normal(k2, (1000000, 32), dtype=jnp.float32)
    return {"beta": beta, "Emb": Emb}


def reference(beta, Emb):
    # torch.squeeze(self.Emb(beta))
    out = jnp.take(Emb, beta, axis=0)
    return jnp.squeeze(out)

if __name__ == "__main__":
    import jax
    _d = setup_inputs()
    print(jax.jit(kernel)(*tuple(_d.values())))

</pallas_src>

<mosaic_0001>
#map = affine_map<(d0, d1) -> (0)>
#map1 = affine_map<(d0, d1) -> (0, 0)>
module attributes {stable_mosaic.version = 14 : i64} {
  func.func @gather_kernel(%arg0: i32, %arg1: i32, %arg2: memref<16384xi32, #tpu.memory_space<hbm>>, %arg3: memref<32x1000000xf32, #tpu.memory_space<hbm>>, %arg4: memref<32x16384xf32, #tpu.memory_space<hbm>>, %arg5: memref<528xi32, #tpu.memory_space<vmem>>, %arg6: memref<6x4x32x128xf32, #tpu.memory_space<vmem>>, %arg7: memref<32x512xf32, #tpu.memory_space<vmem>>, %arg8: memref<!tpu.dma_semaphore, #tpu.memory_space<semaphore_mem>>, %arg9: memref<!tpu.dma_semaphore, #tpu.memory_space<semaphore_mem>>, %arg10: memref<!tpu.dma_semaphore, #tpu.memory_space<semaphore_mem>>, %arg11: memref<!tpu.dma_semaphore, #tpu.memory_space<semaphore_mem>>, %arg12: memref<!tpu.dma_semaphore, #tpu.memory_space<semaphore_mem>>, %arg13: memref<!tpu.dma_semaphore, #tpu.memory_space<semaphore_mem>>, %arg14: memref<!tpu.dma_semaphore, #tpu.memory_space<semaphore_mem>>) attributes {dimension_semantics = [#tpu.dimension_semantics<core_parallel>, #tpu.dimension_semantics<subcore_parallel>], iteration_bounds = array<i64: 2, 16>, scalar_prefetch = 0 : i64, scratch_operands = 10 : i64, tpu.core_type = #tpu.core_type<sc_vector_subcore>, window_params = [{transform_indices = #map}, {transform_indices = #map1}, {transform_indices = #map1}]} {
    %mul3A = arith.constant 2 : i32
    %mul3A_0 = arith.muli %arg1, %mul3A : i32
    %add3A = arith.addi %mul3A_0, %arg0 : i32
    %mul3A_1 = arith.constant 512 : i32
    %mul3A_2 = arith.muli %add3A, %mul3A_1 : i32
    %multiple_of3A = tpu.assume_multiple %mul3A_2, 128 : i32
    %dma_start3A = arith.constant 0 : i32
    %dma_start3A_3 = tpu.memref_slice %arg5[%dma_start3A] : memref<528xi32, #tpu.memory_space<vmem>> -> memref<512xi32, #tpu.memory_space<vmem>>
    %dma_start3A_4 = tpu.memref_slice %arg2[%multiple_of3A] : memref<16384xi32, #tpu.memory_space<hbm>> -> memref<512xi32, #tpu.memory_space<hbm>>
    %dma_start3A_5 = arith.constant 0 : i32
    %dma_start3A_6 = tpu.memref_slice %arg5[%dma_start3A_5] : memref<528xi32, #tpu.memory_space<vmem>> -> memref<512xi32, #tpu.memory_space<vmem>>
    %dma_start3A_7 = tpu.memref_slice %arg2[%multiple_of3A] : memref<16384xi32, #tpu.memory_space<hbm>> -> memref<512xi32, #tpu.memory_space<hbm>>
    tpu.enqueue_dma source(%dma_start3A_7 : memref<512xi32, #tpu.memory_space<hbm>>) target(%dma_start3A_6 : memref<512xi32, #tpu.memory_space<vmem>>) target_semaphore(%arg8 : memref<!tpu.dma_semaphore, #tpu.memory_space<semaphore_mem>>)
    %dma_wait3A = arith.constant 0 : i32
    %dma_wait3A_8 = tpu.memref_slice %arg5[%dma_wait3A] : memref<528xi32, #tpu.memory_space<vmem>> -> memref<512xi32, #tpu.memory_space<vmem>>
    %dma_wait3A_9 = tpu.memref_slice %arg2[%multiple_of3A] : memref<16384xi32, #tpu.memory_space<hbm>> -> memref<512xi32, #tpu.memory_space<hbm>>
    %dma_wait3A_10 = arith.constant 0 : i32
    %dma_wait3A_11 = tpu.memref_slice %arg5[%dma_wait3A_10] : memref<528xi32, #tpu.memory_space<vmem>> -> memref<512xi32, #tpu.memory_space<vmem>>
    %dma_wait3A_12 = tpu.memref_slice %arg2[%multiple_of3A] : memref<16384xi32, #tpu.memory_space<hbm>> -> memref<512xi32, #tpu.memory_space<hbm>>
    tpu.wait_dma2 semaphore(%arg8 : memref<!tpu.dma_semaphore, #tpu.memory_space<semaphore_mem>>) src(%dma_wait3A_12 : memref<512xi32, #tpu.memory_space<hbm>>) dst(%dma_wait3A_11 : memref<512xi32, #tpu.memory_space<vmem>>)
    %iota3A = tpu.iota {dimensions = array<i32: 0>} : vector<16xi32>
    %get3A = arith.constant 0 : index
    %get3A_13 = tpu.vector_load %arg5[%get3A] {strides = array<i32>} : memref<528xi32, #tpu.memory_space<vmem>>, vector<16xi32>,
    %slice3A = vector.extract_strided_slice %get3A_13 {offsets = [0], sizes = [1], strides = [1]} : vector<16xi32> to vector<1xi32>
    %squeeze3A = vector.extract %slice3A[0] : i32 from vector<1xi32>
    %jit3A = arith.constant 128 : i32
    %eq3A = arith.constant 0 : i32
    %eq3A_14 = arith.cmpi eq, %jit3A, %eq3A : i32
    %jit3A_15 = arith.constant 1 : i32
    %select_n3A = arith.select %eq3A_14, %jit3A_15, %jit3A : i32
    %rem3A = arith.remsi %squeeze3A, %select_n3A : i32
    %ne3A = arith.constant 0 : i32
    %ne3A_16 = arith.cmpi ne, %rem3A, %ne3A : i32
    %lt3A = arith.constant 0 : i32
    %lt3A_17 = arith.cmpi slt, %rem3A, %lt3A : i32
    %lt3A_18 = arith.constant 0 : i32
    %lt3A_19 = arith.cmpi slt, %select_n3A, %lt3A_18 : i32
    %ne3A_20 = arith.xori %lt3A_17, %lt3A_19 : i1
    %and3A = arith.andi %ne3A_20, %ne3A_16 : i1
    %add3A_21 = arith.addi %rem3A, %select_n3A : i32
    %select_n3A_22 = arith.select %and3A, %add3A_21, %rem3A : i32
    %sub3A = arith.subi %squeeze3A, %select_n3A_22 : i32
    %multiple_of3A_23 = tpu.assume_multiple %sub3A, 128 : i32
    %dma_start3A_24 = arith.constant 0 : i32
    %dma_start3A_25 = arith.constant 0 : i32
    %dma_start3A_26 = arith.constant 0 : i32
    %dma_start3A_27 = arith.constant 0 : i32
    %dma_start3A_28 = tpu.memref_slice %arg6[%dma_start3A_24, %dma_start3A_25, %dma_start3A_26, %dma_start3A_27] : memref<6x4x32x128xf32, #tpu.memory_space<vmem>> -> memref<1x1x32x128xf32, #tpu.memory_space<vmem>>
    %dma_start3A_29 = tpu.memref_squeeze %dma_start3A_28 : memref<1x1x32x128xf32, #tpu.memory_space<vmem>> -> memref<32x128xf32, #tpu.memory_space<vmem>>
    %dma_start3A_30 = arith.constant 0 : i32
    %dma_start3A_31 = tpu.memref_slice %arg3[%dma_start3A_30, %multiple_of3A_23] : memref<32x1000000xf32, #tpu.memory_space<hbm>> -> memref<32x128xf32, #tpu.memory_space<hbm>>
    %dma_start3A_32 = arith.constant 0 : i32
    %dma_start3A_33 = arith.constant 0 : i32
    %dma_start3A_34 = tpu.memref_slice %arg6[%dma_start3A_24, %dma_start3A_25, %dma_start3A_32, %dma_start3A_33] : memref<6x4x32x128xf32, #tpu.memory_space<vmem>> -> memref<1x1x32x128xf32, #tpu.memory_space<vmem>>
    %dma_start3A_35 = tpu.memref_squeeze %dma_start3A_34 : memref<1x1x32x128xf32, #tpu.memory_space<vmem>> -> memref<32x128xf32, #tpu.memory_space<vmem>>
    %dma_start3A_36 = arith.constant 0 : i32
    %dma_start3A_37 = tpu.memref_slice %arg3[%dma_start3A_36, %multiple_of3A_23] : memref<32x1000000xf32, #tpu.memory_space<hbm>> -> memref<32x128xf32, #tpu.memory_space<hbm>>
    tpu.enqueue_dma source(%dma_start3A_37 : memref<32x128xf32, #tpu.memory_space<hbm>>) target(%dma_start3A_35 : memref<32x128xf32, #tpu.memory_space<vmem>>) target_semaphore(%arg9 : memref<!tpu.dma_semaphore, #tpu.memory_space<semaphore_mem>>)
    %slice3A_38 = vector.extract_strided_slice %get3A_13 {offsets = [1], sizes = [1], strides = [1]} : vector<16xi32> to vector<1xi32>
    %squeeze3A_39 = vector.extract %slice3A_38[0] : i32 from vector<1xi32>
    %jit3A_40 = arith.constant 128 : i32
    %eq3A_41 = arith.constant 0 : i32
    %eq3A_42 = arith.cmpi eq, %jit3A_40, %eq3A_41 : i32
    %jit3A_43 = arith.constant 1 : i32
    %select_n3A_44 = arith.select %eq3A_42, %jit3A_43, %jit3A_40 : i32
    %rem3A_45 = arith.remsi %squeeze3A_39, %select_n3A_44 : i32
    %ne3A_46 = arith.constant 0 : i32
    %ne3A_47 = arith.cmpi ne, %rem3A_45, %ne3A_46 : i32
    %lt3A_48 = arith.constant 0 : i32
    %lt3A_49 = arith.cmpi slt, %rem3A_45, %lt3A_48 : i32
    %lt3A_50 = arith.constant 0 : i32
    %lt3A_51 = arith.cmpi slt, %select_n3A_44, %lt3A_50 : i32
    %ne3A_52 = arith.xori %lt3A_49, %lt3A_51 : i1
    %and3A_53 = arith.andi %ne3A_52, %ne3A_47 : i1
    %add3A_54 = arith.addi %rem3A_45, %select_n3A_44 : i32
    %select_n3A_55 = arith.select %and3A_53, %add3A_54, %rem3A_45 : i32
    %sub3A_56 = arith.subi %squeeze3A_39, %select_n3A_55 : i32
    %multiple_of3A_57 = tpu.assume_multiple %sub3A_56, 128 : i32
    %dma_start3A_58 = arith.constant 0 : i32
    %dma_start3A_59 = arith.constant 1 : i32
    %dma_start3A_60 = arith.constant 0 : i32
    %dma_start3A_61 = arith.constant 0 : i32
    %dma_start3A_62 = tpu.memref_slice %arg6[%dma_start3A_58, %dma_start3A_59, %dma_start3A_60, %dma_start3A_61] : memref<6x4x32x128xf32, #tpu.memory_space<vmem>> -> memref<1x1x32x128xf32, #tpu.memory_space<vmem>>
    %dma_start3A_63 = tpu.memref_squeeze %dma_start3A_62 : memref<1x1x32x128xf32, #tpu.memory_space<vmem>> -> memref<32x128xf32, #tpu.memory_space<vmem>>
    %dma_start3A_64 = arith.constant 0 : i32
    %dma_start3A_65 = tpu.memref_slice %arg3[%dma_start3A_64, %multiple_of3A_57] : memref<32x1000000xf32, #tpu.memory_space<hbm>> -> memref<32x128xf32, #tpu.memory_space<hbm>>
    %dma_start3A_66 = arith.constant 0 : i32
    %dma_start3A_67 = arith.constant 0 : i32
    %dma_start3A_68 = tpu.memref_slice %arg6[%dma_start3A_58, %dma_start3A_59, %dma_start3A_66, %dma_start3A_67] : memref<6x4x32x128xf32, #tpu.memory_space<vmem>> -> memref<1x1x32x128xf32, #tpu.memory_space<vmem>>
    %dma_start3A_69 = tpu.memref_squeeze %dma_start3A_68 : memref<1x1x32x128xf32, #tpu.memory_space<vmem>> -> memref<32x128xf32, #tpu.memory_space<vmem>>
    %dma_start3A_70 = arith.constant 0 : i32
    %dma_start3A_71 = tpu.memref_slice %arg3[%dma_start3A_70, %multiple_of3A_57] : memref<32x1000000xf32, #tpu.memory_space<hbm>> -> memref<32x128xf32, #tpu.memory_space<hbm>>
    tpu.enqueue_dma source(%dma_start3A_71 : memref<32x128xf32, #tpu.memory_space<hbm>>) target(%dma_start3A_69 : memref<32x128xf32, #tpu.memory_space<vmem>>) target_semaphore(%arg9 : memref<!tpu.dma_semaphore, #tpu.memory_space<semaphore_mem>>)
    %slice3A_72 = vector.extract_strided_slice %get3A_13 {offsets = [2], sizes = [1], strides = [1]} : vector<16xi32> to vector<1xi32>
    %squeeze3A_73 = vector.extract %slice3A_72[0] : i32 from vector<1xi32>
    %jit3A_74 = arith.constant 128 : i32
    %eq3A_75 = arith.constant 0 : i32
    %eq3A_76 = arith.cmpi eq, %jit3A_74, %eq3A_75 : i32
    %jit3A_77 = arith.constant 1 : i32
    %select_n3A_78 = arith.select %eq3A_76, %jit3A_77, %jit3A_74 : i32
    %rem3A_79 = arith.remsi %squeeze3A_73, %select_n3A_78 : i32
    %ne3A_80 = arith.constant 0 : i32
    %ne3A_81 = arith.cmpi ne, %rem3A_79, %ne3A_80 : i32
    %lt3A_82 = arith.constant 0 : i32
    %lt3A_83 = arith.cmpi slt, %rem3A_79, %lt3A_82 : i32
    %lt3A_84 = arith.constant 0 : i32
    %lt3A_85 = arith.cmpi slt, %select_n3A_78, %lt3A_84 : i32
    %ne3A_86 = arith.xori %lt3A_83, %lt3A_85 : i1
    %and3A_87 = arith.andi %ne3A_86, %ne3A_81 : i1
    %add3A_88 = arith.addi %rem3A_79, %select_n3A_78 : i32
    %select_n3A_89 = arith.select %and3A_87, %add3A_88, %rem3A_79 : i32
    %sub3A_90 = arith.subi %squeeze3A_73, %select_n3A_89 : i32
    %multiple_of3A_91 = tpu.assume_multiple %sub3A_90, 128 : i32
    %dma_start3A_92 = arith.constant 0 : i32
    %dma_start3A_93 = arith.constant 2 : i32
    %dma_start3A_94 = arith.constant 0 : i32
    %dma_start3A_95 = arith.constant 0 : i32
    %dma_start3A_96 = tpu.memref_slice %arg6[%dma_start3A_92, %dma_start3A_93, %dma_start3A_94, %dma_start3A_95] : memref<6x4x32x128xf32, #tpu.memory_space<vmem>> -> memref<1x1x32x128xf32, #tpu.memory_space<vmem>>
    %dma_start3A_97 = tpu.memref_squeeze %dma_start3A_96 : memref<1x1x32x128xf32, #tpu.memory_space<vmem>> -> memref<32x128xf32, #tpu.memory_space<vmem>>
    %dma_start3A_98 = arith.constant 0 : i32
    %dma_start3A_99 = tpu.memref_slice %arg3[%dma_start3A_98, %multiple_of3A_91] : memref<32x1000000xf32, #tpu.memory_space<hbm>> -> memref<32x128xf32, #tpu.memory_space<hbm>>
    %dma_start3A_100 = arith.constant 0 : i32
    %dma_start3A_101 = arith.constant 0 : i32
    %dma_start3A_102 = tpu.memref_slice %arg6[%dma_start3A_92, %dma_start3A_93, %dma_start3A_100, %dma_start3A_101] : memref<6x4x32x128xf32, #tpu.memory_space<vmem>> -> memref<1x1x32x128xf32, #tpu.memory_space<vmem>>
    %dma_start3A_103 = tpu.memref_squeeze %dma_start3A_102 : memref<1x1x32x128xf32, #tpu.memory_space<vmem>> -> memref<32x128xf32, #tpu.memory_space<vmem>>
    %dma_start3A_104 = arith.constant 0 : i32
    %dma_start3A_105 = tpu.memref_slice %arg3[%dma_start3A_104, %multiple_of3A_91] : memref<32x1000000xf32, #tpu.memory_space<hbm>> -> memref<32x128xf32, #tpu.memory_space<hbm>>
    tpu.enqueue_dma source(%dma_start3A_105 : memref<32x128xf32, #tpu.memory_space<hbm>>) target(%dma_start3A_103 : memref<32x128xf32, #tpu.memory_space<vmem>>) target_semaphore(%arg9 : memref<!tpu.dma_semaphore, #tpu.memory_space<semaphore_mem>>)
    %slice3A_106 = vector.extract_strided_slice %get3A_13 {offsets = [3], sizes = [1], strides = [1]} : vector<16xi32> to vector<1xi32>
    %squeeze3A_107 = vector.extract %slice3A_106[0] : i32 from vector<1xi32>
    %jit3A_108 = arith.constant 128 : i32
    %eq3A_109 = arith.constant 0 : i32
    %eq3A_110 = arith.cmpi eq, %jit3A_108, %eq3A_109 : i32
    %jit3A_111 = arith.constant 1 : i32
    %select_n3A_112 = arith.select %eq3A_110, %jit3A_111, %jit3A_108 : i32
    %rem3A_113 = arith.remsi %squeeze3A_107, %select_n3A_112 : i32
    %ne3A_114 = arith.constant 0 : i32
    %ne3A_115 = arith.cmpi ne, %rem3A_113, %ne3A_114 : i32
    %lt3A_116 = arith.constant 0 : i32
    %lt3A_117 = arith.cmpi slt, %rem3A_113, %lt3A_116 : i32
    %lt3A_118 = arith.constant 0 : i32
    %lt3A_119 = arith.cmpi slt, %select_n3A_112, %lt3A_118 : i32
    %ne3A_120 = arith.xori %lt3A_117, %lt3A_119 : i1
    %and3A_121 = arith.andi %ne3A_120, %ne3A_115 : i1
    %add3A_122 = arith.addi %rem3A_113, %select_n3A_112 : i32
    %select_n3A_123 = arith.select %and3A_121, %add3A_122, %rem3A_113 : i32
    %sub3A_124 = arith.subi %squeeze3A_107, %select_n3A_123 : i32
    %multiple_of3A_125 = tpu.assume_multiple %sub3A_124, 128 : i32
    %dma_start3A_126 = arith.constant 0 : i32
    %dma_start3A_127 = arith.constant 3 : i32
    %dma_start3A_128 = arith.constant 0 : i32
    %dma_start3A_129 = arith.constant 0 : i32
    %dma_start3A_130 = tpu.memref_slice %arg6[%dma_start3A_126, %dma_start3A_127, %dma_start3A_128, %dma_start3A_129] : memref<6x4x32x128xf32, #tpu.memory_space<vmem>> -> memref<1x1x32x128xf32, #tpu.memory_space<vmem>>
    %dma_start3A_131 = tpu.memref_squeeze %dma_start3A_130 : memref<1x1x32x128xf32, #tpu.memory_space<vmem>> -> memref<32x128xf32, #tpu.memory_space<vmem>>
    %dma_start3A_132 = arith.constant 0 : i32
    %dma_start3A_133 = tpu.memref_slice %arg3[%dma_start3A_132, %multiple_of3A_125] : memref<32x1000000xf32, #tpu.memory_space<hbm>> -> memref<32x128xf32, #tpu.memory_space<hbm>>
    %dma_start3A_134 = arith.constant 0 : i32
    %dma_start3A_135 = arith.constant 0 : i32
    %dma_start3A_136 = tpu.memref_slice %arg6[%dma_start3A_126, %dma_start3A_127, %dma_start3A_134, %dma_start3A_135] : memref<6x4x32x128xf32, #tpu.memory_space<vmem>> -> memref<1x1x32x128xf32, #tpu.memory_space<vmem>>
    %dma_start3A_137 = tpu.memref_squeeze %dma_start3A_136 : memref<1x1x32x128xf32, #tpu.memory_space<vmem>> -> memref<32x128xf32, #tpu.memory_space<vmem>>
    %dma_start3A_138 = arith.constant 0 : i32
    %dma_start3A_139 = tpu.memref_slice %arg3[%dma_start3A_138, %multiple_of3A_125] : memref<32x1000000xf32, #tpu.memory_space<hbm>> -> memref<32x128xf32, #tpu.memory_space<hbm>>
    tpu.enqueue_dma source(%dma_start3A_139 : memref<32x128xf32, #tpu.memory_space<hbm>>) target(%dma_start3A_137 : memref<32x128xf32, #tpu.memory_space<vmem>>) target_semaphore(%arg9 : memref<!tpu.dma_semaphore, #tpu.memory_space<semaphore_mem>>)
    %get3A_140 = arith.constant 4 : index
    %get3A_141 = tpu.vector_load %arg5[%get3A_140] {strides = array<i32>} : memref<528xi32, #tpu.memory_space<vmem>>, vector<16xi32>,
    %slice3A_142 = vector.extract_strided_slice %get3A_141 {offsets = [0], sizes = [1], strides = [1]} : vector<16xi32> to vector<1xi32>
    %squeeze3A_143 = vector.extract %slice3A_142[0] : i32 from vector<1xi32>
    %jit3A_144 = arith.constant 128 : i32
    %eq3A_145 = arith.constant 0 : i32
    %eq3A_146 = arith.cmpi eq, %jit3A_144, %eq3A_145 : i32
    %jit3A_147 = arith.constant 1 : i32
    %select_n3A_148 = arith.select %eq3A_146, %jit3A_147, %jit3A_144 : i32
    %rem3A_149 = arith.remsi %squeeze3A_143, %select_n3A_148 : i32
    %ne3A_150 = arith.constant 0 : i32
    %ne3A_151 = arith.cmpi ne, %rem3A_149, %ne3A_150 : i32
    %lt3A_152 = arith.constant 0 : i32
    %lt3A_153 = arith.cmpi slt, %rem3A_149, %lt3A_152 : i32
    %lt3A_154 = arith.constant 0 : i32
    %lt3A_155 = arith.cmpi slt, %select_n3A_148, %lt3A_154 : i32
    %ne3A_156 = arith.xori %lt3A_153, %lt3A_155 : i1
    %and3A_157 = arith.andi %ne3A_156, %ne3A_151 : i1
    %add3A_158 = arith.addi %rem3A_149, %select_n3A_148 : i32
    %select_n3A_159 = arith.select %and3A_157, %add3A_158, %rem3A_149 : i32
    %sub3A_160 = arith.subi %squeeze3A_143, %select_n3A_159 : i32
    %multiple_of3A_161 = tpu.assume_multiple %sub3A_160, 128 : i32
    %dma_start3A_162 = arith.constant 1 : i32
    %dma_start3A_163 = arith.constant 0 : i32
    %dma_start3A_164 = arith.constant 0 : i32
    %dma_start3A_165 = arith.constant 0 : i32
    %dma_start3A_166 = tpu.memref_slice %arg6[%dma_start3A_162, %dma_start3A_163, %dma_start3A_164, %dma_start3A_165] : memref<6x4x32x128xf32, #tpu.memory_space<vmem>> -> memref<1x1x32x128xf32, #tpu.memory_space<vmem>>
    %dma_start3A_167 = tpu.memref_squeeze %dma_start3A_166 : memref<1x1x32x128xf32, #tpu.memory_space<vmem>> -> memref<32x128xf32, #tpu.memory_space<vmem>>
    %dma_start3A_168 = arith.constant 0 : i32
    %dma_start3A_169 = tpu.memref_slice %arg3[%dma_start3A_168, %multiple_of3A_161] : memref<32x1000000xf32, #tpu.memory_space<hbm>> -> memref<32x128xf32, #tpu.memory_space<hbm>>
    %dma_start3A_170 = arith.constant 0 : i32
    %dma_start3A_171 = arith.constant 0 : i32
    %dma_start3A_172 = tpu.memref_slice %arg6[%dma_start3A_162, %dma_start3A_163, %dma_start3A_170, %dma_start3A_171] : memref<6x4x32x128xf32, #tpu.memory_space<vmem>> -> memref<1x1x32x128xf32, #tpu.memory_space<vmem>>
    %dma_start3A_173 = tpu.memref_squeeze %dma_start3A_172 : memref<1x1x32x128xf32, #tpu.memory_space<vmem>> -> memref<32x128xf32, #tpu.memory_space<vmem>>
    %dma_start3A_174 = arith.constant 0 : i32
    %dma_start3A_175 = tpu.memref_slice %arg3[%dma_start3A_174, %multiple_of3A_161] : memref<32x1000000xf32, #tpu.memory_space<hbm>> -> memref<32x128xf32, #tpu.memory_space<hbm>>
    tpu.enqueue_dma source(%dma_start3A_175 : memref<32x128xf32, #tpu.memory_space<hbm>>) target(%dma_start3A_173 : memref<32x128xf32, #tpu.memory_space<vmem>>) target_semaphore(%arg10 : memref<!tpu.dma_semaphore, #tpu.memory_space<semaphore_mem>>)
    %slice3A_176 = vector.extract_strided_slice %get3A_141 {offsets = [1], sizes = [1], strides = [1]} : vector<16xi32> to vector<1xi32>
    %squeeze3A_177 = vector.extract %slice3A_176[0] : i32 from vector<1xi32>
    %jit3A_178 = arith.constant 128 : i32
    %eq3A_179 = arith.constant 0 : i32
    %eq3A_180 = arith.cmpi eq, %jit3A_178, %eq3A_179 : i32
    %jit3A_181 = arith.constant 1 : i32
    %select_n3A_182 = arith.select %eq3A_180, %jit3A_181, %jit3A_178 : i32
    %rem3A_183 = arith.remsi %squeeze3A_177, %select_n3A_182 : i32
    %ne3A_184 = arith.constant 0 : i32
    %ne3A_185 = arith.cmpi ne, %rem3A_183, %ne3A_184 : i32
    %lt3A_186 = arith.constant 0 : i32
    %lt3A_187 = arith.cmpi slt, %rem3A_183, %lt3A_186 : i32
    %lt3A_188 = arith.constant 0 : i32
    %lt3A_189 = arith.cmpi slt, %select_n3A_182, %lt3A_188 : i32
    %ne3A_190 = arith.xori %lt3A_187, %lt3A_189 : i1
    %and3A_191 = arith.andi %ne3A_190, %ne3A_185 : i1
    %add3A_192 = arith.addi %rem3A_183, %select_n3A_182 : i32
    %select_n3A_193 = arith.select %and3A_191, %add3A_192, %rem3A_183 : i32
    %sub3A_194 = arith.subi %squeeze3A_177, %select_n3A_193 : i32
    %multiple_of3A_195 = tpu.assume_multiple %sub3A_194, 128 : i32
    %dma_start3A_196 = arith.constant 1 : i32
    %dma_start3A_197 = arith.constant 1 : i32
    %dma_start3A_198 = arith.constant 0 : i32
    %dma_start3A_199 = arith.constant 0 : i32
    %dma_start3A_200 = tpu.memref_slice %arg6[%dma_start3A_196, %dma_start3A_197, %dma_start3A_198, %dma_start3A_199] : memref<6x4x32x128xf32, #tpu.memory_space<vmem>> -> memref<1x1x32x128xf32, #tpu.memory_space<vmem>>
    %dma_start3A_201 = tpu.memref_squeeze %dma_start3A_200 : memref<1x1x32x128xf32, #tpu.memory_space<vmem>> -> memref<32x128xf32, #tpu.memory_space<vmem>>
    %dma_start3A_202 = arith.constant 0 : i32
    %dma_start3A_203 = tpu.memref_slice %arg3[%dma_start3A_202, %multiple_of3A_195] : memref<32x1000000xf32, #tpu.memory_space<hbm>> -> memref<32x128xf32, #tpu.memory_space<hbm>>
    %dma_start3A_204 = arith.constant 0 : i32
    %dma_start3A_205 = arith.constant 0 : i32
    %dma_start3A_206 = tpu.memref_slice %arg6[%dma_start3A_196, %dma_start3A_197, %dma_start3A_204, %dma_start3A_205] : memref<6x4x32x128xf32, #tpu.memory_space<vmem>> -> memref<1x1x32x128xf32, #tpu.memory_space<vmem>>
    %dma_start3A_207 = tpu.memref_squeeze %dma_start3A_206 : memref<1x1x32x128xf32, #tpu.memory_space<vmem>> -> memref<32x128xf32, #tpu.memory_space<vmem>>
    %dma_start3A_208 = arith.constant 0 : i32
    %dma_start3A_209 = tpu.memref_slice %arg3[%dma_start3A_208, %multiple_of3A_195] : memref<32x1000000xf32, #tpu.memory_space<hbm>> -> memref<32x128xf32, #tpu.memory_space<hbm>>
    tpu.enqueue_dma source(%dma_start3A_209 : memref<32x128xf32, #tpu.memory_space<hbm>>) target(%dma_start3A_207 : memref<32x128xf32, #tpu.memory_space<vmem>>) target_semaphore(%arg10 : memref<!tpu.dma_semaphore, #tpu.memory_space<semaphore_mem>>)
    %slice3A_210 = vector.extract_strided_slice %get3A_141 {offsets = [2], sizes = [1], strides = [1]} : vector<16xi32> to vector<1xi32>
    %squeeze3A_211 = vector.extract %slice3A_210[0] : i32 from vector<1xi32>
    %jit3A_212 = arith.constant 128 : i32
    %eq3A_213 = arith.constant 0 : i32
    %eq3A_214 = arith.cmpi eq, %jit3A_212, %eq3A_213 : i32
    %jit3A_215 = arith.constant 1 : i32
    %select_n3A_216 = arith.select %eq3A_214, %jit3A_215, %jit3A_212 : i32
    %rem3A_217 = arith.remsi %squeeze3A_211, %select_n3A_216 : i32
    %ne3A_218 = arith.constant 0 : i32
    %ne3A_219 = arith.cmpi ne, %rem3A_217, %ne3A_218 : i32
    %lt3A_220 = arith.constant 0 : i32
    %lt3A_221 = arith.cmpi slt, %rem3A_217, %lt3A_220 : i32
    %lt3A_222 = arith.constant 0 : i32
    %lt3A_223 = arith.cmpi slt, %select_n3A_216, %lt3A_222 : i32
    %ne3A_224 = arith.xori %lt3A_221, %lt3A_223 : i1
    %and3A_225 = arith.andi %ne3A_224, %ne3A_219 : i1
    %add3A_226 = arith.addi %rem3A_217, %select_n3A_216 : i32
    %select_n3A_227 = arith.select %and3A_225, %add3A_226, %rem3A_217 : i32
    %sub3A_228 = arith.subi %squeeze3A_211, %select_n3A_227 : i32
    %multiple_of3A_229 = tpu.assume_multiple %sub3A_228, 128 : i32
    %dma_start3A_230 = arith.constant 1 : i32
    %dma_start3A_231 = arith.constant 2 : i32
    %dma_start3A_232 = arith.constant 0 : i32
    %dma_start3A_233 = arith.constant 0 : i32
    %dma_start3A_234 = tpu.memref_slice %arg6[%dma_start3A_230, %dma_start3A_231, %dma_start3A_232, %dma_start3A_233] : memref<6x4x32x128xf32, #tpu.memory_space<vmem>> -> memref<1x1x32x128xf32, #tpu.memory_space<vmem>>
    %dma_start3A_235 = tpu.memref_squeeze %dma_start3A_234 : memref<1x1x32x128xf32, #tpu.memory_space<vmem>> -> memref<32x128xf32, #tpu.memory_space<vmem>>
    %dma_start3A_236 = arith.constant 0 : i32
    %dma_start3A_237 = tpu.memref_slice %arg3[%dma_start3A_236, %multiple_of3A_229] : memref<32x1000000xf32, #tpu.memory_space<hbm>> -> memref<32x128xf32, #tpu.memory_space<hbm>>
    %dma_start3A_238 = arith.constant 0 : i32
    %dma_start3A_239 = arith.constant 0 : i32
    %dma_start3A_240 = tpu.memref_slice %arg6[%dma_start3A_230, %dma_start3A_231, %dma_start3A_238, %dma_start3A_239] : memref<6x4x32x128xf32, #tpu.memory_space<vmem>> -> memref<1x1x32x128xf32, #tpu.memory_space<vmem>>
    %dma_start3A_241 = tpu.memref_squeeze %dma_start3A_240 : memref<1x1x32x128xf32, #tpu.memory_space<vmem>> -> memref<32x128xf32, #tpu.memory_space<vmem>>
    %dma_start3A_242 = arith.constant 0 : i32
    %dma_start3A_243 = tpu.memref_slice %arg3[%dma_start3A_242, %multiple_of3A_229] : memref<32x1000000xf32, #tpu.memory_space<hbm>> -> memref<32x128xf32, #tpu.memory_space<hbm>>
    tpu.enqueue_dma source(%dma_start3A_243 : memref<32x128xf32, #tpu.memory_space<hbm>>) target(%dma_start3A_241 : memref<32x128xf32, #tpu.memory_space<vmem>>) target_semaphore(%arg10 : memref<!tpu.dma_semaphore, #tpu.memory_space<semaphore_mem>>)
    %slice3A_244 = vector.extract_strided_slice %get3A_141 {offsets = [3], sizes = [1], strides = [1]} : vector<16xi32> to vector<1xi32>
    %squeeze3A_245 = vector.extract %slice3A_244[0] : i32 from vector<1xi32>
    %jit3A_246 = arith.constant 128 : i32
    %eq3A_247 = arith.constant 0 : i32
    %eq3A_248 = arith.cmpi eq, %jit3A_246, %eq3A_247 : i32
    %jit3A_249 = arith.constant 1 : i32
    %select_n3A_250 = arith.select %eq3A_248, %jit3A_249, %jit3A_246 : i32
    %rem3A_251 = arith.remsi %squeeze3A_245, %select_n3A_250 : i32
    %ne3A_252 = arith.constant 0 : i32
    %ne3A_253 = arith.cmpi ne, %rem3A_251, %ne3A_252 : i32
    %lt3A_254 = arith.constant 0 : i32
    %lt3A_255 = arith.cmpi slt, %rem3A_251, %lt3A_254 : i32
    %lt3A_256 = arith.constant 0 : i32
    %lt3A_257 = arith.cmpi slt, %select_n3A_250, %lt3A_256 : i32
    %ne3A_258 = arith.xori %lt3A_255, %lt3A_257 : i1
    %and3A_259 = arith.andi %ne3A_258, %ne3A_253 : i1
    %add3A_260 = arith.addi %rem3A_251, %select_n3A_250 : i32
    %select_n3A_261 = arith.select %and3A_259, %add3A_260, %rem3A_251 : i32
    %sub3A_262 = arith.subi %squeeze3A_245, %select_n3A_261 : i32
    %multiple_of3A_263 = tpu.assume_multiple %sub3A_262, 128 : i32
    %dma_start3A_264 = arith.constant 1 : i32
    %dma_start3A_265 = arith.constant 3 : i32
    %dma_start3A_266 = arith.constant 0 : i32
    %dma_start3A_267 = arith.constant 0 : i32
    %dma_start3A_268 = tpu.memref_slice %arg6[%dma_start3A_264, %dma_start3A_265, %dma_start3A_266, %dma_start3A_267] : memref<6x4x32x128xf32, #tpu.memory_space<vmem>> -> memref<1x1x32x128xf32, #tpu.memory_space<vmem>>
    %dma_start3A_269 = tpu.memref_squeeze %dma_start3A_268 : memref<1x1x32x128xf32, #tpu.memory_space<vmem>> -> memref<32x128xf32, #tpu.memory_space<vmem>>
    %dma_start3A_270 = arith.constant 0 : i32
    %dma_start3A_271 = tpu.memref_slice %arg3[%dma_start3A_270, %multiple_of3A_263] : memref<32x1000000xf32, #tpu.memory_space<hbm>> -> memref<32x128xf32, #tpu.memory_space<hbm>>
    %dma_start3A_272 = arith.constant 0 : i32
    %dma_start3A_273 = arith.constant 0 : i32
    %dma_start3A_274 = tpu.memref_slice %arg6[%dma_start3A_264, %dma_start3A_265, %dma_start3A_272, %dma_start3A_273] : memref<6x4x32x128xf32, #tpu.memory_space<vmem>> -> memref<1x1x32x128xf32, #tpu.memory_space<vmem>>
    %dma_start3A_275 = tpu.memref_squeeze %dma_start3A_274 : memref<1x1x32x128xf32, #tpu.memory_space<vmem>> -> memref<32x128xf32, #tpu.memory_space<vmem>>
    %dma_start3A_276 = arith.constant 0 : i32
    %dma_start3A_277 = tpu.memref_slice %arg3[%dma_start3A_276, %multiple_of3A_263] : memref<32x1000000xf32, #tpu.memory_space<hbm>> -> memref<32x128xf32, #tpu.memory_space<hbm>>
    tpu.enqueue_dma source(%dma_start3A_277 : memref<32x128xf32, #tpu.memory_space<hbm>>) target(%dma_start3A_275 : memref<32x128xf32, #tpu.memory_space<vmem>>) target_semaphore(%arg10 : memref<!tpu.dma_semaphore, #tpu.memory_space<semaphore_mem>>)
    %get3A_278 = arith.constant 8 : index
    %get3A_279 = tpu.vector_load %arg5[%get3A_278] {strides = array<i32>} : memref<528xi32, #tpu.memory_space<vmem>>, vector<16xi32>,
    %slice3A_280 = vector.extract_strided_slice %get3A_279 {offsets = [0], sizes = [1], strides = [1]} : vector<16xi32> to vector<1xi32>
    %squeeze3A_281 = vector.extract %slice3A_280[0] : i32 from vector<1xi32>
    %jit3A_282 = arith.constant 128 : i32
    %eq3A_283 = arith.constant 0 : i32
    %eq3A_284 = arith.cmpi eq, %jit3A_282, %eq3A_283 : i32
    %jit3A_285 = arith.constant 1 : i32
    %select_n3A_286 = arith.select %eq3A_284, %jit3A_285, %jit3A_282 : i32
    %rem3A_287 = arith.remsi %squeeze3A_281, %select_n3A_286 : i32
    %ne3A_288 = arith.constant 0 : i32
    %ne3A_289 = arith.cmpi ne, %rem3A_287, %ne3A_288 : i32
    %lt3A_290 = arith.constant 0 : i32
    %lt3A_291 = arith.cmpi slt, %rem3A_287, %lt3A_290 : i32
    %lt3A_292 = arith.constant 0 : i32
    %lt3A_293 = arith.cmpi slt, %select_n3A_286, %lt3A_292 : i32
    %ne3A_294 = arith.xori %lt3A_291, %lt3A_293 : i1
    %and3A_295 = arith.andi %ne3A_294, %ne3A_289 : i1
    %add3A_296 = arith.addi %rem3A_287, %select_n3A_286 : i32
    %select_n3A_297 = arith.select %and3A_295, %add3A_296, %rem3A_287 : i32
    %sub3A_298 = arith.subi %squeeze3A_281, %select_n3A_297 : i32
    %multiple_of3A_299 = tpu.assume_multiple %sub3A_298, 128 : i32
    %dma_start3A_300 = arith.constant 2 : i32
    %dma_start3A_301 = arith.constant 0 : i32
    %dma_start3A_302 = arith.constant 0 : i32
    %dma_start3A_303 = arith.constant 0 : i32
    %dma_start3A_304 = tpu.memref_slice %arg6[%dma_start3A_300, %dma_start3A_301, %dma_start3A_302, %dma_start3A_303] : memref<6x4x32x128xf32, #tpu.memory_space<vmem>> -> memref<1x1x32x128xf32, #tpu.memory_space<vmem>>
    %dma_start3A_305 = tpu.memref_squeeze %dma_start3A_304 : memref<1x1x32x128xf32, #tpu.memory_space<vmem>> -> memref<32x128xf32, #tpu.memory_space<vmem>>
    %dma_start3A_306 = arith.constant 0 : i32
    %dma_start3A_307 = tpu.memref_slice %arg3[%dma_start3A_306, %multiple_of3A_299] : memref<32x1000000xf32, #tpu.memory_space<hbm>> -> memref<32x128xf32, #tpu.memory_space<hbm>>
    %dma_start3A_308 = arith.constant 0 : i32
    %dma_start3A_309 = arith.constant 0 : i32
    %dma_start3A_310 = tpu.memref_slice %arg6[%dma_start3A_300, %dma_start3A_301, %dma_start3A_308, %dma_start3A_309] : memref<6x4x32x128xf32, #tpu.memory_space<vmem>> -> memref<1x1x32x128xf32, #tpu.memory_space<vmem>>
    %dma_start3A_311 = tpu.memref_squeeze %dma_start3A_310 : memref<1x1x32x128xf32, #tpu.memory_space<vmem>> -> memref<32x128xf32, #tpu.memory_space<vmem>>
    %dma_start3A_312 = arith.constant 0 : i32
    %dma_start3A_313 = tpu.memref_slice %arg3[%dma_start3A_312, %multiple_of3A_299] : memref<32x1000000xf32, #tpu.memory_space<hbm>> -> memref<32x128xf32, #tpu.memory_space<hbm>>
    tpu.enqueue_dma source(%dma_start3A_313 : memref<32x128xf32, #tpu.memory_space<hbm>>) target(%dma_start3A_311 : memref<32x128xf32, #tpu.memory_space<vmem>>) target_semaphore(%arg11 : memref<!tpu.dma_semaphore, #tpu.memory_space<semaphore_mem>>)
    %slice3A_314 = vector.extract_strided_slice %get3A_279 {offsets = [1], sizes = [1], strides = [1]} : vector<16xi32> to vector<1xi32>
    %squeeze3A_315 = vector.extract %slice3A_314[0] : i32 from vector<1xi32>
    %jit3A_316 = arith.constant 128 : i32
    %eq3A_317 = arith.constant 0 : i32
    %eq3A_318 = arith.cmpi eq, %jit3A_316, %eq3A_317 : i32
    %jit3A_319 = arith.constant 1 : i32
    %select_n3A_320 = arith.select %eq3A_318, %jit3A_319, %jit3A_316 : i32
    %rem3A_321 = arith.remsi %squeeze3A_315, %select_n3A_320 : i32
    %ne3A_322 = arith.constant 0 : i32
    %ne3A_323 = arith.cmpi ne, %rem3A_321, %ne3A_322 : i32
    %lt3A_324 = arith.constant 0 : i32
    %lt3A_325 = arith.cmpi slt, %rem3A_321, %lt3A_324 : i32
    %lt3A_326 = arith.constant 0 : i32
    %lt3A_327 = arith.cmpi slt, %select_n3A_320, %lt3A_326 : i32
    %ne3A_328 = arith.xori %lt3A_325, %lt3A_327 : i1
    %and3A_329 = arith.andi %ne3A_328, %ne3A_323 : i1
    %add3A_330 = arith.addi %rem3A_321, %select_n3A_320 : i32
    %select_n3A_331 = arith.select %and3A_329, %add3A_330, %rem3A_321 : i32
    %sub3A_332 = arith.subi %squeeze3A_315, %select_n3A_331 : i32
    %multiple_of3A_333 = tpu.assume_multiple %sub3A_332, 128 : i32
    %dma_start3A_334 = arith.constant 2 : i32
    %dma_start3A_335 = arith.constant 1 : i32
    %dma_start3A_336 = arith.constant 0 : i32
    %dma_start3A_337 = arith.constant 0 : i32
    %dma_start3A_338 = tpu.memref_slice %arg6[%dma_start3A_334, %dma_start3A_335, %dma_start3A_336, %dma_start3A_337] : memref<6x4x32x128xf32, #tpu.memory_space<vmem>> -> memref<1x1x32x128xf32, #tpu.memory_space<vmem>>
    %dma_start3A_339 = tpu.memref_squeeze %dma_start3A_338 : memref<1x1x32x128xf32, #tpu.memory_space<vmem>> -> memref<32x128xf32, #tpu.memory_space<vmem>>
    %dma_start3A_340 = arith.constant 0 : i32
    %dma_start3A_341 = tpu.memref_slice %arg3[%dma_start3A_340, %multiple_of3A_333] : memref<32x1000000xf32, #tpu.memory_space<hbm>> -> memref<32x128xf32, #tpu.memory_space<hbm>>
    %dma_start3A_342 = arith.constant 0 : i32
    %dma_start3A_343 = arith.constant 0 : i32
    %dma_start3A_344 = tpu.memref_slice %arg6[%dma_start3A_334, %dma_start3A_335, %dma_start3A_342, %dma_start3A_343] : memref<6x4x32x128xf32, #tpu.memory_space<vmem>> -> memref<1x1x32x128xf32, #tpu.memory_space<vmem>>
    %dma_start3A_345 = tpu.memref_squeeze %dma_start3A_344 : memref<1x1x32x128xf32, #tpu.memory_space<vmem>> -> memref<32x128xf32, #tpu.memory_space<vmem>>
    %dma_start3A_346 = arith.constant 0 : i32
    %dma_start3A_347 = tpu.memref_slice %arg3[%dma_start3A_346, %multiple_of3A_333] : memref<32x1000000xf32, #tpu.memory_space<hbm>> -> memref<32x128xf32, #tpu.memory_space<hbm>>
    tpu.enqueue_dma source(%dma_start3A_347 : memref<32x128xf32, #tpu.memory_space<hbm>>) target(%dma_start3A_345 : memref<32x128xf32, #tpu.memory_space<vmem>>) target_semaphore(%arg11 : memref<!tpu.dma_semaphore, #tpu.memory_space<semaphore_mem>>)
    %slice3A_348 = vector.extract_strided_slice %get3A_279 {offsets = [2], sizes = [1], strides = [1]} : vector<16xi32> to vector<1xi32>
    %squeeze3A_349 = vector.extract %slice3A_348[0] : i32 from vector<1xi32>
    %jit3A_350 = arith.constant 128 : i32
    %eq3A_351 = arith.constant 0 : i32
    %eq3A_352 = arith.cmpi eq, %jit3A_350, %eq3A_351 : i32
    %jit3A_353 = arith.constant 1 : i32
    %select_n3A_354 = arith.select %eq3A_352, %jit3A_353, %jit3A_350 : i32
    %rem3A_355 = arith.remsi %squeeze3A_349, %select_n3A_354 : i32
    %ne3A_356 = arith.constant 0 : i32
    %ne3A_357 = arith.cmpi ne, %rem3A_355, %ne3A_356 : i32
    %lt3A_358 = arith.constant 0 : i32
    %lt3A_359 = arith.cmpi slt, %rem3A_355, %lt3A_358 : i32
    %lt3A_360 = arith.constant 0 : i32
    %lt3A_361 = arith.cmpi slt, %select_n3A_354, %lt3A_360 : i32
    %ne3A_362 = arith.xori %lt3A_359, %lt3A_361 : i1
    %and3A_363 = arith.andi %ne3A_362, %ne3A_357 : i1
    %add3A_364 = arith.addi %rem3A_355, %select_n3A_354 : i32
    %select_n3A_365 = arith.select %and3A_363, %add3A_364, %rem3A_355 : i32
    %sub3A_366 = arith.subi %squeeze3A_349, %select_n3A_365 : i32
    %multiple_of3A_367 = tpu.assume_multiple %sub3A_366, 128 : i32
    %dma_start3A_368 = arith.constant 2 : i32
    %dma_start3A_369 = arith.constant 2 : i32
    %dma_start3A_370 = arith.constant 0 : i32
    %dma_start3A_371 = arith.constant 0 : i32
    %dma_start3A_372 = tpu.memref_slice %arg6[%dma_start3A_368, %dma_start3A_369, %dma_start3A_370, %dma_start3A_371] : memref<6x4x32x128xf32, #tpu.memory_space<vmem>> -> memref<1x1x32x128xf32, #tpu.memory_space<vmem>>
    %dma_start3A_373 = tpu.memref_squeeze %dma_start3A_372 : memref<1x1x32x128xf32, #tpu.memory_space<vmem>> -> memref<32x128xf32, #tpu.memory_space<vmem>>
    %dma_start3A_374 = arith.constant 0 : i32
    %dma_start3A_375 = tpu.memref_slice %arg3[%dma_start3A_374, %multiple_of3A_367] : memref<32x1000000xf32, #tpu.memory_space<hbm>> -> memref<32x128xf32, #tpu.memory_space<hbm>>
    %dma_start3A_376 = arith.constant 0 : i32
    %dma_start3A_377 = arith.constant 0 : i32
    %dma_start3A_378 = tpu.memref_slice %arg6[%dma_start3A_368, %dma_start3A_369, %dma_start3A_376, %dma_start3A_377] : memref<6x4x32x128xf32, #tpu.memory_space<vmem>> -> memref<1x1x32x128xf32, #tpu.memory_space<vmem>>
    %dma_start3A_379 = tpu.memref_squeeze %dma_start3A_378 : memref<1x1x32x128xf32, #tpu.memory_space<vmem>> -> memref<32x128xf32, #tpu.memory_space<vmem>>
    %dma_start3A_380 = arith.constant 0 : i32
    %dma_start3A_381 = tpu.memref_slice %arg3[%dma_start3A_380, %multiple_of3A_367] : memref<32x1000000xf32, #tpu.memory_space<hbm>> -> memref<32x128xf32, #tpu.memory_space<hbm>>
    tpu.enqueue_dma source(%dma_start3A_381 : memref<32x128xf32, #tpu.memory_space<hbm>>) target(%dma_start3A_379 : memref<32x128xf32, #tpu.memory_space<vmem>>) target_semaphore(%arg11 : memref<!tpu.dma_semaphore, #tpu.memory_space<semaphore_mem>>)
    %slice3A_382 = vector.extract_strided_slice %get3A_279 {offsets = [3], sizes = [1], strides = [1]} : vector<16xi32> to vector<1xi32>
    %squeeze3A_383 = vector.extract %slice3A_382[0] : i32 from vector<1xi32>
    %jit3A_384 = arith.constant 128 : i32
    %eq3A_385 = arith.constant 0 : i32
    %eq3A_386 = arith.cmpi eq, %jit3A_384, %eq3A_385 : i32
    %jit3A_387 = arith.constant 1 : i32
    %select_n3A_388 = arith.select %eq3A_386, %jit3A_387, %jit3A_384 : i32
    %rem3A_389 = arith.remsi %squeeze3A_383, %select_n3A_388 : i32
    %ne3A_390 = arith.constant 0 : i32
    %ne3A_391 = arith.cmpi ne, %rem3A_389, %ne3A_390 : i32
    %lt3A_392 = arith.constant 0 : i32
    %lt3A_393 = arith.cmpi slt, %rem3A_389, %lt3A_392 : i32
    %lt3A_394 = arith.constant 0 : i32
    %lt3A_395 = arith.cmpi slt, %select_n3A_388, %lt3A_394 : i32
    %ne3A_396 = arith.xori %lt3A_393, %lt3A_395 : i1
    %and3A_397 = arith.andi %ne3A_396, %ne3A_391 : i1
    %add3A_398 = arith.addi %rem3A_389, %select_n3A_388 : i32
    %select_n3A_399 = arith.select %and3A_397, %add3A_398, %rem3A_389 : i32
    %sub3A_400 = arith.subi %squeeze3A_383, %select_n3A_399 : i32
    %multiple_of3A_401 = tpu.assume_multiple %sub3A_400, 128 : i32
    %dma_start3A_402 = arith.constant 2 : i32
    %dma_start3A_403 = arith.constant 3 : i32
    %dma_start3A_404 = arith.constant 0 : i32
    %dma_start3A_405 = arith.constant 0 : i32
    %dma_start3A_406 = tpu.memref_slice %arg6[%dma_start3A_402, %dma_start3A_403, %dma_start3A_404, %dma_start3A_405] : memref<6x4x32x128xf32, #tpu.memory_space<vmem>> -> memref<1x1x32x128xf32, #tpu.memory_space<vmem>>
    %dma_start3A_407 = tpu.memref_squeeze %dma_start3A_406 : memref<1x1x32x128xf32, #tpu.memory_space<vmem>> -> memref<32x128xf32, #tpu.memory_space<vmem>>
    %dma_start3A_408 = arith.constant 0 : i32
    %dma_start3A_409 = tpu.memref_slice %arg3[%dma_start3A_408, %multiple_of3A_401] : memref<32x1000000xf32, #tpu.memory_space<hbm>> -> memref<32x128xf32, #tpu.memory_space<hbm>>
    %dma_start3A_410 = arith.constant 0 : i32
    %dma_start3A_411 = arith.constant 0 : i32
    %dma_start3A_412 = tpu.memref_slice %arg6[%dma_start3A_402, %dma_start3A_403, %dma_start3A_410, %dma_start3A_411] : memref<6x4x32x128xf32, #tpu.memory_space<vmem>> -> memref<1x1x32x128xf32, #tpu.memory_space<vmem>>
    %dma_start3A_413 = tpu.memref_squeeze %dma_start3A_412 : memref<1x1x32x128xf32, #tpu.memory_space<vmem>> -> memref<32x128xf32, #tpu.memory_space<vmem>>
    %dma_start3A_414 = arith.constant 0 : i32
    %dma_start3A_415 = tpu.memref_slice %arg3[%dma_start3A_414, %multiple_of3A_401] : memref<32x1000000xf32, #tpu.memory_space<hbm>> -> memref<32x128xf32, #tpu.memory_space<hbm>>
    tpu.enqueue_dma source(%dma_start3A_415 : memref<32x128xf32, #tpu.memory_space<hbm>>) target(%dma_start3A_413 : memref<32x128xf32, #tpu.memory_space<vmem>>) target_semaphore(%arg11 : memref<!tpu.dma_semaphore, #tpu.memory_space<semaphore_mem>>)
    %get3A_416 = arith.constant 12 : index
    %get3A_417 = tpu.vector_load %arg5[%get3A_416] {strides = array<i32>} : memref<528xi32, #tpu.memory_space<vmem>>, vector<16xi32>,
    %slice3A_418 = vector.extract_strided_slice %get3A_417 {offsets = [0], sizes = [1], strides = [1]} : vector<16xi32> to vector<1xi32>
    %squeeze3A_419 = vector.extract %slice3A_418[0] : i32 from vector<1xi32>
    %jit3A_420 = arith.constant 128 : i32
    %eq3A_421 = arith.constant 0 : i32
    %eq3A_422 = arith.cmpi eq, %jit3A_420, %eq3A_421 : i32
    %jit3A_423 = arith.constant 1 : i32
    %select_n3A_424 = arith.select %eq3A_422, %jit3A_423, %jit3A_420 : i32
    %rem3A_425 = arith.remsi %squeeze3A_419, %select_n3A_424 : i32
    %ne3A_426 = arith.constant 0 : i32
    %ne3A_427 = arith.cmpi ne, %rem3A_425, %ne3A_426 : i32
    %lt3A_428 = arith.constant 0 : i32
    %lt3A_429 = arith.cmpi slt, %rem3A_425, %lt3A_428 : i32
    %lt3A_430 = arith.constant 0 : i32
    %lt3A_431 = arith.cmpi slt, %select_n3A_424, %lt3A_430 : i32
    %ne3A_432 = arith.xori %lt3A_429, %lt3A_431 : i1
    %and3A_433 = arith.andi %ne3A_432, %ne3A_427 : i1
    %add3A_434 = arith.addi %rem3A_425, %select_n3A_424 : i32
    %select_n3A_435 = arith.select %and3A_433, %add3A_434, %rem3A_425 : i32
    %sub3A_436 = arith.subi %squeeze3A_419, %select_n3A_435 : i32
    %multiple_of3A_437 = tpu.assume_multiple %sub3A_436, 128 : i32
    %dma_start3A_438 = arith.constant 3 : i32
    %dma_start3A_439 = arith.constant 0 : i32
    %dma_start3A_440 = arith.constant 0 : i32
    %dma_start3A_441 = arith.constant 0 : i32
    %dma_start3A_442 = tpu.memref_slice %arg6[%dma_start3A_438, %dma_start3A_439, %dma_start3A_440, %dma_start3A_441] : memref<6x4x32x128xf32, #tpu.memory_space<vmem>> -> memref<1x1x32x128xf32, #tpu.memory_space<vmem>>
    %dma_start3A_443 = tpu.memref_squeeze %dma_start3A_442 : memref<1x1x32x128xf32, #tpu.memory_space<vmem>> -> memref<32x128xf32, #tpu.memory_space<vmem>>
    %dma_start3A_444 = arith.constant 0 : i32
    %dma_start3A_445 = tpu.memref_slice %arg3[%dma_start3A_444, %multiple_of3A_437] : memref<32x1000000xf32, #tpu.memory_space<hbm>> -> memref<32x128xf32, #tpu.memory_space<hbm>>
    %dma_start3A_446 = arith.constant 0 : i32
    %dma_start3A_447 = arith.constant 0 : i32
    %dma_start3A_448 = tpu.memref_slice %arg6[%dma_start3A_438, %dma_start3A_439, %dma_start3A_446, %dma_start3A_447] : memref<6x4x32x128xf32, #tpu.memory_space<vmem>> -> memref<1x1x32x128xf32, #tpu.memory_space<vmem>>
    %dma_start3A_449 = tpu.memref_squeeze %dma_start3A_448 : memref<1x1x32x128xf32, #tpu.memory_space<vmem>> -> memref<32x128xf32, #tpu.memory_space<vmem>>
    %dma_start3A_450 = arith.constant 0 : i32
    %dma_start3A_451 = tpu.memref_slice %arg3[%dma_start3A_450, %multiple_of3A_437] : memref<32x1000000xf32, #tpu.memory_space<hbm>> -> memref<32x128xf32, #tpu.memory_space<hbm>>
    tpu.enqueue_dma source(%dma_start3A_451 : memref<32x128xf32, #tpu.memory_space<hbm>>) target(%dma_start3A_449 : memref<32x128xf32, #tpu.memory_space<vmem>>) target_semaphore(%arg12 : memref<!tpu.dma_semaphore, #tpu.memory_space<semaphore_mem>>)
    %slice3A_452 = vector.extract_strided_slice %get3A_417 {offsets = [1], sizes = [1], strides = [1]} : vector<16xi32> to vector<1xi32>
    %squeeze3A_453 = vector.extract %slice3A_452[0] : i32 from vector<1xi32>
    %jit3A_454 = arith.constant 128 : i32
    %eq3A_455 = arith.constant 0 : i32
    %eq3A_456 = arith.cmpi eq, %jit3A_454, %eq3A_455 : i32
    %jit3A_457 = arith.constant 1 : i32
    %select_n3A_458 = arith.select %eq3A_456, %jit3A_457, %jit3A_454 : i32
    %rem3A_459 = arith.remsi %squeeze3A_453, %select_n3A_458 : i32
    %ne3A_460 = arith.constant 0 : i32
    %ne3A_461 = arith.cmpi ne, %rem3A_459, %ne3A_460 : i32
    %lt3A_462 = arith.constant 0 : i32
    %lt3A_463 = arith.cmpi slt, %rem3A_459, %lt3A_462 : i32
    %lt3A_464 = arith.constant 0 : i32
    %lt3A_465 = arith.cmpi slt, %select_n3A_458, %lt3A_464 : i32
    %ne3A_466 = arith.xori %lt3A_463, %lt3A_465 : i1
    %and3A_467 = arith.andi %ne3A_466, %ne3A_461 : i1
    %add3A_468 = arith.addi %rem3A_459, %select_n3A_458 : i32
    %select_n3A_469 = arith.select %and3A_467, %add3A_468, %rem3A_459 : i32
    %sub3A_470 = arith.subi %squeeze3A_453, %select_n3A_469 : i32
    %multiple_of3A_471 = tpu.assume_multiple %sub3A_470, 128 : i32
    %dma_start3A_472 = arith.constant 3 : i32
    %dma_start3A_473 = arith.constant 1 : i32
    %dma_start3A_474 = arith.constant 0 : i32
    %dma_start3A_475 = arith.constant 0 : i32
    %dma_start3A_476 = tpu.memref_slice %arg6[%dma_start3A_472, %dma_start3A_473, %dma_start3A_474, %dma_start3A_475] : memref<6x4x32x128xf32, #tpu.memory_space<vmem>> -> memref<1x1x32x128xf32, #tpu.memory_space<vmem>>
    %dma_start3A_477 = tpu.memref_squeeze %dma_start3A_476 : memref<1x1x32x128xf32, #tpu.memory_space<vmem>> -> memref<32x128xf32, #tpu.memory_space<vmem>>
    %dma_start3A_478 = arith.constant 0 : i32
    %dma_start3A_479 = tpu.memref_slice %arg3[%dma_start3A_478, %multiple_of3A_471] : memref<32x1000000xf32, #tpu.memory_space<hbm>> -> memref<32x128xf32, #tpu.memory_space<hbm>>
    %dma_start3A_480 = arith.constant 0 : i32
    %dma_start3A_481 = arith.constant 0 : i32
    %dma_start3A_482 = tpu.memref_slice %arg6[%dma_start3A_472, %dma_start3A_473, %dma_start3A_480, %dma_start3A_481] : memref<6x4x32x128xf32, #tpu.memory_space<vmem>> -> memref<1x1x32x128xf32, #tpu.memory_space<vmem>>
    %dma_start3A_483 = tpu.memref_squeeze %dma_start3A_482 : memref<1x1x32x128xf32, #tpu.memory_space<vmem>> -> memref<32x128xf32, #tpu.memory_space<vmem>>
    %dma_start3A_484 = arith.constant 0 : i32
    %dma_start3A_485 = tpu.memref_slice %arg3[%dma_start3A_484, %multiple_of3A_471] : memref<32x1000000xf32, #tpu.memory_space<hbm>> -> memref<32x128xf32, #tpu.memory_space<hbm>>
    tpu.enqueue_dma source(%dma_start3A_485 : memref<32x128xf32, #tpu.memory_space<hbm>>) target(%dma_start3A_483 : memref<32x128xf32, #tpu.memory_space<vmem>>) target_semaphore(%arg12 : memref<!tpu.dma_semaphore, #tpu.memory_space<semaphore_mem>>)
    %slice3A_486 = vector.extract_strided_slice %get3A_417 {offsets = [2], sizes = [1], strides = [1]} : vector<16xi32> to vector<1xi32>
    %squeeze3A_487 = vector.extract %slice3A_486[0] : i32 from vector<1xi32>
    %jit3A_488 = arith.constant 128 : i32
    %eq3A_489 = arith.constant 0 : i32
    %eq3A_490 = arith.cmpi eq, %jit3A_488, %eq3A_489 : i32
    %jit3A_491 = arith.constant 1 : i32
    %select_n3A_492 = arith.select %eq3A_490, %jit3A_491, %jit3A_488 : i32
    %rem3A_493 = arith.remsi %squeeze3A_487, %select_n3A_492 : i32
    %ne3A_494 = arith.constant 0 : i32
    %ne3A_495 = arith.cmpi ne, %rem3A_493, %ne3A_494 : i32
    %lt3A_496 = arith.constant 0 : i32
    %lt3A_497 = arith.cmpi slt, %rem3A_493, %lt3A_496 : i32
    %lt3A_498 = arith.constant 0 : i32
    %lt3A_499 = arith.cmpi slt, %select_n3A_492, %lt3A_498 : i32
    %ne3A_500 = arith.xori %lt3A_497, %lt3A_499 : i1
    %and3A_501 = arith.andi %ne3A_500, %ne3A_495 : i1
    %add3A_502 = arith.addi %rem3A_493, %select_n3A_492 : i32
    %select_n3A_503 = arith.select %and3A_501, %add3A_502, %rem3A_493 : i32
    %sub3A_504 = arith.subi %squeeze3A_487, %select_n3A_503 : i32
    %multiple_of3A_505 = tpu.assume_multiple %sub3A_504, 128 : i32
    %dma_start3A_506 = arith.constant 3 : i32
    %dma_start3A_507 = arith.constant 2 : i32
    %dma_start3A_508 = arith.constant 0 : i32
    %dma_start3A_509 = arith.constant 0 : i32
    %dma_start3A_510 = tpu.memref_slice %arg6[%dma_start3A_506, %dma_start3A_507, %dma_start3A_508, %dma_start3A_509] : memref<6x4x32x128xf32, #tpu.memory_space<vmem>> -> memref<1x1x32x128xf32, #tpu.memory_space<vmem>>
    %dma_start3A_511 = tpu.memref_squeeze %dma_start3A_510 : memref<1x1x32x128xf32, #tpu.memory_space<vmem>> -> memref<32x128xf32, #tpu.memory_space<vmem>>
    %dma_start3A_512 = arith.constant 0 : i32
    %dma_start3A_513 = tpu.memref_slice %arg3[%dma_start3A_512, %multiple_of3A_505] : memref<32x1000000xf32, #tpu.memory_space<hbm>> -> memref<32x128xf32, #tpu.memory_space<hbm>>
    %dma_start3A_514 = arith.constant 0 : i32
    %dma_start3A_515 = arith.constant 0 : i32
    %dma_start3A_516 = tpu.memref_slice %arg6[%dma_start3A_506, %dma_start3A_507, %dma_start3A_514, %dma_start3A_515] : memref<6x4x32x128xf32, #tpu.memory_space<vmem>> -> memref<1x1x32x128xf32, #tpu.memory_space<vmem>>
    %dma_start3A_517 = tpu.memref_squeeze %dma_start3A_516 : memref<1x1x32x128xf32, #tpu.memory_space<vmem>> -> memref<32x128xf32, #tpu.memory_space<vmem>>
    %dma_start3A_518 = arith.constant 0 : i32
    %dma_start3A_519 = tpu.memref_slice %arg3[%dma_start3A_518, %multiple_of3A_505] : memref<32x1000000xf32, #tpu.memory_space<hbm>> -> memref<32x128xf32, #tpu.memory_space<hbm>>
    tpu.enqueue_dma source(%dma_start3A_519 : memref<32x128xf32, #tpu.memory_space<hbm>>) target(%dma_start3A_517 : memref<32x128xf32, #tpu.memory_space<vmem>>) target_semaphore(%arg12 : memref<!tpu.dma_semaphore, #tpu.memory_space<semaphore_mem>>)
    %slice3A_520 = vector.extract_strided_slice %get3A_417 {offsets = [3], sizes = [1], strides = [1]} : vector<16xi32> to vector<1xi32>
    %squeeze3A_521 = vector.extract %slice3A_520[0] : i32 from vector<1xi32>
    %jit3A_522 = arith.constant 128 : i32
    %eq3A_523 = arith.constant 0 : i32
    %eq3A_524 = arith.cmpi eq, %jit3A_522, %eq3A_523 : i32
    %jit3A_525 = arith.constant 1 : i32
    %select_n3A_526 = arith.select %eq3A_524, %jit3A_525, %jit3A_522 : i32
    %rem3A_527 = arith.remsi %squeeze3A_521, %select_n3A_526 : i32
    %ne3A_528 = arith.constant 0 : i32
    %ne3A_529 = arith.cmpi ne, %rem3A_527, %ne3A_528 : i32
    %lt3A_530 = arith.constant 0 : i32
    %lt3A_531 = arith.cmpi slt, %rem3A_527, %lt3A_530 : i32
    %lt3A_532 = arith.constant 0 : i32
    %lt3A_533 = arith.cmpi slt, %select_n3A_526, %lt3A_532 : i32
    %ne3A_534 = arith.xori %lt3A_531, %lt3A_533 : i1
    %and3A_535 = arith.andi %ne3A_534, %ne3A_529 : i1
    %add3A_536 = arith.addi %rem3A_527, %select_n3A_526 : i32
    %select_n3A_537 = arith.select %and3A_535, %add3A_536, %rem3A_527 : i32
    %sub3A_538 = arith.subi %squeeze3A_521, %select_n3A_537 : i32
    %multiple_of3A_539 = tpu.assume_multiple %sub3A_538, 128 : i32
    %dma_start3A_540 = arith.constant 3 : i32
    %dma_start3A_541 = arith.constant 3 : i32
    %dma_start3A_542 = arith.constant 0 : i32
    %dma_start3A_543 = arith.constant 0 : i32
    %dma_start3A_544 = tpu.memref_slice %arg6[%dma_start3A_540, %dma_start3A_541, %dma_start3A_542, %dma_start3A_543] : memref<6x4x32x128xf32, #tpu.memory_space<vmem>> -> memref<1x1x32x128xf32, #tpu.memory_space<vmem>>
    %dma_start3A_545 = tpu.memref_squeeze %dma_start3A_544 : memref<1x1x32x128xf32, #tpu.memory_space<vmem>> -> memref<32x128xf32, #tpu.memory_space<vmem>>
    %dma_start3A_546 = arith.constant 0 : i32
    %dma_start3A_547 = tpu.memref_slice %arg3[%dma_start3A_546, %multiple_of3A_539] : memref<32x1000000xf32, #tpu.memory_space<hbm>> -> memref<32x128xf32, #tpu.memory_space<hbm>>
    %dma_start3A_548 = arith.constant 0 : i32
    %dma_start3A_549 = arith.constant 0 : i32
    %dma_start3A_550 = tpu.memref_slice %arg6[%dma_start3A_540, %dma_start3A_541, %dma_start3A_548, %dma_start3A_549] : memref<6x4x32x128xf32, #tpu.memory_space<vmem>> -> memref<1x1x32x128xf32, #tpu.memory_space<vmem>>
    %dma_start3A_551 = tpu.memref_squeeze %dma_start3A_550 : memref<1x1x32x128xf32, #tpu.memory_space<vmem>> -> memref<32x128xf32, #tpu.memory_space<vmem>>
    %dma_start3A_552 = arith.constant 0 : i32
    %dma_start3A_553 = tpu.memref_slice %arg3[%dma_start3A_552, %multiple_of3A_539] : memref<32x1000000xf32, #tpu.memory_space<hbm>> -> memref<32x128xf32, #tpu.memory_space<hbm>>
    tpu.enqueue_dma source(%dma_start3A_553 : memref<32x128xf32, #tpu.memory_space<hbm>>) target(%dma_start3A_551 : memref<32x128xf32, #tpu.memory_space<vmem>>) target_semaphore(%arg12 : memref<!tpu.dma_semaphore, #tpu.memory_space<semaphore_mem>>)
    %get3A_554 = arith.constant 16 : index
    %get3A_555 = tpu.vector_load %arg5[%get3A_554] {strides = array<i32>} : memref<528xi32, #tpu.memory_space<vmem>>, vector<16xi32>,
    %slice3A_556 = vector.extract_strided_slice %get3A_555 {offsets = [0], sizes = [1], strides = [1]} : vector<16xi32> to vector<1xi32>
    %squeeze3A_557 = vector.extract %slice3A_556[0] : i32 from vector<1xi32>
    %jit3A_558 = arith.constant 128 : i32
    %eq3A_559 = arith.constant 0 : i32
    %eq3A_560 = arith.cmpi eq, %jit3A_558, %eq3A_559 : i32
    %jit3A_561 = arith.constant 1 : i32
    %select_n3A_562 = arith.select %eq3A_560, %jit3A_561, %jit3A_558 : i32
    %rem3A_563 = arith.remsi %squeeze3A_557, %select_n3A_562 : i32
    %ne3A_564 = arith.constant 0 : i32
    %ne3A_565 = arith.cmpi ne, %rem3A_563, %ne3A_564 : i32
    %lt3A_566 = arith.constant 0 : i32
    %lt3A_567 = arith.cmpi slt, %rem3A_563, %lt3A_566 : i32
    %lt3A_568 = arith.constant 0 : i32
    %lt3A_569 = arith.cmpi slt, %select_n3A_562, %lt3A_568 : i32
    %ne3A_570 = arith.xori %lt3A_567, %lt3A_569 : i1
    %and3A_571 = arith.andi %ne3A_570, %ne3A_565 : i1
    %add3A_572 = arith.addi %rem3A_563, %select_n3A_562 : i32
    %select_n3A_573 = arith.select %and3A_571, %add3A_572, %rem3A_563 : i32
    %sub3A_574 = arith.subi %squeeze3A_557, %select_n3A_573 : i32
    %multiple_of3A_575 = tpu.assume_multiple %sub3A_574, 128 : i32
    %dma_start3A_576 = arith.constant 4 : i32
    %dma_start3A_577 = arith.constant 0 : i32
    %dma_start3A_578 = arith.constant 0 : i32
    %dma_start3A_579 = arith.constant 0 : i32
    %dma_start3A_580 = tpu.memref_slice %arg6[%dma_start3A_576, %dma_start3A_577, %dma_start3A_578, %dma_start3A_579] : memref<6x4x32x128xf32, #tpu.memory_space<vmem>> -> memref<1x1x32x128xf32, #tpu.memory_space<vmem>>
    %dma_start3A_581 = tpu.memref_squeeze %dma_start3A_580 : memref<1x1x32x128xf32, #tpu.memory_space<vmem>> -> memref<32x128xf32, #tpu.memory_space<vmem>>
    %dma_start3A_582 = arith.constant 0 : i32
    %dma_start3A_583 = tpu.memref_slice %arg3[%dma_start3A_582, %multiple_of3A_575] : memref<32x1000000xf32, #tpu.memory_space<hbm>> -> memref<32x128xf32, #tpu.memory_space<hbm>>
    %dma_start3A_584 = arith.constant 0 : i32
    %dma_start3A_585 = arith.constant 0 : i32
    %dma_start3A_586 = tpu.memref_slice %arg6[%dma_start3A_576, %dma_start3A_577, %dma_start3A_584, %dma_start3A_585] : memref<6x4x32x128xf32, #tpu.memory_space<vmem>> -> memref<1x1x32x128xf32, #tpu.memory_space<vmem>>
    %dma_start3A_587 = tpu.memref_squeeze %dma_start3A_586 : memref<1x1x32x128xf32, #tpu.memory_space<vmem>> -> memref<32x128xf32, #tpu.memory_space<vmem>>
    %dma_start3A_588 = arith.constant 0 : i32
    %dma_start3A_589 = tpu.memref_slice %arg3[%dma_start3A_588, %multiple_of3A_575] : memref<32x1000000xf32, #tpu.memory_space<hbm>> -> memref<32x128xf32, #tpu.memory_space<hbm>>
    tpu.enqueue_dma source(%dma_start3A_589 : memref<32x128xf32, #tpu.memory_space<hbm>>) target(%dma_start3A_587 : memref<32x128xf32, #tpu.memory_space<vmem>>) target_semaphore(%arg13 : memref<!tpu.dma_semaphore, #tpu.memory_space<semaphore_mem>>)
    %slice3A_590 = vector.extract_strided_slice %get3A_555 {offsets = [1], sizes = [1], strides = [1]} : vector<16xi32> to vector<1xi32>
    %squeeze3A_591 = vector.extract %slice3A_590[0] : i32 from vector<1xi32>
    %jit3A_592 = arith.constant 128 : i32
    %eq3A_593 = arith.constant 0 : i32
    %eq3A_594 = arith.cmpi eq, %jit3A_592, %eq3A_593 : i32
    %jit3A_595 = arith.constant 1 : i32
    %select_n3A_596 = arith.select %eq3A_594, %jit3A_595, %jit3A_592 : i32
    %rem3A_597 = arith.remsi %squeeze3A_591, %select_n3A_596 : i32
    %ne3A_598 = arith.constant 0 : i32
    %ne3A_599 = arith.cmpi ne, %rem3A_597, %ne3A_598 : i32
    %lt3A_600 = arith.constant 0 : i32
    %lt3A_601 = arith.cmpi slt, %rem3A_597, %lt3A_600 : i32
    %lt3A_602 = arith.constant 0 : i32
    %lt3A_603 = arith.cmpi slt, %select_n3A_596, %lt3A_602 : i32
    %ne3A_604 = arith.xori %lt3A_601, %lt3A_603 : i1
    %and3A_605 = arith.andi %ne3A_604, %ne3A_599 : i1
    %add3A_606 = arith.addi %rem3A_597, %select_n3A_596 : i32
    %select_n3A_607 = arith.select %and3A_605, %add3A_606, %rem3A_597 : i32
    %sub3A_608 = arith.subi %squeeze3A_591, %select_n3A_607 : i32
    %multiple_of3A_609 = tpu.assume_multiple %sub3A_608, 128 : i32
    %dma_start3A_610 = arith.constant 4 : i32
    %dma_start3A_611 = arith.constant 1 : i32
    %dma_start3A_612 = arith.constant 0 : i32
    %dma_start3A_613 = arith.constant 0 : i32
    %dma_start3A_614 = tpu.memref_slice %arg6[%dma_start3A_610, %dma_start3A_611, %dma_start3A_612, %dma_start3A_613] : memref<6x4x32x128xf32, #tpu.memory_space<vmem>> -> memref<1x1x32x128xf32, #tpu.memory_space<vmem>>
    %dma_start3A_615 = tpu.memref_squeeze %dma_start3A_614 : memref<1x1x32x128xf32, #tpu.memory_space<vmem>> -> memref<32x128xf32, #tpu.memory_space<vmem>>
    %dma_start3A_616 = arith.constant 0 : i32
    %dma_start3A_617 = tpu.memref_slice %arg3[%dma_start3A_616, %multiple_of3A_609] : memref<32x1000000xf32, #tpu.memory_space<hbm>> -> memref<32x128xf32, #tpu.memory_space<hbm>>
    %dma_start3A_618 = arith.constant 0 : i32
    %dma_start3A_619 = arith.constant 0 : i32
    %dma_start3A_620 = tpu.memref_slice %arg6[%dma_start3A_610, %dma_start3A_611, %dma_start3A_618, %dma_start3A_619] : memref<6x4x32x128xf32, #tpu.memory_space<vmem>> -> memref<1x1x32x128xf32, #tpu.memory_space<vmem>>
    %dma_start3A_621 = tpu.memref_squeeze %dma_start3A_620 : memref<1x1x32x128xf32, #tpu.memory_space<vmem>> -> memref<32x128xf32, #tpu.memory_space<vmem>>
    %dma_start3A_622 = arith.constant 0 : i32
    %dma_start3A_623 = tpu.memref_slice %arg3[%dma_start3A_622, %multiple_of3A_609] : memref<32x1000000xf32, #tpu.memory_space<hbm>> -> memref<32x128xf32, #tpu.memory_space<hbm>>
    tpu.enqueue_dma source(%dma_start3A_623 : memref<32x128xf32, #tpu.memory_space<hbm>>) target(%dma_start3A_621 : memref<32x128xf32, #tpu.memory_space<vmem>>) target_semaphore(%arg13 : memref<!tpu.dma_semaphore, #tpu.memory_space<semaphore_mem>>)
    %slice3A_624 = vector.extract_strided_slice %get3A_555 {offsets = [2], sizes = [1], strides = [1]} : vector<16xi32> to vector<1xi32>
    %squeeze3A_625 = vector.extract %slice3A_624[0] : i32 from vector<1xi32>
    %jit3A_626 = arith.constant 128 : i32
    %eq3A_627 = arith.constant 0 : i32
    %eq3A_628 = arith.cmpi eq, %jit3A_626, %eq3A_627 : i32
    %jit3A_629 = arith.constant 1 : i32
    %select_n3A_630 = arith.select %eq3A_628, %jit3A_629, %jit3A_626 : i32
    %rem3A_631 = arith.remsi %squeeze3A_625, %select_n3A_630 : i32
    %ne3A_632 = arith.constant 0 : i32
    %ne3A_633 = arith.cmpi ne, %rem3A_631, %ne3A_632 : i32
    %lt3A_634 = arith.constant 0 : i32
    %lt3A_635 = arith.cmpi slt, %rem3A_631, %lt3A_634 : i32
    %lt3A_636 = arith.constant 0 : i32
    %lt3A_637 = arith.cmpi slt, %select_n3A_630, %lt3A_636 : i32
    %ne3A_638 = arith.xori %lt3A_635, %lt3A_637 : i1
    %and3A_639 = arith.andi %ne3A_638, %ne3A_633 : i1
    %add3A_640 = arith.addi %rem3A_631, %select_n3A_630 : i32
    %select_n3A_641 = arith.select %and3A_639, %add3A_640, %rem3A_631 : i32
    %sub3A_642 = arith.subi %squeeze3A_625, %select_n3A_641 : i32
    %multiple_of3A_643 = tpu.assume_multiple %sub3A_642, 128 : i32
    %dma_start3A_644 = arith.constant 4 : i32
    %dma_start3A_645 = arith.constant 2 : i32
    %dma_start3A_646 = arith.constant 0 : i32
    %dma_start3A_647 = arith.constant 0 : i32
    %dma_start3A_648 = tpu.memref_slice %arg6[%dma_start3A_644, %dma_start3A_645, %dma_start3A_646, %dma_start3A_647] : memref<6x4x32x128xf32, #tpu.memory_space<vmem>> -> memref<1x1x32x128xf32, #tpu.memory_space<vmem>>
    %dma_start3A_649 = tpu.memref_squeeze %dma_start3A_648 : memref<1x1x32x128xf32, #tpu.memory_space<vmem>> -> memref<32x128xf32, #tpu.memory_space<vmem>>
    %dma_start3A_650 = arith.constant 0 : i32
    %dma_start3A_651 = tpu.memref_slice %arg3[%dma_start3A_650, %multiple_of3A_643] : memref<32x1000000xf32, #tpu.memory_space<hbm>> -> memref<32x128xf32, #tpu.memory_space<hbm>>
    %dma_start3A_652 = arith.constant 0 : i32
    %dma_start3A_653 = arith.constant 0 : i32
    %dma_start3A_654 = tpu.memref_slice %arg6[%dma_start3A_644, %dma_start3A_645, %dma_start3A_652, %dma_start3A_653] : memref<6x4x32x128xf32, #tpu.memory_space<vmem>> -> memref<1x1x32x128xf32, #tpu.memory_space<vmem>>
    %dma_start3A_655 = tpu.memref_squeeze %dma_start3A_654 : memref<1x1x32x128xf32, #tpu.memory_space<vmem>> -> memref<32x128xf32, #tpu.memory_space<vmem>>
    %dma_start3A_656 = arith.constant 0 : i32
    %dma_start3A_657 = tpu.memref_slice %arg3[%dma_start3A_656, %multiple_of3A_643] : memref<32x1000000xf32, #tpu.memory_space<hbm>> -> memref<32x128xf32, #tpu.memory_space<hbm>>
    tpu.enqueue_dma source(%dma_start3A_657 : memref<32x128xf32, #tpu.memory_space<hbm>>) target(%dma_start3A_655 : memref<32x128xf32, #tpu.memory_space<vmem>>) target_semaphore(%arg13 : memref<!tpu.dma_semaphore, #tpu.memory_space<semaphore_mem>>)
    %slice3A_658 = vector.extract_strided_slice %get3A_555 {offsets = [3], sizes = [1], strides = [1]} : vector<16xi32> to vector<1xi32>
    %squeeze3A_659 = vector.extract %slice3A_658[0] : i32 from vector<1xi32>
    %jit3A_660 = arith.constant 128 : i32
    %eq3A_661 = arith.constant 0 : i32
    %eq3A_662 = arith.cmpi eq, %jit3A_660, %eq3A_661 : i32
    %jit3A_663 = arith.constant 1 : i32
    %select_n3A_664 = arith.select %eq3A_662, %jit3A_663, %jit3A_660 : i32
    %rem3A_665 = arith.remsi %squeeze3A_659, %select_n3A_664 : i32
    %ne3A_666 = arith.constant 0 : i32
    %ne3A_667 = arith.cmpi ne, %rem3A_665, %ne3A_666 : i32
    %lt3A_668 = arith.constant 0 : i32
    %lt3A_669 = arith.cmpi slt, %rem3A_665, %lt3A_668 : i32
    %lt3A_670 = arith.constant 0 : i32
    %lt3A_671 = arith.cmpi slt, %select_n3A_664, %lt3A_670 : i32
    %ne3A_672 = arith.xori %lt3A_669, %lt3A_671 : i1
    %and3A_673 = arith.andi %ne3A_672, %ne3A_667 : i1
    %add3A_674 = arith.addi %rem3A_665, %select_n3A_664 : i32
    %select_n3A_675 = arith.select %and3A_673, %add3A_674, %rem3A_665 : i32
    %sub3A_676 = arith.subi %squeeze3A_659, %select_n3A_675 : i32
    %multiple_of3A_677 = tpu.assume_multiple %sub3A_676, 128 : i32
    %dma_start3A_678 = arith.constant 4 : i32
    %dma_start3A_679 = arith.constant 3 : i32
    %dma_start3A_680 = arith.constant 0 : i32
    %dma_start3A_681 = arith.constant 0 : i32
    %dma_start3A_682 = tpu.memref_slice %arg6[%dma_start3A_678, %dma_start3A_679, %dma_start3A_680, %dma_start3A_681] : memref<6x4x32x128xf32, #tpu.memory_space<vmem>> -> memref<1x1x32x128xf32, #tpu.memory_space<vmem>>
    %dma_start3A_683 = tpu.memref_squeeze %dma_start3A_682 : memref<1x1x32x128xf32, #tpu.memory_space<vmem>> -> memref<32x128xf32, #tpu.memory_space<vmem>>
    %dma_start3A_684 = arith.constant 0 : i32
    %dma_start3A_685 = tpu.memref_slice %arg3[%dma_start3A_684, %multiple_of3A_677] : memref<32x1000000xf32, #tpu.memory_space<hbm>> -> memref<32x128xf32, #tpu.memory_space<hbm>>
    %dma_start3A_686 = arith.constant 0 : i32
    %dma_start3A_687 = arith.constant 0 : i32
    %dma_start3A_688 = tpu.memref_slice %arg6[%dma_start3A_678, %dma_start3A_679, %dma_start3A_686, %dma_start3A_687] : memref<6x4x32x128xf32, #tpu.memory_space<vmem>> -> memref<1x1x32x128xf32, #tpu.memory_space<vmem>>
    %dma_start3A_689 = tpu.memref_squeeze %dma_start3A_688 : memref<1x1x32x128xf32, #tpu.memory_space<vmem>> -> memref<32x128xf32, #tpu.memory_space<vmem>>
    %dma_start3A_690 = arith.constant 0 : i32
    %dma_start3A_691 = tpu.memref_slice %arg3[%dma_start3A_690, %multiple_of3A_677] : memref<32x1000000xf32, #tpu.memory_space<hbm>> -> memref<32x128xf32, #tpu.memory_space<hbm>>
    tpu.enqueue_dma source(%dma_start3A_691 : memref<32x128xf32, #tpu.memory_space<hbm>>) target(%dma_start3A_689 : memref<32x128xf32, #tpu.memory_space<vmem>>) target_semaphore(%arg13 : memref<!tpu.dma_semaphore, #tpu.memory_space<semaphore_mem>>)
    %scan3A = arith.constant 0 : i32
    %scan3A_692 = arith.constant 128 : i32
    %scan3A_693 = arith.addi %scan3A, %scan3A_692 : i32
    %scan3A_694 = arith.constant 1 : i32
    scf.for %scan3A_696 = %scan3A to %scan3A_693 step %scan3A_694  : i32 {
      %mul3A_697 = arith.constant 1 : i32
      %mul3A_698 = arith.muli %scan3A_696, %mul3A_697 : i32
      %add3A_699 = arith.constant 0 : i32
      %add3A_700 = arith.addi %add3A_699, %mul3A_698 : i32
      %jit3A_701 = arith.constant 6 : i32
      %eq3A_702 = arith.constant 0 : i32
      %eq3A_703 = arith.cmpi eq, %jit3A_701, %eq3A_702 : i32
      %jit3A_704 = arith.constant 1 : i32
      %select_n3A_705 = arith.select %eq3A_703, %jit3A_704, %jit3A_701 : i32
      %rem3A_706 = arith.remsi %add3A_700, %select_n3A_705 : i32
      %ne3A_707 = arith.constant 0 : i32
      %ne3A_708 = arith.cmpi ne, %rem3A_706, %ne3A_707 : i32
      %lt3A_709 = arith.constant 0 : i32
      %lt3A_710 = arith.cmpi slt, %rem3A_706, %lt3A_709 : i32
      %lt3A_711 = arith.constant 0 : i32
      %lt3A_712 = arith.cmpi slt, %select_n3A_705, %lt3A_711 : i32
      %ne3A_713 = arith.xori %lt3A_710, %lt3A_712 : i1
      %and3A_714 = arith.andi %ne3A_713, %ne3A_708 : i1
      %add3A_715 = arith.addi %rem3A_706, %select_n3A_705 : i32
      %select_n3A_716 = arith.select %and3A_714, %add3A_715, %rem3A_706 : i32
      %eq3A_717 = arith.constant 0 : i32
      %eq3A_718 = arith.cmpi eq, %select_n3A_716, %eq3A_717 : i32
      %convert_element_type3A = arith.extui %eq3A_718 : i1 to i32
      %cond3A = arith.constant 0 : i32
      %cond3A_719 = arith.cmpi ne, %convert_element_type3A, %cond3A : i32
      scf.if %cond3A_719 {
        %add3A_825 = arith.constant 6 : i32
        %add3A_826 = arith.addi %add3A_700, %add3A_825 : i32
        %sub3A_827 = arith.constant 1 : i32
        %sub3A_828 = arith.subi %add3A_826, %sub3A_827 : i32
        %lt3A_829 = arith.constant 128 : i32
        %lt3A_830 = arith.cmpi slt, %sub3A_828, %lt3A_829 : i32
        %convert_element_type3A_831 = arith.extui %lt3A_830 : i1 to i32
        %cond3A_832 = arith.constant 0 : i32
        %cond3A_833 = arith.cmpi ne, %convert_element_type3A_831, %cond3A_832 : i32
        scf.if %cond3A_833 {
          %add3A_1038 = arith.constant 6 : i32
          %add3A_1039 = arith.addi %add3A_700, %add3A_1038 : i32
          %sub3A_1040 = arith.constant 1 : i32
          %sub3A_1041 = arith.subi %add3A_1039, %sub3A_1040 : i32
          %mul3A_1042 = arith.constant 4 : i32
          %mul3A_1043 = arith.muli %sub3A_1041, %mul3A_1042 : i32
          %get3A_1044 = arith.index_cast %mul3A_1043 : i32 to index
          %get3A_1045 = tpu.vector_load %arg5[%get3A_1044] {strides = array<i32>} : memref<528xi32, #tpu.memory_space<vmem>>, vector<16xi32>,
          %slice3A_1046 = vector.extract_strided_slice %get3A_1045 {offsets = [0], sizes = [1], strides = [1]} : vector<16xi32> to vector<1xi32>
          %squeeze3A_1047 = vector.extract %slice3A_1046[0] : i32 from vector<1xi32>
          %jit3A_1048 = arith.constant 128 : i32
          %eq3A_1049 = arith.constant 0 : i32
          %eq3A_1050 = arith.cmpi eq, %jit3A_1048, %eq3A_1049 : i32
          %jit3A_1051 = arith.constant 1 : i32
          %select_n3A_1052 = arith.select %eq3A_1050, %jit3A_1051, %jit3A_1048 : i32
          %rem3A_1053 = arith.remsi %squeeze3A_1047, %select_n3A_1052 : i32
          %ne3A_1054 = arith.constant 0 : i32
          %ne3A_1055 = arith.cmpi ne, %rem3A_1053, %ne3A_1054 : i32
          %lt3A_1056 = arith.constant 0 : i32
          %lt3A_1057 = arith.cmpi slt, %rem3A_1053, %lt3A_1056 : i32
          %lt3A_1058 = arith.constant 0 : i32
          %lt3A_1059 = arith.cmpi slt, %select_n3A_1052, %lt3A_1058 : i32
          %ne3A_1060 = arith.xori %lt3A_1057, %lt3A_1059 : i1
          %and3A_1061 = arith.andi %ne3A_1060, %ne3A_1055 : i1
          %add3A_1062 = arith.addi %rem3A_1053, %select_n3A_1052 : i32
          %select_n3A_1063 = arith.select %and3A_1061, %add3A_1062, %rem3A_1053 : i32
          %sub3A_1064 = arith.subi %squeeze3A_1047, %select_n3A_1063 : i32
          %multiple_of3A_1065 = tpu.assume_multiple %sub3A_1064, 128 : i32
          %dma_start3A_1066 = arith.constant 5 : i32
          %dma_start3A_1067 = arith.constant 0 : i32
          %dma_start3A_1068 = arith.constant 0 : i32
          %dma_start3A_1069 = arith.constant 0 : i32
          %dma_start3A_1070 = tpu.memref_slice %arg6[%dma_start3A_1066, %dma_start3A_1067, %dma_start3A_1068, %dma_start3A_1069] : memref<6x4x32x128xf32, #tpu.memory_space<vmem>> -> memref<1x1x32x128xf32, #tpu.memory_space<vmem>>
          %dma_start3A_1071 = tpu.memref_squeeze %dma_start3A_1070 : memref<1x1x32x128xf32, #tpu.memory_space<vmem>> -> memref<32x128xf32, #tpu.memory_space<vmem>>
          %dma_start3A_1072 = arith.constant 0 : i32
          %dma_start3A_1073 = tpu.memref_slice %arg3[%dma_start3A_1072, %multiple_of3A_1065] : memref<32x1000000xf32, #tpu.memory_space<hbm>> -> memref<32x128xf32, #tpu.memory_space<hbm>>
          %dma_start3A_1074 = arith.constant 0 : i32
          %dma_start3A_1075 = arith.constant 0 : i32
          %dma_start3A_1076 = tpu.memref_slice %arg6[%dma_start3A_1066, %dma_start3A_1067, %dma_start3A_1074, %dma_start3A_1075] : memref<6x4x32x128xf32, #tpu.memory_space<vmem>> -> memref<1x1x32x128xf32, #tpu.memory_space<vmem>>
          %dma_start3A_1077 = tpu.memref_squeeze %dma_start3A_1076 : memref<1x1x32x128xf32, #tpu.memory_space<vmem>> -> memref<32x128xf32, #tpu.memory_space<vmem>>
          %dma_start3A_1078 = arith.constant 0 : i32
          %dma_start3A_1079 = tpu.memref_slice %arg3[%dma_start3A_1078, %multiple_of3A_1065] : memref<32x1000000xf32, #tpu.memory_space<hbm>> -> memref<32x128xf32, #tpu.memory_space<hbm>>
          tpu.enqueue_dma source(%dma_start3A_1079 : memref<32x128xf32, #tpu.memory_space<hbm>>) target(%dma_start3A_1077 : memref<32x128xf32, #tpu.memory_space<vmem>>) target_semaphore(%arg14 : memref<!tpu.dma_semaphore, #tpu.memory_space<semaphore_mem>>)
          %slice3A_1080 = vector.extract_strided_slice %get3A_1045 {offsets = [1], sizes = [1], strides = [1]} : vector<16xi32> to vector<1xi32>
          %squeeze3A_1081 = vector.extract %slice3A_1080[0] : i32 from vector<1xi32>
          %jit3A_1082 = arith.constant 128 : i32
          %eq3A_1083 = arith.constant 0 : i32
          %eq3A_1084 = arith.cmpi eq, %jit3A_1082, %eq3A_1083 : i32
          %jit3A_1085 = arith.constant 1 : i32
          %select_n3A_1086 = arith.select %eq3A_1084, %jit3A_1085, %jit3A_1082 : i32
          %rem3A_1087 = arith.remsi %squeeze3A_1081, %select_n3A_1086 : i32
          %ne3A_1088 = arith.constant 0 : i32
          %ne3A_1089 = arith.cmpi ne, %rem3A_1087, %ne3A_1088 : i32
          %lt3A_1090 = arith.constant 0 : i32
          %lt3A_1091 = arith.cmpi slt, %rem3A_1087, %lt3A_1090 : i32
          %lt3A_1092 = arith.constant 0 : i32
          %lt3A_1093 = arith.cmpi slt, %select_n3A_1086, %lt3A_1092 : i32
          %ne3A_1094 = arith.xori %lt3A_1091, %lt3A_1093 : i1
          %and3A_1095 = arith.andi %ne3A_1094, %ne3A_1089 : i1
          %add3A_1096 = arith.addi %rem3A_1087, %select_n3A_1086 : i32
          %select_n3A_1097 = arith.select %and3A_1095, %add3A_1096, %rem3A_1087 : i32
          %sub3A_1098 = arith.subi %squeeze3A_1081, %select_n3A_1097 : i32
          %multiple_of3A_1099 = tpu.assume_multiple %sub3A_1098, 128 : i32
          %dma_start3A_1100 = arith.constant 5 : i32
          %dma_start3A_1101 = arith.constant 1 : i32
          %dma_start3A_1102 = arith.constant 0 : i32
          %dma_start3A_1103 = arith.constant 0 : i32
          %dma_start3A_1104 = tpu.memref_slice %arg6[%dma_start3A_1100, %dma_start3A_1101, %dma_start3A_1102, %dma_start3A_1103] : memref<6x4x32x128xf32, #tpu.memory_space<vmem>> -> memref<1x1x32x128xf32, #tpu.memory_space<vmem>>
          %dma_start3A_1105 = tpu.memref_squeeze %dma_start3A_1104 : memref<1x1x32x128xf32, #tpu.memory_space<vmem>> -> memref<32x128xf32, #tpu.memory_space<vmem>>
          %dma_start3A_1106 = arith.constant 0 : i32
          %dma_start3A_1107 = tpu.memref_slice %arg3[%dma_start3A_1106, %multiple_of3A_1099] : memref<32x1000000xf32, #tpu.memory_space<hbm>> -> memref<32x128xf32, #tpu.memory_space<hbm>>
          %dma_start3A_1108 = arith.constant 0 : i32
          %dma_start3A_1109 = arith.constant 0 : i32
          %dma_start3A_1110 = tpu.memref_slice %arg6[%dma_start3A_1100, %dma_start3A_1101, %dma_start3A_1108, %dma_start3A_1109] : memref<6x4x32x128xf32, #tpu.memory_space<vmem>> -> memref<1x1x32x128xf32, #tpu.memory_space<vmem>>
          %dma_start3A_1111 = tpu.memref_squeeze %dma_start3A_1110 : memref<1x1x32x128xf32, #tpu.memory_space<vmem>> -> memref<32x128xf32, #tpu.memory_space<vmem>>
          %dma_start3A_1112 = arith.constant 0 : i32
          %dma_start3A_1113 = tpu.memref_slice %arg3[%dma_start3A_1112, %multiple_of3A_1099] : memref<32x1000000xf32, #tpu.memory_space<hbm>> -> memref<32x128xf32, #tpu.memory_space<hbm>>
          tpu.enqueue_dma source(%dma_start3A_1113 : memref<32x128xf32, #tpu.memory_space<hbm>>) target(%dma_start3A_1111 : memref<32x128xf32, #tpu.memory_space<vmem>>) target_semaphore(%arg14 : memref<!tpu.dma_semaphore, #tpu.memory_space<semaphore_mem>>)
          %slice3A_1114 = vector.extract_strided_slice %get3A_1045 {offsets = [2], sizes = [1], strides = [1]} : vector<16xi32> to vector<1xi32>
          %squeeze3A_1115 = vector.extract %slice3A_1114[0] : i32 from vector<1xi32>
          %jit3A_1116 = arith.constant 128 : i32
          %eq3A_1117 = arith.constant 0 : i32
          %eq3A_1118 = arith.cmpi eq, %jit3A_1116, %eq3A_1117 : i32
          %jit3A_1119 = arith.constant 1 : i32
          %select_n3A_1120 = arith.select %eq3A_1118, %jit3A_1119, %jit3A_1116 : i32
          %rem3A_1121 = arith.remsi %squeeze3A_1115, %select_n3A_1120 : i32
          %ne3A_1122 = arith.constant 0 : i32
          %ne3A_1123 = arith.cmpi ne, %rem3A_1121, %ne3A_1122 : i32
          %lt3A_1124 = arith.constant 0 : i32
          %lt3A_1125 = arith.cmpi slt, %rem3A_1121, %lt3A_1124 : i32
          %lt3A_1126 = arith.constant 0 : i32
          %lt3A_1127 = arith.cmpi slt, %select_n3A_1120, %lt3A_1126 : i32
          %ne3A_1128 = arith.xori %lt3A_1125, %lt3A_1127 : i1
          %and3A_1129 = arith.andi %ne3A_1128, %ne3A_1123 : i1
          %add3A_1130 = arith.addi %rem3A_1121, %select_n3A_1120 : i32
          %select_n3A_1131 = arith.select %and3A_1129, %add3A_1130, %rem3A_1121 : i32
          %sub3A_1132 = arith.subi %squeeze3A_1115, %select_n3A_1131 : i32
          %multiple_of3A_1133 = tpu.assume_multiple %sub3A_1132, 128 : i32
          %dma_start3A_1134 = arith.constant 5 : i32
          %dma_start3A_1135 = arith.constant 2 : i32
          %dma_start3A_1136 = arith.constant 0 : i32
          %dma_start3A_1137 = arith.constant 0 : i32
          %dma_start3A_1138 = tpu.memref_slice %arg6[%dma_start3A_1134, %dma_start3A_1135, %dma_start3A_1136, %dma_start3A_1137] : memref<6x4x32x128xf32, #tpu.memory_space<vmem>> -> memref<1x1x32x128xf32, #tpu.memory_space<vmem>>
          %dma_start3A_1139 = tpu.memref_squeeze %dma_start3A_1138 : memref<1x1x32x128xf32, #tpu.memory_space<vmem>> -> memref<32x128xf32, #tpu.memory_space<vmem>>
          %dma_start3A_1140 = arith.constant 0 : i32
          %dma_start3A_1141 = tpu.memref_slice %arg3[%dma_start3A_1140, %multiple_of3A_1133] : memref<32x1000000xf32, #tpu.memory_space<hbm>> -> memref<32x128xf32, #tpu.memory_space<hbm>>
          %dma_start3A_1142 = arith.constant 0 : i32
          %dma_start3A_1143 = arith.constant 0 : i32
          %dma_start3A_1144 = tpu.memref_slice %arg6[%dma_start3A_1134, %dma_start3A_1135, %dma_start3A_1142, %dma_start3A_1143] : memref<6x4x32x128xf32, #tpu.memory_space<vmem>> -> memref<1x1x32x128xf32, #tpu.memory_space<vmem>>
          %dma_start3A_1145 = tpu.memref_squeeze %dma_start3A_1144 : memref<1x1x32x128xf32, #tpu.memory_space<vmem>> -> memref<32x128xf32, #tpu.memory_space<vmem>>
          %dma_start3A_1146 = arith.constant 0 : i32
          %dma_start3A_1147 = tpu.memref_slice %arg3[%dma_start3A_1146, %multiple_of3A_1133] : memref<32x1000000xf32, #tpu.memory_space<hbm>> -> memref<32x128xf32, #tpu.memory_space<hbm>>
          tpu.enqueue_dma source(%dma_start3A_1147 : memref<32x128xf32, #tpu.memory_space<hbm>>) target(%dma_start3A_1145 : memref<32x128xf32, #tpu.memory_space<vmem>>) target_semaphore(%arg14 : memref<!tpu.dma_semaphore, #tpu.memory_space<semaphore_mem>>)
          %slice3A_1148 = vector.extract_strided_slice %get3A_1045 {offsets = [3], sizes = [1], strides = [1]} : vector<16xi32> to vector<1xi32>
          %squeeze3A_1149 = vector.extract %slice3A_1148[0] : i32 from vector<1xi32>
          %jit3A_1150 = arith.constant 128 : i32
          %eq3A_1151 = arith.constant 0 : i32
          %eq3A_1152 = arith.cmpi eq, %jit3A_1150, %eq3A_1151 : i32
          %jit3A_1153 = arith.constant 1 : i32
          %select_n3A_1154 = arith.select %eq3A_1152, %jit3A_1153, %jit3A_1150 : i32
          %rem3A_1155 = arith.remsi %squeeze3A_1149, %select_n3A_1154 : i32
          %ne3A_1156 = arith.constant 0 : i32
          %ne3A_1157 = arith.cmpi ne, %rem3A_1155, %ne3A_1156 : i32
          %lt3A_1158 = arith.constant 0 : i32
          %lt3A_1159 = arith.cmpi slt, %rem3A_1155, %lt3A_1158 : i32
          %lt3A_1160 = arith.constant 0 : i32
          %lt3A_1161 = arith.cmpi slt, %select_n3A_1154, %lt3A_1160 : i32
          %ne3A_1162 = arith.xori %lt3A_1159, %lt3A_1161 : i1
          %and3A_1163 = arith.andi %ne3A_1162, %ne3A_1157 : i1
          %add3A_1164 = arith.addi %rem3A_1155, %select_n3A_1154 : i32
          %select_n3A_1165 = arith.select %and3A_1163, %add3A_1164, %rem3A_1155 : i32
          %sub3A_1166 = arith.subi %squeeze3A_1149, %select_n3A_1165 : i32
          %multiple_of3A_1167 = tpu.assume_multiple %sub3A_1166, 128 : i32
          %dma_start3A_1168 = arith.constant 5 : i32
          %dma_start3A_1169 = arith.constant 3 : i32
          %dma_start3A_1170 = arith.constant 0 : i32
          %dma_start3A_1171 = arith.constant 0 : i32
          %dma_start3A_1172 = tpu.memref_slice %arg6[%dma_start3A_1168, %dma_start3A_1169, %dma_start3A_1170, %dma_start3A_1171] : memref<6x4x32x128xf32, #tpu.memory_space<vmem>> -> memref<1x1x32x128xf32, #tpu.memory_space<vmem>>
          %dma_start3A_1173 = tpu.memref_squeeze %dma_start3A_1172 : memref<1x1x32x128xf32, #tpu.memory_space<vmem>> -> memref<32x128xf32, #tpu.memory_space<vmem>>
          %dma_start3A_1174 = arith.constant 0 : i32
          %dma_start3A_1175 = tpu.memref_slice %arg3[%dma_start3A_1174, %multiple_of3A_1167] : memref<32x1000000xf32, #tpu.memory_space<hbm>> -> memref<32x128xf32, #tpu.memory_space<hbm>>
          %dma_start3A_1176 = arith.constant 0 : i32
          %dma_start3A_1177 = arith.constant 0 : i32
          %dma_start3A_1178 = tpu.memref_slice %arg6[%dma_start3A_1168, %dma_start3A_1169, %dma_start3A_1176, %dma_start3A_1177] : memref<6x4x32x128xf32, #tpu.memory_space<vmem>> -> memref<1x1x32x128xf32, #tpu.memory_space<vmem>>
          %dma_start3A_1179 = tpu.memref_squeeze %dma_start3A_1178 : memref<1x1x32x128xf32, #tpu.memory_space<vmem>> -> memref<32x128xf32, #tpu.memory_space<vmem>>
          %dma_start3A_1180 = arith.constant 0 : i32
          %dma_start3A_1181 = tpu.memref_slice %arg3[%dma_start3A_1180, %multiple_of3A_1167] : memref<32x1000000xf32, #tpu.memory_space<hbm>> -> memref<32x128xf32, #tpu.memory_space<hbm>>
          tpu.enqueue_dma source(%dma_start3A_1181 : memref<32x128xf32, #tpu.memory_space<hbm>>) target(%dma_start3A_1179 : memref<32x128xf32, #tpu.memory_space<vmem>>) target_semaphore(%arg14 : memref<!tpu.dma_semaphore, #tpu.memory_space<semaphore_mem>>)
        } else {
        }
        %dma_wait3A_834 = arith.constant 0 : i32
        %dma_wait3A_835 = arith.constant 0 : i32
        %dma_wait3A_836 = arith.constant 0 : i32
        %dma_wait3A_837 = arith.constant 0 : i32
        %dma_wait3A_838 = tpu.memref_slice %arg6[%dma_wait3A_834, %dma_wait3A_835, %dma_wait3A_836, %dma_wait3A_837] : memref<6x4x32x128xf32, #tpu.memory_space<vmem>> -> memref<1x1x32x128xf32, #tpu.memory_space<vmem>>
        %dma_wait3A_839 = tpu.memref_squeeze %dma_wait3A_838 : memref<1x1x32x128xf32, #tpu.memory_space<vmem>> -> memref<32x128xf32, #tpu.memory_space<vmem>>
        %dma_wait3A_840 = arith.constant 0 : i32
        %dma_wait3A_841 = arith.constant 0 : i32
        %dma_wait3A_842 = tpu.memref_slice %arg3[%dma_wait3A_840, %dma_wait3A_841] : memref<32x1000000xf32, #tpu.memory_space<hbm>> -> memref<32x128xf32, #tpu.memory_space<hbm>>
        %dma_wait3A_843 = arith.constant 0 : i32
        %dma_wait3A_844 = arith.constant 0 : i32
        %dma_wait3A_845 = tpu.memref_slice %arg6[%dma_wait3A_834, %dma_wait3A_835, %dma_wait3A_843, %dma_wait3A_844] : memref<6x4x32x128xf32, #tpu.memory_space<vmem>> -> memref<1x1x32x128xf32, #tpu.memory_space<vmem>>
        %dma_wait3A_846 = tpu.memref_squeeze %dma_wait3A_845 : memref<1x1x32x128xf32, #tpu.memory_space<vmem>> -> memref<32x128xf32, #tpu.memory_space<vmem>>
        %dma_wait3A_847 = arith.constant 0 : i32
        %dma_wait3A_848 = arith.constant 0 : i32
        %dma_wait3A_849 = tpu.memref_slice %arg3[%dma_wait3A_847, %dma_wait3A_848] : memref<32x1000000xf32, #tpu.memory_space<hbm>> -> memref<32x128xf32, #tpu.memory_space<hbm>>
        tpu.wait_dma2 semaphore(%arg9 : memref<!tpu.dma_semaphore, #tpu.memory_space<semaphore_mem>>) src(%dma_wait3A_849 : memref<32x128xf32, #tpu.memory_space<hbm>>) dst(%dma_wait3A_846 : memref<32x128xf32, #tpu.memory_space<vmem>>)
        %dma_wait3A_850 = arith.constant 0 : i32
        %dma_wait3A_851 = arith.constant 1 : i32
        %dma_wait3A_852 = arith.constant 0 : i32
        %dma_wait3A_853 = arith.constant 0 : i32
        %dma_wait3A_854 = tpu.memref_slice %arg6[%dma_wait3A_850, %dma_wait3A_851, %dma_wait3A_852, %dma_wait3A_853] : memref<6x4x32x128xf32, #tpu.memory_space<vmem>> -> memref<1x1x32x128xf32, #tpu.memory_space<vmem>>
        %dma_wait3A_855 = tpu.memref_squeeze %dma_wait3A_854 : memref<1x1x32x128xf32, #tpu.memory_space<vmem>> -> memref<32x128xf32, #tpu.memory_space<vmem>>
        %dma_wait3A_856 = arith.constant 0 : i32
        %dma_wait3A_857 = arith.constant 0 : i32
        %dma_wait3A_858 = tpu.memref_slice %arg3[%dma_wait3A_856, %dma_wait3A_857] : memref<32x1000000xf32, #tpu.memory_space<hbm>> -> memref<32x128xf32, #tpu.memory_space<hbm>>
        %dma_wait3A_859 = arith.constant 0 : i32
        %dma_wait3A_860 = arith.constant 0 : i32
        %dma_wait3A_861 = tpu.memref_slice %arg6[%dma_wait3A_850, %dma_wait3A_851, %dma_wait3A_859, %dma_wait3A_860] : memref<6x4x32x128xf32, #tpu.memory_space<vmem>> -> memref<1x1x32x128xf32, #tpu.memory_space<vmem>>
        %dma_wait3A_862 = tpu.memref_squeeze %dma_wait3A_861 : memref<1x1x32x128xf32, #tpu.memory_space<vmem>> -> memref<32x128xf32, #tpu.memory_space<vmem>>
        %dma_wait3A_863 = arith.constant 0 : i32
        %dma_wait3A_864 = arith.constant 0 : i32
        %dma_wait3A_865 = tpu.memref_slice %arg3[%dma_wait3A_863, %dma_wait3A_864] : memref<32x1000000xf32, #tpu.memory_space<hbm>> -> memref<32x128xf32, #tpu.memory_space<hbm>>
        tpu.wait_dma2 semaphore(%arg9 : memref<!tpu.dma_semaphore, #tpu.memory_space<semaphore_mem>>) src(%dma_wait3A_865 : memref<32x128xf32, #tpu.memory_space<hbm>>) dst(%dma_wait3A_862 : memref<32x128xf32, #tpu.memory_space<vmem>>)
        %dma_wait3A_866 = arith.constant 0 : i32
        %dma_wait3A_867 = arith.constant 2 : i32
        %dma_wait3A_868 = arith.constant 0 : i32
        %dma_wait3A_869 = arith.constant 0 : i32
        %dma_wait3A_870 = tpu.memref_slice %arg6[%dma_wait3A_866, %dma_wait3A_867, %dma_wait3A_868, %dma_wait3A_869] : memref<6x4x32x128xf32, #tpu.memory_space<vmem>> -> memref<1x1x32x128xf32, #tpu.memory_space<vmem>>
        %dma_wait3A_871 = tpu.memref_squeeze %dma_wait3A_870 : memref<1x1x32x128xf32, #tpu.memory_space<vmem>> -> memref<32x128xf32, #tpu.memory_space<vmem>>
        %dma_wait3A_872 = arith.constant 0 : i32
        %dma_wait3A_873 = arith.constant 0 : i32
        %dma_wait3A_874 = tpu.memref_slice %arg3[%dma_wait3A_872, %dma_wait3A_873] : memref<32x1000000xf32, #tpu.memory_space<hbm>> -> memref<32x128xf32, #tpu.memory_space<hbm>>
        %dma_wait3A_875 = arith.constant 0 : i32
        %dma_wait3A_876 = arith.constant 0 : i32
        %dma_wait3A_877 = tpu.memref_slice %arg6[%dma_wait3A_866, %dma_wait3A_867, %dma_wait3A_875, %dma_wait3A_876] : memref<6x4x32x128xf32, #tpu.memory_space<vmem>> -> memref<1x1x32x128xf32, #tpu.memory_space<vmem>>
        %dma_wait3A_878 = tpu.memref_squeeze %dma_wait3A_877 : memref<1x1x32x128xf32, #tpu.memory_space<vmem>> -> memref<32x128xf32, #tpu.memory_space<vmem>>
        %dma_wait3A_879 = arith.constant 0 : i32
        %dma_wait3A_880 = arith.constant 0 : i32
        %dma_wait3A_881 = tpu.memref_slice %arg3[%dma_wait3A_879, %dma_wait3A_880] : memref<32x1000000xf32, #tpu.memory_space<hbm>> -> memref<32x128xf32, #tpu.memory_space<hbm>>
        tpu.wait_dma2 semaphore(%arg9 : memref<!tpu.dma_semaphore, #tpu.memory_space<semaphore_mem>>) src(%dma_wait3A_881 : memref<32x128xf32, #tpu.memory_space<hbm>>) dst(%dma_wait3A_878 : memref<32x128xf32, #tpu.memory_space<vmem>>)
        %dma_wait3A_882 = arith.constant 0 : i32
        %dma_wait3A_883 = arith.constant 3 : i32
        %dma_wait3A_884 = arith.constant 0 : i32
        %dma_wait3A_885 = arith.constant 0 : i32
        %dma_wait3A_886 = tpu.memref_slice %arg6[%dma_wait3A_882, %dma_wait3A_883, %dma_wait3A_884, %dma_wait3A_885] : memref<6x4x32x128xf32, #tpu.memory_space<vmem>> -> memref<1x1x32x128xf32, #tpu.memory_space<vmem>>
        %dma_wait3A_887 = tpu.memref_squeeze %dma_wait3A_886 : memref<1x1x32x128xf32, #tpu.memory_space<vmem>> -> memref<32x128xf32, #tpu.memory_space<vmem>>
        %dma_wait3A_888 = arith.constant 0 : i32
        %dma_wait3A_889 = arith.constant 0 : i32
        %dma_wait3A_890 = tpu.memref_slice %arg3[%dma_wait3A_888, %dma_wait3A_889] : memref<32x1000000xf32, #tpu.memory_space<hbm>> -> memref<32x128xf32, #tpu.memory_space<hbm>>
        %dma_wait3A_891 = arith.constant 0 : i32
        %dma_wait3A_892 = arith.constant 0 : i32
        %dma_wait3A_893 = tpu.memref_slice %arg6[%dma_wait3A_882, %dma_wait3A_883, %dma_wait3A_891, %dma_wait3A_892] : memref<6x4x32x128xf32, #tpu.memory_space<vmem>> -> memref<1x1x32x128xf32, #tpu.memory_space<vmem>>
        %dma_wait3A_894 = tpu.memref_squeeze %dma_wait3A_893 : memref<1x1x32x128xf32, #tpu.memory_space<vmem>> -> memref<32x128xf32, #tpu.memory_space<vmem>>
        %dma_wait3A_895 = arith.constant 0 : i32
        %dma_wait3A_896 = arith.constant 0 : i32
        %dma_wait3A_897 = tpu.memref_slice %arg3[%dma_wait3A_895, %dma_wait3A_896] : memref<32x1000000xf32, #tpu.memory_space<hbm>> -> memref<32x128xf32, #tpu.memory_space<hbm>>
        tpu.wait_dma2 semaphore(%arg9 : memref<!tpu.dma_semaphore, #tpu.memory_space<semaphore_mem>>) src(%dma_wait3A_897 : memref<32x128xf32, #tpu.memory_space<hbm>>) dst(%dma_wait3A_894 : memref<32x128xf32, #tpu.memory_space<vmem>>)
        %mul3A_898 = arith.constant 4 : i32
        %mul3A_899 = arith.muli %add3A_700, %mul3A_898 : i32
        %get3A_900 = arith.index_cast %mul3A_899 : i32 to index
        %get3A_901 = tpu.vector_load %arg5[%get3A_900] {strides = array<i32>} : memref<528xi32, #tpu.memory_space<vmem>>, vector<16xi32>,
        %mul3A_902 = arith.constant 4 : i32
        %mul3A_903 = arith.muli %add3A_700, %mul3A_902 : i32
        %slice3A_904 = vector.extract_strided_slice %get3A_901 {offsets = [0], sizes = [1], strides = [1]} : vector<16xi32> to vector<1xi32>
        %squeeze3A_905 = vector.extract %slice3A_904[0] : i32 from vector<1xi32>
        %jit3A_906 = arith.constant 128 : i32
        %eq3A_907 = arith.constant 0 : i32
        %eq3A_908 = arith.cmpi eq, %jit3A_906, %eq3A_907 : i32
        %jit3A_909 = arith.constant 1 : i32
        %select_n3A_910 = arith.select %eq3A_908, %jit3A_909, %jit3A_906 : i32
        %rem3A_911 = arith.remsi %squeeze3A_905, %select_n3A_910 : i32
        %ne3A_912 = arith.constant 0 : i32
        %ne3A_913 = arith.cmpi ne, %rem3A_911, %ne3A_912 : i32
        %lt3A_914 = arith.constant 0 : i32
        %lt3A_915 = arith.cmpi slt, %rem3A_911, %lt3A_914 : i32
        %lt3A_916 = arith.constant 0 : i32
        %lt3A_917 = arith.cmpi slt, %select_n3A_910, %lt3A_916 : i32
        %ne3A_918 = arith.xori %lt3A_915, %lt3A_917 : i1
        %and3A_919 = arith.andi %ne3A_918, %ne3A_913 : i1
        %add3A_920 = arith.addi %rem3A_911, %select_n3A_910 : i32
        %select_n3A_921 = arith.select %and3A_919, %add3A_920, %rem3A_911 : i32
        %broadcast_in_dim3A = arith.constant 0 : i32
        %broadcast_in_dim3A_922 = vector.broadcast %broadcast_in_dim3A : i32 to vector<16xi32>
        %broadcast_in_dim3A_923 = arith.constant 0 : i32
        %broadcast_in_dim3A_924 = vector.broadcast %broadcast_in_dim3A_923 : i32 to vector<16xi32>
        %broadcast_in_dim3A_925 = vector.broadcast %select_n3A_921 : i32 to vector<16xi32>
        %add3A_926 = arith.constant 0 : i32
        %add3A_927 = arith.addi %mul3A_903, %add3A_926 : i32
        %broadcast_in_dim3A_928 = vector.broadcast %add3A_927 : i32 to vector<16xi32>
        %gather3A = tpu.vector_load_idx %arg6[%broadcast_in_dim3A_924, %broadcast_in_dim3A_922, %iota3A, %broadcast_in_dim3A_925] : memref<6x4x32x128xf32, #tpu.memory_space<vmem>>[vector<16xi32>, vector<16xi32>, vector<16xi32>, vector<16xi32>], vector<16xf32>,
        %add3A_929 = arith.constant 16 : i32
        %add3A_930 = vector.broadcast %add3A_929 : i32 to vector<16xi32>
        %add3A_931 = arith.addi %iota3A, %add3A_930 : vector<16xi32>
        %gather3A_932 = tpu.vector_load_idx %arg6[%broadcast_in_dim3A_924, %broadcast_in_dim3A_922, %add3A_931, %broadcast_in_dim3A_925] : memref<6x4x32x128xf32, #tpu.memory_space<vmem>>[vector<16xi32>, vector<16xi32>, vector<16xi32>, vector<16xi32>], vector<16xf32>,
        tpu.vector_store_idx %arg7[%iota3A, %broadcast_in_dim3A_928], %gather3A : memref<32x512xf32, #tpu.memory_space<vmem>>[vector<16xi32>, vector<16xi32>], vector<16xf32>,
        %add3A_933 = arith.constant 16 : i32
        %add3A_934 = vector.broadcast %add3A_933 : i32 to vector<16xi32>
        %add3A_935 = arith.addi %iota3A, %add3A_934 : vector<16xi32>
        tpu.vector_store_idx %arg7[%add3A_935, %broadcast_in_dim3A_928], %gather3A_932 : memref<32x512xf32, #tpu.memory_space<vmem>>[vector<16xi32>, vector<16xi32>], vector<16xf32>,
        %slice3A_936 = vector.extract_strided_slice %get3A_901 {offsets = [1], sizes = [1], strides = [1]} : vector<16xi32> to vector<1xi32>
        %squeeze3A_937 = vector.extract %slice3A_936[0] : i32 from vector<1xi32>
        %jit3A_938 = arith.constant 128 : i32
        %eq3A_939 = arith.constant 0 : i32
        %eq3A_940 = arith.cmpi eq, %jit3A_938, %eq3A_939 : i32
        %jit3A_941 = arith.constant 1 : i32
        %select_n3A_942 = arith.select %eq3A_940, %jit3A_941, %jit3A_938 : i32
        %rem3A_943 = arith.remsi %squeeze3A_937, %select_n3A_942 : i32
        %ne3A_944 = arith.constant 0 : i32
        %ne3A_945 = arith.cmpi ne, %rem3A_943, %ne3A_944 : i32
        %lt3A_946 = arith.constant 0 : i32
        %lt3A_947 = arith.cmpi slt, %rem3A_943, %lt3A_946 : i32
        %lt3A_948 = arith.constant 0 : i32
        %lt3A_949 = arith.cmpi slt, %select_n3A_942, %lt3A_948 : i32
        %ne3A_950 = arith.xori %lt3A_947, %lt3A_949 : i1
        %and3A_951 = arith.andi %ne3A_950, %ne3A_945 : i1
        %add3A_952 = arith.addi %rem3A_943, %select_n3A_942 : i32
        %select_n3A_953 = arith.select %and3A_951, %add3A_952, %rem3A_943 : i32
        %broadcast_in_dim3A_954 = arith.constant 1 : i32
        %broadcast_in_dim3A_955 = vector.broadcast %broadcast_in_dim3A_954 : i32 to vector<16xi32>
        %broadcast_in_dim3A_956 = arith.constant 0 : i32
        %broadcast_in_dim3A_957 = vector.broadcast %broadcast_in_dim3A_956 : i32 to vector<16xi32>
        %broadcast_in_dim3A_958 = vector.broadcast %select_n3A_953 : i32 to vector<16xi32>
        %add3A_959 = arith.constant 1 : i32
        %add3A_960 = arith.addi %mul3A_903, %add3A_959 : i32
        %broadcast_in_dim3A_961 = vector.broadcast %add3A_960 : i32 to vector<16xi32>
        %gather3A_962 = tpu.vector_load_idx %arg6[%broadcast_in_dim3A_957, %broadcast_in_dim3A_955, %iota3A, %broadcast_in_dim3A_958] : memref<6x4x32x128xf32, #tpu.memory_space<vmem>>[vector<16xi32>, vector<16xi32>, vector<16xi32>, vector<16xi32>], vector<16xf32>,
        %add3A_963 = arith.constant 16 : i32
        %add3A_964 = vector.broadcast %add3A_963 : i32 to vector<16xi32>
        %add3A_965 = arith.addi %iota3A, %add3A_964 : vector<16xi32>
        %gather3A_966 = tpu.vector_load_idx %arg6[%broadcast_in_dim3A_957, %broadcast_in_dim3A_955, %add3A_965, %broadcast_in_dim3A_958] : memref<6x4x32x128xf32, #tpu.memory_space<vmem>>[vector<16xi32>, vector<16xi32>, vector<16xi32>, vector<16xi32>], vector<16xf32>,
        tpu.vector_store_idx %arg7[%iota3A, %broadcast_in_dim3A_961], %gather3A_962 : memref<32x512xf32, #tpu.memory_space<vmem>>[vector<16xi32>, vector<16xi32>], vector<16xf32>,
        %add3A_967 = arith.constant 16 : i32
        %add3A_968 = vector.broadcast %add3A_967 : i32 to vector<16xi32>
        %add3A_969 = arith.addi %iota3A, %add3A_968 : vector<16xi32>
        tpu.vector_store_idx %arg7[%add3A_969, %broadcast_in_dim3A_961], %gather3A_966 : memref<32x512xf32, #tpu.memory_space<vmem>>[vector<16xi32>, vector<16xi32>], vector<16xf32>,
        %slice3A_970 = vector.extract_strided_slice %get3A_901 {offsets = [2], sizes = [1], strides = [1]} : vector<16xi32> to vector<1xi32>
        %squeeze3A_971 = vector.extract %slice3A_970[0] : i32 from vector<1xi32>
        %jit3A_972 = arith.constant 128 : i32
        %eq3A_973 = arith.constant 0 : i32
        %eq3A_974 = arith.cmpi eq, %jit3A_972, %eq3A_973 : i32
        %jit3A_975 = arith.constant 1 : i32
        %select_n3A_976 = arith.select %eq3A_974, %jit3A_975, %jit3A_972 : i32
        %rem3A_977 = arith.remsi %squeeze3A_971, %select_n3A_976 : i32
        %ne3A_978 = arith.constant 0 : i32
        %ne3A_979 = arith.cmpi ne, %rem3A_977, %ne3A_978 : i32
        %lt3A_980 = arith.constant 0 : i32
        %lt3A_981 = arith.cmpi slt, %rem3A_977, %lt3A_980 : i32
        %lt3A_982 = arith.constant 0 : i32
        %lt3A_983 = arith.cmpi slt, %select_n3A_976, %lt3A_982 : i32
        %ne3A_984 = arith.xori %lt3A_981, %lt3A_983 : i1
        %and3A_985 = arith.andi %ne3A_984, %ne3A_979 : i1
        %add3A_986 = arith.addi %rem3A_977, %select_n3A_976 : i32
        %select_n3A_987 = arith.select %and3A_985, %add3A_986, %rem3A_977 : i32
        %broadcast_in_dim3A_988 = arith.constant 2 : i32
        %broadcast_in_dim3A_989 = vector.broadcast %broadcast_in_dim3A_988 : i32 to vector<16xi32>
        %broadcast_in_dim3A_990 = arith.constant 0 : i32
        %broadcast_in_dim3A_991 = vector.broadcast %broadcast_in_dim3A_990 : i32 to vector<16xi32>
        %broadcast_in_dim3A_992 = vector.broadcast %select_n3A_987 : i32 to vector<16xi32>
        %add3A_993 = arith.constant 2 : i32
        %add3A_994 = arith.addi %mul3A_903, %add3A_993 : i32
        %broadcast_in_dim3A_995 = vector.broadcast %add3A_994 : i32 to vector<16xi32>
        %gather3A_996 = tpu.vector_load_idx %arg6[%broadcast_in_dim3A_991, %broadcast_in_dim3A_989, %iota3A, %broadcast_in_dim3A_992] : memref<6x4x32x128xf32, #tpu.memory_space<vmem>>[vector<16xi32>, vector<16xi32>, vector<16xi32>, vector<16xi32>], vector<16xf32>,
        %add3A_997 = arith.constant 16 : i32
        %add3A_998 = vector.broadcast %add3A_997 : i32 to vector<16xi32>
        %add3A_999 = arith.addi %iota3A, %add3A_998 : vector<16xi32>
        %gather3A_1000 = tpu.vector_load_idx %arg6[%broadcast_in_dim3A_991, %broadcast_in_dim3A_989, %add3A_999, %broadcast_in_dim3A_992] : memref<6x4x32x128xf32, #tpu.memory_space<vmem>>[vector<16xi32>, vector<16xi32>, vector<16xi32>, vector<16xi32>], vector<16xf32>,
        tpu.vector_store_idx %arg7[%iota3A, %broadcast_in_dim3A_995], %gather3A_996 : memref<32x512xf32, #tpu.memory_space<vmem>>[vector<16xi32>, vector<16xi32>], vector<16xf32>,
        %add3A_1001 = arith.constant 16 : i32
        %add3A_1002 = vector.broadcast %add3A_1001 : i32 to vector<16xi32>
        %add3A_1003 = arith.addi %iota3A, %add3A_1002 : vector<16xi32>
        tpu.vector_store_idx %arg7[%add3A_1003, %broadcast_in_dim3A_995], %gather3A_1000 : memref<32x512xf32, #tpu.memory_space<vmem>>[vector<16xi32>, vector<16xi32>], vector<16xf32>,
        %slice3A_1004 = vector.extract_strided_slice %get3A_901 {offsets = [3], sizes = [1], strides = [1]} : vector<16xi32> to vector<1xi32>
        %squeeze3A_1005 = vector.extract %slice3A_1004[0] : i32 from vector<1xi32>
        %jit3A_1006 = arith.constant 128 : i32
        %eq3A_1007 = arith.constant 0 : i32
        %eq3A_1008 = arith.cmpi eq, %jit3A_1006, %eq3A_1007 : i32
        %jit3A_1009 = arith.constant 1 : i32
        %select_n3A_1010 = arith.select %eq3A_1008, %jit3A_1009, %jit3A_1006 : i32
        %rem3A_1011 = arith.remsi %squeeze3A_1005, %select_n3A_1010 : i32
        %ne3A_1012 = arith.constant 0 : i32
        %ne3A_1013 = arith.cmpi ne, %rem3A_1011, %ne3A_1012 : i32
        %lt3A_1014 = arith.constant 0 : i32
        %lt3A_1015 = arith.cmpi slt, %rem3A_1011, %lt3A_1014 : i32
        %lt3A_1016 = arith.constant 0 : i32
        %lt3A_1017 = arith.cmpi slt, %select_n3A_1010, %lt3A_1016 : i32
        %ne3A_1018 = arith.xori %lt3A_1015, %lt3A_1017 : i1
        %and3A_1019 = arith.andi %ne3A_1018, %ne3A_1013 : i1
        %add3A_1020 = arith.addi %rem3A_1011, %select_n3A_1010 : i32
        %select_n3A_1021 = arith.select %and3A_1019, %add3A_1020, %rem3A_1011 : i32
        %broadcast_in_dim3A_1022 = arith.constant 3 : i32
        %broadcast_in_dim3A_1023 = vector.broadcast %broadcast_in_dim3A_1022 : i32 to vector<16xi32>
        %broadcast_in_dim3A_1024 = arith.constant 0 : i32
        %broadcast_in_dim3A_1025 = vector.broadcast %broadcast_in_dim3A_1024 : i32 to vector<16xi32>
        %broadcast_in_dim3A_1026 = vector.broadcast %select_n3A_1021 : i32 to vector<16xi32>
        %add3A_1027 = arith.constant 3 : i32
        %add3A_1028 = arith.addi %mul3A_903, %add3A_1027 : i32
        %broadcast_in_dim3A_1029 = vector.broadcast %add3A_1028 : i32 to vector<16xi32>
        %gather3A_1030 = tpu.vector_load_idx %arg6[%broadcast_in_dim3A_1025, %broadcast_in_dim3A_1023, %iota3A, %broadcast_in_dim3A_1026] : memref<6x4x32x128xf32, #tpu.memory_space<vmem>>[vector<16xi32>, vector<16xi32>, vector<16xi32>, vector<16xi32>], vector<16xf32>,
        %add3A_1031 = arith.constant 16 : i32
        %add3A_1032 = vector.broadcast %add3A_1031 : i32 to vector<16xi32>
        %add3A_1033 = arith.addi %iota3A, %add3A_1032 : vector<16xi32>
        %gather3A_1034 = tpu.vector_load_idx %arg6[%broadcast_in_dim3A_1025, %broadcast_in_dim3A_1023, %add3A_1033, %broadcast_in_dim3A_1026] : memref<6x4x32x128xf32, #tpu.memory_space<vmem>>[vector<16xi32>, vector<16xi32>, vector<16xi32>, vector<16xi32>], vector<16xf32>,
        tpu.vector_store_idx %arg7[%iota3A, %broadcast_in_dim3A_1029], %gather3A_1030 : memref<32x512xf32, #tpu.memory_space<vmem>>[vector<16xi32>, vector<16xi32>], vector<16xf32>,
        %add3A_1035 = arith.constant 16 : i32
        %add3A_1036 = vector.broadcast %add3A_1035 : i32 to vector<16xi32>
        %add3A_1037 = arith.addi %iota3A, %add3A_1036 : vector<16xi32>
        tpu.vector_store_idx %arg7[%add3A_1037, %broadcast_in_dim3A_1029], %gather3A_1034 : memref<32x512xf32, #tpu.memory_space<vmem>>[vector<16xi32>, vector<16xi32>], vector<16xf32>,
      } else {
      }
      %jit3A_720 = arith.constant 6 : i32
      %eq3A_721 = arith.constant 0 : i32
      %eq3A_722 = arith.cmpi eq, %jit3A_720, %eq3A_721 : i32
      %jit3A_723 = arith.constant 1 : i32
      %select_n3A_724 = arith.select %eq3A_722, %jit3A_723, %jit3A_720 : i32
      %rem3A_725 = arith.remsi %add3A_700, %select_n3A_724 : i32
      %ne3A_726 = arith.constant 0 : i32
      %ne3A_727 = arith.cmpi ne, %rem3A_725, %ne3A_726 : i32
      %lt3A_728 = arith.constant 0 : i32
      %lt3A_729 = arith.cmpi slt, %rem3A_725, %lt3A_728 : i32
      %lt3A_730 = arith.constant 0 : i32
      %lt3A_731 = arith.cmpi slt, %select_n3A_724, %lt3A_730 : i32
      %ne3A_732 = arith.xori %lt3A_729, %lt3A_731 : i1
      %and3A_733 = arith.andi %ne3A_732, %ne3A_727 : i1
      %add3A_734 = arith.addi %rem3A_725, %select_n3A_724 : i32
      %select_n3A_735 = arith.select %and3A_733, %add3A_734, %rem3A_725 : i32
      %eq3A_736 = arith.constant 1 : i32
      %eq3A_737 = arith.cmpi eq, %select_n3A_735, %eq3A_736 : i32
      %convert_element_type3A_738 = arith.extui %eq3A_737 : i1 to i32
      %cond3A_739 = arith.constant 0 : i32
      %cond3A_740 = arith.cmpi ne, %convert_element_type3A_738, %cond3A_739 : i32
      scf.if %cond3A_740 {
        %add3A_825 = arith.constant 6 : i32
        %add3A_826 = arith.addi %add3A_700, %add3A_825 : i32
        %sub3A_827 = arith.constant 1 : i32
        %sub3A_828 = arith.subi %add3A_826, %sub3A_827 : i32
        %lt3A_829 = arith.constant 128 : i32
        %lt3A_830 = arith.cmpi slt, %sub3A_828, %lt3A_829 : i32
        %convert_element_type3A_831 = arith.extui %lt3A_830 : i1 to i32
        %cond3A_832 = arith.constant 0 : i32
        %cond3A_833 = arith.cmpi ne, %convert_element_type3A_831, %cond3A_832 : i32
        scf.if %cond3A_833 {
          %add3A_1038 = arith.constant 6 : i32
          %add3A_1039 = arith.addi %add3A_700, %add3A_1038 : i32
          %sub3A_1040 = arith.constant 1 : i32
          %sub3A_1041 = arith.subi %add3A_1039, %sub3A_1040 : i32
          %mul3A_1042 = arith.constant 4 : i32
          %mul3A_1043 = arith.muli %sub3A_1041, %mul3A_1042 : i32
          %get3A_1044 = arith.index_cast %mul3A_1043 : i32 to index
          %get3A_1045 = tpu.vector_load %arg5[%get3A_1044] {strides = array<i32>} : memref<528xi32, #tpu.memory_space<vmem>>, vector<16xi32>,
          %slice3A_1046 = vector.extract_strided_slice %get3A_1045 {offsets = [0], sizes = [1], strides = [1]} : vector<16xi32> to vector<1xi32>
          %squeeze3A_1047 = vector.extract %slice3A_1046[0] : i32 from vector<1xi32>
          %jit3A_1048 = arith.constant 128 : i32
          %eq3A_1049 = arith.constant 0 : i32
          %eq3A_1050 = arith.cmpi eq, %jit3A_1048, %eq3A_1049 : i32
          %jit3A_1051 = arith.constant 1 : i32
          %select_n3A_1052 = arith.select %eq3A_1050, %jit3A_1051, %jit3A_1048 : i32
          %rem3A_1053 = arith.remsi %squeeze3A_1047, %select_n3A_1052 : i32
          %ne3A_1054 = arith.constant 0 : i32
          %ne3A_1055 = arith.cmpi ne, %rem3A_1053, %ne3A_1054 : i32
          %lt3A_1056 = arith.constant 0 : i32
          %lt3A_1057 = arith.cmpi slt, %rem3A_1053, %lt3A_1056 : i32
          %lt3A_1058 = arith.constant 0 : i32
          %lt3A_1059 = arith.cmpi slt, %select_n3A_1052, %lt3A_1058 : i32
          %ne3A_1060 = arith.xori %lt3A_1057, %lt3A_1059 : i1
          %and3A_1061 = arith.andi %ne3A_1060, %ne3A_1055 : i1
          %add3A_1062 = arith.addi %rem3A_1053, %select_n3A_1052 : i32
          %select_n3A_1063 = arith.select %and3A_1061, %add3A_1062, %rem3A_1053 : i32
          %sub3A_1064 = arith.subi %squeeze3A_1047, %select_n3A_1063 : i32
          %multiple_of3A_1065 = tpu.assume_multiple %sub3A_1064, 128 : i32
          %dma_start3A_1066 = arith.constant 0 : i32
          %dma_start3A_1067 = arith.constant 0 : i32
          %dma_start3A_1068 = arith.constant 0 : i32
          %dma_start3A_1069 = arith.constant 0 : i32
          %dma_start3A_1070 = tpu.memref_slice %arg6[%dma_start3A_1066, %dma_start3A_1067, %dma_start3A_1068, %dma_start3A_1069] : memref<6x4x32x128xf32, #tpu.memory_space<vmem>> -> memref<1x1x32x128xf32, #tpu.memory_space<vmem>>
          %dma_start3A_1071 = tpu.memref_squeeze %dma_start3A_1070 : memref<1x1x32x128xf32, #tpu.memory_space<vmem>> -> memref<32x128xf32, #tpu.memory_space<vmem>>
          %dma_start3A_1072 = arith.constant 0 : i32
          %dma_start3A_1073 = tpu.memref_slice %arg3[%dma_start3A_1072, %multiple_of3A_1065] : memref<32x1000000xf32, #tpu.memory_space<hbm>> -> memref<32x128xf32, #tpu.memory_space<hbm>>
          %dma_start3A_1074 = arith.constant 0 : i32
          %dma_start3A_1075 = arith.constant 0 : i32
          %dma_start3A_1076 = tpu.memref_slice %arg6[%dma_start3A_1066, %dma_start3A_1067, %dma_start3A_1074, %dma_start3A_1075] : memref<6x4x32x128xf32, #tpu.memory_space<vmem>> -> memref<1x1x32x128xf32, #tpu.memory_space<vmem>>
          %dma_start3A_1077 = tpu.memref_squeeze %dma_start3A_1076 : memref<1x1x32x128xf32, #tpu.memory_space<vmem>> -> memref<32x128xf32, #tpu.memory_space<vmem>>
          %dma_start3A_1078 = arith.constant 0 : i32
          %dma_start3A_1079 = tpu.memref_slice %arg3[%dma_start3A_1078, %multiple_of3A_1065] : memref<32x1000000xf32, #tpu.memory_space<hbm>> -> memref<32x128xf32, #tpu.memory_space<hbm>>
          tpu.enqueue_dma source(%dma_start3A_1079 : memref<32x128xf32, #tpu.memory_space<hbm>>) target(%dma_start3A_1077 : memref<32x128xf32, #tpu.memory_space<vmem>>) target_semaphore(%arg9 : memref<!tpu.dma_semaphore, #tpu.memory_space<semaphore_mem>>)
          %slice3A_1080 = vector.extract_strided_slice %get3A_1045 {offsets = [1], sizes = [1], strides = [1]} : vector<16xi32> to vector<1xi32>
          %squeeze3A_1081 = vector.extract %slice3A_1080[0] : i32 from vector<1xi32>
          %jit3A_1082 = arith.constant 128 : i32
          %eq3A_1083 = arith.constant 0 : i32
          %eq3A_1084 = arith.cmpi eq, %jit3A_1082, %eq3A_1083 : i32
          %jit3A_1085 = arith.constant 1 : i32
          %select_n3A_1086 = arith.select %eq3A_1084, %jit3A_1085, %jit3A_1082 : i32
          %rem3A_1087 = arith.remsi %squeeze3A_1081, %select_n3A_1086 : i32
          %ne3A_1088 = arith.constant 0 : i32
          %ne3A_1089 = arith.cmpi ne, %rem3A_1087, %ne3A_1088 : i32
          %lt3A_1090 = arith.constant 0 : i32
          %lt3A_1091 = arith.cmpi slt, %rem3A_1087, %lt3A_1090 : i32
          %lt3A_1092 = arith.constant 0 : i32
          %lt3A_1093 = arith.cmpi slt, %select_n3A_1086, %lt3A_1092 : i32
          %ne3A_1094 = arith.xori %lt3A_1091, %lt3A_1093 : i1
          %and3A_1095 = arith.andi %ne3A_1094, %ne3A_1089 : i1
          %add3A_1096 = arith.addi %rem3A_1087, %select_n3A_1086 : i32
          %select_n3A_1097 = arith.select %and3A_1095, %add3A_1096, %rem3A_1087 : i32
          %sub3A_1098 = arith.subi %squeeze3A_1081, %select_n3A_1097 : i32
          %multiple_of3A_1099 = tpu.assume_multiple %sub3A_1098, 128 : i32
          %dma_start3A_1100 = arith.constant 0 : i32
          %dma_start3A_1101 = arith.constant 1 : i32
          %dma_start3A_1102 = arith.constant 0 : i32
          %dma_start3A_1103 = arith.constant 0 : i32
          %dma_start3A_1104 = tpu.memref_slice %arg6[%dma_start3A_1100, %dma_start3A_1101, %dma_start3A_1102, %dma_start3A_1103] : memref<6x4x32x128xf32, #tpu.memory_space<vmem>> -> memref<1x1x32x128xf32, #tpu.memory_space<vmem>>
          %dma_start3A_1105 = tpu.memref_squeeze %dma_start3A_1104 : memref<1x1x32x128xf32, #tpu.memory_space<vmem>> -> memref<32x128xf32, #tpu.memory_space<vmem>>
          %dma_start3A_1106 = arith.constant 0 : i32
          %dma_start3A_1107 = tpu.memref_slice %arg3[%dma_start3A_1106, %multiple_of3A_1099] : memref<32x1000000xf32, #tpu.memory_space<hbm>> -> memref<32x128xf32, #tpu.memory_space<hbm>>
          %dma_start3A_1108 = arith.constant 0 : i32
          %dma_start3A_1109 = arith.constant 0 : i32
          %dma_start3A_1110 = tpu.memref_slice %arg6[%dma_start3A_1100, %dma_start3A_1101, %dma_start3A_1108, %dma_start3A_1109] : memref<6x4x32x128xf32, #tpu.memory_space<vmem>> -> memref<1x1x32x128xf32, #tpu.memory_space<vmem>>
          %dma_start3A_1111 = tpu.memref_squeeze %dma_start3A_1110 : memref<1x1x32x128xf32, #tpu.memory_space<vmem>> -> memref<32x128xf32, #tpu.memory_space<vmem>>
          %dma_start3A_1112 = arith.constant 0 : i32
          %dma_start3A_1113 = tpu.memref_slice %arg3[%dma_start3A_1112, %multiple_of3A_1099] : memref<32x1000000xf32, #tpu.memory_space<hbm>> -> memref<32x128xf32, #tpu.memory_space<hbm>>
          tpu.enqueue_dma source(%dma_start3A_1113 : memref<32x128xf32, #tpu.memory_space<hbm>>) target(%dma_start3A_1111 : memref<32x128xf32, #tpu.memory_space<vmem>>) target_semaphore(%arg9 : memref<!tpu.dma_semaphore, #tpu.memory_space<semaphore_mem>>)
          %slice3A_1114 = vector.extract_strided_slice %get3A_1045 {offsets = [2], sizes = [1], strides = [1]} : vector<16xi32> to vector<1xi32>
          %squeeze3A_1115 = vector.extract %slice3A_1114[0] : i32 from vector<1xi32>
          %jit3A_1116 = arith.constant 128 : i32
          %eq3A_1117 = arith.constant 0 : i32
          %eq3A_1118 = arith.cmpi eq, %jit3A_1116, %eq3A_1117 : i32
          %jit3A_1119 = arith.constant 1 : i32
          %select_n3A_1120 = arith.select %eq3A_1118, %jit3A_1119, %jit3A_1116 : i32
          %rem3A_1121 = arith.remsi %squeeze3A_1115, %select_n3A_1120 : i32
          %ne3A_1122 = arith.constant 0 : i32
          %ne3A_1123 = arith.cmpi ne, %rem3A_1121, %ne3A_1122 : i32
          %lt3A_1124 = arith.constant 0 : i32
          %lt3A_1125 = arith.cmpi slt, %rem3A_1121, %lt3A_1124 : i32
          %lt3A_1126 = arith.constant 0 : i32
          %lt3A_1127 = arith.cmpi slt, %select_n3A_1120, %lt3A_1126 : i32
          %ne3A_1128 = arith.xori %lt3A_1125, %lt3A_1127 : i1
          %and3A_1129 = arith.andi %ne3A_1128, %ne3A_1123 : i1
          %add3A_1130 = arith.addi %rem3A_1121, %select_n3A_1120 : i32
          %select_n3A_1131 = arith.select %and3A_1129, %add3A_1130, %rem3A_1121 : i32
          %sub3A_1132 = arith.subi %squeeze3A_1115, %select_n3A_1131 : i32
          %multiple_of3A_1133 = tpu.assume_multiple %sub3A_1132, 128 : i32
          %dma_start3A_1134 = arith.constant 0 : i32
          %dma_start3A_1135 = arith.constant 2 : i32
          %dma_start3A_1136 = arith.constant 0 : i32
          %dma_start3A_1137 = arith.constant 0 : i32
          %dma_start3A_1138 = tpu.memref_slice %arg6[%dma_start3A_1134, %dma_start3A_1135, %dma_start3A_1136, %dma_start3A_1137] : memref<6x4x32x128xf32, #tpu.memory_space<vmem>> -> memref<1x1x32x128xf32, #tpu.memory_space<vmem>>
          %dma_start3A_1139 = tpu.memref_squeeze %dma_start3A_1138 : memref<1x1x32x128xf32, #tpu.memory_space<vmem>> -> memref<32x128xf32, #tpu.memory_space<vmem>>
          %dma_start3A_1140 = arith.constant 0 : i32
          %dma_start3A_1141 = tpu.memref_slice %arg3[%dma_start3A_1140, %multiple_of3A_1133] : memref<32x1000000xf32, #tpu.memory_space<hbm>> -> memref<32x128xf32, #tpu.memory_space<hbm>>
          %dma_start3A_1142 = arith.constant 0 : i32
          %dma_start3A_1143 = arith.constant 0 : i32
          %dma_start3A_1144 = tpu.memref_slice %arg6[%dma_start3A_1134, %dma_start3A_1135, %dma_start3A_1142, %dma_start3A_1143] : memref<6x4x32x128xf32, #tpu.memory_space<vmem>> -> memref<1x1x32x128xf32, #tpu.memory_space<vmem>>
          %dma_start3A_1145 = tpu.memref_squeeze %dma_start3A_1144 : memref<1x1x32x128xf32, #tpu.memory_space<vmem>> -> memref<32x128xf32, #tpu.memory_space<vmem>>
          %dma_start3A_1146 = arith.constant 0 : i32
          %dma_start3A_1147 = tpu.memref_slice %arg3[%dma_start3A_1146, %multiple_of3A_1133] : memref<32x1000000xf32, #tpu.memory_space<hbm>> -> memref<32x128xf32, #tpu.memory_space<hbm>>
          tpu.enqueue_dma source(%dma_start3A_1147 : memref<32x128xf32, #tpu.memory_space<hbm>>) target(%dma_start3A_1145 : memref<32x128xf32, #tpu.memory_space<vmem>>) target_semaphore(%arg9 : memref<!tpu.dma_semaphore, #tpu.memory_space<semaphore_mem>>)
          %slice3A_1148 = vector.extract_strided_slice %get3A_1045 {offsets = [3], sizes = [1], strides = [1]} : vector<16xi32> to vector<1xi32>
          %squeeze3A_1149 = vector.extract %slice3A_1148[0] : i32 from vector<1xi32>
          %jit3A_1150 = arith.constant 128 : i32
          %eq3A_1151 = arith.constant 0 : i32
          %eq3A_1152 = arith.cmpi eq, %jit3A_1150, %eq3A_1151 : i32
          %jit3A_1153 = arith.constant 1 : i32
          %select_n3A_1154 = arith.select %eq3A_1152, %jit3A_1153, %jit3A_1150 : i32
          %rem3A_1155 = arith.remsi %squeeze3A_1149, %select_n3A_1154 : i32
          %ne3A_1156 = arith.constant 0 : i32
          %ne3A_1157 = arith.cmpi ne, %rem3A_1155, %ne3A_1156 : i32
          %lt3A_1158 = arith.constant 0 : i32
          %lt3A_1159 = arith.cmpi slt, %rem3A_1155, %lt3A_1158 : i32
          %lt3A_1160 = arith.constant 0 : i32
          %lt3A_1161 = arith.cmpi slt, %select_n3A_1154, %lt3A_1160 : i32
          %ne3A_1162 = arith.xori %lt3A_1159, %lt3A_1161 : i1
          %and3A_1163 = arith.andi %ne3A_1162, %ne3A_1157 : i1
          %add3A_1164 = arith.addi %rem3A_1155, %select_n3A_1154 : i32
          %select_n3A_1165 = arith.select %and3A_1163, %add3A_1164, %rem3A_1155 : i32
          %sub3A_1166 = arith.subi %squeeze3A_1149, %select_n3A_1165 : i32
          %multiple_of3A_1167 = tpu.assume_multiple %sub3A_1166, 128 : i32
          %dma_start3A_1168 = arith.constant 0 : i32
          %dma_start3A_1169 = arith.constant 3 : i32
          %dma_start3A_1170 = arith.constant 0 : i32
          %dma_start3A_1171 = arith.constant 0 : i32
          %dma_start3A_1172 = tpu.memref_slice %arg6[%dma_start3A_1168, %dma_start3A_1169, %dma_start3A_1170, %dma_start3A_1171] : memref<6x4x32x128xf32, #tpu.memory_space<vmem>> -> memref<1x1x32x128xf32, #tpu.memory_space<vmem>>
          %dma_start3A_1173 = tpu.memref_squeeze %dma_start3A_1172 : memref<1x1x32x128xf32, #tpu.memory_space<vmem>> -> memref<32x128xf32, #tpu.memory_space<vmem>>
          %dma_start3A_1174 = arith.constant 0 : i32
          %dma_start3A_1175 = tpu.memref_slice %arg3[%dma_start3A_1174, %multiple_of3A_1167] : memref<32x1000000xf32, #tpu.memory_space<hbm>> -> memref<32x128xf32, #tpu.memory_space<hbm>>
          %dma_start3A_1176 = arith.constant 0 : i32
          %dma_start3A_1177 = arith.constant 0 : i32
          %dma_start3A_1178 = tpu.memref_slice %arg6[%dma_start3A_1168, %dma_start3A_1169, %dma_start3A_1176, %dma_start3A_1177] : memref<6x4x32x128xf32, #tpu.memory_space<vmem>> -> memref<1x1x32x128xf32, #tpu.memory_space<vmem>>
          %dma_start3A_1179 = tpu.memref_squeeze %dma_start3A_1178 : memref<1x1x32x128xf32, #tpu.memory_space<vmem>> -> memref<32x128xf32, #tpu.memory_space<vmem>>
          %dma_start3A_1180 = arith.constant 0 : i32
          %dma_start3A_1181 = tpu.memref_slice %arg3[%dma_start3A_1180, %multiple_of3A_1167] : memref<32x1000000xf32, #tpu.memory_space<hbm>> -> memref<32x128xf32, #tpu.memory_space<hbm>>
          tpu.enqueue_dma source(%dma_start3A_1181 : memref<32x128xf32, #tpu.memory_space<hbm>>) target(%dma_start3A_1179 : memref<32x128xf32, #tpu.memory_space<vmem>>) target_semaphore(%arg9 : memref<!tpu.dma_semaphore, #tpu.memory_space<semaphore_mem>>)
        } else {
        }
        %dma_wait3A_834 = arith.constant 0 : i32
        %dma_wait3A_835 = arith.constant 0 : i32
        %dma_wait3A_836 = arith.constant 0 : i32
        %dma_wait3A_837 = arith.constant 0 : i32
        %dma_wait3A_838 = tpu.memref_slice %arg6[%dma_wait3A_834, %dma_wait3A_835, %dma_wait3A_836, %dma_wait3A_837] : memref<6x4x32x128xf32, #tpu.memory_space<vmem>> -> memref<1x1x32x128xf32, #tpu.memory_space<vmem>>
        %dma_wait3A_839 = tpu.memref_squeeze %dma_wait3A_838 : memref<1x1x32x128xf32, #tpu.memory_space<vmem>> -> memref<32x128xf32, #tpu.memory_space<vmem>>
        %dma_wait3A_840 = arith.constant 0 : i32
        %dma_wait3A_841 = arith.constant 0 : i32
        %dma_wait3A_842 = tpu.memref_slice %arg3[%dma_wait3A_840, %dma_wait3A_841] : memref<32x1000000xf32, #tpu.memory_space<hbm>> -> memref<32x128xf32, #tpu.memory_space<hbm>>
        %dma_wait3A_843 = arith.constant 0 : i32
        %dma_wait3A_844 = arith.constant 0 : i32
        %dma_wait3A_845 = tpu.memref_slice %arg6[%dma_wait3A_834, %dma_wait3A_835, %dma_wait3A_843, %dma_wait3A_844] : memref<6x4x32x128xf32, #tpu.memory_space<vmem>> -> memref<1x1x32x128xf32, #tpu.memory_space<vmem>>
        %dma_wait3A_846 = tpu.memref_squeeze %dma_wait3A_845 : memref<1x1x32x128xf32, #tpu.memory_space<vmem>> -> memref<32x128xf32, #tpu.memory_space<vmem>>
        %dma_wait3A_847 = arith.constant 0 : i32
        %dma_wait3A_848 = arith.constant 0 : i32
        %dma_wait3A_849 = tpu.memref_slice %arg3[%dma_wait3A_847, %dma_wait3A_848] : memref<32x1000000xf32, #tpu.memory_space<hbm>> -> memref<32x128xf32, #tpu.memory_space<hbm>>
        tpu.wait_dma2 semaphore(%arg10 : memref<!tpu.dma_semaphore, #tpu.memory_space<semaphore_mem>>) src(%dma_wait3A_849 : memref<32x128xf32, #tpu.memory_space<hbm>>) dst(%dma_wait3A_846 : memref<32x128xf32, #tpu.memory_space<vmem>>)
        %dma_wait3A_850 = arith.constant 0 : i32
        %dma_wait3A_851 = arith.constant 1 : i32
        %dma_wait3A_852 = arith.constant 0 : i32
        %dma_wait3A_853 = arith.constant 0 : i32
        %dma_wait3A_854 = tpu.memref_slice %arg6[%dma_wait3A_850, %dma_wait3A_851, %dma_wait3A_852, %dma_wait3A_853] : memref<6x4x32x128xf32, #tpu.memory_space<vmem>> -> memref<1x1x32x128xf32, #tpu.memory_space<vmem>>
        %dma_wait3A_855 = tpu.memref_squeeze %dma_wait3A_854 : memref<1x1x32x128xf32, #tpu.memory_space<vmem>> -> memref<32x128xf32, #tpu.memory_space<vmem>>
        %dma_wait3A_856 = arith.constant 0 : i32
        %dma_wait3A_857 = arith.constant 0 : i32
        %dma_wait3A_858 = tpu.memref_slice %arg3[%dma_wait3A_856, %dma_wait3A_857] : memref<32x1000000xf32, #tpu.memory_space<hbm>> -> memref<32x128xf32, #tpu.memory_space<hbm>>
        %dma_wait3A_859 = arith.constant 0 : i32
        %dma_wait3A_860 = arith.constant 0 : i32
        %dma_wait3A_861 = tpu.memref_slice %arg6[%dma_wait3A_850, %dma_wait3A_851, %dma_wait3A_859, %dma_wait3A_860] : memref<6x4x32x128xf32, #tpu.memory_space<vmem>> -> memref<1x1x32x128xf32, #tpu.memory_space<vmem>>
        %dma_wait3A_862 = tpu.memref_squeeze %dma_wait3A_861 : memref<1x1x32x128xf32, #tpu.memory_space<vmem>> -> memref<32x128xf32, #tpu.memory_space<vmem>>
        %dma_wait3A_863 = arith.constant 0 : i32
        %dma_wait3A_864 = arith.constant 0 : i32
        %dma_wait3A_865 = tpu.memref_slice %arg3[%dma_wait3A_863, %dma_wait3A_864] : memref<32x1000000xf32, #tpu.memory_space<hbm>> -> memref<32x128xf32, #tpu.memory_space<hbm>>
        tpu.wait_dma2 semaphore(%arg10 : memref<!tpu.dma_semaphore, #tpu.memory_space<semaphore_mem>>) src(%dma_wait3A_865 : memref<32x128xf32, #tpu.memory_space<hbm>>) dst(%dma_wait3A_862 : memref<32x128xf32, #tpu.memory_space<vmem>>)
        %dma_wait3A_866 = arith.constant 0 : i32
        %dma_wait3A_867 = arith.constant 2 : i32
        %dma_wait3A_868 = arith.constant 0 : i32
        %dma_wait3A_869 = arith.constant 0 : i32
        %dma_wait3A_870 = tpu.memref_slice %arg6[%dma_wait3A_866, %dma_wait3A_867, %dma_wait3A_868, %dma_wait3A_869] : memref<6x4x32x128xf32, #tpu.memory_space<vmem>> -> memref<1x1x32x128xf32, #tpu.memory_space<vmem>>
        %dma_wait3A_871 = tpu.memref_squeeze %dma_wait3A_870 : memref<1x1x32x128xf32, #tpu.memory_space<vmem>> -> memref<32x128xf32, #tpu.memory_space<vmem>>
        %dma_wait3A_872 = arith.constant 0 : i32
        %dma_wait3A_873 = arith.constant 0 : i32
        %dma_wait3A_874 = tpu.memref_slice %arg3[%dma_wait3A_872, %dma_wait3A_873] : memref<32x1000000xf32, #tpu.memory_space<hbm>> -> memref<32x128xf32, #tpu.memory_space<hbm>>
        %dma_wait3A_875 = arith.constant 0 : i32
        %dma_wait3A_876 = arith.constant 0 : i32
        %dma_wait3A_877 = tpu.memref_slice %arg6[%dma_wait3A_866, %dma_wait3A_867, %dma_wait3A_875, %dma_wait3A_876] : memref<6x4x32x128xf32, #tpu.memory_space<vmem>> -> memref<1x1x32x128xf32, #tpu.memory_space<vmem>>
        %dma_wait3A_878 = tpu.memref_squeeze %dma_wait3A_877 : memref<1x1x32x128xf32, #tpu.memory_space<vmem>> -> memref<32x128xf32, #tpu.memory_space<vmem>>
        %dma_wait3A_879 = arith.constant 0 : i32
        %dma_wait3A_880 = arith.constant 0 : i32
        %dma_wait3A_881 = tpu.memref_slice %arg3[%dma_wait3A_879, %dma_wait3A_880] : memref<32x1000000xf32, #tpu.memory_space<hbm>> -> memref<32x128xf32, #tpu.memory_space<hbm>>
        tpu.wait_dma2 semaphore(%arg10 : memref<!tpu.dma_semaphore, #tpu.memory_space<semaphore_mem>>) src(%dma_wait3A_881 : memref<32x128xf32, #tpu.memory_space<hbm>>) dst(%dma_wait3A_878 : memref<32x128xf32, #tpu.memory_space<vmem>>)
        %dma_wait3A_882 = arith.constant 0 : i32
        %dma_wait3A_883 = arith.constant 3 : i32
        %dma_wait3A_884 = arith.constant 0 : i32
        %dma_wait3A_885 = arith.constant 0 : i32
        %dma_wait3A_886 = tpu.memref_slice %arg6[%dma_wait3A_882, %dma_wait3A_883, %dma_wait3A_884, %dma_wait3A_885] : memref<6x4x32x128xf32, #tpu.memory_space<vmem>> -> memref<1x1x32x128xf32, #tpu.memory_space<vmem>>
        %dma_wait3A_887 = tpu.memref_squeeze %dma_wait3A_886 : memref<1x1x32x128xf32, #tpu.memory_space<vmem>> -> memref<32x128xf32, #tpu.memory_space<vmem>>
        %dma_wait3A_888 = arith.constant 0 : i32
        %dma_wait3A_889 = arith.constant 0 : i32
        %dma_wait3A_890 = tpu.memref_slice %arg3[%dma_wait3A_888, %dma_wait3A_889] : memref<32x1000000xf32, #tpu.memory_space<hbm>> -> memref<32x128xf32, #tpu.memory_space<hbm>>
        %dma_wait3A_891 = arith.constant 0 : i32
        %dma_wait3A_892 = arith.constant 0 : i32
        %dma_wait3A_893 = tpu.memref_slice %arg6[%dma_wait3A_882, %dma_wait3A_883, %dma_wait3A_891, %dma_wait3A_892] : memref<6x4x32x128xf32, #tpu.memory_space<vmem>> -> memref<1x1x32x128xf32, #tpu.memory_space<vmem>>
        %dma_wait3A_894 = tpu.memref_squeeze %dma_wait3A_893 : memref<1x1x32x128xf32, #tpu.memory_space<vmem>> -> memref<32x128xf32, #tpu.memory_space<vmem>>
        %dma_wait3A_895 = arith.constant 0 : i32
        %dma_wait3A_896 = arith.constant 0 : i32
        %dma_wait3A_897 = tpu.memref_slice %arg3[%dma_wait3A_895, %dma_wait3A_896] : memref<32x1000000xf32, #tpu.memory_space<hbm>> -> memref<32x128xf32, #tpu.memory_space<hbm>>
        tpu.wait_dma2 semaphore(%arg10 : memref<!tpu.dma_semaphore, #tpu.memory_space<semaphore_mem>>) src(%dma_wait3A_897 : memref<32x128xf32, #tpu.memory_space<hbm>>) dst(%dma_wait3A_894 : memref<32x128xf32, #tpu.memory_space<vmem>>)
        %mul3A_898 = arith.constant 4 : i32
        %mul3A_899 = arith.muli %add3A_700, %mul3A_898 : i32
        %get3A_900 = arith.index_cast %mul3A_899 : i32 to index
        %get3A_901 = tpu.vector_load %arg5[%get3A_900] {strides = array<i32>} : memref<528xi32, #tpu.memory_space<vmem>>, vector<16xi32>,
        %mul3A_902 = arith.constant 4 : i32
        %mul3A_903 = arith.muli %add3A_700, %mul3A_902 : i32
        %slice3A_904 = vector.extract_strided_slice %get3A_901 {offsets = [0], sizes = [1], strides = [1]} : vector<16xi32> to vector<1xi32>
        %squeeze3A_905 = vector.extract %slice3A_904[0] : i32 from vector<1xi32>
        %jit3A_906 = arith.constant 128 : i32
        %eq3A_907 = arith.constant 0 : i32
        %eq3A_908 = arith.cmpi eq, %jit3A_906, %eq3A_907 : i32
        %jit3A_909 = arith.constant 1 : i32
        %select_n3A_910 = arith.select %eq3A_908, %jit3A_909, %jit3A_906 : i32
        %rem3A_911 = arith.remsi %squeeze3A_905, %select_n3A_910 : i32
        %ne3A_912 = arith.constant 0 : i32
        %ne3A_913 = arith.cmpi ne, %rem3A_911, %ne3A_912 : i32
        %lt3A_914 = arith.constant 0 : i32
        %lt3A_915 = arith.cmpi slt, %rem3A_911, %lt3A_914 : i32
        %lt3A_916 = arith.constant 0 : i32
        %lt3A_917 = arith.cmpi slt, %select_n3A_910, %lt3A_916 : i32
        %ne3A_918 = arith.xori %lt3A_915, %lt3A_917 : i1
        %and3A_919 = arith.andi %ne3A_918, %ne3A_913 : i1
        %add3A_920 = arith.addi %rem3A_911, %select_n3A_910 : i32
        %select_n3A_921 = arith.select %and3A_919, %add3A_920, %rem3A_911 : i32
        %broadcast_in_dim3A = arith.constant 0 : i32
        %broadcast_in_dim3A_922 = vector.broadcast %broadcast_in_dim3A : i32 to vector<16xi32>
        %broadcast_in_dim3A_923 = arith.constant 1 : i32
        %broadcast_in_dim3A_924 = vector.broadcast %broadcast_in_dim3A_923 : i32 to vector<16xi32>
        %broadcast_in_dim3A_925 = vector.broadcast %select_n3A_921 : i32 to vector<16xi32>
        %add3A_926 = arith.constant 0 : i32
        %add3A_927 = arith.addi %mul3A_903, %add3A_926 : i32
        %broadcast_in_dim3A_928 = vector.broadcast %add3A_927 : i32 to vector<16xi32>
        %gather3A = tpu.vector_load_idx %arg6[%broadcast_in_dim3A_924, %broadcast_in_dim3A_922, %iota3A, %broadcast_in_dim3A_925] : memref<6x4x32x128xf32, #tpu.memory_space<vmem>>[vector<16xi32>, vector<16xi32>, vector<16xi32>, vector<16xi32>], vector<16xf32>,
        %add3A_929 = arith.constant 16 : i32
        %add3A_930 = vector.broadcast %add3A_929 : i32 to vector<16xi32>
        %add3A_931 = arith.addi %iota3A, %add3A_930 : vector<16xi32>
        %gather3A_932 = tpu.vector_load_idx %arg6[%broadcast_in_dim3A_924, %broadcast_in_dim3A_922, %add3A_931, %broadcast_in_dim3A_925] : memref<6x4x32x128xf32, #tpu.memory_space<vmem>>[vector<16xi32>, vector<16xi32>, vector<16xi32>, vector<16xi32>], vector<16xf32>,
        tpu.vector_store_idx %arg7[%iota3A, %broadcast_in_dim3A_928], %gather3A : memref<32x512xf32, #tpu.memory_space<vmem>>[vector<16xi32>, vector<16xi32>], vector<16xf32>,
        %add3A_933 = arith.constant 16 : i32
        %add3A_934 = vector.broadcast %add3A_933 : i32 to vector<16xi32>
        %add3A_935 = arith.addi %iota3A, %add3A_934 : vector<16xi32>
        tpu.vector_store_idx %arg7[%add3A_935, %broadcast_in_dim3A_928], %gather3A_932 : memref<32x512xf32, #tpu.memory_space<vmem>>[vector<16xi32>, vector<16xi32>], vector<16xf32>,
        %slice3A_936 = vector.extract_strided_slice %get3A_901 {offsets = [1], sizes = [1], strides = [1]} : vector<16xi32> to vector<1xi32>
        %squeeze3A_937 = vector.extract %slice3A_936[0] : i32 from vector<1xi32>
        %jit3A_938 = arith.constant 128 : i32
        %eq3A_939 = arith.constant 0 : i32
        %eq3A_940 = arith.cmpi eq, %jit3A_938, %eq3A_939 : i32
        %jit3A_941 = arith.constant 1 : i32
        %select_n3A_942 = arith.select %eq3A_940, %jit3A_941, %jit3A_938 : i32
        %rem3A_943 = arith.remsi %squeeze3A_937, %select_n3A_942 : i32
        %ne3A_944 = arith.constant 0 : i32
        %ne3A_945 = arith.cmpi ne, %rem3A_943, %ne3A_944 : i32
        %lt3A_946 = arith.constant 0 : i32
        %lt3A_947 = arith.cmpi slt, %rem3A_943, %lt3A_946 : i32
        %lt3A_948 = arith.constant 0 : i32
        %lt3A_949 = arith.cmpi slt, %select_n3A_942, %lt3A_948 : i32
        %ne3A_950 = arith.xori %lt3A_947, %lt3A_949 : i1
        %and3A_951 = arith.andi %ne3A_950, %ne3A_945 : i1
        %add3A_952 = arith.addi %rem3A_943, %select_n3A_942 : i32
        %select_n3A_953 = arith.select %and3A_951, %add3A_952, %rem3A_943 : i32
        %broadcast_in_dim3A_954 = arith.constant 1 : i32
        %broadcast_in_dim3A_955 = vector.broadcast %broadcast_in_dim3A_954 : i32 to vector<16xi32>
        %broadcast_in_dim3A_956 = arith.constant 1 : i32
        %broadcast_in_dim3A_957 = vector.broadcast %broadcast_in_dim3A_956 : i32 to vector<16xi32>
        %broadcast_in_dim3A_958 = vector.broadcast %select_n3A_953 : i32 to vector<16xi32>
        %add3A_959 = arith.constant 1 : i32
        %add3A_960 = arith.addi %mul3A_903, %add3A_959 : i32
        %broadcast_in_dim3A_961 = vector.broadcast %add3A_960 : i32 to vector<16xi32>
        %gather3A_962 = tpu.vector_load_idx %arg6[%broadcast_in_dim3A_957, %broadcast_in_dim3A_955, %iota3A, %broadcast_in_dim3A_958] : memref<6x4x32x128xf32, #tpu.memory_space<vmem>>[vector<16xi32>, vector<16xi32>, vector<16xi32>, vector<16xi32>], vector<16xf32>,
        %add3A_963 = arith.constant 16 : i32
        %add3A_964 = vector.broadcast %add3A_963 : i32 to vector<16xi32>
        %add3A_965 = arith.addi %iota3A, %add3A_964 : vector<16xi32>
        %gather3A_966 = tpu.vector_load_idx %arg6[%broadcast_in_dim3A_957, %broadcast_in_dim3A_955, %add3A_965, %broadcast_in_dim3A_958] : memref<6x4x32x128xf32, #tpu.memory_space<vmem>>[vector<16xi32>, vector<16xi32>, vector<16xi32>, vector<16xi32>], vector<16xf32>,
        tpu.vector_store_idx %arg7[%iota3A, %broadcast_in_dim3A_961], %gather3A_962 : memref<32x512xf32, #tpu.memory_space<vmem>>[vector<16xi32>, vector<16xi32>], vector<16xf32>,
        %add3A_967 = arith.constant 16 : i32
        %add3A_968 = vector.broadcast %add3A_967 : i32 to vector<16xi32>
        %add3A_969 = arith.addi %iota3A, %add3A_968 : vector<16xi32>
        tpu.vector_store_idx %arg7[%add3A_969, %broadcast_in_dim3A_961], %gather3A_966 : memref<32x512xf32, #tpu.memory_space<vmem>>[vector<16xi32>, vector<16xi32>], vector<16xf32>,
        %slice3A_970 = vector.extract_strided_slice %get3A_901 {offsets = [2], sizes = [1], strides = [1]} : vector<16xi32> to vector<1xi32>
        %squeeze3A_971 = vector.extract %slice3A_970[0] : i32 from vector<1xi32>
        %jit3A_972 = arith.constant 128 : i32
        %eq3A_973 = arith.constant 0 : i32
        %eq3A_974 = arith.cmpi eq, %jit3A_972, %eq3A_973 : i32
        %jit3A_975 = arith.constant 1 : i32
        %select_n3A_976 = arith.select %eq3A_974, %jit3A_975, %jit3A_972 : i32
        %rem3A_977 = arith.remsi %squeeze3A_971, %select_n3A_976 : i32
        %ne3A_978 = arith.constant 0 : i32
        %ne3A_979 = arith.cmpi ne, %rem3A_977, %ne3A_978 : i32
        %lt3A_980 = arith.constant 0 : i32
        %lt3A_981 = arith.cmpi slt, %rem3A_977, %lt3A_980 : i32
        %lt3A_982 = arith.constant 0 : i32
        %lt3A_983 = arith.cmpi slt, %select_n3A_976, %lt3A_982 : i32
        %ne3A_984 = arith.xori %lt3A_981, %lt3A_983 : i1
        %and3A_985 = arith.andi %ne3A_984, %ne3A_979 : i1
        %add3A_986 = arith.addi %rem3A_977, %select_n3A_976 : i32
        %select_n3A_987 = arith.select %and3A_985, %add3A_986, %rem3A_977 : i32
        %broadcast_in_dim3A_988 = arith.constant 2 : i32
        %broadcast_in_dim3A_989 = vector.broadcast %broadcast_in_dim3A_988 : i32 to vector<16xi32>
        %broadcast_in_dim3A_990 = arith.constant 1 : i32
        %broadcast_in_dim3A_991 = vector.broadcast %broadcast_in_dim3A_990 : i32 to vector<16xi32>
        %broadcast_in_dim3A_992 = vector.broadcast %select_n3A_987 : i32 to vector<16xi32>
        %add3A_993 = arith.constant 2 : i32
        %add3A_994 = arith.addi %mul3A_903, %add3A_993 : i32
        %broadcast_in_dim3A_995 = vector.broadcast %add3A_994 : i32 to vector<16xi32>
        %gather3A_996 = tpu.vector_load_idx %arg6[%broadcast_in_dim3A_991, %broadcast_in_dim3A_989, %iota3A, %broadcast_in_dim3A_992] : memref<6x4x32x128xf32, #tpu.memory_space<vmem>>[vector<16xi32>, vector<16xi32>, vector<16xi32>, vector<16xi32>], vector<16xf32>,
        %add3A_997 = arith.constant 16 : i32
        %add3A_998 = vector.broadcast %add3A_997 : i32 to vector<16xi32>
        %add3A_999 = arith.addi %iota3A, %add3A_998 : vector<16xi32>
        %gather3A_1000 = tpu.vector_load_idx %arg6[%broadcast_in_dim3A_991, %broadcast_in_dim3A_989, %add3A_999, %broadcast_in_dim3A_992] : memref<6x4x32x128xf32, #tpu.memory_space<vmem>>[vector<16xi32>, vector<16xi32>, vector<16xi32>, vector<16xi32>], vector<16xf32>,
        tpu.vector_store_idx %arg7[%iota3A, %broadcast_in_dim3A_995], %gather3A_996 : memref<32x512xf32, #tpu.memory_space<vmem>>[vector<16xi32>, vector<16xi32>], vector<16xf32>,
        %add3A_1001 = arith.constant 16 : i32
        %add3A_1002 = vector.broadcast %add3A_1001 : i32 to vector<16xi32>
        %add3A_1003 = arith.addi %iota3A, %add3A_1002 : vector<16xi32>
        tpu.vector_store_idx %arg7[%add3A_1003, %broadcast_in_dim3A_995], %gather3A_1000 : memref<32x512xf32, #tpu.memory_space<vmem>>[vector<16xi32>, vector<16xi32>], vector<16xf32>,
        %slice3A_1004 = vector.extract_strided_slice %get3A_901 {offsets = [3], sizes = [1], strides = [1]} : vector<16xi32> to vector<1xi32>
        %squeeze3A_1005 = vector.extract %slice3A_1004[0] : i32 from vector<1xi32>
        %jit3A_1006 = arith.constant 128 : i32
        %eq3A_1007 = arith.constant 0 : i32
        %eq3A_1008 = arith.cmpi eq, %jit3A_1006, %eq3A_1007 : i32
        %jit3A_1009 = arith.constant 1 : i32
        %select_n3A_1010 = arith.select %eq3A_1008, %jit3A_1009, %jit3A_1006 : i32
        %rem3A_1011 = arith.remsi %squeeze3A_1005, %select_n3A_1010 : i32
        %ne3A_1012 = arith.constant 0 : i32
        %ne3A_1013 = arith.cmpi ne, %rem3A_1011, %ne3A_1012 : i32
        %lt3A_1014 = arith.constant 0 : i32
        %lt3A_1015 = arith.cmpi slt, %rem3A_1011, %lt3A_1014 : i32
        %lt3A_1016 = arith.constant 0 : i32
        %lt3A_1017 = arith.cmpi slt, %select_n3A_1010, %lt3A_1016 : i32
        %ne3A_1018 = arith.xori %lt3A_1015, %lt3A_1017 : i1
        %and3A_1019 = arith.andi %ne3A_1018, %ne3A_1013 : i1
        %add3A_1020 = arith.addi %rem3A_1011, %select_n3A_1010 : i32
        %select_n3A_1021 = arith.select %and3A_1019, %add3A_1020, %rem3A_1011 : i32
        %broadcast_in_dim3A_1022 = arith.constant 3 : i32
        %broadcast_in_dim3A_1023 = vector.broadcast %broadcast_in_dim3A_1022 : i32 to vector<16xi32>
        %broadcast_in_dim3A_1024 = arith.constant 1 : i32
        %broadcast_in_dim3A_1025 = vector.broadcast %broadcast_in_dim3A_1024 : i32 to vector<16xi32>
        %broadcast_in_dim3A_1026 = vector.broadcast %select_n3A_1021 : i32 to vector<16xi32>
        %add3A_1027 = arith.constant 3 : i32
        %add3A_1028 = arith.addi %mul3A_903, %add3A_1027 : i32
        %broadcast_in_dim3A_1029 = vector.broadcast %add3A_1028 : i32 to vector<16xi32>
        %gather3A_1030 = tpu.vector_load_idx %arg6[%broadcast_in_dim3A_1025, %broadcast_in_dim3A_1023, %iota3A, %broadcast_in_dim3A_1026] : memref<6x4x32x128xf32, #tpu.memory_space<vmem>>[vector<16xi32>, vector<16xi32>, vector<16xi32>, vector<16xi32>], vector<16xf32>,
        %add3A_1031 = arith.constant 16 : i32
        %add3A_1032 = vector.broadcast %add3A_1031 : i32 to vector<16xi32>
        %add3A_1033 = arith.addi %iota3A, %add3A_1032 : vector<16xi32>
        %gather3A_1034 = tpu.vector_load_idx %arg6[%broadcast_in_dim3A_1025, %broadcast_in_dim3A_1023, %add3A_1033, %broadcast_in_dim3A_1026] : memref<6x4x32x128xf32, #tpu.memory_space<vmem>>[vector<16xi32>, vector<16xi32>, vector<16xi32>, vector<16xi32>], vector<16xf32>,
        tpu.vector_store_idx %arg7[%iota3A, %broadcast_in_dim3A_1029], %gather3A_1030 : memref<32x512xf32, #tpu.memory_space<vmem>>[vector<16xi32>, vector<16xi32>], vector<16xf32>,
        %add3A_1035 = arith.constant 16 : i32
        %add3A_1036 = vector.broadcast %add3A_1035 : i32 to vector<16xi32>
        %add3A_1037 = arith.addi %iota3A, %add3A_1036 : vector<16xi32>
        tpu.vector_store_idx %arg7[%add3A_1037, %broadcast_in_dim3A_1029], %gather3A_1034 : memref<32x512xf32, #tpu.memory_space<vmem>>[vector<16xi32>, vector<16xi32>], vector<16xf32>,
      } else {
      }
      %jit3A_741 = arith.constant 6 : i32
      %eq3A_742 = arith.constant 0 : i32
      %eq3A_743 = arith.cmpi eq, %jit3A_741, %eq3A_742 : i32
      %jit3A_744 = arith.constant 1 : i32
      %select_n3A_745 = arith.select %eq3A_743, %jit3A_744, %jit3A_741 : i32
      %rem3A_746 = arith.remsi %add3A_700, %select_n3A_745 : i32
      %ne3A_747 = arith.constant 0 : i32
      %ne3A_748 = arith.cmpi ne, %rem3A_746, %ne3A_747 : i32
      %lt3A_749 = arith.constant 0 : i32
      %lt3A_750 = arith.cmpi slt, %rem3A_746, %lt3A_749 : i32
      %lt3A_751 = arith.constant 0 : i32
      %lt3A_752 = arith.cmpi slt, %select_n3A_745, %lt3A_751 : i32
      %ne3A_753 = arith.xori %lt3A_750, %lt3A_752 : i1
      %and3A_754 = arith.andi %ne3A_753, %ne3A_748 : i1
      %add3A_755 = arith.addi %rem3A_746, %select_n3A_745 : i32
      %select_n3A_756 = arith.select %and3A_754, %add3A_755, %rem3A_746 : i32
      %eq3A_757 = arith.constant 2 : i32
      %eq3A_758 = arith.cmpi eq, %select_n3A_756, %eq3A_757 : i32
      %convert_element_type3A_759 = arith.extui %eq3A_758 : i1 to i32
      %cond3A_760 = arith.constant 0 : i32
      %cond3A_761 = arith.cmpi ne, %convert_element_type3A_759, %cond3A_760 : i32
      scf.if %cond3A_761 {
        %add3A_825 = arith.constant 6 : i32
        %add3A_826 = arith.addi %add3A_700, %add3A_825 : i32
        %sub3A_827 = arith.constant 1 : i32
        %sub3A_828 = arith.subi %add3A_826, %sub3A_827 : i32
        %lt3A_829 = arith.constant 128 : i32
        %lt3A_830 = arith.cmpi slt, %sub3A_828, %lt3A_829 : i32
        %convert_element_type3A_831 = arith.extui %lt3A_830 : i1 to i32
        %cond3A_832 = arith.constant 0 : i32
        %cond3A_833 = arith.cmpi ne, %convert_element_type3A_831, %cond3A_832 : i32
        scf.if %cond3A_833 {
          %add3A_1038 = arith.constant 6 : i32
          %add3A_1039 = arith.addi %add3A_700, %add3A_1038 : i32
          %sub3A_1040 = arith.constant 1 : i32
          %sub3A_1041 = arith.subi %add3A_1039, %sub3A_1040 : i32
          %mul3A_1042 = arith.constant 4 : i32
          %mul3A_1043 = arith.muli %sub3A_1041, %mul3A_1042 : i32
          %get3A_1044 = arith.index_cast %mul3A_1043 : i32 to index
          %get3A_1045 = tpu.vector_load %arg5[%get3A_1044] {strides = array<i32>} : memref<528xi32, #tpu.memory_space<vmem>>, vector<16xi32>,
          %slice3A_1046 = vector.extract_strided_slice %get3A_1045 {offsets = [0], sizes = [1], strides = [1]} : vector<16xi32> to vector<1xi32>
          %squeeze3A_1047 = vector.extract %slice3A_1046[0] : i32 from vector<1xi32>
          %jit3A_1048 = arith.constant 128 : i32
          %eq3A_1049 = arith.constant 0 : i32
          %eq3A_1050 = arith.cmpi eq, %jit3A_1048, %eq3A_1049 : i32
          %jit3A_1051 = arith.constant 1 : i32
          %select_n3A_1052 = arith.select %eq3A_1050, %jit3A_1051, %jit3A_1048 : i32
          %rem3A_1053 = arith.remsi %squeeze3A_1047, %select_n3A_1052 : i32
          %ne3A_1054 = arith.constant 0 : i32
          %ne3A_1055 = arith.cmpi ne, %rem3A_1053, %ne3A_1054 : i32
          %lt3A_1056 = arith.constant 0 : i32
          %lt3A_1057 = arith.cmpi slt, %rem3A_1053, %lt3A_1056 : i32
          %lt3A_1058 = arith.constant 0 : i32
          %lt3A_1059 = arith.cmpi slt, %select_n3A_1052, %lt3A_1058 : i32
          %ne3A_1060 = arith.xori %lt3A_1057, %lt3A_1059 : i1
          %and3A_1061 = arith.andi %ne3A_1060, %ne3A_1055 : i1
          %add3A_1062 = arith.addi %rem3A_1053, %select_n3A_1052 : i32
          %select_n3A_1063 = arith.select %and3A_1061, %add3A_1062, %rem3A_1053 : i32
          %sub3A_1064 = arith.subi %squeeze3A_1047, %select_n3A_1063 : i32
          %multiple_of3A_1065 = tpu.assume_multiple %sub3A_1064, 128 : i32
          %dma_start3A_1066 = arith.constant 1 : i32
          %dma_start3A_1067 = arith.constant 0 : i32
          %dma_start3A_1068 = arith.constant 0 : i32
          %dma_start3A_1069 = arith.constant 0 : i32
          %dma_start3A_1070 = tpu.memref_slice %arg6[%dma_start3A_1066, %dma_start3A_1067, %dma_start3A_1068, %dma_start3A_1069] : memref<6x4x32x128xf32, #tpu.memory_space<vmem>> -> memref<1x1x32x128xf32, #tpu.memory_space<vmem>>
          %dma_start3A_1071 = tpu.memref_squeeze %dma_start3A_1070 : memref<1x1x32x128xf32, #tpu.memory_space<vmem>> -> memref<32x128xf32, #tpu.memory_space<vmem>>
          %dma_start3A_1072 = arith.constant 0 : i32
          %dma_start3A_1073 = tpu.memref_slice %arg3[%dma_start3A_1072, %multiple_of3A_1065] : memref<32x1000000xf32, #tpu.memory_space<hbm>> -> memref<32x128xf32, #tpu.memory_space<hbm>>
          %dma_start3A_1074 = arith.constant 0 : i32
          %dma_start3A_1075 = arith.constant 0 : i32
          %dma_start3A_1076 = tpu.memref_slice %arg6[%dma_start3A_1066, %dma_start3A_1067, %dma_start3A_1074, %dma_start3A_1075] : memref<6x4x32x128xf32, #tpu.memory_space<vmem>> -> memref<1x1x32x128xf32, #tpu.memory_space<vmem>>
          %dma_start3A_1077 = tpu.memref_squeeze %dma_start3A_1076 : memref<1x1x32x128xf32, #tpu.memory_space<vmem>> -> memref<32x128xf32, #tpu.memory_space<vmem>>
          %dma_start3A_1078 = arith.constant 0 : i32
          %dma_start3A_1079 = tpu.memref_slice %arg3[%dma_start3A_1078, %multiple_of3A_1065] : memref<32x1000000xf32, #tpu.memory_space<hbm>> -> memref<32x128xf32, #tpu.memory_space<hbm>>
          tpu.enqueue_dma source(%dma_start3A_1079 : memref<32x128xf32, #tpu.memory_space<hbm>>) target(%dma_start3A_1077 : memref<32x128xf32, #tpu.memory_space<vmem>>) target_semaphore(%arg10 : memref<!tpu.dma_semaphore, #tpu.memory_space<semaphore_mem>>)
          %slice3A_1080 = vector.extract_strided_slice %get3A_1045 {offsets = [1], sizes = [1], strides = [1]} : vector<16xi32> to vector<1xi32>
          %squeeze3A_1081 = vector.extract %slice3A_1080[0] : i32 from vector<1xi32>
          %jit3A_1082 = arith.constant 128 : i32
          %eq3A_1083 = arith.constant 0 : i32
          %eq3A_1084 = arith.cmpi eq, %jit3A_1082, %eq3A_1083 : i32
          %jit3A_1085 = arith.constant 1 : i32
          %select_n3A_1086 = arith.select %eq3A_1084, %jit3A_1085, %jit3A_1082 : i32
          %rem3A_1087 = arith.remsi %squeeze3A_1081, %select_n3A_1086 : i32
          %ne3A_1088 = arith.constant 0 : i32
          %ne3A_1089 = arith.cmpi ne, %rem3A_1087, %ne3A_1088 : i32
          %lt3A_1090 = arith.constant 0 : i32
          %lt3A_1091 = arith.cmpi slt, %rem3A_1087, %lt3A_1090 : i32
          %lt3A_1092 = arith.constant 0 : i32
          %lt3A_1093 = arith.cmpi slt, %select_n3A_1086, %lt3A_1092 : i32
          %ne3A_1094 = arith.xori %lt3A_1091, %lt3A_1093 : i1
          %and3A_1095 = arith.andi %ne3A_1094, %ne3A_1089 : i1
          %add3A_1096 = arith.addi %rem3A_1087, %select_n3A_1086 : i32
          %select_n3A_1097 = arith.select %and3A_1095, %add3A_1096, %rem3A_1087 : i32
          %sub3A_1098 = arith.subi %squeeze3A_1081, %select_n3A_1097 : i32
          %multiple_of3A_1099 = tpu.assume_multiple %sub3A_1098, 128 : i32
          %dma_start3A_1100 = arith.constant 1 : i32
          %dma_start3A_1101 = arith.constant 1 : i32
          %dma_start3A_1102 = arith.constant 0 : i32
          %dma_start3A_1103 = arith.constant 0 : i32
          %dma_start3A_1104 = tpu.memref_slice %arg6[%dma_start3A_1100, %dma_start3A_1101, %dma_start3A_1102, %dma_start3A_1103] : memref<6x4x32x128xf32, #tpu.memory_space<vmem>> -> memref<1x1x32x128xf32, #tpu.memory_space<vmem>>
          %dma_start3A_1105 = tpu.memref_squeeze %dma_start3A_1104 : memref<1x1x32x128xf32, #tpu.memory_space<vmem>> -> memref<32x128xf32, #tpu.memory_space<vmem>>
          %dma_start3A_1106 = arith.constant 0 : i32
          %dma_start3A_1107 = tpu.memref_slice %arg3[%dma_start3A_1106, %multiple_of3A_1099] : memref<32x1000000xf32, #tpu.memory_space<hbm>> -> memref<32x128xf32, #tpu.memory_space<hbm>>
          %dma_start3A_1108 = arith.constant 0 : i32
          %dma_start3A_1109 = arith.constant 0 : i32
          %dma_start3A_1110 = tpu.memref_slice %arg6[%dma_start3A_1100, %dma_start3A_1101, %dma_start3A_1108, %dma_start3A_1109] : memref<6x4x32x128xf32, #tpu.memory_space<vmem>> -> memref<1x1x32x128xf32, #tpu.memory_space<vmem>>
          %dma_start3A_1111 = tpu.memref_squeeze %dma_start3A_1110 : memref<1x1x32x128xf32, #tpu.memory_space<vmem>> -> memref<32x128xf32, #tpu.memory_space<vmem>>
          %dma_start3A_1112 = arith.constant 0 : i32
          %dma_start3A_1113 = tpu.memref_slice %arg3[%dma_start3A_1112, %multiple_of3A_1099] : memref<32x1000000xf32, #tpu.memory_space<hbm>> -> memref<32x128xf32, #tpu.memory_space<hbm>>
          tpu.enqueue_dma source(%dma_start3A_1113 : memref<32x128xf32, #tpu.memory_space<hbm>>) target(%dma_start3A_1111 : memref<32x128xf32, #tpu.memory_space<vmem>>) target_semaphore(%arg10 : memref<!tpu.dma_semaphore, #tpu.memory_space<semaphore_mem>>)
          %slice3A_1114 = vector.extract_strided_slice %get3A_1045 {offsets = [2], sizes = [1], strides = [1]} : vector<16xi32> to vector<1xi32>
          %squeeze3A_1115 = vector.extract %slice3A_1114[0] : i32 from vector<1xi32>
          %jit3A_1116 = arith.constant 128 : i32
          %eq3A_1117 = arith.constant 0 : i32
          %eq3A_1118 = arith.cmpi eq, %jit3A_1116, %eq3A_1117 : i32
          %jit3A_1119 = arith.constant 1 : i32
          %select_n3A_1120 = arith.select %eq3A_1118, %jit3A_1119, %jit3A_1116 : i32
          %rem3A_1121 = arith.remsi %squeeze3A_1115, %select_n3A_1120 : i32
          %ne3A_1122 = arith.constant 0 : i32
          %ne3A_1123 = arith.cmpi ne, %rem3A_1121, %ne3A_1122 : i32
          %lt3A_1124 = arith.constant 0 : i32
          %lt3A_1125 = arith.cmpi slt, %rem3A_1121, %lt3A_1124 : i32
          %lt3A_1126 = arith.constant 0 : i32
          %lt3A_1127 = arith.cmpi slt, %select_n3A_1120, %lt3A_1126 : i32
          %ne3A_1128 = arith.xori %lt3A_1125, %lt3A_1127 : i1
          %and3A_1129 = arith.andi %ne3A_1128, %ne3A_1123 : i1
          %add3A_1130 = arith.addi %rem3A_1121, %select_n3A_1120 : i32
          %select_n3A_1131 = arith.select %and3A_1129, %add3A_1130, %rem3A_1121 : i32
          %sub3A_1132 = arith.subi %squeeze3A_1115, %select_n3A_1131 : i32
          %multiple_of3A_1133 = tpu.assume_multiple %sub3A_1132, 128 : i32
          %dma_start3A_1134 = arith.constant 1 : i32
          %dma_start3A_1135 = arith.constant 2 : i32
          %dma_start3A_1136 = arith.constant 0 : i32
          %dma_start3A_1137 = arith.constant 0 : i32
          %dma_start3A_1138 = tpu.memref_slice %arg6[%dma_start3A_1134, %dma_start3A_1135, %dma_start3A_1136, %dma_start3A_1137] : memref<6x4x32x128xf32, #tpu.memory_space<vmem>> -> memref<1x1x32x128xf32, #tpu.memory_space<vmem>>
          %dma_start3A_1139 = tpu.memref_squeeze %dma_start3A_1138 : memref<1x1x32x128xf32, #tpu.memory_space<vmem>> -> memref<32x128xf32, #tpu.memory_space<vmem>>
          %dma_start3A_1140 = arith.constant 0 : i32
          %dma_start3A_1141 = tpu.memref_slice %arg3[%dma_start3A_1140, %multiple_of3A_1133] : memref<32x1000000xf32, #tpu.memory_space<hbm>> -> memref<32x128xf32, #tpu.memory_space<hbm>>
          %dma_start3A_1142 = arith.constant 0 : i32
          %dma_start3A_1143 = arith.constant 0 : i32
          %dma_start3A_1144 = tpu.memref_slice %arg6[%dma_start3A_1134, %dma_start3A_1135, %dma_start3A_1142, %dma_start3A_1143] : memref<6x4x32x128xf32, #tpu.memory_space<vmem>> -> memref<1x1x32x128xf32, #tpu.memory_space<vmem>>
          %dma_start3A_1145 = tpu.memref_squeeze %dma_start3A_1144 : memref<1x1x32x128xf32, #tpu.memory_space<vmem>> -> memref<32x128xf32, #tpu.memory_space<vmem>>
          %dma_start3A_1146 = arith.constant 0 : i32
          %dma_start3A_1147 = tpu.memref_slice %arg3[%dma_start3A_1146, %multiple_of3A_1133] : memref<32x1000000xf32, #tpu.memory_space<hbm>> -> memref<32x128xf32, #tpu.memory_space<hbm>>
          tpu.enqueue_dma source(%dma_start3A_1147 : memref<32x128xf32, #tpu.memory_space<hbm>>) target(%dma_start3A_1145 : memref<32x128xf32, #tpu.memory_space<vmem>>) target_semaphore(%arg10 : memref<!tpu.dma_semaphore, #tpu.memory_space<semaphore_mem>>)
          %slice3A_1148 = vector.extract_strided_slice %get3A_1045 {offsets = [3], sizes = [1], strides = [1]} : vector<16xi32> to vector<1xi32>
          %squeeze3A_1149 = vector.extract %slice3A_1148[0] : i32 from vector<1xi32>
          %jit3A_1150 = arith.constant 128 : i32
          %eq3A_1151 = arith.constant 0 : i32
          %eq3A_1152 = arith.cmpi eq, %jit3A_1150, %eq3A_1151 : i32
          %jit3A_1153 = arith.constant 1 : i32
          %select_n3A_1154 = arith.select %eq3A_1152, %jit3A_1153, %jit3A_1150 : i32
          %rem3A_1155 = arith.remsi %squeeze3A_1149, %select_n3A_1154 : i32
          %ne3A_1156 = arith.constant 0 : i32
          %ne3A_1157 = arith.cmpi ne, %rem3A_1155, %ne3A_1156 : i32
          %lt3A_1158 = arith.constant 0 : i32
          %lt3A_1159 = arith.cmpi slt, %rem3A_1155, %lt3A_1158 : i32
          %lt3A_1160 = arith.constant 0 : i32
          %lt3A_1161 = arith.cmpi slt, %select_n3A_1154, %lt3A_1160 : i32
          %ne3A_1162 = arith.xori %lt3A_1159, %lt3A_1161 : i1
          %and3A_1163 = arith.andi %ne3A_1162, %ne3A_1157 : i1
          %add3A_1164 = arith.addi %rem3A_1155, %select_n3A_1154 : i32
          %select_n3A_1165 = arith.select %and3A_1163, %add3A_1164, %rem3A_1155 : i32
          %sub3A_1166 = arith.subi %squeeze3A_1149, %select_n3A_1165 : i32
          %multiple_of3A_1167 = tpu.assume_multiple %sub3A_1166, 128 : i32
          %dma_start3A_1168 = arith.constant 1 : i32
          %dma_start3A_1169 = arith.constant 3 : i32
          %dma_start3A_1170 = arith.constant 0 : i32
          %dma_start3A_1171 = arith.constant 0 : i32
          %dma_start3A_1172 = tpu.memref_slice %arg6[%dma_start3A_1168, %dma_start3A_1169, %dma_start3A_1170, %dma_start3A_1171] : memref<6x4x32x128xf32, #tpu.memory_space<vmem>> -> memref<1x1x32x128xf32, #tpu.memory_space<vmem>>
          %dma_start3A_1173 = tpu.memref_squeeze %dma_start3A_1172 : memref<1x1x32x128xf32, #tpu.memory_space<vmem>> -> memref<32x128xf32, #tpu.memory_space<vmem>>
          %dma_start3A_1174 = arith.constant 0 : i32
          %dma_start3A_1175 = tpu.memref_slice %arg3[%dma_start3A_1174, %multiple_of3A_1167] : memref<32x1000000xf32, #tpu.memory_space<hbm>> -> memref<32x128xf32, #tpu.memory_space<hbm>>
          %dma_start3A_1176 = arith.constant 0 : i32
          %dma_start3A_1177 = arith.constant 0 : i32
          %dma_start3A_1178 = tpu.memref_slice %arg6[%dma_start3A_1168, %dma_start3A_1169, %dma_start3A_1176, %dma_start3A_1177] : memref<6x4x32x128xf32, #tpu.memory_space<vmem>> -> memref<1x1x32x128xf32, #tpu.memory_space<vmem>>
          %dma_start3A_1179 = tpu.memref_squeeze %dma_start3A_1178 : memref<1x1x32x128xf32, #tpu.memory_space<vmem>> -> memref<32x128xf32, #tpu.memory_space<vmem>>
          %dma_start3A_1180 = arith.constant 0 : i32
          %dma_start3A_1181 = tpu.memref_slice %arg3[%dma_start3A_1180, %multiple_of3A_1167] : memref<32x1000000xf32, #tpu.memory_space<hbm>> -> memref<32x128xf32, #tpu.memory_space<hbm>>
          tpu.enqueue_dma source(%dma_start3A_1181 : memref<32x128xf32, #tpu.memory_space<hbm>>) target(%dma_start3A_1179 : memref<32x128xf32, #tpu.memory_space<vmem>>) target_semaphore(%arg10 : memref<!tpu.dma_semaphore, #tpu.memory_space<semaphore_mem>>)
        } else {
        }
        %dma_wait3A_834 = arith.constant 0 : i32
        %dma_wait3A_835 = arith.constant 0 : i32
        %dma_wait3A_836 = arith.constant 0 : i32
        %dma_wait3A_837 = arith.constant 0 : i32
        %dma_wait3A_838 = tpu.memref_slice %arg6[%dma_wait3A_834, %dma_wait3A_835, %dma_wait3A_836, %dma_wait3A_837] : memref<6x4x32x128xf32, #tpu.memory_space<vmem>> -> memref<1x1x32x128xf32, #tpu.memory_space<vmem>>
        %dma_wait3A_839 = tpu.memref_squeeze %dma_wait3A_838 : memref<1x1x32x128xf32, #tpu.memory_space<vmem>> -> memref<32x128xf32, #tpu.memory_space<vmem>>
        %dma_wait3A_840 = arith.constant 0 : i32
        %dma_wait3A_841 = arith.constant 0 : i32
        %dma_wait3A_842 = tpu.memref_slice %arg3[%dma_wait3A_840, %dma_wait3A_841] : memref<32x1000000xf32, #tpu.memory_space<hbm>> -> memref<32x128xf32, #tpu.memory_space<hbm>>
        %dma_wait3A_843 = arith.constant 0 : i32
        %dma_wait3A_844 = arith.constant 0 : i32
        %dma_wait3A_845 = tpu.memref_slice %arg6[%dma_wait3A_834, %dma_wait3A_835, %dma_wait3A_843, %dma_wait3A_844] : memref<6x4x32x128xf32, #tpu.memory_space<vmem>> -> memref<1x1x32x128xf32, #tpu.memory_space<vmem>>
        %dma_wait3A_846 = tpu.memref_squeeze %dma_wait3A_845 : memref<1x1x32x128xf32, #tpu.memory_space<vmem>> -> memref<32x128xf32, #tpu.memory_space<vmem>>
        %dma_wait3A_847 = arith.constant 0 : i32
        %dma_wait3A_848 = arith.constant 0 : i32
        %dma_wait3A_849 = tpu.memref_slice %arg3[%dma_wait3A_847, %dma_wait3A_848] : memref<32x1000000xf32, #tpu.memory_space<hbm>> -> memref<32x128xf32, #tpu.memory_space<hbm>>
        tpu.wait_dma2 semaphore(%arg11 : memref<!tpu.dma_semaphore, #tpu.memory_space<semaphore_mem>>) src(%dma_wait3A_849 : memref<32x128xf32, #tpu.memory_space<hbm>>) dst(%dma_wait3A_846 : memref<32x128xf32, #tpu.memory_space<vmem>>)
        %dma_wait3A_850 = arith.constant 0 : i32
        %dma_wait3A_851 = arith.constant 1 : i32
        %dma_wait3A_852 = arith.constant 0 : i32
        %dma_wait3A_853 = arith.constant 0 : i32
        %dma_wait3A_854 = tpu.memref_slice %arg6[%dma_wait3A_850, %dma_wait3A_851, %dma_wait3A_852, %dma_wait3A_853] : memref<6x4x32x128xf32, #tpu.memory_space<vmem>> -> memref<1x1x32x128xf32, #tpu.memory_space<vmem>>
        %dma_wait3A_855 = tpu.memref_squeeze %dma_wait3A_854 : memref<1x1x32x128xf32, #tpu.memory_space<vmem>> -> memref<32x128xf32, #tpu.memory_space<vmem>>
        %dma_wait3A_856 = arith.constant 0 : i32
        %dma_wait3A_857 = arith.constant 0 : i32
        %dma_wait3A_858 = tpu.memref_slice %arg3[%dma_wait3A_856, %dma_wait3A_857] : memref<32x1000000xf32, #tpu.memory_space<hbm>> -> memref<32x128xf32, #tpu.memory_space<hbm>>
        %dma_wait3A_859 = arith.constant 0 : i32
        %dma_wait3A_860 = arith.constant 0 : i32
        %dma_wait3A_861 = tpu.memref_slice %arg6[%dma_wait3A_850, %dma_wait3A_851, %dma_wait3A_859, %dma_wait3A_860] : memref<6x4x32x128xf32, #tpu.memory_space<vmem>> -> memref<1x1x32x128xf32, #tpu.memory_space<vmem>>
        %dma_wait3A_862 = tpu.memref_squeeze %dma_wait3A_861 : memref<1x1x32x128xf32, #tpu.memory_space<vmem>> -> memref<32x128xf32, #tpu.memory_space<vmem>>
        %dma_wait3A_863 = arith.constant 0 : i32
        %dma_wait3A_864 = arith.constant 0 : i32
        %dma_wait3A_865 = tpu.memref_slice %arg3[%dma_wait3A_863, %dma_wait3A_864] : memref<32x1000000xf32, #tpu.memory_space<hbm>> -> memref<32x128xf32, #tpu.memory_space<hbm>>
        tpu.wait_dma2 semaphore(%arg11 : memref<!tpu.dma_semaphore, #tpu.memory_space<semaphore_mem>>) src(%dma_wait3A_865 : memref<32x128xf32, #tpu.memory_space<hbm>>) dst(%dma_wait3A_862 : memref<32x128xf32, #tpu.memory_space<vmem>>)
        %dma_wait3A_866 = arith.constant 0 : i32
        %dma_wait3A_867 = arith.constant 2 : i32
        %dma_wait3A_868 = arith.constant 0 : i32
        %dma_wait3A_869 = arith.constant 0 : i32
        %dma_wait3A_870 = tpu.memref_slice %arg6[%dma_wait3A_866, %dma_wait3A_867, %dma_wait3A_868, %dma_wait3A_869] : memref<6x4x32x128xf32, #tpu.memory_space<vmem>> -> memref<1x1x32x128xf32, #tpu.memory_space<vmem>>
        %dma_wait3A_871 = tpu.memref_squeeze %dma_wait3A_870 : memref<1x1x32x128xf32, #tpu.memory_space<vmem>> -> memref<32x128xf32, #tpu.memory_space<vmem>>
        %dma_wait3A_872 = arith.constant 0 : i32
        %dma_wait3A_873 = arith.constant 0 : i32
        %dma_wait3A_874 = tpu.memref_slice %arg3[%dma_wait3A_872, %dma_wait3A_873] : memref<32x1000000xf32, #tpu.memory_space<hbm>> -> memref<32x128xf32, #tpu.memory_space<hbm>>
        %dma_wait3A_875 = arith.constant 0 : i32
        %dma_wait3A_876 = arith.constant 0 : i32
        %dma_wait3A_877 = tpu.memref_slice %arg6[%dma_wait3A_866, %dma_wait3A_867, %dma_wait3A_875, %dma_wait3A_876] : memref<6x4x32x128xf32, #tpu.memory_space<vmem>> -> memref<1x1x32x128xf32, #tpu.memory_space<vmem>>
        %dma_wait3A_878 = tpu.memref_squeeze %dma_wait3A_877 : memref<1x1x32x128xf32, #tpu.memory_space<vmem>> -> memref<32x128xf32, #tpu.memory_space<vmem>>
        %dma_wait3A_879 = arith.constant 0 : i32
        %dma_wait3A_880 = arith.constant 0 : i32
        %dma_wait3A_881 = tpu.memref_slice %arg3[%dma_wait3A_879, %dma_wait3A_880] : memref<32x1000000xf32, #tpu.memory_space<hbm>> -> memref<32x128xf32, #tpu.memory_space<hbm>>
        tpu.wait_dma2 semaphore(%arg11 : memref<!tpu.dma_semaphore, #tpu.memory_space<semaphore_mem>>) src(%dma_wait3A_881 : memref<32x128xf32, #tpu.memory_space<hbm>>) dst(%dma_wait3A_878 : memref<32x128xf32, #tpu.memory_space<vmem>>)
        %dma_wait3A_882 = arith.constant 0 : i32
        %dma_wait3A_883 = arith.constant 3 : i32
        %dma_wait3A_884 = arith.constant 0 : i32
        %dma_wait3A_885 = arith.constant 0 : i32
        %dma_wait3A_886 = tpu.memref_slice %arg6[%dma_wait3A_882, %dma_wait3A_883, %dma_wait3A_884, %dma_wait3A_885] : memref<6x4x32x128xf32, #tpu.memory_space<vmem>> -> memref<1x1x32x128xf32, #tpu.memory_space<vmem>>
        %dma_wait3A_887 = tpu.memref_squeeze %dma_wait3A_886 : memref<1x1x32x128xf32, #tpu.memory_space<vmem>> -> memref<32x128xf32, #tpu.memory_space<vmem>>
        %dma_wait3A_888 = arith.constant 0 : i32
        %dma_wait3A_889 = arith.constant 0 : i32
        %dma_wait3A_890 = tpu.memref_slice %arg3[%dma_wait3A_888, %dma_wait3A_889] : memref<32x1000000xf32, #tpu.memory_space<hbm>> -> memref<32x128xf32, #tpu.memory_space<hbm>>
        %dma_wait3A_891 = arith.constant 0 : i32
        %dma_wait3A_892 = arith.constant 0 : i32
        %dma_wait3A_893 = tpu.memref_slice %arg6[%dma_wait3A_882, %dma_wait3A_883, %dma_wait3A_891, %dma_wait3A_892] : memref<6x4x32x128xf32, #tpu.memory_space<vmem>> -> memref<1x1x32x128xf32, #tpu.memory_space<vmem>>
        %dma_wait3A_894 = tpu.memref_squeeze %dma_wait3A_893 : memref<1x1x32x128xf32, #tpu.memory_space<vmem>> -> memref<32x128xf32, #tpu.memory_space<vmem>>
        %dma_wait3A_895 = arith.constant 0 : i32
        %dma_wait3A_896 = arith.constant 0 : i32
        %dma_wait3A_897 = tpu.memref_slice %arg3[%dma_wait3A_895, %dma_wait3A_896] : memref<32x1000000xf32, #tpu.memory_space<hbm>> -> memref<32x128xf32, #tpu.memory_space<hbm>>
        tpu.wait_dma2 semaphore(%arg11 : memref<!tpu.dma_semaphore, #tpu.memory_space<semaphore_mem>>) src(%dma_wait3A_897 : memref<32x128xf32, #tpu.memory_space<hbm>>) dst(%dma_wait3A_894 : memref<32x128xf32, #tpu.memory_space<vmem>>)
        %mul3A_898 = arith.constant 4 : i32
        %mul3A_899 = arith.muli %add3A_700, %mul3A_898 : i32
        %get3A_900 = arith.index_cast %mul3A_899 : i32 to index
        %get3A_901 = tpu.vector_load %arg5[%get3A_900] {strides = array<i32>} : memref<528xi32, #tpu.memory_space<vmem>>, vector<16xi32>,
        %mul3A_902 = arith.constant 4 : i32
        %mul3A_903 = arith.muli %add3A_700, %mul3A_902 : i32
        %slice3A_904 = vector.extract_strided_slice %get3A_901 {offsets = [0], sizes = [1], strides = [1]} : vector<16xi32> to vector<1xi32>
        %squeeze3A_905 = vector.extract %slice3A_904[0] : i32 from vector<1xi32>
        %jit3A_906 = arith.constant 128 : i32
        %eq3A_907 = arith.constant 0 : i32
        %eq3A_908 = arith.cmpi eq, %jit3A_906, %eq3A_907 : i32
        %jit3A_909 = arith.constant 1 : i32
        %select_n3A_910 = arith.select %eq3A_908, %jit3A_909, %jit3A_906 : i32
        %rem3A_911 = arith.remsi %squeeze3A_905, %select_n3A_910 : i32
        %ne3A_912 = arith.constant 0 : i32
        %ne3A_913 = arith.cmpi ne, %rem3A_911, %ne3A_912 : i32
        %lt3A_914 = arith.constant 0 : i32
        %lt3A_915 = arith.cmpi slt, %rem3A_911, %lt3A_914 : i32
        %lt3A_916 = arith.constant 0 : i32
        %lt3A_917 = arith.cmpi slt, %select_n3A_910, %lt3A_916 : i32
        %ne3A_918 = arith.xori %lt3A_915, %lt3A_917 : i1
        %and3A_919 = arith.andi %ne3A_918, %ne3A_913 : i1
        %add3A_920 = arith.addi %rem3A_911, %select_n3A_910 : i32
        %select_n3A_921 = arith.select %and3A_919, %add3A_920, %rem3A_911 : i32
        %broadcast_in_dim3A = arith.constant 0 : i32
        %broadcast_in_dim3A_922 = vector.broadcast %broadcast_in_dim3A : i32 to vector<16xi32>
        %broadcast_in_dim3A_923 = arith.constant 2 : i32
        %broadcast_in_dim3A_924 = vector.broadcast %broadcast_in_dim3A_923 : i32 to vector<16xi32>
        %broadcast_in_dim3A_925 = vector.broadcast %select_n3A_921 : i32 to vector<16xi32>
        %add3A_926 = arith.constant 0 : i32
        %add3A_927 = arith.addi %mul3A_903, %add3A_926 : i32
        %broadcast_in_dim3A_928 = vector.broadcast %add3A_927 : i32 to vector<16xi32>
        %gather3A = tpu.vector_load_idx %arg6[%broadcast_in_dim3A_924, %broadcast_in_dim3A_922, %iota3A, %broadcast_in_dim3A_925] : memref<6x4x32x128xf32, #tpu.memory_space<vmem>>[vector<16xi32>, vector<16xi32>, vector<16xi32>, vector<16xi32>], vector<16xf32>,
        %add3A_929 = arith.constant 16 : i32
        %add3A_930 = vector.broadcast %add3A_929 : i32 to vector<16xi32>
        %add3A_931 = arith.addi %iota3A, %add3A_930 : vector<16xi32>
        %gather3A_932 = tpu.vector_load_idx %arg6[%broadcast_in_dim3A_924, %broadcast_in_dim3A_922, %add3A_931, %broadcast_in_dim3A_925] : memref<6x4x32x128xf32, #tpu.memory_space<vmem>>[vector<16xi32>, vector<16xi32>, vector<16xi32>, vector<16xi32>], vector<16xf32>,
        tpu.vector_store_idx %arg7[%iota3A, %broadcast_in_dim3A_928], %gather3A : memref<32x512xf32, #tpu.memory_space<vmem>>[vector<16xi32>, vector<16xi32>], vector<16xf32>,
        %add3A_933 = arith.constant 16 : i32
        %add3A_934 = vector.broadcast %add3A_933 : i32 to vector<16xi32>
        %add3A_935 = arith.addi %iota3A, %add3A_934 : vector<16xi32>
        tpu.vector_store_idx %arg7[%add3A_935, %broadcast_in_dim3A_928], %gather3A_932 : memref<32x512xf32, #tpu.memory_space<vmem>>[vector<16xi32>, vector<16xi32>], vector<16xf32>,
        %slice3A_936 = vector.extract_strided_slice %get3A_901 {offsets = [1], sizes = [1], strides = [1]} : vector<16xi32> to vector<1xi32>
        %squeeze3A_937 = vector.extract %slice3A_936[0] : i32 from vector<1xi32>
        %jit3A_938 = arith.constant 128 : i32
        %eq3A_939 = arith.constant 0 : i32
        %eq3A_940 = arith.cmpi eq, %jit3A_938, %eq3A_939 : i32
        %jit3A_941 = arith.constant 1 : i32
        %select_n3A_942 = arith.select %eq3A_940, %jit3A_941, %jit3A_938 : i32
        %rem3A_943 = arith.remsi %squeeze3A_937, %select_n3A_942 : i32
        %ne3A_944 = arith.constant 0 : i32
        %ne3A_945 = arith.cmpi ne, %rem3A_943, %ne3A_944 : i32
        %lt3A_946 = arith.constant 0 : i32
        %lt3A_947 = arith.cmpi slt, %rem3A_943, %lt3A_946 : i32
        %lt3A_948 = arith.constant 0 : i32
        %lt3A_949 = arith.cmpi slt, %select_n3A_942, %lt3A_948 : i32
        %ne3A_950 = arith.xori %lt3A_947, %lt3A_949 : i1
        %and3A_951 = arith.andi %ne3A_950, %ne3A_945 : i1
        %add3A_952 = arith.addi %rem3A_943, %select_n3A_942 : i32
        %select_n3A_953 = arith.select %and3A_951, %add3A_952, %rem3A_943 : i32
        %broadcast_in_dim3A_954 = arith.constant 1 : i32
        %broadcast_in_dim3A_955 = vector.broadcast %broadcast_in_dim3A_954 : i32 to vector<16xi32>
        %broadcast_in_dim3A_956 = arith.constant 2 : i32
        %broadcast_in_dim3A_957 = vector.broadcast %broadcast_in_dim3A_956 : i32 to vector<16xi32>
        %broadcast_in_dim3A_958 = vector.broadcast %select_n3A_953 : i32 to vector<16xi32>
        %add3A_959 = arith.constant 1 : i32
        %add3A_960 = arith.addi %mul3A_903, %add3A_959 : i32
        %broadcast_in_dim3A_961 = vector.broadcast %add3A_960 : i32 to vector<16xi32>
        %gather3A_962 = tpu.vector_load_idx %arg6[%broadcast_in_dim3A_957, %broadcast_in_dim3A_955, %iota3A, %broadcast_in_dim3A_958] : memref<6x4x32x128xf32, #tpu.memory_space<vmem>>[vector<16xi32>, vector<16xi32>, vector<16xi32>, vector<16xi32>], vector<16xf32>,
        %add3A_963 = arith.constant 16 : i32
        %add3A_964 = vector.broadcast %add3A_963 : i32 to vector<16xi32>
        %add3A_965 = arith.addi %iota3A, %add3A_964 : vector<16xi32>
        %gather3A_966 = tpu.vector_load_idx %arg6[%broadcast_in_dim3A_957, %broadcast_in_dim3A_955, %add3A_965, %broadcast_in_dim3A_958] : memref<6x4x32x128xf32, #tpu.memory_space<vmem>>[vector<16xi32>, vector<16xi32>, vector<16xi32>, vector<16xi32>], vector<16xf32>,
        tpu.vector_store_idx %arg7[%iota3A, %broadcast_in_dim3A_961], %gather3A_962 : memref<32x512xf32, #tpu.memory_space<vmem>>[vector<16xi32>, vector<16xi32>], vector<16xf32>,
        %add3A_967 = arith.constant 16 : i32
        %add3A_968 = vector.broadcast %add3A_967 : i32 to vector<16xi32>
        %add3A_969 = arith.addi %iota3A, %add3A_968 : vector<16xi32>
        tpu.vector_store_idx %arg7[%add3A_969, %broadcast_in_dim3A_961], %gather3A_966 : memref<32x512xf32, #tpu.memory_space<vmem>>[vector<16xi32>, vector<16xi32>], vector<16xf32>,
        %slice3A_970 = vector.extract_strided_slice %get3A_901 {offsets = [2], sizes = [1], strides = [1]} : vector<16xi32> to vector<1xi32>
        %squeeze3A_971 = vector.extract %slice3A_970[0] : i32 from vector<1xi32>
        %jit3A_972 = arith.constant 128 : i32
        %eq3A_973 = arith.constant 0 : i32
        %eq3A_974 = arith.cmpi eq, %jit3A_972, %eq3A_973 : i32
        %jit3A_975 = arith.constant 1 : i32
        %select_n3A_976 = arith.select %eq3A_974, %jit3A_975, %jit3A_972 : i32
        %rem3A_977 = arith.remsi %squeeze3A_971, %select_n3A_976 : i32
        %ne3A_978 = arith.constant 0 : i32
        %ne3A_979 = arith.cmpi ne, %rem3A_977, %ne3A_978 : i32
        %lt3A_980 = arith.constant 0 : i32
        %lt3A_981 = arith.cmpi slt, %rem3A_977, %lt3A_980 : i32
        %lt3A_982 = arith.constant 0 : i32
        %lt3A_983 = arith.cmpi slt, %select_n3A_976, %lt3A_982 : i32
        %ne3A_984 = arith.xori %lt3A_981, %lt3A_983 : i1
        %and3A_985 = arith.andi %ne3A_984, %ne3A_979 : i1
        %add3A_986 = arith.addi %rem3A_977, %select_n3A_976 : i32
        %select_n3A_987 = arith.select %and3A_985, %add3A_986, %rem3A_977 : i32
        %broadcast_in_dim3A_988 = arith.constant 2 : i32
        %broadcast_in_dim3A_989 = vector.broadcast %broadcast_in_dim3A_988 : i32 to vector<16xi32>
        %broadcast_in_dim3A_990 = arith.constant 2 : i32
        %broadcast_in_dim3A_991 = vector.broadcast %broadcast_in_dim3A_990 : i32 to vector<16xi32>
        %broadcast_in_dim3A_992 = vector.broadcast %select_n3A_987 : i32 to vector<16xi32>
        %add3A_993 = arith.constant 2 : i32
        %add3A_994 = arith.addi %mul3A_903, %add3A_993 : i32
        %broadcast_in_dim3A_995 = vector.broadcast %add3A_994 : i32 to vector<16xi32>
        %gather3A_996 = tpu.vector_load_idx %arg6[%broadcast_in_dim3A_991, %broadcast_in_dim3A_989, %iota3A, %broadcast_in_dim3A_992] : memref<6x4x32x128xf32, #tpu.memory_space<vmem>>[vector<16xi32>, vector<16xi32>, vector<16xi32>, vector<16xi32>], vector<16xf32>,
        %add3A_997 = arith.constant 16 : i32
        %add3A_998 = vector.broadcast %add3A_997 : i32 to vector<16xi32>
        %add3A_999 = arith.addi %iota3A, %add3A_998 : vector<16xi32>
        %gather3A_1000 = tpu.vector_load_idx %arg6[%broadcast_in_dim3A_991, %broadcast_in_dim3A_989, %add3A_999, %broadcast_in_dim3A_992] : memref<6x4x32x128xf32, #tpu.memory_space<vmem>>[vector<16xi32>, vector<16xi32>, vector<16xi32>, vector<16xi32>], vector<16xf32>,
        tpu.vector_store_idx %arg7[%iota3A, %broadcast_in_dim3A_995], %gather3A_996 : memref<32x512xf32, #tpu.memory_space<vmem>>[vector<16xi32>, vector<16xi32>], vector<16xf32>,
        %add3A_1001 = arith.constant 16 : i32
        %add3A_1002 = vector.broadcast %add3A_1001 : i32 to vector<16xi32>
        %add3A_1003 = arith.addi %iota3A, %add3A_1002 : vector<16xi32>
        tpu.vector_store_idx %arg7[%add3A_1003, %broadcast_in_dim3A_995], %gather3A_1000 : memref<32x512xf32, #tpu.memory_space<vmem>>[vector<16xi32>, vector<16xi32>], vector<16xf32>,
        %slice3A_1004 = vector.extract_strided_slice %get3A_901 {offsets = [3], sizes = [1], strides = [1]} : vector<16xi32> to vector<1xi32>
        %squeeze3A_1005 = vector.extract %slice3A_1004[0] : i32 from vector<1xi32>
        %jit3A_1006 = arith.constant 128 : i32
        %eq3A_1007 = arith.constant 0 : i32
        %eq3A_1008 = arith.cmpi eq, %jit3A_1006, %eq3A_1007 : i32
        %jit3A_1009 = arith.constant 1 : i32
        %select_n3A_1010 = arith.select %eq3A_1008, %jit3A_1009, %jit3A_1006 : i32
        %rem3A_1011 = arith.remsi %squeeze3A_1005, %select_n3A_1010 : i32
        %ne3A_1012 = arith.constant 0 : i32
        %ne3A_1013 = arith.cmpi ne, %rem3A_1011, %ne3A_1012 : i32
        %lt3A_1014 = arith.constant 0 : i32
        %lt3A_1015 = arith.cmpi slt, %rem3A_1011, %lt3A_1014 : i32
        %lt3A_1016 = arith.constant 0 : i32
        %lt3A_1017 = arith.cmpi slt, %select_n3A_1010, %lt3A_1016 : i32
        %ne3A_1018 = arith.xori %lt3A_1015, %lt3A_1017 : i1
        %and3A_1019 = arith.andi %ne3A_1018, %ne3A_1013 : i1
        %add3A_1020 = arith.addi %rem3A_1011, %select_n3A_1010 : i32
        %select_n3A_1021 = arith.select %and3A_1019, %add3A_1020, %rem3A_1011 : i32
        %broadcast_in_dim3A_1022 = arith.constant 3 : i32
        %broadcast_in_dim3A_1023 = vector.broadcast %broadcast_in_dim3A_1022 : i32 to vector<16xi32>
        %broadcast_in_dim3A_1024 = arith.constant 2 : i32
        %broadcast_in_dim3A_1025 = vector.broadcast %broadcast_in_dim3A_1024 : i32 to vector<16xi32>
        %broadcast_in_dim3A_1026 = vector.broadcast %select_n3A_1021 : i32 to vector<16xi32>
        %add3A_1027 = arith.constant 3 : i32
        %add3A_1028 = arith.addi %mul3A_903, %add3A_1027 : i32
        %broadcast_in_dim3A_1029 = vector.broadcast %add3A_1028 : i32 to vector<16xi32>
        %gather3A_1030 = tpu.vector_load_idx %arg6[%broadcast_in_dim3A_1025, %broadcast_in_dim3A_1023, %iota3A, %broadcast_in_dim3A_1026] : memref<6x4x32x128xf32, #tpu.memory_space<vmem>>[vector<16xi32>, vector<16xi32>, vector<16xi32>, vector<16xi32>], vector<16xf32>,
        %add3A_1031 = arith.constant 16 : i32
        %add3A_1032 = vector.broadcast %add3A_1031 : i32 to vector<16xi32>
        %add3A_1033 = arith.addi %iota3A, %add3A_1032 : vector<16xi32>
        %gather3A_1034 = tpu.vector_load_idx %arg6[%broadcast_in_dim3A_1025, %broadcast_in_dim3A_1023, %add3A_1033, %broadcast_in_dim3A_1026] : memref<6x4x32x128xf32, #tpu.memory_space<vmem>>[vector<16xi32>, vector<16xi32>, vector<16xi32>, vector<16xi32>], vector<16xf32>,
        tpu.vector_store_idx %arg7[%iota3A, %broadcast_in_dim3A_1029], %gather3A_1030 : memref<32x512xf32, #tpu.memory_space<vmem>>[vector<16xi32>, vector<16xi32>], vector<16xf32>,
        %add3A_1035 = arith.constant 16 : i32
        %add3A_1036 = vector.broadcast %add3A_1035 : i32 to vector<16xi32>
        %add3A_1037 = arith.addi %iota3A, %add3A_1036 : vector<16xi32>
        tpu.vector_store_idx %arg7[%add3A_1037, %broadcast_in_dim3A_1029], %gather3A_1034 : memref<32x512xf32, #tpu.memory_space<vmem>>[vector<16xi32>, vector<16xi32>], vector<16xf32>,
      } else {
      }
      %jit3A_762 = arith.constant 6 : i32
      %eq3A_763 = arith.constant 0 : i32
      %eq3A_764 = arith.cmpi eq, %jit3A_762, %eq3A_763 : i32
      %jit3A_765 = arith.constant 1 : i32
      %select_n3A_766 = arith.select %eq3A_764, %jit3A_765, %jit3A_762 : i32
      %rem3A_767 = arith.remsi %add3A_700, %select_n3A_766 : i32
      %ne3A_768 = arith.constant 0 : i32
      %ne3A_769 = arith.cmpi ne, %rem3A_767, %ne3A_768 : i32
      %lt3A_770 = arith.constant 0 : i32
      %lt3A_771 = arith.cmpi slt, %rem3A_767, %lt3A_770 : i32
      %lt3A_772 = arith.constant 0 : i32
      %lt3A_773 = arith.cmpi slt, %select_n3A_766, %lt3A_772 : i32
      %ne3A_774 = arith.xori %lt3A_771, %lt3A_773 : i1
      %and3A_775 = arith.andi %ne3A_774, %ne3A_769 : i1
      %add3A_776 = arith.addi %rem3A_767, %select_n3A_766 : i32
      %select_n3A_777 = arith.select %and3A_775, %add3A_776, %rem3A_767 : i32
      %eq3A_778 = arith.constant 3 : i32
      %eq3A_779 = arith.cmpi eq, %select_n3A_777, %eq3A_778 : i32
      %convert_element_type3A_780 = arith.extui %eq3A_779 : i1 to i32
      %cond3A_781 = arith.constant 0 : i32
      %cond3A_782 = arith.cmpi ne, %convert_element_type3A_780, %cond3A_781 : i32
      scf.if %cond3A_782 {
        %add3A_825 = arith.constant 6 : i32
        %add3A_826 = arith.addi %add3A_700, %add3A_825 : i32
        %sub3A_827 = arith.constant 1 : i32
        %sub3A_828 = arith.subi %add3A_826, %sub3A_827 : i32
        %lt3A_829 = arith.constant 128 : i32
        %lt3A_830 = arith.cmpi slt, %sub3A_828, %lt3A_829 : i32
        %convert_element_type3A_831 = arith.extui %lt3A_830 : i1 to i32
        %cond3A_832 = arith.constant 0 : i32
        %cond3A_833 = arith.cmpi ne, %convert_element_type3A_831, %cond3A_832 : i32
        scf.if %cond3A_833 {
          %add3A_1038 = arith.constant 6 : i32
          %add3A_1039 = arith.addi %add3A_700, %add3A_1038 : i32
          %sub3A_1040 = arith.constant 1 : i32
          %sub3A_1041 = arith.subi %add3A_1039, %sub3A_1040 : i32
          %mul3A_1042 = arith.constant 4 : i32
          %mul3A_1043 = arith.muli %sub3A_1041, %mul3A_1042 : i32
          %get3A_1044 = arith.index_cast %mul3A_1043 : i32 to index
          %get3A_1045 = tpu.vector_load %arg5[%get3A_1044] {strides = array<i32>} : memref<528xi32, #tpu.memory_space<vmem>>, vector<16xi32>,
          %slice3A_1046 = vector.extract_strided_slice %get3A_1045 {offsets = [0], sizes = [1], strides = [1]} : vector<16xi32> to vector<1xi32>
          %squeeze3A_1047 = vector.extract %slice3A_1046[0] : i32 from vector<1xi32>
          %jit3A_1048 = arith.constant 128 : i32
          %eq3A_1049 = arith.constant 0 : i32
          %eq3A_1050 = arith.cmpi eq, %jit3A_1048, %eq3A_1049 : i32
          %jit3A_1051 = arith.constant 1 : i32
          %select_n3A_1052 = arith.select %eq3A_1050, %jit3A_1051, %jit3A_1048 : i32
          %rem3A_1053 = arith.remsi %squeeze3A_1047, %select_n3A_1052 : i32
          %ne3A_1054 = arith.constant 0 : i32
          %ne3A_1055 = arith.cmpi ne, %rem3A_1053, %ne3A_1054 : i32
          %lt3A_1056 = arith.constant 0 : i32
          %lt3A_1057 = arith.cmpi slt, %rem3A_1053, %lt3A_1056 : i32
          %lt3A_1058 = arith.constant 0 : i32
          %lt3A_1059 = arith.cmpi slt, %select_n3A_1052, %lt3A_1058 : i32
          %ne3A_1060 = arith.xori %lt3A_1057, %lt3A_1059 : i1
          %and3A_1061 = arith.andi %ne3A_1060, %ne3A_1055 : i1
          %add3A_1062 = arith.addi %rem3A_1053, %select_n3A_1052 : i32
          %select_n3A_1063 = arith.select %and3A_1061, %add3A_1062, %rem3A_1053 : i32
          %sub3A_1064 = arith.subi %squeeze3A_1047, %select_n3A_1063 : i32
          %multiple_of3A_1065 = tpu.assume_multiple %sub3A_1064, 128 : i32
          %dma_start3A_1066 = arith.constant 2 : i32
          %dma_start3A_1067 = arith.constant 0 : i32
          %dma_start3A_1068 = arith.constant 0 : i32
          %dma_start3A_1069 = arith.constant 0 : i32
          %dma_start3A_1070 = tpu.memref_slice %arg6[%dma_start3A_1066, %dma_start3A_1067, %dma_start3A_1068, %dma_start3A_1069] : memref<6x4x32x128xf32, #tpu.memory_space<vmem>> -> memref<1x1x32x128xf32, #tpu.memory_space<vmem>>
          %dma_start3A_1071 = tpu.memref_squeeze %dma_start3A_1070 : memref<1x1x32x128xf32, #tpu.memory_space<vmem>> -> memref<32x128xf32, #tpu.memory_space<vmem>>
          %dma_start3A_1072 = arith.constant 0 : i32
          %dma_start3A_1073 = tpu.memref_slice %arg3[%dma_start3A_1072, %multiple_of3A_1065] : memref<32x1000000xf32, #tpu.memory_space<hbm>> -> memref<32x128xf32, #tpu.memory_space<hbm>>
          %dma_start3A_1074 = arith.constant 0 : i32
          %dma_start3A_1075 = arith.constant 0 : i32
          %dma_start3A_1076 = tpu.memref_slice %arg6[%dma_start3A_1066, %dma_start3A_1067, %dma_start3A_1074, %dma_start3A_1075] : memref<6x4x32x128xf32, #tpu.memory_space<vmem>> -> memref<1x1x32x128xf32, #tpu.memory_space<vmem>>
          %dma_start3A_1077 = tpu.memref_squeeze %dma_start3A_1076 : memref<1x1x32x128xf32, #tpu.memory_space<vmem>> -> memref<32x128xf32, #tpu.memory_space<vmem>>
          %dma_start3A_1078 = arith.constant 0 : i32
          %dma_start3A_1079 = tpu.memref_slice %arg3[%dma_start3A_1078, %multiple_of3A_1065] : memref<32x1000000xf32, #tpu.memory_space<hbm>> -> memref<32x128xf32, #tpu.memory_space<hbm>>
          tpu.enqueue_dma source(%dma_start3A_1079 : memref<32x128xf32, #tpu.memory_space<hbm>>) target(%dma_start3A_1077 : memref<32x128xf32, #tpu.memory_space<vmem>>) target_semaphore(%arg11 : memref<!tpu.dma_semaphore, #tpu.memory_space<semaphore_mem>>)
          %slice3A_1080 = vector.extract_strided_slice %get3A_1045 {offsets = [1], sizes = [1], strides = [1]} : vector<16xi32> to vector<1xi32>
          %squeeze3A_1081 = vector.extract %slice3A_1080[0] : i32 from vector<1xi32>
          %jit3A_1082 = arith.constant 128 : i32
          %eq3A_1083 = arith.constant 0 : i32
          %eq3A_1084 = arith.cmpi eq, %jit3A_1082, %eq3A_1083 : i32
          %jit3A_1085 = arith.constant 1 : i32
          %select_n3A_1086 = arith.select %eq3A_1084, %jit3A_1085, %jit3A_1082 : i32
          %rem3A_1087 = arith.remsi %squeeze3A_1081, %select_n3A_1086 : i32
          %ne3A_1088 = arith.constant 0 : i32
          %ne3A_1089 = arith.cmpi ne, %rem3A_1087, %ne3A_1088 : i32
          %lt3A_1090 = arith.constant 0 : i32
          %lt3A_1091 = arith.cmpi slt, %rem3A_1087, %lt3A_1090 : i32
          %lt3A_1092 = arith.constant 0 : i32
          %lt3A_1093 = arith.cmpi slt, %select_n3A_1086, %lt3A_1092 : i32
          %ne3A_1094 = arith.xori %lt3A_1091, %lt3A_1093 : i1
          %and3A_1095 = arith.andi %ne3A_1094, %ne3A_1089 : i1
          %add3A_1096 = arith.addi %rem3A_1087, %select_n3A_1086 : i32
          %select_n3A_1097 = arith.select %and3A_1095, %add3A_1096, %rem3A_1087 : i32
          %sub3A_1098 = arith.subi %squeeze3A_1081, %select_n3A_1097 : i32
          %multiple_of3A_1099 = tpu.assume_multiple %sub3A_1098, 128 : i32
          %dma_start3A_1100 = arith.constant 2 : i32
          %dma_start3A_1101 = arith.constant 1 : i32
          %dma_start3A_1102 = arith.constant 0 : i32
          %dma_start3A_1103 = arith.constant 0 : i32
          %dma_start3A_1104 = tpu.memref_slice %arg6[%dma_start3A_1100, %dma_start3A_1101, %dma_start3A_1102, %dma_start3A_1103] : memref<6x4x32x128xf32, #tpu.memory_space<vmem>> -> memref<1x1x32x128xf32, #tpu.memory_space<vmem>>
          %dma_start3A_1105 = tpu.memref_squeeze %dma_start3A_1104 : memref<1x1x32x128xf32, #tpu.memory_space<vmem>> -> memref<32x128xf32, #tpu.memory_space<vmem>>
          %dma_start3A_1106 = arith.constant 0 : i32
          %dma_start3A_1107 = tpu.memref_slice %arg3[%dma_start3A_1106, %multiple_of3A_1099] : memref<32x1000000xf32, #tpu.memory_space<hbm>> -> memref<32x128xf32, #tpu.memory_space<hbm>>
          %dma_start3A_1108 = arith.constant 0 : i32
          %dma_start3A_1109 = arith.constant 0 : i32
          %dma_start3A_1110 = tpu.memref_slice %arg6[%dma_start3A_1100, %dma_start3A_1101, %dma_start3A_1108, %dma_start3A_1109] : memref<6x4x32x128xf32, #tpu.memory_space<vmem>> -> memref<1x1x32x128xf32, #tpu.memory_space<vmem>>
          %dma_start3A_1111 = tpu.memref_squeeze %dma_start3A_1110 : memref<1x1x32x128xf32, #tpu.memory_space<vmem>> -> memref<32x128xf32, #tpu.memory_space<vmem>>
          %dma_start3A_1112 = arith.constant 0 : i32
          %dma_start3A_1113 = tpu.memref_slice %arg3[%dma_start3A_1112, %multiple_of3A_1099] : memref<32x1000000xf32, #tpu.memory_space<hbm>> -> memref<32x128xf32, #tpu.memory_space<hbm>>
          tpu.enqueue_dma source(%dma_start3A_1113 : memref<32x128xf32, #tpu.memory_space<hbm>>) target(%dma_start3A_1111 : memref<32x128xf32, #tpu.memory_space<vmem>>) target_semaphore(%arg11 : memref<!tpu.dma_semaphore, #tpu.memory_space<semaphore_mem>>)
          %slice3A_1114 = vector.extract_strided_slice %get3A_1045 {offsets = [2], sizes = [1], strides = [1]} : vector<16xi32> to vector<1xi32>
          %squeeze3A_1115 = vector.extract %slice3A_1114[0] : i32 from vector<1xi32>
          %jit3A_1116 = arith.constant 128 : i32
          %eq3A_1117 = arith.constant 0 : i32
          %eq3A_1118 = arith.cmpi eq, %jit3A_1116, %eq3A_1117 : i32
          %jit3A_1119 = arith.constant 1 : i32
          %select_n3A_1120 = arith.select %eq3A_1118, %jit3A_1119, %jit3A_1116 : i32
          %rem3A_1121 = arith.remsi %squeeze3A_1115, %select_n3A_1120 : i32
          %ne3A_1122 = arith.constant 0 : i32
          %ne3A_1123 = arith.cmpi ne, %rem3A_1121, %ne3A_1122 : i32
          %lt3A_1124 = arith.constant 0 : i32
          %lt3A_1125 = arith.cmpi slt, %rem3A_1121, %lt3A_1124 : i32
          %lt3A_1126 = arith.constant 0 : i32
          %lt3A_1127 = arith.cmpi slt, %select_n3A_1120, %lt3A_1126 : i32
          %ne3A_1128 = arith.xori %lt3A_1125, %lt3A_1127 : i1
          %and3A_1129 = arith.andi %ne3A_1128, %ne3A_1123 : i1
          %add3A_1130 = arith.addi %rem3A_1121, %select_n3A_1120 : i32
          %select_n3A_1131 = arith.select %and3A_1129, %add3A_1130, %rem3A_1121 : i32
          %sub3A_1132 = arith.subi %squeeze3A_1115, %select_n3A_1131 : i32
          %multiple_of3A_1133 = tpu.assume_multiple %sub3A_1132, 128 : i32
          %dma_start3A_1134 = arith.constant 2 : i32
          %dma_start3A_1135 = arith.constant 2 : i32
          %dma_start3A_1136 = arith.constant 0 : i32
          %dma_start3A_1137 = arith.constant 0 : i32
          %dma_start3A_1138 = tpu.memref_slice %arg6[%dma_start3A_1134, %dma_start3A_1135, %dma_start3A_1136, %dma_start3A_1137] : memref<6x4x32x128xf32, #tpu.memory_space<vmem>> -> memref<1x1x32x128xf32, #tpu.memory_space<vmem>>
          %dma_start3A_1139 = tpu.memref_squeeze %dma_start3A_1138 : memref<1x1x32x128xf32, #tpu.memory_space<vmem>> -> memref<32x128xf32, #tpu.memory_space<vmem>>
          %dma_start3A_1140 = arith.constant 0 : i32
          %dma_start3A_1141 = tpu.memref_slice %arg3[%dma_start3A_1140, %multiple_of3A_1133] : memref<32x1000000xf32, #tpu.memory_space<hbm>> -> memref<32x128xf32, #tpu.memory_space<hbm>>
          %dma_start3A_1142 = arith.constant 0 : i32
          %dma_start3A_1143 = arith.constant 0 : i32
          %dma_start3A_1144 = tpu.memref_slice %arg6[%dma_start3A_1134, %dma_start3A_1135, %dma_start3A_1142, %dma_start3A_1143] : memref<6x4x32x128xf32, #tpu.memory_space<vmem>> -> memref<1x1x32x128xf32, #tpu.memory_space<vmem>>
          %dma_start3A_1145 = tpu.memref_squeeze %dma_start3A_1144 : memref<1x1x32x128xf32, #tpu.memory_space<vmem>> -> memref<32x128xf32, #tpu.memory_space<vmem>>
          %dma_start3A_1146 = arith.constant 0 : i32
          %dma_start3A_1147 = tpu.memref_slice %arg3[%dma_start3A_1146, %multiple_of3A_1133] : memref<32x1000000xf32, #tpu.memory_space<hbm>> -> memref<32x128xf32, #tpu.memory_space<hbm>>
          tpu.enqueue_dma source(%dma_start3A_1147 : memref<32x128xf32, #tpu.memory_space<hbm>>) target(%dma_start3A_1145 : memref<32x128xf32, #tpu.memory_space<vmem>>) target_semaphore(%arg11 : memref<!tpu.dma_semaphore, #tpu.memory_space<semaphore_mem>>)
          %slice3A_1148 = vector.extract_strided_slice %get3A_1045 {offsets = [3], sizes = [1], strides = [1]} : vector<16xi32> to vector<1xi32>
          %squeeze3A_1149 = vector.extract %slice3A_1148[0] : i32 from vector<1xi32>
          %jit3A_1150 = arith.constant 128 : i32
          %eq3A_1151 = arith.constant 0 : i32
          %eq3A_1152 = arith.cmpi eq, %jit3A_1150, %eq3A_1151 : i32
          %jit3A_1153 = arith.constant 1 : i32
          %select_n3A_1154 = arith.select %eq3A_1152, %jit3A_1153, %jit3A_1150 : i32
          %rem3A_1155 = arith.remsi %squeeze3A_1149, %select_n3A_1154 : i32
          %ne3A_1156 = arith.constant 0 : i32
          %ne3A_1157 = arith.cmpi ne, %rem3A_1155, %ne3A_1156 : i32
          %lt3A_1158 = arith.constant 0 : i32
          %lt3A_1159 = arith.cmpi slt, %rem3A_1155, %lt3A_1158 : i32
          %lt3A_1160 = arith.constant 0 : i32
          %lt3A_1161 = arith.cmpi slt, %select_n3A_1154, %lt3A_1160 : i32
          %ne3A_1162 = arith.xori %lt3A_1159, %lt3A_1161 : i1
          %and3A_1163 = arith.andi %ne3A_1162, %ne3A_1157 : i1
          %add3A_1164 = arith.addi %rem3A_1155, %select_n3A_1154 : i32
          %select_n3A_1165 = arith.select %and3A_1163, %add3A_1164, %rem3A_1155 : i32
          %sub3A_1166 = arith.subi %squeeze3A_1149, %select_n3A_1165 : i32
          %multiple_of3A_1167 = tpu.assume_multiple %sub3A_1166, 128 : i32
          %dma_start3A_1168 = arith.constant 2 : i32
          %dma_start3A_1169 = arith.constant 3 : i32
          %dma_start3A_1170 = arith.constant 0 : i32
          %dma_start3A_1171 = arith.constant 0 : i32
          %dma_start3A_1172 = tpu.memref_slice %arg6[%dma_start3A_1168, %dma_start3A_1169, %dma_start3A_1170, %dma_start3A_1171] : memref<6x4x32x128xf32, #tpu.memory_space<vmem>> -> memref<1x1x32x128xf32, #tpu.memory_space<vmem>>
          %dma_start3A_1173 = tpu.memref_squeeze %dma_start3A_1172 : memref<1x1x32x128xf32, #tpu.memory_space<vmem>> -> memref<32x128xf32, #tpu.memory_space<vmem>>
          %dma_start3A_1174 = arith.constant 0 : i32
          %dma_start3A_1175 = tpu.memref_slice %arg3[%dma_start3A_1174, %multiple_of3A_1167] : memref<32x1000000xf32, #tpu.memory_space<hbm>> -> memref<32x128xf32, #tpu.memory_space<hbm>>
          %dma_start3A_1176 = arith.constant 0 : i32
          %dma_start3A_1177 = arith.constant 0 : i32
          %dma_start3A_1178 = tpu.memref_slice %arg6[%dma_start3A_1168, %dma_start3A_1169, %dma_start3A_1176, %dma_start3A_1177] : memref<6x4x32x128xf32, #tpu.memory_space<vmem>> -> memref<1x1x32x128xf32, #tpu.memory_space<vmem>>
          %dma_start3A_1179 = tpu.memref_squeeze %dma_start3A_1178 : memref<1x1x32x128xf32, #tpu.memory_space<vmem>> -> memref<32x128xf32, #tpu.memory_space<vmem>>
          %dma_start3A_1180 = arith.constant 0 : i32
          %dma_start3A_1181 = tpu.memref_slice %arg3[%dma_start3A_1180, %multiple_of3A_1167] : memref<32x1000000xf32, #tpu.memory_space<hbm>> -> memref<32x128xf32, #tpu.memory_space<hbm>>
          tpu.enqueue_dma source(%dma_start3A_1181 : memref<32x128xf32, #tpu.memory_space<hbm>>) target(%dma_start3A_1179 : memref<32x128xf32, #tpu.memory_space<vmem>>) target_semaphore(%arg11 : memref<!tpu.dma_semaphore, #tpu.memory_space<semaphore_mem>>)
        } else {
        }
        %dma_wait3A_834 = arith.constant 0 : i32
        %dma_wait3A_835 = arith.constant 0 : i32
        %dma_wait3A_836 = arith.constant 0 : i32
        %dma_wait3A_837 = arith.constant 0 : i32
        %dma_wait3A_838 = tpu.memref_slice %arg6[%dma_wait3A_834, %dma_wait3A_835, %dma_wait3A_836, %dma_wait3A_837] : memref<6x4x32x128xf32, #tpu.memory_space<vmem>> -> memref<1x1x32x128xf32, #tpu.memory_space<vmem>>
        %dma_wait3A_839 = tpu.memref_squeeze %dma_wait3A_838 : memref<1x1x32x128xf32, #tpu.memory_space<vmem>> -> memref<32x128xf32, #tpu.memory_space<vmem>>
        %dma_wait3A_840 = arith.constant 0 : i32
        %dma_wait3A_841 = arith.constant 0 : i32
        %dma_wait3A_842 = tpu.memref_slice %arg3[%dma_wait3A_840, %dma_wait3A_841] : memref<32x1000000xf32, #tpu.memory_space<hbm>> -> memref<32x128xf32, #tpu.memory_space<hbm>>
        %dma_wait3A_843 = arith.constant 0 : i32
        %dma_wait3A_844 = arith.constant 0 : i32
        %dma_wait3A_845 = tpu.memref_slice %arg6[%dma_wait3A_834, %dma_wait3A_835, %dma_wait3A_843, %dma_wait3A_844] : memref<6x4x32x128xf32, #tpu.memory_space<vmem>> -> memref<1x1x32x128xf32, #tpu.memory_space<vmem>>
        %dma_wait3A_846 = tpu.memref_squeeze %dma_wait3A_845 : memref<1x1x32x128xf32, #tpu.memory_space<vmem>> -> memref<32x128xf32, #tpu.memory_space<vmem>>
        %dma_wait3A_847 = arith.constant 0 : i32
        %dma_wait3A_848 = arith.constant 0 : i32
        %dma_wait3A_849 = tpu.memref_slice %arg3[%dma_wait3A_847, %dma_wait3A_848] : memref<32x1000000xf32, #tpu.memory_space<hbm>> -> memref<32x128xf32, #tpu.memory_space<hbm>>
        tpu.wait_dma2 semaphore(%arg12 : memref<!tpu.dma_semaphore, #tpu.memory_space<semaphore_mem>>) src(%dma_wait3A_849 : memref<32x128xf32, #tpu.memory_space<hbm>>) dst(%dma_wait3A_846 : memref<32x128xf32, #tpu.memory_space<vmem>>)
        %dma_wait3A_850 = arith.constant 0 : i32
        %dma_wait3A_851 = arith.constant 1 : i32
        %dma_wait3A_852 = arith.constant 0 : i32
        %dma_wait3A_853 = arith.constant 0 : i32
        %dma_wait3A_854 = tpu.memref_slice %arg6[%dma_wait3A_850, %dma_wait3A_851, %dma_wait3A_852, %dma_wait3A_853] : memref<6x4x32x128xf32, #tpu.memory_space<vmem>> -> memref<1x1x32x128xf32, #tpu.memory_space<vmem>>
        %dma_wait3A_855 = tpu.memref_squeeze %dma_wait3A_854 : memref<1x1x32x128xf32, #tpu.memory_space<vmem>> -> memref<32x128xf32, #tpu.memory_space<vmem>>
        %dma_wait3A_856 = arith.constant 0 : i32
        %dma_wait3A_857 = arith.constant 0 : i32
        %dma_wait3A_858 = tpu.memref_slice %arg3[%dma_wait3A_856, %dma_wait3A_857] : memref<32x1000000xf32, #tpu.memory_space<hbm>> -> memref<32x128xf32, #tpu.memory_space<hbm>>
        %dma_wait3A_859 = arith.constant 0 : i32
        %dma_wait3A_860 = arith.constant 0 : i32
        %dma_wait3A_861 = tpu.memref_slice %arg6[%dma_wait3A_850, %dma_wait3A_851, %dma_wait3A_859, %dma_wait3A_860] : memref<6x4x32x128xf32, #tpu.memory_space<vmem>> -> memref<1x1x32x128xf32, #tpu.memory_space<vmem>>
        %dma_wait3A_862 = tpu.memref_squeeze %dma_wait3A_861 : memref<1x1x32x128xf32, #tpu.memory_space<vmem>> -> memref<32x128xf32, #tpu.memory_space<vmem>>
        %dma_wait3A_863 = arith.constant 0 : i32
        %dma_wait3A_864 = arith.constant 0 : i32
        %dma_wait3A_865 = tpu.memref_slice %arg3[%dma_wait3A_863, %dma_wait3A_864] : memref<32x1000000xf32, #tpu.memory_space<hbm>> -> memref<32x128xf32, #tpu.memory_space<hbm>>
        tpu.wait_dma2 semaphore(%arg12 : memref<!tpu.dma_semaphore, #tpu.memory_space<semaphore_mem>>) src(%dma_wait3A_865 : memref<32x128xf32, #tpu.memory_space<hbm>>) dst(%dma_wait3A_862 : memref<32x128xf32, #tpu.memory_space<vmem>>)
        %dma_wait3A_866 = arith.constant 0 : i32
        %dma_wait3A_867 = arith.constant 2 : i32
        %dma_wait3A_868 = arith.constant 0 : i32
        %dma_wait3A_869 = arith.constant 0 : i32
        %dma_wait3A_870 = tpu.memref_slice %arg6[%dma_wait3A_866, %dma_wait3A_867, %dma_wait3A_868, %dma_wait3A_869] : memref<6x4x32x128xf32, #tpu.memory_space<vmem>> -> memref<1x1x32x128xf32, #tpu.memory_space<vmem>>
        %dma_wait3A_871 = tpu.memref_squeeze %dma_wait3A_870 : memref<1x1x32x128xf32, #tpu.memory_space<vmem>> -> memref<32x128xf32, #tpu.memory_space<vmem>>
        %dma_wait3A_872 = arith.constant 0 : i32
        %dma_wait3A_873 = arith.constant 0 : i32
        %dma_wait3A_874 = tpu.memref_slice %arg3[%dma_wait3A_872, %dma_wait3A_873] : memref<32x1000000xf32, #tpu.memory_space<hbm>> -> memref<32x128xf32, #tpu.memory_space<hbm>>
        %dma_wait3A_875 = arith.constant 0 : i32
        %dma_wait3A_876 = arith.constant 0 : i32
        %dma_wait3A_877 = tpu.memref_slice %arg6[%dma_wait3A_866, %dma_wait3A_867, %dma_wait3A_875, %dma_wait3A_876] : memref<6x4x32x128xf32, #tpu.memory_space<vmem>> -> memref<1x1x32x128xf32, #tpu.memory_space<vmem>>
        %dma_wait3A_878 = tpu.memref_squeeze %dma_wait3A_877 : memref<1x1x32x128xf32, #tpu.memory_space<vmem>> -> memref<32x128xf32, #tpu.memory_space<vmem>>
        %dma_wait3A_879 = arith.constant 0 : i32
        %dma_wait3A_880 = arith.constant 0 : i32
        %dma_wait3A_881 = tpu.memref_slice %arg3[%dma_wait3A_879, %dma_wait3A_880] : memref<32x1000000xf32, #tpu.memory_space<hbm>> -> memref<32x128xf32, #tpu.memory_space<hbm>>
        tpu.wait_dma2 semaphore(%arg12 : memref<!tpu.dma_semaphore, #tpu.memory_space<semaphore_mem>>) src(%dma_wait3A_881 : memref<32x128xf32, #tpu.memory_space<hbm>>) dst(%dma_wait3A_878 : memref<32x128xf32, #tpu.memory_space<vmem>>)
        %dma_wait3A_882 = arith.constant 0 : i32
        %dma_wait3A_883 = arith.constant 3 : i32
        %dma_wait3A_884 = arith.constant 0 : i32
        %dma_wait3A_885 = arith.constant 0 : i32
        %dma_wait3A_886 = tpu.memref_slice %arg6[%dma_wait3A_882, %dma_wait3A_883, %dma_wait3A_884, %dma_wait3A_885] : memref<6x4x32x128xf32, #tpu.memory_space<vmem>> -> memref<1x1x32x128xf32, #tpu.memory_space<vmem>>
        %dma_wait3A_887 = tpu.memref_squeeze %dma_wait3A_886 : memref<1x1x32x128xf32, #tpu.memory_space<vmem>> -> memref<32x128xf32, #tpu.memory_space<vmem>>
        %dma_wait3A_888 = arith.constant 0 : i32
        %dma_wait3A_889 = arith.constant 0 : i32
        %dma_wait3A_890 = tpu.memref_slice %arg3[%dma_wait3A_888, %dma_wait3A_889] : memref<32x1000000xf32, #tpu.memory_space<hbm>> -> memref<32x128xf32, #tpu.memory_space<hbm>>
        %dma_wait3A_891 = arith.constant 0 : i32
        %dma_wait3A_892 = arith.constant 0 : i32
        %dma_wait3A_893 = tpu.memref_slice %arg6[%dma_wait3A_882, %dma_wait3A_883, %dma_wait3A_891, %dma_wait3A_892] : memref<6x4x32x128xf32, #tpu.memory_space<vmem>> -> memref<1x1x32x128xf32, #tpu.memory_space<vmem>>
        %dma_wait3A_894 = tpu.memref_squeeze %dma_wait3A_893 : memref<1x1x32x128xf32, #tpu.memory_space<vmem>> -> memref<32x128xf32, #tpu.memory_space<vmem>>
        %dma_wait3A_895 = arith.constant 0 : i32
        %dma_wait3A_896 = arith.constant 0 : i32
        %dma_wait3A_897 = tpu.memref_slice %arg3[%dma_wait3A_895, %dma_wait3A_896] : memref<32x1000000xf32, #tpu.memory_space<hbm>> -> memref<32x128xf32, #tpu.memory_space<hbm>>
        tpu.wait_dma2 semaphore(%arg12 : memref<!tpu.dma_semaphore, #tpu.memory_space<semaphore_mem>>) src(%dma_wait3A_897 : memref<32x128xf32, #tpu.memory_space<hbm>>) dst(%dma_wait3A_894 : memref<32x128xf32, #tpu.memory_space<vmem>>)
        %mul3A_898 = arith.constant 4 : i32
        %mul3A_899 = arith.muli %add3A_700, %mul3A_898 : i32
        %get3A_900 = arith.index_cast %mul3A_899 : i32 to index
        %get3A_901 = tpu.vector_load %arg5[%get3A_900] {strides = array<i32>} : memref<528xi32, #tpu.memory_space<vmem>>, vector<16xi32>,
        %mul3A_902 = arith.constant 4 : i32
        %mul3A_903 = arith.muli %add3A_700, %mul3A_902 : i32
        %slice3A_904 = vector.extract_strided_slice %get3A_901 {offsets = [0], sizes = [1], strides = [1]} : vector<16xi32> to vector<1xi32>
        %squeeze3A_905 = vector.extract %slice3A_904[0] : i32 from vector<1xi32>
        %jit3A_906 = arith.constant 128 : i32
        %eq3A_907 = arith.constant 0 : i32
        %eq3A_908 = arith.cmpi eq, %jit3A_906, %eq3A_907 : i32
        %jit3A_909 = arith.constant 1 : i32
        %select_n3A_910 = arith.select %eq3A_908, %jit3A_909, %jit3A_906 : i32
        %rem3A_911 = arith.remsi %squeeze3A_905, %select_n3A_910 : i32
        %ne3A_912 = arith.constant 0 : i32
        %ne3A_913 = arith.cmpi ne, %rem3A_911, %ne3A_912 : i32
        %lt3A_914 = arith.constant 0 : i32
        %lt3A_915 = arith.cmpi slt, %rem3A_911, %lt3A_914 : i32
        %lt3A_916 = arith.constant 0 : i32
        %lt3A_917 = arith.cmpi slt, %select_n3A_910, %lt3A_916 : i32
        %ne3A_918 = arith.xori %lt3A_915, %lt3A_917 : i1
        %and3A_919 = arith.andi %ne3A_918, %ne3A_913 : i1
        %add3A_920 = arith.addi %rem3A_911, %select_n3A_910 : i32
        %select_n3A_921 = arith.select %and3A_919, %add3A_920, %rem3A_911 : i32
        %broadcast_in_dim3A = arith.constant 0 : i32
        %broadcast_in_dim3A_922 = vector.broadcast %broadcast_in_dim3A : i32 to vector<16xi32>
        %broadcast_in_dim3A_923 = arith.constant 3 : i32
        %broadcast_in_dim3A_924 = vector.broadcast %broadcast_in_dim3A_923 : i32 to vector<16xi32>
        %broadcast_in_dim3A_925 = vector.broadcast %select_n3A_921 : i32 to vector<16xi32>
        %add3A_926 = arith.constant 0 : i32
        %add3A_927 = arith.addi %mul3A_903, %add3A_926 : i32
        %broadcast_in_dim3A_928 = vector.broadcast %add3A_927 : i32 to vector<16xi32>
        %gather3A = tpu.vector_load_idx %arg6[%broadcast_in_dim3A_924, %broadcast_in_dim3A_922, %iota3A, %broadcast_in_dim3A_925] : memref<6x4x32x128xf32, #tpu.memory_space<vmem>>[vector<16xi32>, vector<16xi32>, vector<16xi32>, vector<16xi32>], vector<16xf32>,
        %add3A_929 = arith.constant 16 : i32
        %add3A_930 = vector.broadcast %add3A_929 : i32 to vector<16xi32>
        %add3A_931 = arith.addi %iota3A, %add3A_930 : vector<16xi32>
        %gather3A_932 = tpu.vector_load_idx %arg6[%broadcast_in_dim3A_924, %broadcast_in_dim3A_922, %add3A_931, %broadcast_in_dim3A_925] : memref<6x4x32x128xf32, #tpu.memory_space<vmem>>[vector<16xi32>, vector<16xi32>, vector<16xi32>, vector<16xi32>], vector<16xf32>,
        tpu.vector_store_idx %arg7[%iota3A, %broadcast_in_dim3A_928], %gather3A : memref<32x512xf32, #tpu.memory_space<vmem>>[vector<16xi32>, vector<16xi32>], vector<16xf32>,
        %add3A_933 = arith.constant 16 : i32
        %add3A_934 = vector.broadcast %add3A_933 : i32 to vector<16xi32>
        %add3A_935 = arith.addi %iota3A, %add3A_934 : vector<16xi32>
        tpu.vector_store_idx %arg7[%add3A_935, %broadcast_in_dim3A_928], %gather3A_932 : memref<32x512xf32, #tpu.memory_space<vmem>>[vector<16xi32>, vector<16xi32>], vector<16xf32>,
        %slice3A_936 = vector.extract_strided_slice %get3A_901 {offsets = [1], sizes = [1], strides = [1]} : vector<16xi32> to vector<1xi32>
        %squeeze3A_937 = vector.extract %slice3A_936[0] : i32 from vector<1xi32>
        %jit3A_938 = arith.constant 128 : i32
        %eq3A_939 = arith.constant 0 : i32
        %eq3A_940 = arith.cmpi eq, %jit3A_938, %eq3A_939 : i32
        %jit3A_941 = arith.constant 1 : i32
        %select_n3A_942 = arith.select %eq3A_940, %jit3A_941, %jit3A_938 : i32
        %rem3A_943 = arith.remsi %squeeze3A_937, %select_n3A_942 : i32
        %ne3A_944 = arith.constant 0 : i32
        %ne3A_945 = arith.cmpi ne, %rem3A_943, %ne3A_944 : i32
        %lt3A_946 = arith.constant 0 : i32
        %lt3A_947 = arith.cmpi slt, %rem3A_943, %lt3A_946 : i32
        %lt3A_948 = arith.constant 0 : i32
        %lt3A_949 = arith.cmpi slt, %select_n3A_942, %lt3A_948 : i32
        %ne3A_950 = arith.xori %lt3A_947, %lt3A_949 : i1
        %and3A_951 = arith.andi %ne3A_950, %ne3A_945 : i1
        %add3A_952 = arith.addi %rem3A_943, %select_n3A_942 : i32
        %select_n3A_953 = arith.select %and3A_951, %add3A_952, %rem3A_943 : i32
        %broadcast_in_dim3A_954 = arith.constant 1 : i32
        %broadcast_in_dim3A_955 = vector.broadcast %broadcast_in_dim3A_954 : i32 to vector<16xi32>
        %broadcast_in_dim3A_956 = arith.constant 3 : i32
        %broadcast_in_dim3A_957 = vector.broadcast %broadcast_in_dim3A_956 : i32 to vector<16xi32>
        %broadcast_in_dim3A_958 = vector.broadcast %select_n3A_953 : i32 to vector<16xi32>
        %add3A_959 = arith.constant 1 : i32
        %add3A_960 = arith.addi %mul3A_903, %add3A_959 : i32
        %broadcast_in_dim3A_961 = vector.broadcast %add3A_960 : i32 to vector<16xi32>
        %gather3A_962 = tpu.vector_load_idx %arg6[%broadcast_in_dim3A_957, %broadcast_in_dim3A_955, %iota3A, %broadcast_in_dim3A_958] : memref<6x4x32x128xf32, #tpu.memory_space<vmem>>[vector<16xi32>, vector<16xi32>, vector<16xi32>, vector<16xi32>], vector<16xf32>,
        %add3A_963 = arith.constant 16 : i32
        %add3A_964 = vector.broadcast %add3A_963 : i32 to vector<16xi32>
        %add3A_965 = arith.addi %iota3A, %add3A_964 : vector<16xi32>
        %gather3A_966 = tpu.vector_load_idx %arg6[%broadcast_in_dim3A_957, %broadcast_in_dim3A_955, %add3A_965, %broadcast_in_dim3A_958] : memref<6x4x32x128xf32, #tpu.memory_space<vmem>>[vector<16xi32>, vector<16xi32>, vector<16xi32>, vector<16xi32>], vector<16xf32>,
        tpu.vector_store_idx %arg7[%iota3A, %broadcast_in_dim3A_961], %gather3A_962 : memref<32x512xf32, #tpu.memory_space<vmem>>[vector<16xi32>, vector<16xi32>], vector<16xf32>,
        %add3A_967 = arith.constant 16 : i32
        %add3A_968 = vector.broadcast %add3A_967 : i32 to vector<16xi32>
        %add3A_969 = arith.addi %iota3A, %add3A_968 : vector<16xi32>
        tpu.vector_store_idx %arg7[%add3A_969, %broadcast_in_dim3A_961], %gather3A_966 : memref<32x512xf32, #tpu.memory_space<vmem>>[vector<16xi32>, vector<16xi32>], vector<16xf32>,
        %slice3A_970 = vector.extract_strided_slice %get3A_901 {offsets = [2], sizes = [1], strides = [1]} : vector<16xi32> to vector<1xi32>
        %squeeze3A_971 = vector.extract %slice3A_970[0] : i32 from vector<1xi32>
        %jit3A_972 = arith.constant 128 : i32
        %eq3A_973 = arith.constant 0 : i32
        %eq3A_974 = arith.cmpi eq, %jit3A_972, %eq3A_973 : i32
        %jit3A_975 = arith.constant 1 : i32
        %select_n3A_976 = arith.select %eq3A_974, %jit3A_975, %jit3A_972 : i32
        %rem3A_977 = arith.remsi %squeeze3A_971, %select_n3A_976 : i32
        %ne3A_978 = arith.constant 0 : i32
        %ne3A_979 = arith.cmpi ne, %rem3A_977, %ne3A_978 : i32
        %lt3A_980 = arith.constant 0 : i32
        %lt3A_981 = arith.cmpi slt, %rem3A_977, %lt3A_980 : i32
        %lt3A_982 = arith.constant 0 : i32
        %lt3A_983 = arith.cmpi slt, %select_n3A_976, %lt3A_982 : i32
        %ne3A_984 = arith.xori %lt3A_981, %lt3A_983 : i1
        %and3A_985 = arith.andi %ne3A_984, %ne3A_979 : i1
        %add3A_986 = arith.addi %rem3A_977, %select_n3A_976 : i32
        %select_n3A_987 = arith.select %and3A_985, %add3A_986, %rem3A_977 : i32
        %broadcast_in_dim3A_988 = arith.constant 2 : i32
        %broadcast_in_dim3A_989 = vector.broadcast %broadcast_in_dim3A_988 : i32 to vector<16xi32>
        %broadcast_in_dim3A_990 = arith.constant 3 : i32
        %broadcast_in_dim3A_991 = vector.broadcast %broadcast_in_dim3A_990 : i32 to vector<16xi32>
        %broadcast_in_dim3A_992 = vector.broadcast %select_n3A_987 : i32 to vector<16xi32>
        %add3A_993 = arith.constant 2 : i32
        %add3A_994 = arith.addi %mul3A_903, %add3A_993 : i32
        %broadcast_in_dim3A_995 = vector.broadcast %add3A_994 : i32 to vector<16xi32>
        %gather3A_996 = tpu.vector_load_idx %arg6[%broadcast_in_dim3A_991, %broadcast_in_dim3A_989, %iota3A, %broadcast_in_dim3A_992] : memref<6x4x32x128xf32, #tpu.memory_space<vmem>>[vector<16xi32>, vector<16xi32>, vector<16xi32>, vector<16xi32>], vector<16xf32>,
        %add3A_997 = arith.constant 16 : i32
        %add3A_998 = vector.broadcast %add3A_997 : i32 to vector<16xi32>
        %add3A_999 = arith.addi %iota3A, %add3A_998 : vector<16xi32>
        %gather3A_1000 = tpu.vector_load_idx %arg6[%broadcast_in_dim3A_991, %broadcast_in_dim3A_989, %add3A_999, %broadcast_in_dim3A_992] : memref<6x4x32x128xf32, #tpu.memory_space<vmem>>[vector<16xi32>, vector<16xi32>, vector<16xi32>, vector<16xi32>], vector<16xf32>,
        tpu.vector_store_idx %arg7[%iota3A, %broadcast_in_dim3A_995], %gather3A_996 : memref<32x512xf32, #tpu.memory_space<vmem>>[vector<16xi32>, vector<16xi32>], vector<16xf32>,
        %add3A_1001 = arith.constant 16 : i32
        %add3A_1002 = vector.broadcast %add3A_1001 : i32 to vector<16xi32>
        %add3A_1003 = arith.addi %iota3A, %add3A_1002 : vector<16xi32>
        tpu.vector_store_idx %arg7[%add3A_1003, %broadcast_in_dim3A_995], %gather3A_1000 : memref<32x512xf32, #tpu.memory_space<vmem>>[vector<16xi32>, vector<16xi32>], vector<16xf32>,
        %slice3A_1004 = vector.extract_strided_slice %get3A_901 {offsets = [3], sizes = [1], strides = [1]} : vector<16xi32> to vector<1xi32>
        %squeeze3A_1005 = vector.extract %slice3A_1004[0] : i32 from vector<1xi32>
        %jit3A_1006 = arith.constant 128 : i32
        %eq3A_1007 = arith.constant 0 : i32
        %eq3A_1008 = arith.cmpi eq, %jit3A_1006, %eq3A_1007 : i32
        %jit3A_1009 = arith.constant 1 : i32
        %select_n3A_1010 = arith.select %eq3A_1008, %jit3A_1009, %jit3A_1006 : i32
        %rem3A_1011 = arith.remsi %squeeze3A_1005, %select_n3A_1010 : i32
        %ne3A_1012 = arith.constant 0 : i32
        %ne3A_1013 = arith.cmpi ne, %rem3A_1011, %ne3A_1012 : i32
        %lt3A_1014 = arith.constant 0 : i32
        %lt3A_1015 = arith.cmpi slt, %rem3A_1011, %lt3A_1014 : i32
        %lt3A_1016 = arith.constant 0 : i32
        %lt3A_1017 = arith.cmpi slt, %select_n3A_1010, %lt3A_1016 : i32
        %ne3A_1018 = arith.xori %lt3A_1015, %lt3A_1017 : i1
        %and3A_1019 = arith.andi %ne3A_1018, %ne3A_1013 : i1
        %add3A_1020 = arith.addi %rem3A_1011, %select_n3A_1010 : i32
        %select_n3A_1021 = arith.select %and3A_1019, %add3A_1020, %rem3A_1011 : i32
        %broadcast_in_dim3A_1022 = arith.constant 3 : i32
        %broadcast_in_dim3A_1023 = vector.broadcast %broadcast_in_dim3A_1022 : i32 to vector<16xi32>
        %broadcast_in_dim3A_1024 = arith.constant 3 : i32
        %broadcast_in_dim3A_1025 = vector.broadcast %broadcast_in_dim3A_1024 : i32 to vector<16xi32>
        %broadcast_in_dim3A_1026 = vector.broadcast %select_n3A_1021 : i32 to vector<16xi32>
        %add3A_1027 = arith.constant 3 : i32
        %add3A_1028 = arith.addi %mul3A_903, %add3A_1027 : i32
        %broadcast_in_dim3A_1029 = vector.broadcast %add3A_1028 : i32 to vector<16xi32>
        %gather3A_1030 = tpu.vector_load_idx %arg6[%broadcast_in_dim3A_1025, %broadcast_in_dim3A_1023, %iota3A, %broadcast_in_dim3A_1026] : memref<6x4x32x128xf32, #tpu.memory_space<vmem>>[vector<16xi32>, vector<16xi32>, vector<16xi32>, vector<16xi32>], vector<16xf32>,
        %add3A_1031 = arith.constant 16 : i32
        %add3A_1032 = vector.broadcast %add3A_1031 : i32 to vector<16xi32>
        %add3A_1033 = arith.addi %iota3A, %add3A_1032 : vector<16xi32>
        %gather3A_1034 = tpu.vector_load_idx %arg6[%broadcast_in_dim3A_1025, %broadcast_in_dim3A_1023, %add3A_1033, %broadcast_in_dim3A_1026] : memref<6x4x32x128xf32, #tpu.memory_space<vmem>>[vector<16xi32>, vector<16xi32>, vector<16xi32>, vector<16xi32>], vector<16xf32>,
        tpu.vector_store_idx %arg7[%iota3A, %broadcast_in_dim3A_1029], %gather3A_1030 : memref<32x512xf32, #tpu.memory_space<vmem>>[vector<16xi32>, vector<16xi32>], vector<16xf32>,
        %add3A_1035 = arith.constant 16 : i32
        %add3A_1036 = vector.broadcast %add3A_1035 : i32 to vector<16xi32>
        %add3A_1037 = arith.addi %iota3A, %add3A_1036 : vector<16xi32>
        tpu.vector_store_idx %arg7[%add3A_1037, %broadcast_in_dim3A_1029], %gather3A_1034 : memref<32x512xf32, #tpu.memory_space<vmem>>[vector<16xi32>, vector<16xi32>], vector<16xf32>,
      } else {
      }
      %jit3A_783 = arith.constant 6 : i32
      %eq3A_784 = arith.constant 0 : i32
      %eq3A_785 = arith.cmpi eq, %jit3A_783, %eq3A_784 : i32
      %jit3A_786 = arith.constant 1 : i32
      %select_n3A_787 = arith.select %eq3A_785, %jit3A_786, %jit3A_783 : i32
      %rem3A_788 = arith.remsi %add3A_700, %select_n3A_787 : i32
      %ne3A_789 = arith.constant 0 : i32
      %ne3A_790 = arith.cmpi ne, %rem3A_788, %ne3A_789 : i32
      %lt3A_791 = arith.constant 0 : i32
      %lt3A_792 = arith.cmpi slt, %rem3A_788, %lt3A_791 : i32
      %lt3A_793 = arith.constant 0 : i32
      %lt3A_794 = arith.cmpi slt, %select_n3A_787, %lt3A_793 : i32
      %ne3A_795 = arith.xori %lt3A_792, %lt3A_794 : i1
      %and3A_796 = arith.andi %ne3A_795, %ne3A_790 : i1
      %add3A_797 = arith.addi %rem3A_788, %select_n3A_787 : i32
      %select_n3A_798 = arith.select %and3A_796, %add3A_797, %rem3A_788 : i32
      %eq3A_799 = arith.constant 4 : i32
      %eq3A_800 = arith.cmpi eq, %select_n3A_798, %eq3A_799 : i32
      %convert_element_type3A_801 = arith.extui %eq3A_800 : i1 to i32
      %cond3A_802 = arith.constant 0 : i32
      %cond3A_803 = arith.cmpi ne, %convert_element_type3A_801, %cond3A_802 : i32
      scf.if %cond3A_803 {
        %add3A_825 = arith.constant 6 : i32
        %add3A_826 = arith.addi %add3A_700, %add3A_825 : i32
        %sub3A_827 = arith.constant 1 : i32
        %sub3A_828 = arith.subi %add3A_826, %sub3A_827 : i32
        %lt3A_829 = arith.constant 128 : i32
        %lt3A_830 = arith.cmpi slt, %sub3A_828, %lt3A_829 : i32
        %convert_element_type3A_831 = arith.extui %lt3A_830 : i1 to i32
        %cond3A_832 = arith.constant 0 : i32
        %cond3A_833 = arith.cmpi ne, %convert_element_type3A_831, %cond3A_832 : i32
        scf.if %cond3A_833 {
          %add3A_1038 = arith.constant 6 : i32
          %add3A_1039 = arith.addi %add3A_700, %add3A_1038 : i32
          %sub3A_1040 = arith.constant 1 : i32
          %sub3A_1041 = arith.subi %add3A_1039, %sub3A_1040 : i32
          %mul3A_1042 = arith.constant 4 : i32
          %mul3A_1043 = arith.muli %sub3A_1041, %mul3A_1042 : i32
          %get3A_1044 = arith.index_cast %mul3A_1043 : i32 to index
          %get3A_1045 = tpu.vector_load %arg5[%get3A_1044] {strides = array<i32>} : memref<528xi32, #tpu.memory_space<vmem>>, vector<16xi32>,
          %slice3A_1046 = vector.extract_strided_slice %get3A_1045 {offsets = [0], sizes = [1], strides = [1]} : vector<16xi32> to vector<1xi32>
          %squeeze3A_1047 = vector.extract %slice3A_1046[0] : i32 from vector<1xi32>
          %jit3A_1048 = arith.constant 128 : i32
          %eq3A_1049 = arith.constant 0 : i32
          %eq3A_1050 = arith.cmpi eq, %jit3A_1048, %eq3A_1049 : i32
          %jit3A_1051 = arith.constant 1 : i32
          %select_n3A_1052 = arith.select %eq3A_1050, %jit3A_1051, %jit3A_1048 : i32
          %rem3A_1053 = arith.remsi %squeeze3A_1047, %select_n3A_1052 : i32
          %ne3A_1054 = arith.constant 0 : i32
          %ne3A_1055 = arith.cmpi ne, %rem3A_1053, %ne3A_1054 : i32
          %lt3A_1056 = arith.constant 0 : i32
          %lt3A_1057 = arith.cmpi slt, %rem3A_1053, %lt3A_1056 : i32
          %lt3A_1058 = arith.constant 0 : i32
          %lt3A_1059 = arith.cmpi slt, %select_n3A_1052, %lt3A_1058 : i32
          %ne3A_1060 = arith.xori %lt3A_1057, %lt3A_1059 : i1
          %and3A_1061 = arith.andi %ne3A_1060, %ne3A_1055 : i1
          %add3A_1062 = arith.addi %rem3A_1053, %select_n3A_1052 : i32
          %select_n3A_1063 = arith.select %and3A_1061, %add3A_1062, %rem3A_1053 : i32
          %sub3A_1064 = arith.subi %squeeze3A_1047, %select_n3A_1063 : i32
          %multiple_of3A_1065 = tpu.assume_multiple %sub3A_1064, 128 : i32
          %dma_start3A_1066 = arith.constant 3 : i32
          %dma_start3A_1067 = arith.constant 0 : i32
          %dma_start3A_1068 = arith.constant 0 : i32
          %dma_start3A_1069 = arith.constant 0 : i32
          %dma_start3A_1070 = tpu.memref_slice %arg6[%dma_start3A_1066, %dma_start3A_1067, %dma_start3A_1068, %dma_start3A_1069] : memref<6x4x32x128xf32, #tpu.memory_space<vmem>> -> memref<1x1x32x128xf32, #tpu.memory_space<vmem>>
          %dma_start3A_1071 = tpu.memref_squeeze %dma_start3A_1070 : memref<1x1x32x128xf32, #tpu.memory_space<vmem>> -> memref<32x128xf32, #tpu.memory_space<vmem>>
          %dma_start3A_1072 = arith.constant 0 : i32
          %dma_start3A_1073 = tpu.memref_slice %arg3[%dma_start3A_1072, %multiple_of3A_1065] : memref<32x1000000xf32, #tpu.memory_space<hbm>> -> memref<32x128xf32, #tpu.memory_space<hbm>>
          %dma_start3A_1074 = arith.constant 0 : i32
          %dma_start3A_1075 = arith.constant 0 : i32
          %dma_start3A_1076 = tpu.memref_slice %arg6[%dma_start3A_1066, %dma_start3A_1067, %dma_start3A_1074, %dma_start3A_1075] : memref<6x4x32x128xf32, #tpu.memory_space<vmem>> -> memref<1x1x32x128xf32, #tpu.memory_space<vmem>>
          %dma_start3A_1077 = tpu.memref_squeeze %dma_start3A_1076 : memref<1x1x32x128xf32, #tpu.memory_space<vmem>> -> memref<32x128xf32, #tpu.memory_space<vmem>>
          %dma_start3A_1078 = arith.constant 0 : i32
          %dma_start3A_1079 = tpu.memref_slice %arg3[%dma_start3A_1078, %multiple_of3A_1065] : memref<32x1000000xf32, #tpu.memory_space<hbm>> -> memref<32x128xf32, #tpu.memory_space<hbm>>
          tpu.enqueue_dma source(%dma_start3A_1079 : memref<32x128xf32, #tpu.memory_space<hbm>>) target(%dma_start3A_1077 : memref<32x128xf32, #tpu.memory_space<vmem>>) target_semaphore(%arg12 : memref<!tpu.dma_semaphore, #tpu.memory_space<semaphore_mem>>)
          %slice3A_1080 = vector.extract_strided_slice %get3A_1045 {offsets = [1], sizes = [1], strides = [1]} : vector<16xi32> to vector<1xi32>
          %squeeze3A_1081 = vector.extract %slice3A_1080[0] : i32 from vector<1xi32>
          %jit3A_1082 = arith.constant 128 : i32
          %eq3A_1083 = arith.constant 0 : i32
          %eq3A_1084 = arith.cmpi eq, %jit3A_1082, %eq3A_1083 : i32
          %jit3A_1085 = arith.constant 1 : i32
          %select_n3A_1086 = arith.select %eq3A_1084, %jit3A_1085, %jit3A_1082 : i32
          %rem3A_1087 = arith.remsi %squeeze3A_1081, %select_n3A_1086 : i32
          %ne3A_1088 = arith.constant 0 : i32
          %ne3A_1089 = arith.cmpi ne, %rem3A_1087, %ne3A_1088 : i32
          %lt3A_1090 = arith.constant 0 : i32
          %lt3A_1091 = arith.cmpi slt, %rem3A_1087, %lt3A_1090 : i32
          %lt3A_1092 = arith.constant 0 : i32
          %lt3A_1093 = arith.cmpi slt, %select_n3A_1086, %lt3A_1092 : i32
          %ne3A_1094 = arith.xori %lt3A_1091, %lt3A_1093 : i1
          %and3A_1095 = arith.andi %ne3A_1094, %ne3A_1089 : i1
          %add3A_1096 = arith.addi %rem3A_1087, %select_n3A_1086 : i32
          %select_n3A_1097 = arith.select %and3A_1095, %add3A_1096, %rem3A_1087 : i32
          %sub3A_1098 = arith.subi %squeeze3A_1081, %select_n3A_1097 : i32
          %multiple_of3A_1099 = tpu.assume_multiple %sub3A_1098, 128 : i32
          %dma_start3A_1100 = arith.constant 3 : i32
          %dma_start3A_1101 = arith.constant 1 : i32
          %dma_start3A_1102 = arith.constant 0 : i32
          %dma_start3A_1103 = arith.constant 0 : i32
          %dma_start3A_1104 = tpu.memref_slice %arg6[%dma_start3A_1100, %dma_start3A_1101, %dma_start3A_1102, %dma_start3A_1103] : memref<6x4x32x128xf32, #tpu.memory_space<vmem>> -> memref<1x1x32x128xf32, #tpu.memory_space<vmem>>
          %dma_start3A_1105 = tpu.memref_squeeze %dma_start3A_1104 : memref<1x1x32x128xf32, #tpu.memory_space<vmem>> -> memref<32x128xf32, #tpu.memory_space<vmem>>
          %dma_start3A_1106 = arith.constant 0 : i32
          %dma_start3A_1107 = tpu.memref_slice %arg3[%dma_start3A_1106, %multiple_of3A_1099] : memref<32x1000000xf32, #tpu.memory_space<hbm>> -> memref<32x128xf32, #tpu.memory_space<hbm>>
          %dma_start3A_1108 = arith.constant 0 : i32
          %dma_start3A_1109 = arith.constant 0 : i32
          %dma_start3A_1110 = tpu.memref_slice %arg6[%dma_start3A_1100, %dma_start3A_1101, %dma_start3A_1108, %dma_start3A_1109] : memref<6x4x32x128xf32, #tpu.memory_space<vmem>> -> memref<1x1x32x128xf32, #tpu.memory_space<vmem>>
          %dma_start3A_1111 = tpu.memref_squeeze %dma_start3A_1110 : memref<1x1x32x128xf32, #tpu.memory_space<vmem>> -> memref<32x128xf32, #tpu.memory_space<vmem>>
          %dma_start3A_1112 = arith.constant 0 : i32
          %dma_start3A_1113 = tpu.memref_slice %arg3[%dma_start3A_1112, %multiple_of3A_1099] : memref<32x1000000xf32, #tpu.memory_space<hbm>> -> memref<32x128xf32, #tpu.memory_space<hbm>>
          tpu.enqueue_dma source(%dma_start3A_1113 : memref<32x128xf32, #tpu.memory_space<hbm>>) target(%dma_start3A_1111 : memref<32x128xf32, #tpu.memory_space<vmem>>) target_semaphore(%arg12 : memref<!tpu.dma_semaphore, #tpu.memory_space<semaphore_mem>>)
          %slice3A_1114 = vector.extract_strided_slice %get3A_1045 {offsets = [2], sizes = [1], strides = [1]} : vector<16xi32> to vector<1xi32>
          %squeeze3A_1115 = vector.extract %slice3A_1114[0] : i32 from vector<1xi32>
          %jit3A_1116 = arith.constant 128 : i32
          %eq3A_1117 = arith.constant 0 : i32
          %eq3A_1118 = arith.cmpi eq, %jit3A_1116, %eq3A_1117 : i32
          %jit3A_1119 = arith.constant 1 : i32
          %select_n3A_1120 = arith.select %eq3A_1118, %jit3A_1119, %jit3A_1116 : i32
          %rem3A_1121 = arith.remsi %squeeze3A_1115, %select_n3A_1120 : i32
          %ne3A_1122 = arith.constant 0 : i32
          %ne3A_1123 = arith.cmpi ne, %rem3A_1121, %ne3A_1122 : i32
          %lt3A_1124 = arith.constant 0 : i32
          %lt3A_1125 = arith.cmpi slt, %rem3A_1121, %lt3A_1124 : i32
          %lt3A_1126 = arith.constant 0 : i32
          %lt3A_1127 = arith.cmpi slt, %select_n3A_1120, %lt3A_1126 : i32
          %ne3A_1128 = arith.xori %lt3A_1125, %lt3A_1127 : i1
          %and3A_1129 = arith.andi %ne3A_1128, %ne3A_1123 : i1
          %add3A_1130 = arith.addi %rem3A_1121, %select_n3A_1120 : i32
          %select_n3A_1131 = arith.select %and3A_1129, %add3A_1130, %rem3A_1121 : i32
          %sub3A_1132 = arith.subi %squeeze3A_1115, %select_n3A_1131 : i32
          %multiple_of3A_1133 = tpu.assume_multiple %sub3A_1132, 128 : i32
          %dma_start3A_1134 = arith.constant 3 : i32
          %dma_start3A_1135 = arith.constant 2 : i32
          %dma_start3A_1136 = arith.constant 0 : i32
          %dma_start3A_1137 = arith.constant 0 : i32
          %dma_start3A_1138 = tpu.memref_slice %arg6[%dma_start3A_1134, %dma_start3A_1135, %dma_start3A_1136, %dma_start3A_1137] : memref<6x4x32x128xf32, #tpu.memory_space<vmem>> -> memref<1x1x32x128xf32, #tpu.memory_space<vmem>>
          %dma_start3A_1139 = tpu.memref_squeeze %dma_start3A_1138 : memref<1x1x32x128xf32, #tpu.memory_space<vmem>> -> memref<32x128xf32, #tpu.memory_space<vmem>>
          %dma_start3A_1140 = arith.constant 0 : i32
          %dma_start3A_1141 = tpu.memref_slice %arg3[%dma_start3A_1140, %multiple_of3A_1133] : memref<32x1000000xf32, #tpu.memory_space<hbm>> -> memref<32x128xf32, #tpu.memory_space<hbm>>
          %dma_start3A_1142 = arith.constant 0 : i32
          %dma_start3A_1143 = arith.constant 0 : i32
          %dma_start3A_1144 = tpu.memref_slice %arg6[%dma_start3A_1134, %dma_start3A_1135, %dma_start3A_1142, %dma_start3A_1143] : memref<6x4x32x128xf32, #tpu.memory_space<vmem>> -> memref<1x1x32x128xf32, #tpu.memory_space<vmem>>
          %dma_start3A_1145 = tpu.memref_squeeze %dma_start3A_1144 : memref<1x1x32x128xf32, #tpu.memory_space<vmem>> -> memref<32x128xf32, #tpu.memory_space<vmem>>
          %dma_start3A_1146 = arith.constant 0 : i32
          %dma_start3A_1147 = tpu.memref_slice %arg3[%dma_start3A_1146, %multiple_of3A_1133] : memref<32x1000000xf32, #tpu.memory_space<hbm>> -> memref<32x128xf32, #tpu.memory_space<hbm>>
          tpu.enqueue_dma source(%dma_start3A_1147 : memref<32x128xf32, #tpu.memory_space<hbm>>) target(%dma_start3A_1145 : memref<32x128xf32, #tpu.memory_space<vmem>>) target_semaphore(%arg12 : memref<!tpu.dma_semaphore, #tpu.memory_space<semaphore_mem>>)
          %slice3A_1148 = vector.extract_strided_slice %get3A_1045 {offsets = [3], sizes = [1], strides = [1]} : vector<16xi32> to vector<1xi32>
          %squeeze3A_1149 = vector.extract %slice3A_1148[0] : i32 from vector<1xi32>
          %jit3A_1150 = arith.constant 128 : i32
          %eq3A_1151 = arith.constant 0 : i32
          %eq3A_1152 = arith.cmpi eq, %jit3A_1150, %eq3A_1151 : i32
          %jit3A_1153 = arith.constant 1 : i32
          %select_n3A_1154 = arith.select %eq3A_1152, %jit3A_1153, %jit3A_1150 : i32
          %rem3A_1155 = arith.remsi %squeeze3A_1149, %select_n3A_1154 : i32
          %ne3A_1156 = arith.constant 0 : i32
          %ne3A_1157 = arith.cmpi ne, %rem3A_1155, %ne3A_1156 : i32
          %lt3A_1158 = arith.constant 0 : i32
          %lt3A_1159 = arith.cmpi slt, %rem3A_1155, %lt3A_1158 : i32
          %lt3A_1160 = arith.constant 0 : i32
          %lt3A_1161 = arith.cmpi slt, %select_n3A_1154, %lt3A_1160 : i32
          %ne3A_1162 = arith.xori %lt3A_1159, %lt3A_1161 : i1
          %and3A_1163 = arith.andi %ne3A_1162, %ne3A_1157 : i1
          %add3A_1164 = arith.addi %rem3A_1155, %select_n3A_1154 : i32
          %select_n3A_1165 = arith.select %and3A_1163, %add3A_1164, %rem3A_1155 : i32
          %sub3A_1166 = arith.subi %squeeze3A_1149, %select_n3A_1165 : i32
          %multiple_of3A_1167 = tpu.assume_multiple %sub3A_1166, 128 : i32
          %dma_start3A_1168 = arith.constant 3 : i32
          %dma_start3A_1169 = arith.constant 3 : i32
          %dma_start3A_1170 = arith.constant 0 : i32
          %dma_start3A_1171 = arith.constant 0 : i32
          %dma_start3A_1172 = tpu.memref_slice %arg6[%dma_start3A_1168, %dma_start3A_1169, %dma_start3A_1170, %dma_start3A_1171] : memref<6x4x32x128xf32, #tpu.memory_space<vmem>> -> memref<1x1x32x128xf32, #tpu.memory_space<vmem>>
          %dma_start3A_1173 = tpu.memref_squeeze %dma_start3A_1172 : memref<1x1x32x128xf32, #tpu.memory_space<vmem>> -> memref<32x128xf32, #tpu.memory_space<vmem>>
          %dma_start3A_1174 = arith.constant 0 : i32
          %dma_start3A_1175 = tpu.memref_slice %arg3[%dma_start3A_1174, %multiple_of3A_1167] : memref<32x1000000xf32, #tpu.memory_space<hbm>> -> memref<32x128xf32, #tpu.memory_space<hbm>>
          %dma_start3A_1176 = arith.constant 0 : i32
          %dma_start3A_1177 = arith.constant 0 : i32
          %dma_start3A_1178 = tpu.memref_slice %arg6[%dma_start3A_1168, %dma_start3A_1169, %dma_start3A_1176, %dma_start3A_1177] : memref<6x4x32x128xf32, #tpu.memory_space<vmem>> -> memref<1x1x32x128xf32, #tpu.memory_space<vmem>>
          %dma_start3A_1179 = tpu.memref_squeeze %dma_start3A_1178 : memref<1x1x32x128xf32, #tpu.memory_space<vmem>> -> memref<32x128xf32, #tpu.memory_space<vmem>>
          %dma_start3A_1180 = arith.constant 0 : i32
          %dma_start3A_1181 = tpu.memref_slice %arg3[%dma_start3A_1180, %multiple_of3A_1167] : memref<32x1000000xf32, #tpu.memory_space<hbm>> -> memref<32x128xf32, #tpu.memory_space<hbm>>
          tpu.enqueue_dma source(%dma_start3A_1181 : memref<32x128xf32, #tpu.memory_space<hbm>>) target(%dma_start3A_1179 : memref<32x128xf32, #tpu.memory_space<vmem>>) target_semaphore(%arg12 : memref<!tpu.dma_semaphore, #tpu.memory_space<semaphore_mem>>)
        } else {
        }
        %dma_wait3A_834 = arith.constant 0 : i32
        %dma_wait3A_835 = arith.constant 0 : i32
        %dma_wait3A_836 = arith.constant 0 : i32
        %dma_wait3A_837 = arith.constant 0 : i32
        %dma_wait3A_838 = tpu.memref_slice %arg6[%dma_wait3A_834, %dma_wait3A_835, %dma_wait3A_836, %dma_wait3A_837] : memref<6x4x32x128xf32, #tpu.memory_space<vmem>> -> memref<1x1x32x128xf32, #tpu.memory_space<vmem>>
        %dma_wait3A_839 = tpu.memref_squeeze %dma_wait3A_838 : memref<1x1x32x128xf32, #tpu.memory_space<vmem>> -> memref<32x128xf32, #tpu.memory_space<vmem>>
        %dma_wait3A_840 = arith.constant 0 : i32
        %dma_wait3A_841 = arith.constant 0 : i32
        %dma_wait3A_842 = tpu.memref_slice %arg3[%dma_wait3A_840, %dma_wait3A_841] : memref<32x1000000xf32, #tpu.memory_space<hbm>> -> memref<32x128xf32, #tpu.memory_space<hbm>>
        %dma_wait3A_843 = arith.constant 0 : i32
        %dma_wait3A_844 = arith.constant 0 : i32
        %dma_wait3A_845 = tpu.memref_slice %arg6[%dma_wait3A_834, %dma_wait3A_835, %dma_wait3A_843, %dma_wait3A_844] : memref<6x4x32x128xf32, #tpu.memory_space<vmem>> -> memref<1x1x32x128xf32, #tpu.memory_space<vmem>>
        %dma_wait3A_846 = tpu.memref_squeeze %dma_wait3A_845 : memref<1x1x32x128xf32, #tpu.memory_space<vmem>> -> memref<32x128xf32, #tpu.memory_space<vmem>>
        %dma_wait3A_847 = arith.constant 0 : i32
        %dma_wait3A_848 = arith.constant 0 : i32
        %dma_wait3A_849 = tpu.memref_slice %arg3[%dma_wait3A_847, %dma_wait3A_848] : memref<32x1000000xf32, #tpu.memory_space<hbm>> -> memref<32x128xf32, #tpu.memory_space<hbm>>
        tpu.wait_dma2 semaphore(%arg13 : memref<!tpu.dma_semaphore, #tpu.memory_space<semaphore_mem>>) src(%dma_wait3A_849 : memref<32x128xf32, #tpu.memory_space<hbm>>) dst(%dma_wait3A_846 : memref<32x128xf32, #tpu.memory_space<vmem>>)
        %dma_wait3A_850 = arith.constant 0 : i32
        %dma_wait3A_851 = arith.constant 1 : i32
        %dma_wait3A_852 = arith.constant 0 : i32
        %dma_wait3A_853 = arith.constant 0 : i32
        %dma_wait3A_854 = tpu.memref_slice %arg6[%dma_wait3A_850, %dma_wait3A_851, %dma_wait3A_852, %dma_wait3A_853] : memref<6x4x32x128xf32, #tpu.memory_space<vmem>> -> memref<1x1x32x128xf32, #tpu.memory_space<vmem>>
        %dma_wait3A_855 = tpu.memref_squeeze %dma_wait3A_854 : memref<1x1x32x128xf32, #tpu.memory_space<vmem>> -> memref<32x128xf32, #tpu.memory_space<vmem>>
        %dma_wait3A_856 = arith.constant 0 : i32
        %dma_wait3A_857 = arith.constant 0 : i32
        %dma_wait3A_858 = tpu.memref_slice %arg3[%dma_wait3A_856, %dma_wait3A_857] : memref<32x1000000xf32, #tpu.memory_space<hbm>> -> memref<32x128xf32, #tpu.memory_space<hbm>>
        %dma_wait3A_859 = arith.constant 0 : i32
        %dma_wait3A_860 = arith.constant 0 : i32
        %dma_wait3A_861 = tpu.memref_slice %arg6[%dma_wait3A_850, %dma_wait3A_851, %dma_wait3A_859, %dma_wait3A_860] : memref<6x4x32x128xf32, #tpu.memory_space<vmem>> -> memref<1x1x32x128xf32, #tpu.memory_space<vmem>>
        %dma_wait3A_862 = tpu.memref_squeeze %dma_wait3A_861 : memref<1x1x32x128xf32, #tpu.memory_space<vmem>> -> memref<32x128xf32, #tpu.memory_space<vmem>>
        %dma_wait3A_863 = arith.constant 0 : i32
        %dma_wait3A_864 = arith.constant 0 : i32
        %dma_wait3A_865 = tpu.memref_slice %arg3[%dma_wait3A_863, %dma_wait3A_864] : memref<32x1000000xf32, #tpu.memory_space<hbm>> -> memref<32x128xf32, #tpu.memory_space<hbm>>
        tpu.wait_dma2 semaphore(%arg13 : memref<!tpu.dma_semaphore, #tpu.memory_space<semaphore_mem>>) src(%dma_wait3A_865 : memref<32x128xf32, #tpu.memory_space<hbm>>) dst(%dma_wait3A_862 : memref<32x128xf32, #tpu.memory_space<vmem>>)
        %dma_wait3A_866 = arith.constant 0 : i32
        %dma_wait3A_867 = arith.constant 2 : i32
        %dma_wait3A_868 = arith.constant 0 : i32
        %dma_wait3A_869 = arith.constant 0 : i32
        %dma_wait3A_870 = tpu.memref_slice %arg6[%dma_wait3A_866, %dma_wait3A_867, %dma_wait3A_868, %dma_wait3A_869] : memref<6x4x32x128xf32, #tpu.memory_space<vmem>> -> memref<1x1x32x128xf32, #tpu.memory_space<vmem>>
        %dma_wait3A_871 = tpu.memref_squeeze %dma_wait3A_870 : memref<1x1x32x128xf32, #tpu.memory_space<vmem>> -> memref<32x128xf32, #tpu.memory_space<vmem>>
        %dma_wait3A_872 = arith.constant 0 : i32
        %dma_wait3A_873 = arith.constant 0 : i32
        %dma_wait3A_874 = tpu.memref_slice %arg3[%dma_wait3A_872, %dma_wait3A_873] : memref<32x1000000xf32, #tpu.memory_space<hbm>> -> memref<32x128xf32, #tpu.memory_space<hbm>>
        %dma_wait3A_875 = arith.constant 0 : i32
        %dma_wait3A_876 = arith.constant 0 : i32
        %dma_wait3A_877 = tpu.memref_slice %arg6[%dma_wait3A_866, %dma_wait3A_867, %dma_wait3A_875, %dma_wait3A_876] : memref<6x4x32x128xf32, #tpu.memory_space<vmem>> -> memref<1x1x32x128xf32, #tpu.memory_space<vmem>>
        %dma_wait3A_878 = tpu.memref_squeeze %dma_wait3A_877 : memref<1x1x32x128xf32, #tpu.memory_space<vmem>> -> memref<32x128xf32, #tpu.memory_space<vmem>>
        %dma_wait3A_879 = arith.constant 0 : i32
        %dma_wait3A_880 = arith.constant 0 : i32
        %dma_wait3A_881 = tpu.memref_slice %arg3[%dma_wait3A_879, %dma_wait3A_880] : memref<32x1000000xf32, #tpu.memory_space<hbm>> -> memref<32x128xf32, #tpu.memory_space<hbm>>
        tpu.wait_dma2 semaphore(%arg13 : memref<!tpu.dma_semaphore, #tpu.memory_space<semaphore_mem>>) src(%dma_wait3A_881 : memref<32x128xf32, #tpu.memory_space<hbm>>) dst(%dma_wait3A_878 : memref<32x128xf32, #tpu.memory_space<vmem>>)
        %dma_wait3A_882 = arith.constant 0 : i32
        %dma_wait3A_883 = arith.constant 3 : i32
        %dma_wait3A_884 = arith.constant 0 : i32
        %dma_wait3A_885 = arith.constant 0 : i32
        %dma_wait3A_886 = tpu.memref_slice %arg6[%dma_wait3A_882, %dma_wait3A_883, %dma_wait3A_884, %dma_wait3A_885] : memref<6x4x32x128xf32, #tpu.memory_space<vmem>> -> memref<1x1x32x128xf32, #tpu.memory_space<vmem>>
        %dma_wait3A_887 = tpu.memref_squeeze %dma_wait3A_886 : memref<1x1x32x128xf32, #tpu.memory_space<vmem>> -> memref<32x128xf32, #tpu.memory_space<vmem>>
        %dma_wait3A_888 = arith.constant 0 : i32
        %dma_wait3A_889 = arith.constant 0 : i32
        %dma_wait3A_890 = tpu.memref_slice %arg3[%dma_wait3A_888, %dma_wait3A_889] : memref<32x1000000xf32, #tpu.memory_space<hbm>> -> memref<32x128xf32, #tpu.memory_space<hbm>>
        %dma_wait3A_891 = arith.constant 0 : i32
        %dma_wait3A_892 = arith.constant 0 : i32
        %dma_wait3A_893 = tpu.memref_slice %arg6[%dma_wait3A_882, %dma_wait3A_883, %dma_wait3A_891, %dma_wait3A_892] : memref<6x4x32x128xf32, #tpu.memory_space<vmem>> -> memref<1x1x32x128xf32, #tpu.memory_space<vmem>>
        %dma_wait3A_894 = tpu.memref_squeeze %dma_wait3A_893 : memref<1x1x32x128xf32, #tpu.memory_space<vmem>> -> memref<32x128xf32, #tpu.memory_space<vmem>>
        %dma_wait3A_895 = arith.constant 0 : i32
        %dma_wait3A_896 = arith.constant 0 : i32
        %dma_wait3A_897 = tpu.memref_slice %arg3[%dma_wait3A_895, %dma_wait3A_896] : memref<32x1000000xf32, #tpu.memory_space<hbm>> -> memref<32x128xf32, #tpu.memory_space<hbm>>
        tpu.wait_dma2 semaphore(%arg13 : memref<!tpu.dma_semaphore, #tpu.memory_space<semaphore_mem>>) src(%dma_wait3A_897 : memref<32x128xf32, #tpu.memory_space<hbm>>) dst(%dma_wait3A_894 : memref<32x128xf32, #tpu.memory_space<vmem>>)
        %mul3A_898 = arith.constant 4 : i32
        %mul3A_899 = arith.muli %add3A_700, %mul3A_898 : i32
        %get3A_900 = arith.index_cast %mul3A_899 : i32 to index
        %get3A_901 = tpu.vector_load %arg5[%get3A_900] {strides = array<i32>} : memref<528xi32, #tpu.memory_space<vmem>>, vector<16xi32>,
        %mul3A_902 = arith.constant 4 : i32
        %mul3A_903 = arith.muli %add3A_700, %mul3A_902 : i32
        %slice3A_904 = vector.extract_strided_slice %get3A_901 {offsets = [0], sizes = [1], strides = [1]} : vector<16xi32> to vector<1xi32>
        %squeeze3A_905 = vector.extract %slice3A_904[0] : i32 from vector<1xi32>
        %jit3A_906 = arith.constant 128 : i32
        %eq3A_907 = arith.constant 0 : i32
        %eq3A_908 = arith.cmpi eq, %jit3A_906, %eq3A_907 : i32
        %jit3A_909 = arith.constant 1 : i32
        %select_n3A_910 = arith.select %eq3A_908, %jit3A_909, %jit3A_906 : i32
        %rem3A_911 = arith.remsi %squeeze3A_905, %select_n3A_910 : i32
        %ne3A_912 = arith.constant 0 : i32
        %ne3A_913 = arith.cmpi ne, %rem3A_911, %ne3A_912 : i32
        %lt3A_914 = arith.constant 0 : i32
        %lt3A_915 = arith.cmpi slt, %rem3A_911, %lt3A_914 : i32
        %lt3A_916 = arith.constant 0 : i32
        %lt3A_917 = arith.cmpi slt, %select_n3A_910, %lt3A_916 : i32
        %ne3A_918 = arith.xori %lt3A_915, %lt3A_917 : i1
        %and3A_919 = arith.andi %ne3A_918, %ne3A_913 : i1
        %add3A_920 = arith.addi %rem3A_911, %select_n3A_910 : i32
        %select_n3A_921 = arith.select %and3A_919, %add3A_920, %rem3A_911 : i32
        %broadcast_in_dim3A = arith.constant 0 : i32
        %broadcast_in_dim3A_922 = vector.broadcast %broadcast_in_dim3A : i32 to vector<16xi32>
        %broadcast_in_dim3A_923 = arith.constant 4 : i32
        %broadcast_in_dim3A_924 = vector.broadcast %broadcast_in_dim3A_923 : i32 to vector<16xi32>
        %broadcast_in_dim3A_925 = vector.broadcast %select_n3A_921 : i32 to vector<16xi32>
        %add3A_926 = arith.constant 0 : i32
        %add3A_927 = arith.addi %mul3A_903, %add3A_926 : i32
        %broadcast_in_dim3A_928 = vector.broadcast %add3A_927 : i32 to vector<16xi32>
        %gather3A = tpu.vector_load_idx %arg6[%broadcast_in_dim3A_924, %broadcast_in_dim3A_922, %iota3A, %broadcast_in_dim3A_925] : memref<6x4x32x128xf32, #tpu.memory_space<vmem>>[vector<16xi32>, vector<16xi32>, vector<16xi32>, vector<16xi32>], vector<16xf32>,
        %add3A_929 = arith.constant 16 : i32
        %add3A_930 = vector.broadcast %add3A_929 : i32 to vector<16xi32>
        %add3A_931 = arith.addi %iota3A, %add3A_930 : vector<16xi32>
        %gather3A_932 = tpu.vector_load_idx %arg6[%broadcast_in_dim3A_924, %broadcast_in_dim3A_922, %add3A_931, %broadcast_in_dim3A_925] : memref<6x4x32x128xf32, #tpu.memory_space<vmem>>[vector<16xi32>, vector<16xi32>, vector<16xi32>, vector<16xi32>], vector<16xf32>,
        tpu.vector_store_idx %arg7[%iota3A, %broadcast_in_dim3A_928], %gather3A : memref<32x512xf32, #tpu.memory_space<vmem>>[vector<16xi32>, vector<16xi32>], vector<16xf32>,
        %add3A_933 = arith.constant 16 : i32
        %add3A_934 = vector.broadcast %add3A_933 : i32 to vector<16xi32>
        %add3A_935 = arith.addi %iota3A, %add3A_934 : vector<16xi32>
        tpu.vector_store_idx %arg7[%add3A_935, %broadcast_in_dim3A_928], %gather3A_932 : memref<32x512xf32, #tpu.memory_space<vmem>>[vector<16xi32>, vector<16xi32>], vector<16xf32>,
        %slice3A_936 = vector.extract_strided_slice %get3A_901 {offsets = [1], sizes = [1], strides = [1]} : vector<16xi32> to vector<1xi32>
        %squeeze3A_937 = vector.extract %slice3A_936[0] : i32 from vector<1xi32>
        %jit3A_938 = arith.constant 128 : i32
        %eq3A_939 = arith.constant 0 : i32
        %eq3A_940 = arith.cmpi eq, %jit3A_938, %eq3A_939 : i32
        %jit3A_941 = arith.constant 1 : i32
        %select_n3A_942 = arith.select %eq3A_940, %jit3A_941, %jit3A_938 : i32
        %rem3A_943 = arith.remsi %squeeze3A_937, %select_n3A_942 : i32
        %ne3A_944 = arith.constant 0 : i32
        %ne3A_945 = arith.cmpi ne, %rem3A_943, %ne3A_944 : i32
        %lt3A_946 = arith.constant 0 : i32
        %lt3A_947 = arith.cmpi slt, %rem3A_943, %lt3A_946 : i32
        %lt3A_948 = arith.constant 0 : i32
        %lt3A_949 = arith.cmpi slt, %select_n3A_942, %lt3A_948 : i32
        %ne3A_950 = arith.xori %lt3A_947, %lt3A_949 : i1
        %and3A_951 = arith.andi %ne3A_950, %ne3A_945 : i1
        %add3A_952 = arith.addi %rem3A_943, %select_n3A_942 : i32
        %select_n3A_953 = arith.select %and3A_951, %add3A_952, %rem3A_943 : i32
        %broadcast_in_dim3A_954 = arith.constant 1 : i32
        %broadcast_in_dim3A_955 = vector.broadcast %broadcast_in_dim3A_954 : i32 to vector<16xi32>
        %broadcast_in_dim3A_956 = arith.constant 4 : i32
        %broadcast_in_dim3A_957 = vector.broadcast %broadcast_in_dim3A_956 : i32 to vector<16xi32>
        %broadcast_in_dim3A_958 = vector.broadcast %select_n3A_953 : i32 to vector<16xi32>
        %add3A_959 = arith.constant 1 : i32
        %add3A_960 = arith.addi %mul3A_903, %add3A_959 : i32
        %broadcast_in_dim3A_961 = vector.broadcast %add3A_960 : i32 to vector<16xi32>
        %gather3A_962 = tpu.vector_load_idx %arg6[%broadcast_in_dim3A_957, %broadcast_in_dim3A_955, %iota3A, %broadcast_in_dim3A_958] : memref<6x4x32x128xf32, #tpu.memory_space<vmem>>[vector<16xi32>, vector<16xi32>, vector<16xi32>, vector<16xi32>], vector<16xf32>,
        %add3A_963 = arith.constant 16 : i32
        %add3A_964 = vector.broadcast %add3A_963 : i32 to vector<16xi32>
        %add3A_965 = arith.addi %iota3A, %add3A_964 : vector<16xi32>
        %gather3A_966 = tpu.vector_load_idx %arg6[%broadcast_in_dim3A_957, %broadcast_in_dim3A_955, %add3A_965, %broadcast_in_dim3A_958] : memref<6x4x32x128xf32, #tpu.memory_space<vmem>>[vector<16xi32>, vector<16xi32>, vector<16xi32>, vector<16xi32>], vector<16xf32>,
        tpu.vector_store_idx %arg7[%iota3A, %broadcast_in_dim3A_961], %gather3A_962 : memref<32x512xf32, #tpu.memory_space<vmem>>[vector<16xi32>, vector<16xi32>], vector<16xf32>,
        %add3A_967 = arith.constant 16 : i32
        %add3A_968 = vector.broadcast %add3A_967 : i32 to vector<16xi32>
        %add3A_969 = arith.addi %iota3A, %add3A_968 : vector<16xi32>
        tpu.vector_store_idx %arg7[%add3A_969, %broadcast_in_dim3A_961], %gather3A_966 : memref<32x512xf32, #tpu.memory_space<vmem>>[vector<16xi32>, vector<16xi32>], vector<16xf32>,
        %slice3A_970 = vector.extract_strided_slice %get3A_901 {offsets = [2], sizes = [1], strides = [1]} : vector<16xi32> to vector<1xi32>
        %squeeze3A_971 = vector.extract %slice3A_970[0] : i32 from vector<1xi32>
        %jit3A_972 = arith.constant 128 : i32
        %eq3A_973 = arith.constant 0 : i32
        %eq3A_974 = arith.cmpi eq, %jit3A_972, %eq3A_973 : i32
        %jit3A_975 = arith.constant 1 : i32
        %select_n3A_976 = arith.select %eq3A_974, %jit3A_975, %jit3A_972 : i32
        %rem3A_977 = arith.remsi %squeeze3A_971, %select_n3A_976 : i32
        %ne3A_978 = arith.constant 0 : i32
        %ne3A_979 = arith.cmpi ne, %rem3A_977, %ne3A_978 : i32
        %lt3A_980 = arith.constant 0 : i32
        %lt3A_981 = arith.cmpi slt, %rem3A_977, %lt3A_980 : i32
        %lt3A_982 = arith.constant 0 : i32
        %lt3A_983 = arith.cmpi slt, %select_n3A_976, %lt3A_982 : i32
        %ne3A_984 = arith.xori %lt3A_981, %lt3A_983 : i1
        %and3A_985 = arith.andi %ne3A_984, %ne3A_979 : i1
        %add3A_986 = arith.addi %rem3A_977, %select_n3A_976 : i32
        %select_n3A_987 = arith.select %and3A_985, %add3A_986, %rem3A_977 : i32
        %broadcast_in_dim3A_988 = arith.constant 2 : i32
        %broadcast_in_dim3A_989 = vector.broadcast %broadcast_in_dim3A_988 : i32 to vector<16xi32>
        %broadcast_in_dim3A_990 = arith.constant 4 : i32
        %broadcast_in_dim3A_991 = vector.broadcast %broadcast_in_dim3A_990 : i32 to vector<16xi32>
        %broadcast_in_dim3A_992 = vector.broadcast %select_n3A_987 : i32 to vector<16xi32>
        %add3A_993 = arith.constant 2 : i32
        %add3A_994 = arith.addi %mul3A_903, %add3A_993 : i32
        %broadcast_in_dim3A_995 = vector.broadcast %add3A_994 : i32 to vector<16xi32>
        %gather3A_996 = tpu.vector_load_idx %arg6[%broadcast_in_dim3A_991, %broadcast_in_dim3A_989, %iota3A, %broadcast_in_dim3A_992] : memref<6x4x32x128xf32, #tpu.memory_space<vmem>>[vector<16xi32>, vector<16xi32>, vector<16xi32>, vector<16xi32>], vector<16xf32>,
        %add3A_997 = arith.constant 16 : i32
        %add3A_998 = vector.broadcast %add3A_997 : i32 to vector<16xi32>
        %add3A_999 = arith.addi %iota3A, %add3A_998 : vector<16xi32>
        %gather3A_1000 = tpu.vector_load_idx %arg6[%broadcast_in_dim3A_991, %broadcast_in_dim3A_989, %add3A_999, %broadcast_in_dim3A_992] : memref<6x4x32x128xf32, #tpu.memory_space<vmem>>[vector<16xi32>, vector<16xi32>, vector<16xi32>, vector<16xi32>], vector<16xf32>,
        tpu.vector_store_idx %arg7[%iota3A, %broadcast_in_dim3A_995], %gather3A_996 : memref<32x512xf32, #tpu.memory_space<vmem>>[vector<16xi32>, vector<16xi32>], vector<16xf32>,
        %add3A_1001 = arith.constant 16 : i32
        %add3A_1002 = vector.broadcast %add3A_1001 : i32 to vector<16xi32>
        %add3A_1003 = arith.addi %iota3A, %add3A_1002 : vector<16xi32>
        tpu.vector_store_idx %arg7[%add3A_1003, %broadcast_in_dim3A_995], %gather3A_1000 : memref<32x512xf32, #tpu.memory_space<vmem>>[vector<16xi32>, vector<16xi32>], vector<16xf32>,
        %slice3A_1004 = vector.extract_strided_slice %get3A_901 {offsets = [3], sizes = [1], strides = [1]} : vector<16xi32> to vector<1xi32>
        %squeeze3A_1005 = vector.extract %slice3A_1004[0] : i32 from vector<1xi32>
        %jit3A_1006 = arith.constant 128 : i32
        %eq3A_1007 = arith.constant 0 : i32
        %eq3A_1008 = arith.cmpi eq, %jit3A_1006, %eq3A_1007 : i32
        %jit3A_1009 = arith.constant 1 : i32
        %select_n3A_1010 = arith.select %eq3A_1008, %jit3A_1009, %jit3A_1006 : i32
        %rem3A_1011 = arith.remsi %squeeze3A_1005, %select_n3A_1010 : i32
        %ne3A_1012 = arith.constant 0 : i32
        %ne3A_1013 = arith.cmpi ne, %rem3A_1011, %ne3A_1012 : i32
        %lt3A_1014 = arith.constant 0 : i32
        %lt3A_1015 = arith.cmpi slt, %rem3A_1011, %lt3A_1014 : i32
        %lt3A_1016 = arith.constant 0 : i32
        %lt3A_1017 = arith.cmpi slt, %select_n3A_1010, %lt3A_1016 : i32
        %ne3A_1018 = arith.xori %lt3A_1015, %lt3A_1017 : i1
        %and3A_1019 = arith.andi %ne3A_1018, %ne3A_1013 : i1
        %add3A_1020 = arith.addi %rem3A_1011, %select_n3A_1010 : i32
        %select_n3A_1021 = arith.select %and3A_1019, %add3A_1020, %rem3A_1011 : i32
        %broadcast_in_dim3A_1022 = arith.constant 3 : i32
        %broadcast_in_dim3A_1023 = vector.broadcast %broadcast_in_dim3A_1022 : i32 to vector<16xi32>
        %broadcast_in_dim3A_1024 = arith.constant 4 : i32
        %broadcast_in_dim3A_1025 = vector.broadcast %broadcast_in_dim3A_1024 : i32 to vector<16xi32>
        %broadcast_in_dim3A_1026 = vector.broadcast %select_n3A_1021 : i32 to vector<16xi32>
        %add3A_1027 = arith.constant 3 : i32
        %add3A_1028 = arith.addi %mul3A_903, %add3A_1027 : i32
        %broadcast_in_dim3A_1029 = vector.broadcast %add3A_1028 : i32 to vector<16xi32>
        %gather3A_1030 = tpu.vector_load_idx %arg6[%broadcast_in_dim3A_1025, %broadcast_in_dim3A_1023, %iota3A, %broadcast_in_dim3A_1026] : memref<6x4x32x128xf32, #tpu.memory_space<vmem>>[vector<16xi32>, vector<16xi32>, vector<16xi32>, vector<16xi32>], vector<16xf32>,
        %add3A_1031 = arith.constant 16 : i32
        %add3A_1032 = vector.broadcast %add3A_1031 : i32 to vector<16xi32>
        %add3A_1033 = arith.addi %iota3A, %add3A_1032 : vector<16xi32>
        %gather3A_1034 = tpu.vector_load_idx %arg6[%broadcast_in_dim3A_1025, %broadcast_in_dim3A_1023, %add3A_1033, %broadcast_in_dim3A_1026] : memref<6x4x32x128xf32, #tpu.memory_space<vmem>>[vector<16xi32>, vector<16xi32>, vector<16xi32>, vector<16xi32>], vector<16xf32>,
        tpu.vector_store_idx %arg7[%iota3A, %broadcast_in_dim3A_1029], %gather3A_1030 : memref<32x512xf32, #tpu.memory_space<vmem>>[vector<16xi32>, vector<16xi32>], vector<16xf32>,
        %add3A_1035 = arith.constant 16 : i32
        %add3A_1036 = vector.broadcast %add3A_1035 : i32 to vector<16xi32>
        %add3A_1037 = arith.addi %iota3A, %add3A_1036 : vector<16xi32>
        tpu.vector_store_idx %arg7[%add3A_1037, %broadcast_in_dim3A_1029], %gather3A_1034 : memref<32x512xf32, #tpu.memory_space<vmem>>[vector<16xi32>, vector<16xi32>], vector<16xf32>,
      } else {
      }
      %jit3A_804 = arith.constant 6 : i32
      %eq3A_805 = arith.constant 0 : i32
      %eq3A_806 = arith.cmpi eq, %jit3A_804, %eq3A_805 : i32
      %jit3A_807 = arith.constant 1 : i32
      %select_n3A_808 = arith.select %eq3A_806, %jit3A_807, %jit3A_804 : i32
      %rem3A_809 = arith.remsi %add3A_700, %select_n3A_808 : i32
      %ne3A_810 = arith.constant 0 : i32
      %ne3A_811 = arith.cmpi ne, %rem3A_809, %ne3A_810 : i32
      %lt3A_812 = arith.constant 0 : i32
      %lt3A_813 = arith.cmpi slt, %rem3A_809, %lt3A_812 : i32
      %lt3A_814 = arith.constant 0 : i32
      %lt3A_815 = arith.cmpi slt, %select_n3A_808, %lt3A_814 : i32
      %ne3A_816 = arith.xori %lt3A_813, %lt3A_815 : i1
      %and3A_817 = arith.andi %ne3A_816, %ne3A_811 : i1
      %add3A_818 = arith.addi %rem3A_809, %select_n3A_808 : i32
      %select_n3A_819 = arith.select %and3A_817, %add3A_818, %rem3A_809 : i32
      %eq3A_820 = arith.constant 5 : i32
      %eq3A_821 = arith.cmpi eq, %select_n3A_819, %eq3A_820 : i32
      %convert_element_type3A_822 = arith.extui %eq3A_821 : i1 to i32
      %cond3A_823 = arith.constant 0 : i32
      %cond3A_824 = arith.cmpi ne, %convert_element_type3A_822, %cond3A_823 : i32
      scf.if %cond3A_824 {
        %add3A_825 = arith.constant 6 : i32
        %add3A_826 = arith.addi %add3A_700, %add3A_825 : i32
        %sub3A_827 = arith.constant 1 : i32
        %sub3A_828 = arith.subi %add3A_826, %sub3A_827 : i32
        %lt3A_829 = arith.constant 128 : i32
        %lt3A_830 = arith.cmpi slt, %sub3A_828, %lt3A_829 : i32
        %convert_element_type3A_831 = arith.extui %lt3A_830 : i1 to i32
        %cond3A_832 = arith.constant 0 : i32
        %cond3A_833 = arith.cmpi ne, %convert_element_type3A_831, %cond3A_832 : i32
        scf.if %cond3A_833 {
          %add3A_1038 = arith.constant 6 : i32
          %add3A_1039 = arith.addi %add3A_700, %add3A_1038 : i32
          %sub3A_1040 = arith.constant 1 : i32
          %sub3A_1041 = arith.subi %add3A_1039, %sub3A_1040 : i32
          %mul3A_1042 = arith.constant 4 : i32
          %mul3A_1043 = arith.muli %sub3A_1041, %mul3A_1042 : i32
          %get3A_1044 = arith.index_cast %mul3A_1043 : i32 to index
          %get3A_1045 = tpu.vector_load %arg5[%get3A_1044] {strides = array<i32>} : memref<528xi32, #tpu.memory_space<vmem>>, vector<16xi32>,
          %slice3A_1046 = vector.extract_strided_slice %get3A_1045 {offsets = [0], sizes = [1], strides = [1]} : vector<16xi32> to vector<1xi32>
          %squeeze3A_1047 = vector.extract %slice3A_1046[0] : i32 from vector<1xi32>
          %jit3A_1048 = arith.constant 128 : i32
          %eq3A_1049 = arith.constant 0 : i32
          %eq3A_1050 = arith.cmpi eq, %jit3A_1048, %eq3A_1049 : i32
          %jit3A_1051 = arith.constant 1 : i32
          %select_n3A_1052 = arith.select %eq3A_1050, %jit3A_1051, %jit3A_1048 : i32
          %rem3A_1053 = arith.remsi %squeeze3A_1047, %select_n3A_1052 : i32
          %ne3A_1054 = arith.constant 0 : i32
          %ne3A_1055 = arith.cmpi ne, %rem3A_1053, %ne3A_1054 : i32
          %lt3A_1056 = arith.constant 0 : i32
          %lt3A_1057 = arith.cmpi slt, %rem3A_1053, %lt3A_1056 : i32
          %lt3A_1058 = arith.constant 0 : i32
          %lt3A_1059 = arith.cmpi slt, %select_n3A_1052, %lt3A_1058 : i32
          %ne3A_1060 = arith.xori %lt3A_1057, %lt3A_1059 : i1
          %and3A_1061 = arith.andi %ne3A_1060, %ne3A_1055 : i1
          %add3A_1062 = arith.addi %rem3A_1053, %select_n3A_1052 : i32
          %select_n3A_1063 = arith.select %and3A_1061, %add3A_1062, %rem3A_1053 : i32
          %sub3A_1064 = arith.subi %squeeze3A_1047, %select_n3A_1063 : i32
          %multiple_of3A_1065 = tpu.assume_multiple %sub3A_1064, 128 : i32
          %dma_start3A_1066 = arith.constant 4 : i32
          %dma_start3A_1067 = arith.constant 0 : i32
          %dma_start3A_1068 = arith.constant 0 : i32
          %dma_start3A_1069 = arith.constant 0 : i32
          %dma_start3A_1070 = tpu.memref_slice %arg6[%dma_start3A_1066, %dma_start3A_1067, %dma_start3A_1068, %dma_start3A_1069] : memref<6x4x32x128xf32, #tpu.memory_space<vmem>> -> memref<1x1x32x128xf32, #tpu.memory_space<vmem>>
          %dma_start3A_1071 = tpu.memref_squeeze %dma_start3A_1070 : memref<1x1x32x128xf32, #tpu.memory_space<vmem>> -> memref<32x128xf32, #tpu.memory_space<vmem>>
          %dma_start3A_1072 = arith.constant 0 : i32
          %dma_start3A_1073 = tpu.memref_slice %arg3[%dma_start3A_1072, %multiple_of3A_1065] : memref<32x1000000xf32, #tpu.memory_space<hbm>> -> memref<32x128xf32, #tpu.memory_space<hbm>>
          %dma_start3A_1074 = arith.constant 0 : i32
          %dma_start3A_1075 = arith.constant 0 : i32
          %dma_start3A_1076 = tpu.memref_slice %arg6[%dma_start3A_1066, %dma_start3A_1067, %dma_start3A_1074, %dma_start3A_1075] : memref<6x4x32x128xf32, #tpu.memory_space<vmem>> -> memref<1x1x32x128xf32, #tpu.memory_space<vmem>>
          %dma_start3A_1077 = tpu.memref_squeeze %dma_start3A_1076 : memref<1x1x32x128xf32, #tpu.memory_space<vmem>> -> memref<32x128xf32, #tpu.memory_space<vmem>>
          %dma_start3A_1078 = arith.constant 0 : i32
          %dma_start3A_1079 = tpu.memref_slice %arg3[%dma_start3A_1078, %multiple_of3A_1065] : memref<32x1000000xf32, #tpu.memory_space<hbm>> -> memref<32x128xf32, #tpu.memory_space<hbm>>
          tpu.enqueue_dma source(%dma_start3A_1079 : memref<32x128xf32, #tpu.memory_space<hbm>>) target(%dma_start3A_1077 : memref<32x128xf32, #tpu.memory_space<vmem>>) target_semaphore(%arg13 : memref<!tpu.dma_semaphore, #tpu.memory_space<semaphore_mem>>)
          %slice3A_1080 = vector.extract_strided_slice %get3A_1045 {offsets = [1], sizes = [1], strides = [1]} : vector<16xi32> to vector<1xi32>
          %squeeze3A_1081 = vector.extract %slice3A_1080[0] : i32 from vector<1xi32>
          %jit3A_1082 = arith.constant 128 : i32
          %eq3A_1083 = arith.constant 0 : i32
          %eq3A_1084 = arith.cmpi eq, %jit3A_1082, %eq3A_1083 : i32
          %jit3A_1085 = arith.constant 1 : i32
          %select_n3A_1086 = arith.select %eq3A_1084, %jit3A_1085, %jit3A_1082 : i32
          %rem3A_1087 = arith.remsi %squeeze3A_1081, %select_n3A_1086 : i32
          %ne3A_1088 = arith.constant 0 : i32
          %ne3A_1089 = arith.cmpi ne, %rem3A_1087, %ne3A_1088 : i32
          %lt3A_1090 = arith.constant 0 : i32
          %lt3A_1091 = arith.cmpi slt, %rem3A_1087, %lt3A_1090 : i32
          %lt3A_1092 = arith.constant 0 : i32
          %lt3A_1093 = arith.cmpi slt, %select_n3A_1086, %lt3A_1092 : i32
          %ne3A_1094 = arith.xori %lt3A_1091, %lt3A_1093 : i1
          %and3A_1095 = arith.andi %ne3A_1094, %ne3A_1089 : i1
          %add3A_1096 = arith.addi %rem3A_1087, %select_n3A_1086 : i32
          %select_n3A_1097 = arith.select %and3A_1095, %add3A_1096, %rem3A_1087 : i32
          %sub3A_1098 = arith.subi %squeeze3A_1081, %select_n3A_1097 : i32
          %multiple_of3A_1099 = tpu.assume_multiple %sub3A_1098, 128 : i32
          %dma_start3A_1100 = arith.constant 4 : i32
          %dma_start3A_1101 = arith.constant 1 : i32
          %dma_start3A_1102 = arith.constant 0 : i32
          %dma_start3A_1103 = arith.constant 0 : i32
          %dma_start3A_1104 = tpu.memref_slice %arg6[%dma_start3A_1100, %dma_start3A_1101, %dma_start3A_1102, %dma_start3A_1103] : memref<6x4x32x128xf32, #tpu.memory_space<vmem>> -> memref<1x1x32x128xf32, #tpu.memory_space<vmem>>
          %dma_start3A_1105 = tpu.memref_squeeze %dma_start3A_1104 : memref<1x1x32x128xf32, #tpu.memory_space<vmem>> -> memref<32x128xf32, #tpu.memory_space<vmem>>
          %dma_start3A_1106 = arith.constant 0 : i32
          %dma_start3A_1107 = tpu.memref_slice %arg3[%dma_start3A_1106, %multiple_of3A_1099] : memref<32x1000000xf32, #tpu.memory_space<hbm>> -> memref<32x128xf32, #tpu.memory_space<hbm>>
          %dma_start3A_1108 = arith.constant 0 : i32
          %dma_start3A_1109 = arith.constant 0 : i32
          %dma_start3A_1110 = tpu.memref_slice %arg6[%dma_start3A_1100, %dma_start3A_1101, %dma_start3A_1108, %dma_start3A_1109] : memref<6x4x32x128xf32, #tpu.memory_space<vmem>> -> memref<1x1x32x128xf32, #tpu.memory_space<vmem>>
          %dma_start3A_1111 = tpu.memref_squeeze %dma_start3A_1110 : memref<1x1x32x128xf32, #tpu.memory_space<vmem>> -> memref<32x128xf32, #tpu.memory_space<vmem>>
          %dma_start3A_1112 = arith.constant 0 : i32
          %dma_start3A_1113 = tpu.memref_slice %arg3[%dma_start3A_1112, %multiple_of3A_1099] : memref<32x1000000xf32, #tpu.memory_space<hbm>> -> memref<32x128xf32, #tpu.memory_space<hbm>>
          tpu.enqueue_dma source(%dma_start3A_1113 : memref<32x128xf32, #tpu.memory_space<hbm>>) target(%dma_start3A_1111 : memref<32x128xf32, #tpu.memory_space<vmem>>) target_semaphore(%arg13 : memref<!tpu.dma_semaphore, #tpu.memory_space<semaphore_mem>>)
          %slice3A_1114 = vector.extract_strided_slice %get3A_1045 {offsets = [2], sizes = [1], strides = [1]} : vector<16xi32> to vector<1xi32>
          %squeeze3A_1115 = vector.extract %slice3A_1114[0] : i32 from vector<1xi32>
          %jit3A_1116 = arith.constant 128 : i32
          %eq3A_1117 = arith.constant 0 : i32
          %eq3A_1118 = arith.cmpi eq, %jit3A_1116, %eq3A_1117 : i32
          %jit3A_1119 = arith.constant 1 : i32
          %select_n3A_1120 = arith.select %eq3A_1118, %jit3A_1119, %jit3A_1116 : i32
          %rem3A_1121 = arith.remsi %squeeze3A_1115, %select_n3A_1120 : i32
          %ne3A_1122 = arith.constant 0 : i32
          %ne3A_1123 = arith.cmpi ne, %rem3A_1121, %ne3A_1122 : i32
          %lt3A_1124 = arith.constant 0 : i32
          %lt3A_1125 = arith.cmpi slt, %rem3A_1121, %lt3A_1124 : i32
          %lt3A_1126 = arith.constant 0 : i32
          %lt3A_1127 = arith.cmpi slt, %select_n3A_1120, %lt3A_1126 : i32
          %ne3A_1128 = arith.xori %lt3A_1125, %lt3A_1127 : i1
          %and3A_1129 = arith.andi %ne3A_1128, %ne3A_1123 : i1
          %add3A_1130 = arith.addi %rem3A_1121, %select_n3A_1120 : i32
          %select_n3A_1131 = arith.select %and3A_1129, %add3A_1130, %rem3A_1121 : i32
          %sub3A_1132 = arith.subi %squeeze3A_1115, %select_n3A_1131 : i32
          %multiple_of3A_1133 = tpu.assume_multiple %sub3A_1132, 128 : i32
          %dma_start3A_1134 = arith.constant 4 : i32
          %dma_start3A_1135 = arith.constant 2 : i32
          %dma_start3A_1136 = arith.constant 0 : i32
          %dma_start3A_1137 = arith.constant 0 : i32
          %dma_start3A_1138 = tpu.memref_slice %arg6[%dma_start3A_1134, %dma_start3A_1135, %dma_start3A_1136, %dma_start3A_1137] : memref<6x4x32x128xf32, #tpu.memory_space<vmem>> -> memref<1x1x32x128xf32, #tpu.memory_space<vmem>>
          %dma_start3A_1139 = tpu.memref_squeeze %dma_start3A_1138 : memref<1x1x32x128xf32, #tpu.memory_space<vmem>> -> memref<32x128xf32, #tpu.memory_space<vmem>>
          %dma_start3A_1140 = arith.constant 0 : i32
          %dma_start3A_1141 = tpu.memref_slice %arg3[%dma_start3A_1140, %multiple_of3A_1133] : memref<32x1000000xf32, #tpu.memory_space<hbm>> -> memref<32x128xf32, #tpu.memory_space<hbm>>
          %dma_start3A_1142 = arith.constant 0 : i32
          %dma_start3A_1143 = arith.constant 0 : i32
          %dma_start3A_1144 = tpu.memref_slice %arg6[%dma_start3A_1134, %dma_start3A_1135, %dma_start3A_1142, %dma_start3A_1143] : memref<6x4x32x128xf32, #tpu.memory_space<vmem>> -> memref<1x1x32x128xf32, #tpu.memory_space<vmem>>
          %dma_start3A_1145 = tpu.memref_squeeze %dma_start3A_1144 : memref<1x1x32x128xf32, #tpu.memory_space<vmem>> -> memref<32x128xf32, #tpu.memory_space<vmem>>
          %dma_start3A_1146 = arith.constant 0 : i32
          %dma_start3A_1147 = tpu.memref_slice %arg3[%dma_start3A_1146, %multiple_of3A_1133] : memref<32x1000000xf32, #tpu.memory_space<hbm>> -> memref<32x128xf32, #tpu.memory_space<hbm>>
          tpu.enqueue_dma source(%dma_start3A_1147 : memref<32x128xf32, #tpu.memory_space<hbm>>) target(%dma_start3A_1145 : memref<32x128xf32, #tpu.memory_space<vmem>>) target_semaphore(%arg13 : memref<!tpu.dma_semaphore, #tpu.memory_space<semaphore_mem>>)
          %slice3A_1148 = vector.extract_strided_slice %get3A_1045 {offsets = [3], sizes = [1], strides = [1]} : vector<16xi32> to vector<1xi32>
          %squeeze3A_1149 = vector.extract %slice3A_1148[0] : i32 from vector<1xi32>
          %jit3A_1150 = arith.constant 128 : i32
          %eq3A_1151 = arith.constant 0 : i32
          %eq3A_1152 = arith.cmpi eq, %jit3A_1150, %eq3A_1151 : i32
          %jit3A_1153 = arith.constant 1 : i32
          %select_n3A_1154 = arith.select %eq3A_1152, %jit3A_1153, %jit3A_1150 : i32
          %rem3A_1155 = arith.remsi %squeeze3A_1149, %select_n3A_1154 : i32
          %ne3A_1156 = arith.constant 0 : i32
          %ne3A_1157 = arith.cmpi ne, %rem3A_1155, %ne3A_1156 : i32
          %lt3A_1158 = arith.constant 0 : i32
          %lt3A_1159 = arith.cmpi slt, %rem3A_1155, %lt3A_1158 : i32
          %lt3A_1160 = arith.constant 0 : i32
          %lt3A_1161 = arith.cmpi slt, %select_n3A_1154, %lt3A_1160 : i32
          %ne3A_1162 = arith.xori %lt3A_1159, %lt3A_1161 : i1
          %and3A_1163 = arith.andi %ne3A_1162, %ne3A_1157 : i1
          %add3A_1164 = arith.addi %rem3A_1155, %select_n3A_1154 : i32
          %select_n3A_1165 = arith.select %and3A_1163, %add3A_1164, %rem3A_1155 : i32
          %sub3A_1166 = arith.subi %squeeze3A_1149, %select_n3A_1165 : i32
          %multiple_of3A_1167 = tpu.assume_multiple %sub3A_1166, 128 : i32
          %dma_start3A_1168 = arith.constant 4 : i32
          %dma_start3A_1169 = arith.constant 3 : i32
          %dma_start3A_1170 = arith.constant 0 : i32
          %dma_start3A_1171 = arith.constant 0 : i32
          %dma_start3A_1172 = tpu.memref_slice %arg6[%dma_start3A_1168, %dma_start3A_1169, %dma_start3A_1170, %dma_start3A_1171] : memref<6x4x32x128xf32, #tpu.memory_space<vmem>> -> memref<1x1x32x128xf32, #tpu.memory_space<vmem>>
          %dma_start3A_1173 = tpu.memref_squeeze %dma_start3A_1172 : memref<1x1x32x128xf32, #tpu.memory_space<vmem>> -> memref<32x128xf32, #tpu.memory_space<vmem>>
          %dma_start3A_1174 = arith.constant 0 : i32
          %dma_start3A_1175 = tpu.memref_slice %arg3[%dma_start3A_1174, %multiple_of3A_1167] : memref<32x1000000xf32, #tpu.memory_space<hbm>> -> memref<32x128xf32, #tpu.memory_space<hbm>>
          %dma_start3A_1176 = arith.constant 0 : i32
          %dma_start3A_1177 = arith.constant 0 : i32
          %dma_start3A_1178 = tpu.memref_slice %arg6[%dma_start3A_1168, %dma_start3A_1169, %dma_start3A_1176, %dma_start3A_1177] : memref<6x4x32x128xf32, #tpu.memory_space<vmem>> -> memref<1x1x32x128xf32, #tpu.memory_space<vmem>>
          %dma_start3A_1179 = tpu.memref_squeeze %dma_start3A_1178 : memref<1x1x32x128xf32, #tpu.memory_space<vmem>> -> memref<32x128xf32, #tpu.memory_space<vmem>>
          %dma_start3A_1180 = arith.constant 0 : i32
          %dma_start3A_1181 = tpu.memref_slice %arg3[%dma_start3A_1180, %multiple_of3A_1167] : memref<32x1000000xf32, #tpu.memory_space<hbm>> -> memref<32x128xf32, #tpu.memory_space<hbm>>
          tpu.enqueue_dma source(%dma_start3A_1181 : memref<32x128xf32, #tpu.memory_space<hbm>>) target(%dma_start3A_1179 : memref<32x128xf32, #tpu.memory_space<vmem>>) target_semaphore(%arg13 : memref<!tpu.dma_semaphore, #tpu.memory_space<semaphore_mem>>)
        } else {
        }
        %dma_wait3A_834 = arith.constant 0 : i32
        %dma_wait3A_835 = arith.constant 0 : i32
        %dma_wait3A_836 = arith.constant 0 : i32
        %dma_wait3A_837 = arith.constant 0 : i32
        %dma_wait3A_838 = tpu.memref_slice %arg6[%dma_wait3A_834, %dma_wait3A_835, %dma_wait3A_836, %dma_wait3A_837] : memref<6x4x32x128xf32, #tpu.memory_space<vmem>> -> memref<1x1x32x128xf32, #tpu.memory_space<vmem>>
        %dma_wait3A_839 = tpu.memref_squeeze %dma_wait3A_838 : memref<1x1x32x128xf32, #tpu.memory_space<vmem>> -> memref<32x128xf32, #tpu.memory_space<vmem>>
        %dma_wait3A_840 = arith.constant 0 : i32
        %dma_wait3A_841 = arith.constant 0 : i32
        %dma_wait3A_842 = tpu.memref_slice %arg3[%dma_wait3A_840, %dma_wait3A_841] : memref<32x1000000xf32, #tpu.memory_space<hbm>> -> memref<32x128xf32, #tpu.memory_space<hbm>>
        %dma_wait3A_843 = arith.constant 0 : i32
        %dma_wait3A_844 = arith.constant 0 : i32
        %dma_wait3A_845 = tpu.memref_slice %arg6[%dma_wait3A_834, %dma_wait3A_835, %dma_wait3A_843, %dma_wait3A_844] : memref<6x4x32x128xf32, #tpu.memory_space<vmem>> -> memref<1x1x32x128xf32, #tpu.memory_space<vmem>>
        %dma_wait3A_846 = tpu.memref_squeeze %dma_wait3A_845 : memref<1x1x32x128xf32, #tpu.memory_space<vmem>> -> memref<32x128xf32, #tpu.memory_space<vmem>>
        %dma_wait3A_847 = arith.constant 0 : i32
        %dma_wait3A_848 = arith.constant 0 : i32
        %dma_wait3A_849 = tpu.memref_slice %arg3[%dma_wait3A_847, %dma_wait3A_848] : memref<32x1000000xf32, #tpu.memory_space<hbm>> -> memref<32x128xf32, #tpu.memory_space<hbm>>
        tpu.wait_dma2 semaphore(%arg14 : memref<!tpu.dma_semaphore, #tpu.memory_space<semaphore_mem>>) src(%dma_wait3A_849 : memref<32x128xf32, #tpu.memory_space<hbm>>) dst(%dma_wait3A_846 : memref<32x128xf32, #tpu.memory_space<vmem>>)
        %dma_wait3A_850 = arith.constant 0 : i32
        %dma_wait3A_851 = arith.constant 1 : i32
        %dma_wait3A_852 = arith.constant 0 : i32
        %dma_wait3A_853 = arith.constant 0 : i32
        %dma_wait3A_854 = tpu.memref_slice %arg6[%dma_wait3A_850, %dma_wait3A_851, %dma_wait3A_852, %dma_wait3A_853] : memref<6x4x32x128xf32, #tpu.memory_space<vmem>> -> memref<1x1x32x128xf32, #tpu.memory_space<vmem>>
        %dma_wait3A_855 = tpu.memref_squeeze %dma_wait3A_854 : memref<1x1x32x128xf32, #tpu.memory_space<vmem>> -> memref<32x128xf32, #tpu.memory_space<vmem>>
        %dma_wait3A_856 = arith.constant 0 : i32
        %dma_wait3A_857 = arith.constant 0 : i32
        %dma_wait3A_858 = tpu.memref_slice %arg3[%dma_wait3A_856, %dma_wait3A_857] : memref<32x1000000xf32, #tpu.memory_space<hbm>> -> memref<32x128xf32, #tpu.memory_space<hbm>>
        %dma_wait3A_859 = arith.constant 0 : i32
        %dma_wait3A_860 = arith.constant 0 : i32
        %dma_wait3A_861 = tpu.memref_slice %arg6[%dma_wait3A_850, %dma_wait3A_851, %dma_wait3A_859, %dma_wait3A_860] : memref<6x4x32x128xf32, #tpu.memory_space<vmem>> -> memref<1x1x32x128xf32, #tpu.memory_space<vmem>>
        %dma_wait3A_862 = tpu.memref_squeeze %dma_wait3A_861 : memref<1x1x32x128xf32, #tpu.memory_space<vmem>> -> memref<32x128xf32, #tpu.memory_space<vmem>>
        %dma_wait3A_863 = arith.constant 0 : i32
        %dma_wait3A_864 = arith.constant 0 : i32
        %dma_wait3A_865 = tpu.memref_slice %arg3[%dma_wait3A_863, %dma_wait3A_864] : memref<32x1000000xf32, #tpu.memory_space<hbm>> -> memref<32x128xf32, #tpu.memory_space<hbm>>
        tpu.wait_dma2 semaphore(%arg14 : memref<!tpu.dma_semaphore, #tpu.memory_space<semaphore_mem>>) src(%dma_wait3A_865 : memref<32x128xf32, #tpu.memory_space<hbm>>) dst(%dma_wait3A_862 : memref<32x128xf32, #tpu.memory_space<vmem>>)
        %dma_wait3A_866 = arith.constant 0 : i32
        %dma_wait3A_867 = arith.constant 2 : i32
        %dma_wait3A_868 = arith.constant 0 : i32
        %dma_wait3A_869 = arith.constant 0 : i32
        %dma_wait3A_870 = tpu.memref_slice %arg6[%dma_wait3A_866, %dma_wait3A_867, %dma_wait3A_868, %dma_wait3A_869] : memref<6x4x32x128xf32, #tpu.memory_space<vmem>> -> memref<1x1x32x128xf32, #tpu.memory_space<vmem>>
        %dma_wait3A_871 = tpu.memref_squeeze %dma_wait3A_870 : memref<1x1x32x128xf32, #tpu.memory_space<vmem>> -> memref<32x128xf32, #tpu.memory_space<vmem>>
        %dma_wait3A_872 = arith.constant 0 : i32
        %dma_wait3A_873 = arith.constant 0 : i32
        %dma_wait3A_874 = tpu.memref_slice %arg3[%dma_wait3A_872, %dma_wait3A_873] : memref<32x1000000xf32, #tpu.memory_space<hbm>> -> memref<32x128xf32, #tpu.memory_space<hbm>>
        %dma_wait3A_875 = arith.constant 0 : i32
        %dma_wait3A_876 = arith.constant 0 : i32
        %dma_wait3A_877 = tpu.memref_slice %arg6[%dma_wait3A_866, %dma_wait3A_867, %dma_wait3A_875, %dma_wait3A_876] : memref<6x4x32x128xf32, #tpu.memory_space<vmem>> -> memref<1x1x32x128xf32, #tpu.memory_space<vmem>>
        %dma_wait3A_878 = tpu.memref_squeeze %dma_wait3A_877 : memref<1x1x32x128xf32, #tpu.memory_space<vmem>> -> memref<32x128xf32, #tpu.memory_space<vmem>>
        %dma_wait3A_879 = arith.constant 0 : i32
        %dma_wait3A_880 = arith.constant 0 : i32
        %dma_wait3A_881 = tpu.memref_slice %arg3[%dma_wait3A_879, %dma_wait3A_880] : memref<32x1000000xf32, #tpu.memory_space<hbm>> -> memref<32x128xf32, #tpu.memory_space<hbm>>
        tpu.wait_dma2 semaphore(%arg14 : memref<!tpu.dma_semaphore, #tpu.memory_space<semaphore_mem>>) src(%dma_wait3A_881 : memref<32x128xf32, #tpu.memory_space<hbm>>) dst(%dma_wait3A_878 : memref<32x128xf32, #tpu.memory_space<vmem>>)
        %dma_wait3A_882 = arith.constant 0 : i32
        %dma_wait3A_883 = arith.constant 3 : i32
        %dma_wait3A_884 = arith.constant 0 : i32
        %dma_wait3A_885 = arith.constant 0 : i32
        %dma_wait3A_886 = tpu.memref_slice %arg6[%dma_wait3A_882, %dma_wait3A_883, %dma_wait3A_884, %dma_wait3A_885] : memref<6x4x32x128xf32, #tpu.memory_space<vmem>> -> memref<1x1x32x128xf32, #tpu.memory_space<vmem>>
        %dma_wait3A_887 = tpu.memref_squeeze %dma_wait3A_886 : memref<1x1x32x128xf32, #tpu.memory_space<vmem>> -> memref<32x128xf32, #tpu.memory_space<vmem>>
        %dma_wait3A_888 = arith.constant 0 : i32
        %dma_wait3A_889 = arith.constant 0 : i32
        %dma_wait3A_890 = tpu.memref_slice %arg3[%dma_wait3A_888, %dma_wait3A_889] : memref<32x1000000xf32, #tpu.memory_space<hbm>> -> memref<32x128xf32, #tpu.memory_space<hbm>>
        %dma_wait3A_891 = arith.constant 0 : i32
        %dma_wait3A_892 = arith.constant 0 : i32
        %dma_wait3A_893 = tpu.memref_slice %arg6[%dma_wait3A_882, %dma_wait3A_883, %dma_wait3A_891, %dma_wait3A_892] : memref<6x4x32x128xf32, #tpu.memory_space<vmem>> -> memref<1x1x32x128xf32, #tpu.memory_space<vmem>>
        %dma_wait3A_894 = tpu.memref_squeeze %dma_wait3A_893 : memref<1x1x32x128xf32, #tpu.memory_space<vmem>> -> memref<32x128xf32, #tpu.memory_space<vmem>>
        %dma_wait3A_895 = arith.constant 0 : i32
        %dma_wait3A_896 = arith.constant 0 : i32
        %dma_wait3A_897 = tpu.memref_slice %arg3[%dma_wait3A_895, %dma_wait3A_896] : memref<32x1000000xf32, #tpu.memory_space<hbm>> -> memref<32x128xf32, #tpu.memory_space<hbm>>
        tpu.wait_dma2 semaphore(%arg14 : memref<!tpu.dma_semaphore, #tpu.memory_space<semaphore_mem>>) src(%dma_wait3A_897 : memref<32x128xf32, #tpu.memory_space<hbm>>) dst(%dma_wait3A_894 : memref<32x128xf32, #tpu.memory_space<vmem>>)
        %mul3A_898 = arith.constant 4 : i32
        %mul3A_899 = arith.muli %add3A_700, %mul3A_898 : i32
        %get3A_900 = arith.index_cast %mul3A_899 : i32 to index
        %get3A_901 = tpu.vector_load %arg5[%get3A_900] {strides = array<i32>} : memref<528xi32, #tpu.memory_space<vmem>>, vector<16xi32>,
        %mul3A_902 = arith.constant 4 : i32
        %mul3A_903 = arith.muli %add3A_700, %mul3A_902 : i32
        %slice3A_904 = vector.extract_strided_slice %get3A_901 {offsets = [0], sizes = [1], strides = [1]} : vector<16xi32> to vector<1xi32>
        %squeeze3A_905 = vector.extract %slice3A_904[0] : i32 from vector<1xi32>
        %jit3A_906 = arith.constant 128 : i32
        %eq3A_907 = arith.constant 0 : i32
        %eq3A_908 = arith.cmpi eq, %jit3A_906, %eq3A_907 : i32
        %jit3A_909 = arith.constant 1 : i32
        %select_n3A_910 = arith.select %eq3A_908, %jit3A_909, %jit3A_906 : i32
        %rem3A_911 = arith.remsi %squeeze3A_905, %select_n3A_910 : i32
        %ne3A_912 = arith.constant 0 : i32
        %ne3A_913 = arith.cmpi ne, %rem3A_911, %ne3A_912 : i32
        %lt3A_914 = arith.constant 0 : i32
        %lt3A_915 = arith.cmpi slt, %rem3A_911, %lt3A_914 : i32
        %lt3A_916 = arith.constant 0 : i32
        %lt3A_917 = arith.cmpi slt, %select_n3A_910, %lt3A_916 : i32
        %ne3A_918 = arith.xori %lt3A_915, %lt3A_917 : i1
        %and3A_919 = arith.andi %ne3A_918, %ne3A_913 : i1
        %add3A_920 = arith.addi %rem3A_911, %select_n3A_910 : i32
        %select_n3A_921 = arith.select %and3A_919, %add3A_920, %rem3A_911 : i32
        %broadcast_in_dim3A = arith.constant 0 : i32
        %broadcast_in_dim3A_922 = vector.broadcast %broadcast_in_dim3A : i32 to vector<16xi32>
        %broadcast_in_dim3A_923 = arith.constant 5 : i32
        %broadcast_in_dim3A_924 = vector.broadcast %broadcast_in_dim3A_923 : i32 to vector<16xi32>
        %broadcast_in_dim3A_925 = vector.broadcast %select_n3A_921 : i32 to vector<16xi32>
        %add3A_926 = arith.constant 0 : i32
        %add3A_927 = arith.addi %mul3A_903, %add3A_926 : i32
        %broadcast_in_dim3A_928 = vector.broadcast %add3A_927 : i32 to vector<16xi32>
        %gather3A = tpu.vector_load_idx %arg6[%broadcast_in_dim3A_924, %broadcast_in_dim3A_922, %iota3A, %broadcast_in_dim3A_925] : memref<6x4x32x128xf32, #tpu.memory_space<vmem>>[vector<16xi32>, vector<16xi32>, vector<16xi32>, vector<16xi32>], vector<16xf32>,
        %add3A_929 = arith.constant 16 : i32
        %add3A_930 = vector.broadcast %add3A_929 : i32 to vector<16xi32>
        %add3A_931 = arith.addi %iota3A, %add3A_930 : vector<16xi32>
        %gather3A_932 = tpu.vector_load_idx %arg6[%broadcast_in_dim3A_924, %broadcast_in_dim3A_922, %add3A_931, %broadcast_in_dim3A_925] : memref<6x4x32x128xf32, #tpu.memory_space<vmem>>[vector<16xi32>, vector<16xi32>, vector<16xi32>, vector<16xi32>], vector<16xf32>,
        tpu.vector_store_idx %arg7[%iota3A, %broadcast_in_dim3A_928], %gather3A : memref<32x512xf32, #tpu.memory_space<vmem>>[vector<16xi32>, vector<16xi32>], vector<16xf32>,
        %add3A_933 = arith.constant 16 : i32
        %add3A_934 = vector.broadcast %add3A_933 : i32 to vector<16xi32>
        %add3A_935 = arith.addi %iota3A, %add3A_934 : vector<16xi32>
        tpu.vector_store_idx %arg7[%add3A_935, %broadcast_in_dim3A_928], %gather3A_932 : memref<32x512xf32, #tpu.memory_space<vmem>>[vector<16xi32>, vector<16xi32>], vector<16xf32>,
        %slice3A_936 = vector.extract_strided_slice %get3A_901 {offsets = [1], sizes = [1], strides = [1]} : vector<16xi32> to vector<1xi32>
        %squeeze3A_937 = vector.extract %slice3A_936[0] : i32 from vector<1xi32>
        %jit3A_938 = arith.constant 128 : i32
        %eq3A_939 = arith.constant 0 : i32
        %eq3A_940 = arith.cmpi eq, %jit3A_938, %eq3A_939 : i32
        %jit3A_941 = arith.constant 1 : i32
        %select_n3A_942 = arith.select %eq3A_940, %jit3A_941, %jit3A_938 : i32
        %rem3A_943 = arith.remsi %squeeze3A_937, %select_n3A_942 : i32
        %ne3A_944 = arith.constant 0 : i32
        %ne3A_945 = arith.cmpi ne, %rem3A_943, %ne3A_944 : i32
        %lt3A_946 = arith.constant 0 : i32
        %lt3A_947 = arith.cmpi slt, %rem3A_943, %lt3A_946 : i32
        %lt3A_948 = arith.constant 0 : i32
        %lt3A_949 = arith.cmpi slt, %select_n3A_942, %lt3A_948 : i32
        %ne3A_950 = arith.xori %lt3A_947, %lt3A_949 : i1
        %and3A_951 = arith.andi %ne3A_950, %ne3A_945 : i1
        %add3A_952 = arith.addi %rem3A_943, %select_n3A_942 : i32
        %select_n3A_953 = arith.select %and3A_951, %add3A_952, %rem3A_943 : i32
        %broadcast_in_dim3A_954 = arith.constant 1 : i32
        %broadcast_in_dim3A_955 = vector.broadcast %broadcast_in_dim3A_954 : i32 to vector<16xi32>
        %broadcast_in_dim3A_956 = arith.constant 5 : i32
        %broadcast_in_dim3A_957 = vector.broadcast %broadcast_in_dim3A_956 : i32 to vector<16xi32>
        %broadcast_in_dim3A_958 = vector.broadcast %select_n3A_953 : i32 to vector<16xi32>
        %add3A_959 = arith.constant 1 : i32
        %add3A_960 = arith.addi %mul3A_903, %add3A_959 : i32
        %broadcast_in_dim3A_961 = vector.broadcast %add3A_960 : i32 to vector<16xi32>
        %gather3A_962 = tpu.vector_load_idx %arg6[%broadcast_in_dim3A_957, %broadcast_in_dim3A_955, %iota3A, %broadcast_in_dim3A_958] : memref<6x4x32x128xf32, #tpu.memory_space<vmem>>[vector<16xi32>, vector<16xi32>, vector<16xi32>, vector<16xi32>], vector<16xf32>,
        %add3A_963 = arith.constant 16 : i32
        %add3A_964 = vector.broadcast %add3A_963 : i32 to vector<16xi32>
        %add3A_965 = arith.addi %iota3A, %add3A_964 : vector<16xi32>
        %gather3A_966 = tpu.vector_load_idx %arg6[%broadcast_in_dim3A_957, %broadcast_in_dim3A_955, %add3A_965, %broadcast_in_dim3A_958] : memref<6x4x32x128xf32, #tpu.memory_space<vmem>>[vector<16xi32>, vector<16xi32>, vector<16xi32>, vector<16xi32>], vector<16xf32>,
        tpu.vector_store_idx %arg7[%iota3A, %broadcast_in_dim3A_961], %gather3A_962 : memref<32x512xf32, #tpu.memory_space<vmem>>[vector<16xi32>, vector<16xi32>], vector<16xf32>,
        %add3A_967 = arith.constant 16 : i32
        %add3A_968 = vector.broadcast %add3A_967 : i32 to vector<16xi32>
        %add3A_969 = arith.addi %iota3A, %add3A_968 : vector<16xi32>
        tpu.vector_store_idx %arg7[%add3A_969, %broadcast_in_dim3A_961], %gather3A_966 : memref<32x512xf32, #tpu.memory_space<vmem>>[vector<16xi32>, vector<16xi32>], vector<16xf32>,
        %slice3A_970 = vector.extract_strided_slice %get3A_901 {offsets = [2], sizes = [1], strides = [1]} : vector<16xi32> to vector<1xi32>
        %squeeze3A_971 = vector.extract %slice3A_970[0] : i32 from vector<1xi32>
        %jit3A_972 = arith.constant 128 : i32
        %eq3A_973 = arith.constant 0 : i32
        %eq3A_974 = arith.cmpi eq, %jit3A_972, %eq3A_973 : i32
        %jit3A_975 = arith.constant 1 : i32
        %select_n3A_976 = arith.select %eq3A_974, %jit3A_975, %jit3A_972 : i32
        %rem3A_977 = arith.remsi %squeeze3A_971, %select_n3A_976 : i32
        %ne3A_978 = arith.constant 0 : i32
        %ne3A_979 = arith.cmpi ne, %rem3A_977, %ne3A_978 : i32
        %lt3A_980 = arith.constant 0 : i32
        %lt3A_981 = arith.cmpi slt, %rem3A_977, %lt3A_980 : i32
        %lt3A_982 = arith.constant 0 : i32
        %lt3A_983 = arith.cmpi slt, %select_n3A_976, %lt3A_982 : i32
        %ne3A_984 = arith.xori %lt3A_981, %lt3A_983 : i1
        %and3A_985 = arith.andi %ne3A_984, %ne3A_979 : i1
        %add3A_986 = arith.addi %rem3A_977, %select_n3A_976 : i32
        %select_n3A_987 = arith.select %and3A_985, %add3A_986, %rem3A_977 : i32
        %broadcast_in_dim3A_988 = arith.constant 2 : i32
        %broadcast_in_dim3A_989 = vector.broadcast %broadcast_in_dim3A_988 : i32 to vector<16xi32>
        %broadcast_in_dim3A_990 = arith.constant 5 : i32
        %broadcast_in_dim3A_991 = vector.broadcast %broadcast_in_dim3A_990 : i32 to vector<16xi32>
        %broadcast_in_dim3A_992 = vector.broadcast %select_n3A_987 : i32 to vector<16xi32>
        %add3A_993 = arith.constant 2 : i32
        %add3A_994 = arith.addi %mul3A_903, %add3A_993 : i32
        %broadcast_in_dim3A_995 = vector.broadcast %add3A_994 : i32 to vector<16xi32>
        %gather3A_996 = tpu.vector_load_idx %arg6[%broadcast_in_dim3A_991, %broadcast_in_dim3A_989, %iota3A, %broadcast_in_dim3A_992] : memref<6x4x32x128xf32, #tpu.memory_space<vmem>>[vector<16xi32>, vector<16xi32>, vector<16xi32>, vector<16xi32>], vector<16xf32>,
        %add3A_997 = arith.constant 16 : i32
        %add3A_998 = vector.broadcast %add3A_997 : i32 to vector<16xi32>
        %add3A_999 = arith.addi %iota3A, %add3A_998 : vector<16xi32>
        %gather3A_1000 = tpu.vector_load_idx %arg6[%broadcast_in_dim3A_991, %broadcast_in_dim3A_989, %add3A_999, %broadcast_in_dim3A_992] : memref<6x4x32x128xf32, #tpu.memory_space<vmem>>[vector<16xi32>, vector<16xi32>, vector<16xi32>, vector<16xi32>], vector<16xf32>,
        tpu.vector_store_idx %arg7[%iota3A, %broadcast_in_dim3A_995], %gather3A_996 : memref<32x512xf32, #tpu.memory_space<vmem>>[vector<16xi32>, vector<16xi32>], vector<16xf32>,
        %add3A_1001 = arith.constant 16 : i32
        %add3A_1002 = vector.broadcast %add3A_1001 : i32 to vector<16xi32>
        %add3A_1003 = arith.addi %iota3A, %add3A_1002 : vector<16xi32>
        tpu.vector_store_idx %arg7[%add3A_1003, %broadcast_in_dim3A_995], %gather3A_1000 : memref<32x512xf32, #tpu.memory_space<vmem>>[vector<16xi32>, vector<16xi32>], vector<16xf32>,
        %slice3A_1004 = vector.extract_strided_slice %get3A_901 {offsets = [3], sizes = [1], strides = [1]} : vector<16xi32> to vector<1xi32>
        %squeeze3A_1005 = vector.extract %slice3A_1004[0] : i32 from vector<1xi32>
        %jit3A_1006 = arith.constant 128 : i32
        %eq3A_1007 = arith.constant 0 : i32
        %eq3A_1008 = arith.cmpi eq, %jit3A_1006, %eq3A_1007 : i32
        %jit3A_1009 = arith.constant 1 : i32
        %select_n3A_1010 = arith.select %eq3A_1008, %jit3A_1009, %jit3A_1006 : i32
        %rem3A_1011 = arith.remsi %squeeze3A_1005, %select_n3A_1010 : i32
        %ne3A_1012 = arith.constant 0 : i32
        %ne3A_1013 = arith.cmpi ne, %rem3A_1011, %ne3A_1012 : i32
        %lt3A_1014 = arith.constant 0 : i32
        %lt3A_1015 = arith.cmpi slt, %rem3A_1011, %lt3A_1014 : i32
        %lt3A_1016 = arith.constant 0 : i32
        %lt3A_1017 = arith.cmpi slt, %select_n3A_1010, %lt3A_1016 : i32
        %ne3A_1018 = arith.xori %lt3A_1015, %lt3A_1017 : i1
        %and3A_1019 = arith.andi %ne3A_1018, %ne3A_1013 : i1
        %add3A_1020 = arith.addi %rem3A_1011, %select_n3A_1010 : i32
        %select_n3A_1021 = arith.select %and3A_1019, %add3A_1020, %rem3A_1011 : i32
        %broadcast_in_dim3A_1022 = arith.constant 3 : i32
        %broadcast_in_dim3A_1023 = vector.broadcast %broadcast_in_dim3A_1022 : i32 to vector<16xi32>
        %broadcast_in_dim3A_1024 = arith.constant 5 : i32
        %broadcast_in_dim3A_1025 = vector.broadcast %broadcast_in_dim3A_1024 : i32 to vector<16xi32>
        %broadcast_in_dim3A_1026 = vector.broadcast %select_n3A_1021 : i32 to vector<16xi32>
        %add3A_1027 = arith.constant 3 : i32
        %add3A_1028 = arith.addi %mul3A_903, %add3A_1027 : i32
        %broadcast_in_dim3A_1029 = vector.broadcast %add3A_1028 : i32 to vector<16xi32>
        %gather3A_1030 = tpu.vector_load_idx %arg6[%broadcast_in_dim3A_1025, %broadcast_in_dim3A_1023, %iota3A, %broadcast_in_dim3A_1026] : memref<6x4x32x128xf32, #tpu.memory_space<vmem>>[vector<16xi32>, vector<16xi32>, vector<16xi32>, vector<16xi32>], vector<16xf32>,
        %add3A_1031 = arith.constant 16 : i32
        %add3A_1032 = vector.broadcast %add3A_1031 : i32 to vector<16xi32>
        %add3A_1033 = arith.addi %iota3A, %add3A_1032 : vector<16xi32>
        %gather3A_1034 = tpu.vector_load_idx %arg6[%broadcast_in_dim3A_1025, %broadcast_in_dim3A_1023, %add3A_1033, %broadcast_in_dim3A_1026] : memref<6x4x32x128xf32, #tpu.memory_space<vmem>>[vector<16xi32>, vector<16xi32>, vector<16xi32>, vector<16xi32>], vector<16xf32>,
        tpu.vector_store_idx %arg7[%iota3A, %broadcast_in_dim3A_1029], %gather3A_1030 : memref<32x512xf32, #tpu.memory_space<vmem>>[vector<16xi32>, vector<16xi32>], vector<16xf32>,
        %add3A_1035 = arith.constant 16 : i32
        %add3A_1036 = vector.broadcast %add3A_1035 : i32 to vector<16xi32>
        %add3A_1037 = arith.addi %iota3A, %add3A_1036 : vector<16xi32>
        tpu.vector_store_idx %arg7[%add3A_1037, %broadcast_in_dim3A_1029], %gather3A_1034 : memref<32x512xf32, #tpu.memory_space<vmem>>[vector<16xi32>, vector<16xi32>], vector<16xf32>,
      } else {
      }
    }
    %scan3A_695 = arith.constant 128 : i32
    "tpu.region"() ({
      %run_scoped3A = tpu.sem_alloc : memref<!tpu.dma_semaphore, #tpu.memory_space<semaphore_mem>>
      %dma_start3A_696 = arith.constant 0 : i32
      %dma_start3A_697 = tpu.memref_slice %arg4[%dma_start3A_696, %multiple_of3A] : memref<32x16384xf32, #tpu.memory_space<hbm>> -> memref<32x512xf32, #tpu.memory_space<hbm>>
      %dma_start3A_698 = arith.constant 0 : i32
      %dma_start3A_699 = tpu.memref_slice %arg4[%dma_start3A_698, %multiple_of3A] : memref<32x16384xf32, #tpu.memory_space<hbm>> -> memref<32x512xf32, #tpu.memory_space<hbm>>
      tpu.enqueue_dma source(%arg7 : memref<32x512xf32, #tpu.memory_space<vmem>>) target(%dma_start3A_699 : memref<32x512xf32, #tpu.memory_space<hbm>>) target_semaphore(%run_scoped3A : memref<!tpu.dma_semaphore, #tpu.memory_space<semaphore_mem>>)
      %dma_wait3A_700 = arith.constant 0 : i32
      %dma_wait3A_701 = tpu.memref_slice %arg4[%dma_wait3A_700, %multiple_of3A] : memref<32x16384xf32, #tpu.memory_space<hbm>> -> memref<32x512xf32, #tpu.memory_space<hbm>>
      %dma_wait3A_702 = arith.constant 0 : i32
      %dma_wait3A_703 = tpu.memref_slice %arg4[%dma_wait3A_702, %multiple_of3A] : memref<32x16384xf32, #tpu.memory_space<hbm>> -> memref<32x512xf32, #tpu.memory_space<hbm>>
      tpu.wait_dma2 semaphore(%run_scoped3A : memref<!tpu.dma_semaphore, #tpu.memory_space<semaphore_mem>>) src(%arg7 : memref<32x512xf32, #tpu.memory_space<vmem>>) dst(%dma_wait3A_703 : memref<32x512xf32, #tpu.memory_space<hbm>>)
      tpu.yield
    }) : () -> ()
    return
  }
}

</mosaic_0001>

<sc_bundles>
// kernel: kernel.3.cloned.1.call-start
scs
__scs_entry_jumppad:
0x0: {  	(pc) =	sbr.rel $0x88, $3  }
0x1: {  	(tag) =	ssettag $0x0;
	lr =	simm.s32 $0x1  }
0x2: {  	[smem:$0x3F9F] =	sst lr;
	_ =	strace $0xD0000000  }
0x3: {  	_ = 	snop  }
0x4: {  	_ = 	snop  }
0x5: {  	_ = 	snop  }
0x6: {  	_ = 	snop  }
0x7: {  	_ = 	snop  }
__scs_overlays_trampoline_lowered:
0x8: {  	[smem:$0x3FAE] =	sst s0  }
0x9: {  	[smem:$0x3FAF] =	sst s1  }
0xa: {  	[smem:$0x3FB0] =	sst s2  }
0xb: {  	[smem:$0x3FB1] =	sst s3  }
0xc: {  	[smem:$0x3FB2] =	sst s4  }
0xd: {  	[smem:$0x3FB3] =	sst s5  }
0xe: {  	[smem:$0x3FB4] =	sst s6  }
0xf: {  	[smem:$0x3FB5] =	sst s7  }
0x10: {  	[smem:$0x3FB6] =	sst s8  }
0x11: {  	[smem:$0x3FB7] =	sst s9;
	s0 =	simm.s32 @!p0 $0x0  }
0x12: {  	s1 =	sld [smem:$0x3F9D];
	s0 =	simm.s32 @p0 $0x1  }
0x13: {  	[smem:$0x3FB8] =	sst s0;
	s0 =	simm.s32 @!p1 $0x0  }
0x14: {  	s2 =	sld [smem:$0x3F9C];
	s0 =	simm.s32 @p1 $0x1  }
0x15: {  	[smem:$0x3FB9] =	sst s0;
	s0 =	simm.s32 @!p2 $0x0  }
0x16: {  	s3 =	sld [smem:$0x3FDB];
	s0 =	simm.s32 @p2 $0x1  }
0x17: {  	s4 =	simm.s32 $0x1BF5;
	[smem:$0x3FBB] =	sst s0  }
0x18: {  	s0 =	sld [smem:$0x3F9E];
	_ =	swait.ge [sflag:s4], $0x0  }
0x19: {  	s7 =	sld [smem:$0x3F9F]  }
0x1a: {  	s8 =	sadd.s32 $0xFFFFE003, lr  }
0x1b: {  	s9 =	sadd.s32 $0xFFFFFEF7, lr;
	s5 =	simm.s32 $0xFFFFFFFF;
	p2 =	slt.u32 s8, $0xFFFFF086  }
0x1c: {  	p1 =	slt.u32 s9, $0xF7A;
	s5 =	simm.s32 @!p2 $0x0  }
0x1d: {  	s5 =	simm.s32 @p1 $0x1;
	p0 =	seq.s32 s7, s2  }
0x1e: {  	s7 =	smul.u32 @!p0 $0xF7A, s2;
	p2 =	seq.s32 @!p0 s5, $0x0  }
0x1f: {  	s9 =	smul.u32 $0xF7A, s1;
	s8 =	simm.s32 @!p0 $0x1BF5;
	p2 =	por !p2, p0  }
0x20: {  	[sflag:s8] =	ssyncset.s32 @!p0 $0xFFFFF086;
	s6 =	sadd.s32 @!p0 s3, s7;
	s7 =	simm.s32 @!p0 $0x108  }
0x21: {  	s3 =	sadd.s32 s3, s9;
	s6 =	sadd.s32 @!p0 $0x88, s6;
	s7 =	simm.s32 @p2 $0x1082  }
0x22: {  	[simem:s7], [sflag:s8] =	dma.local @!p0 [hbm:s6], $0xF7A  }
0x23: {  	s9 =	sor.u32 $0xD0000000, s2;
	s6 =	simm.s32 $0x108;
	_ =	swait.ge @!p0 [sflag:s8], $0x0  }
0x24: {  	s3 =	sadd.s32 $0x88, s3;
	s6 =	simm.s32 @!p1 $0x1082;
	[sflag:s4] =	ssyncset.s32 $0xFFFFF086  }
0x25: {  	[simem:s6], [sflag:s4] =	dma.local [hbm:s3], $0xF7A  }
0x26: {  	[smem:$0x3F9F] =	sst s1;
	(tag) =	ssettag s2;
	_ =	strace s9  }
0x27: {  	s1 =	sld [smem:$0x3FAF]  }
0x28: {  	s2 =	sld [smem:$0x3FB0]  }
0x29: {  	s4 =	sld [smem:$0x3FB2]  }
0x2a: {  	p0 =	seq.s32 s5, $0x0;
	s5 =	sld [smem:$0x3FB3]  }
0x2b: {  	s6 =	sld [smem:$0x3FB4]  }
0x2c: {  	s7 =	sld [smem:$0x3FB5]  }
0x2d: {  	s3 =	simm.s32 $0x108;
	s8 =	sld [smem:$0x3FB6]  }
0x2e: {  	s3 =	simm.s32 @!p0 $0x1082;
	s9 =	sld [smem:$0x3FB7]  }
0x2f: {  	lr =	sadd.s32 s0, s3;
	s0 =	sld [smem:$0x3FAE]  }
0x30: {  	s3 =	sld [smem:$0x3FB1]  }
0x31: {  	[smem:$0x3FBA] =	sst s10  }
0x32: {  	s10 =	sld [smem:$0x3FB8];
	_ =	sdelay $0x3  }
0x33: {  	p0 =	seq.s32 s10, $0x1;
	s10 =	sld [smem:$0x3FBA];
	_ =	sdelay $0x3  }
0x34: {  	[smem:$0x3FBA] =	sst s10  }
0x35: {  	s10 =	sld [smem:$0x3FB9];
	_ =	sdelay $0x3  }
0x36: {  	p1 =	seq.s32 s10, $0x1;
	s10 =	sld [smem:$0x3FBA];
	_ =	sdelay $0x3  }
0x37: {  	[smem:$0x3FBA] =	sst s10  }
0x38: {  	s10 =	sld [smem:$0x3FBB]  }
0x39: {  	_ = 	snop;
	(pc) =	sbr.ind lr, $3  }
0x3a: {  	_ = 	snop  }
0x3b: {  	_ = 	snop  }
0x3c: {  	p2 =	seq.s32 s10, $0x1;
	s10 =	sld [smem:$0x3FBA]  }
0x3d: {  	_ =	shalt  }
0x3e: {  	_ =	shalt  }
0x3f: {  	_ =	shalt  }
0x40: {  	_ =	shalt  }
0x41: {  	_ =	shalt  }
0x42: {  	_ =	shalt  }
0x43: {  	_ =	shalt  }
0x44: {  	_ =	shalt  }
0x45: {  	_ =	shalt  }
0x46: {  	_ =	shalt  }
0x47: {  	_ =	shalt  }
0x48: {  	_ =	shalt  }
0x49: {  	_ =	shalt  }
0x4a: {  	_ =	shalt  }
0x4b: {  	_ =	shalt  }
0x4c: {  	_ =	shalt  }
0x4d: {  	_ =	shalt  }
0x4e: {  	_ =	shalt  }
0x4f: {  	_ =	shalt  }
0x50: {  	_ =	shalt  }
0x51: {  	_ =	shalt  }
0x52: {  	_ =	shalt  }
0x53: {  	_ =	shalt  }
0x54: {  	_ =	shalt  }
0x55: {  	_ =	shalt  }
0x56: {  	_ =	shalt  }
0x57: {  	_ =	shalt  }
0x58: {  	_ =	shalt  }
0x59: {  	_ =	shalt  }
0x5a: {  	_ =	shalt  }
0x5b: {  	_ =	shalt  }
0x5c: {  	_ =	shalt  }
0x5d: {  	_ =	shalt  }
0x5e: {  	_ =	shalt  }
0x5f: {  	_ =	shalt  }
0x60: {  	_ =	shalt  }
0x61: {  	_ =	shalt  }
0x62: {  	_ =	shalt  }
0x63: {  	_ =	shalt  }
0x64: {  	_ =	shalt  }
0x65: {  	_ =	shalt  }
0x66: {  	_ =	shalt  }
0x67: {  	_ =	shalt  }
0x68: {  	_ =	shalt  }
0x69: {  	_ =	shalt  }
0x6a: {  	_ =	shalt  }
0x6b: {  	_ =	shalt  }
0x6c: {  	_ =	shalt  }
0x6d: {  	_ =	shalt  }
0x6e: {  	_ =	shalt  }
0x6f: {  	_ =	shalt  }
0x70: {  	_ =	shalt  }
0x71: {  	_ =	shalt  }
0x72: {  	_ =	shalt  }
0x73: {  	_ =	shalt  }
0x74: {  	_ =	shalt  }
0x75: {  	_ =	shalt  }
0x76: {  	_ =	shalt  }
0x77: {  	_ =	shalt  }
0x78: {  	_ =	shalt  }
0x79: {  	_ =	shalt  }
0x7a: {  	_ =	shalt  }
0x7b: {  	_ =	shalt  }
0x7c: {  	_ =	shalt  }
0x7d: {  	_ =	shalt  }
0x7e: {  	_ =	shalt  }
0x7f: {  	_ =	shalt  }
0x80: {  	_ =	shalt  }
0x81: {  	_ =	shalt  }
0x82: {  	_ =	shalt  }
0x83: {  	_ =	shalt  }
0x84: {  	_ =	shalt  }
0x85: {  	_ =	shalt  }
0x86: {  	_ =	shalt  }
0x87: {  	_ =	shalt  }
.Lfunc_end0:
.L_simem_size_0:
called_computation_lowered:
.L_overlay_start_0:
0x88: {  	s2 =	sld [smem:$0x3FD9]  }
0x89: {  	s3 =	sld [smem:$0x3FFE];
	_ =	sdelay $0x1  }
0x8a: {  	s1 =	srdreg.scid  }
0x8b: {  	s0 =	sand.u32 $0x1, s1  }
0x8c: {  	s18 =	sshll.u32 s0, $0xA;
	s2 =	sadd.s32 s3, s2  }
0x8d: {  	s2 =	sadd.s32 s2, s18  }
0x8e: {  	[smem:$0x3FC6] =	sst s2  }
0x8f: {  	_ = 	snop  }
0x90: {  	s2 =	sld [smem:$0x3FC9]  }
0x91: {  	s19 =	sld [smem:$0x3FC8]  }
0x92: {  	s4 =	sld [smem:$0x3FD0];
	(tm) =	ssettm $0x1  }
0x93: {  	s5 =	sld [smem:$0x3FFB];
	_ =	sdelay $0x3  }
0x94: {  	_ =	strace s5  }
0x95: {  	s5 =	sld [smem:$0x3FFC];
	_ =	sdelay $0x3  }
0x96: {  	_ =	strace s5  }
0x97: {  	s5 =	sld [smem:$0x3FFD];
	_ =	sdelay $0x3  }
0x98: {  	_ =	strace s5  }
0x99: {  	_ =	strace $0x8FFFFFFF  }
0x9a: {  	s20 =	sld [smem:$0x3FDB];
	_ =	sdelay $0x1  }
0x9b: {  	s6 =	simm.s32 $_scs_section_size  }
0x9c: {  	s7 =	simm.s32 $_size__tile_overlayer_lowered;
	s8 =	simm.s32 $_tile_overlayer_lowered  }
0x9d: {  	s23 =	simm.s32 $0x1BFF;
	s22 =	sshll.u32 s8, $0x1;
	s5 =	sadd.s32 s6, s20  }
0x9e: {  	s9 =	simm.s32 $0x0;
	s21 =	sshll.u32 s7, $0x1;
	s7 =	sadd.s32 s22, s5  }
0x9f: {  	[timem:s9], [sflag:s23] =	dma.local [hbm:s7], s21  }
0xa0: {  	_ =	swait.ge [sflag:s23], s21  }
0xa1: {  	s6 =	ssub.s32 $0x0, s21;
	[sflag:s23] =	ssyncset.done $0x0  }
0xa2: {  	[sflag:s23] =	ssyncadd.s32 s6;
	_ =	sdelay $0x1  }
0xa3: {  	s24 =	simm.s32 $0x1B8B  }
0xa4: {  	_ =	swait.ge [sflag:s24], $0x1  }
0xa5: {  	[sflag:s24] =	ssyncset.done $0x0  }
0xa6: {  	s25 =	simm.s32 $0x1B8E;
	[sflag:s24] =	ssyncadd.s32 $0xFFFFFFFF  }
0xa7: {  	s26 =	simm.s32 $execute0_lowered;
	[smem:$0x3FD2] =	sst s25  }
0xa8: {  	s6 =	sshll.u32 s26, $0x1;
	_ =	strace $0x80000046;
	[dreg:$0x1] =	wrdreg $0xFFFFFFFF  }
0xa9: {  	s28 =	simm.s32 $_size_execute0_lowered;
	s5 =	sadd.s32 s5, s6;
	[dreg:$0x0] =	wrdreg $0x0  }
0xaa: {  	s6 =	sshll.u32 s28, $0x1;
	[dreg:$0x2] =	wrdreg s5  }
0xab: {  	[dreg:$0x3] =	wrdreg s6  }
0xac: {  	[dreg:$0x4] =	wrdreg $0xC0  }
0xad: {  	_ =	task [dreg:s9], $0x5FFFF  }
0xae: {  	[dreg:$0x1] =	wrdreg $0xFFFFFFFF  }
0xaf: {  	[dreg:$0x0] =	wrdreg $0x60  }
0xb0: {  	[dreg:$0x2] =	wrdreg s2  }
0xb1: {  	[dreg:$0x3] =	wrdreg s19  }
0xb2: {  	[dreg:$0x4] =	wrdreg s4  }
0xb3: {  	[dreg:$0x5] =	wrdreg $0x9  }
0xb4: {  	_ =	task.clear_ibuf [dreg:s9], $0x6FFFF;
	_ =	strace $0x90000046  }
0xb5: {  	s29 =	simm.s32 $0x9;
	_ =	strace $0x80000048  }
0xb6: {  	_ =	swait.ge [sflag:s29], $0x1  }
0xb7: {  	[sflag:s29] =	ssyncadd.s32 $0xFFFFFFFF  }
0xb8: {  	_ =	strace $0x90000048  }
0xb9: {  	_ =	sfence  }
0xba: {  	s30 =	sld [smem:$0x0];
	_ =	sdelay $0x2  }
0xbb: {  	s31 =	sshll.u32 s1, $0xD;
	s1 =	sshrl.u32 s1, $0x2  }
0xbc: {  	s3 =	sand.u32 $0x4000, s31;
	s1 =	sadd.s32 s1, s30  }
0xbd: {  	s0 =	sor.u32 s3, s0;
	s1 =	sshll.u32 s1, $0x11  }
0xbe: {  	s0 =	sor.u32 s1, s0  }
0xbf: {  	s0 =	sadd.s32 $0x8F2B, s0  }
0xc0: {  	[sflag:s0] =	ssyncadd.remote.s32 $0x1  }
0xc1: {  	_ =	sfence.sel $0xFFFF  }
0xc2: {  	[dreg:$0x0] =	wrdreg $0xFFFFFFFF;
	(pc) =	sbr.abs _section_cstart, $3  }
0xc3: {  	[dreg:$0x1] =	wrdreg $0xFFFFFFFF  }
0xc4: {  	_ =	task.clear_ibuf [dreg:s9], $0x2FFFF;
	_ =	strace $0x9FFFFFFF  }
0xc5: {  	(tm) =	ssettm $0x7FFFFFFF  }
tec
execute0_lowered:
.L_overlay_start_1:
0x0: {  	(tag) =	ssettag $0x1  }
0x1: {  	v0 =	vlaneseq.u32  }
0x2: {  	v7 =	vimm.s32 $0x1380;
	vm0 =	vcmask $0x300;
	vm1 =	vcmask $0x704  }
0x3: {  	v8 =	vimm.s32 $0x3380;
	vm2 =	vcmask $0xB08;
	vm4 =	vcmask $0xF0C  }
0x4: {  	vm5 =	vcmask $0x1310;
	vm6 =	vcmask $0x1714;
	vm7 =	vcmask $0x1B18  }
0x5: {  	vm8 =	vcmask $0x1F1C;
	vm9 =	vcmask $0x2320;
	vm10 =	vcmask $0x2724  }
0x6: {  	vm11 =	vcmask $0x2B28;
	vm12 =	vcmask $0x2F2C;
	vm13 =	vcmask $0x3330  }
0x7: {  	vm14 =	vcmask $0x3734;
	v0 =	vmul.u32 $0x80, v0;
	v7 =	vsel vm0, $0x0, v7  }
0x8: {  	vm15 =	vcmask $0x3B38;
	v8 =	vsel vm0, $0x2000, v8;
	v7 =	vsel vm1, $0x80, v7  }
0x9: {  	s1 =	rddreg [dreg:$0x0];
	v8 =	vsel vm1, $0x2080, v8;
	v1 =	vor.u32 $0x3800, v0;
	v7 =	vsel vm2, $0x100, v7  }
0xa: {  	s0 =	rddreg [dreg:$0x1];
	s2 =	srdreg.scid;
	v2 =	vor.u32 $0x3000, v0;
	v8 =	vsel vm2, $0x2100, v8;
	v7 =	vsel vm4, $0x180, v7  }
0xb: {  	s3 =	rddreg [dreg:$0x2];
	s4 =	stileid.u32;
	s6 =	simm.s32 $0x0;
	v3 =	vor.u32 $0x2800, v0;
	v8 =	vsel vm4, $0x2180, v8;
	v7 =	vsel vm5, $0x200, v7  }
0xc: {  	s7 =	simm.s32 $0x400;
	s8 =	simm.s32 $0x1;
	s9 =	simm.s32 $0x7A1400;
	v4 =	vor.u32 $0x2000, v0;
	v8 =	vsel vm5, $0x2200, v8;
	v7 =	vsel vm6, $0x280, v7  }
0xd: {  	s10 =	simm.s32 $0x280;
	s20 =	simm.s32 $0xA280;
	s21 =	simm.s32 $0xB280;
	v5 =	vor.u32 $0x1800, v0;
	v8 =	vsel vm6, $0x2280, v8;
	v7 =	vsel vm7, $0x300, v7  }
0xe: {  	s22 =	simm.s32 $0xC280;
	s23 =	simm.s32 $0xD280;
	s24 =	simm.s32 $0xE280;
	v6 =	vor.u32 $0x1000, v0;
	v8 =	vsel vm7, $0x2300, v8;
	v7 =	vsel vm8, $0x380, v7  }
0xf: {  	s28 =	simm.s32 $0x11280;
	s29 =	simm.s32 $0x12280;
	s30 =	simm.s32 $0x13280;
	v11 =	vor.u32 $0xF000, v0;
	v8 =	vsel vm8, $0x2380, v8;
	v7 =	vsel vm9, $0x1000, v7  }
0x10: {  	s31 =	simm.s32 $0x18280;
	s11 =	simm.s32 $0x0;
	s2 =	sand.u32 $0x1, s2;
	v12 =	vor.u32 $0xE800, v0;
	v8 =	vsel vm9, $0x3000, v8;
	v7 =	vsel vm10, $0x1080, v7  }
0x11: {  	s4 =	sshll.u32 s4, $0xA;
	[smem:$0x7FF] =	sst s6;
	s5 =	sshll.u32 s2, $0x9;
	v13 =	vor.u32 $0xE000, v0;
	v8 =	vsel vm10, $0x3080, v8;
	v7 =	vsel vm11, $0x1100, v7  }
.Ltmp0:
0x12: {  	s2 =	ssub.s32 $0x2, s2;
	s5 =	sor.u32 s5, s4;
	v14 =	vor.u32 $0xD800, v0;
	v8 =	vsel vm11, $0x3100, v8;
	v7 =	vsel vm12, $0x1180, v7;
	(pc) =	sbr.rel .LBB2_1-.Ltmp0, $4  }
0x13: {  	_ =	strace $0x80000047;
	s25 =	sshrl.u32 s2, $0x1;
	v15 =	vor.u32 $0xD000, v0;
	s26 =	sshrl.u32 s5, $0x3;
	v8 =	vsel vm12, $0x3180, v8;
	v7 =	vsel vm13, $0x1200, v7  }
0x14: {  	v16 =	vor.u32 $0xC800, v0;
	s2 =	ssub.s32 s2, s25;
	s5 =	sadd.s32 s3, s5;
	s25 =	simm.s32 $0xF280;
	v10 =	vsel vm13, $0x3200, v8;
	v9 =	vsel vm14, $0x1280, v7  }
0x15: {  	v17 =	vor.u32 $0xC000, v0;
	s3 =	simm.s32 $0x8;
	s4 =	sadd.s32 s1, s26;
	s6 =	smax.u32 s2, $0x1;
	v8 =	vsel vm15, $0x1300, v9;
	v9 =	vsel vm14, $0x3280, v10  }
0x16: {  	s26 =	simm.s32 $0x10280;
	s2 =	simm.s32 $0x1000;
	s1 =	simm.s32 $0x20000;
	v7 =	vor.u32 $0x800, v0;
	v10 =	vor.u32 $0xF800, v0;
	v9 =	vsel vm15, $0x3300, v9  }
.LBB2_10:
0x17: {  	s11 =	sadd.s32 $0x1, s11  }
0x18: {  	p0 =	sne.s32 s11, s6  }
.Ltmp1:
0x19: {  	_ = 	snop;
	(pc) =	sbr.rel @!p0 .LBB2_11-.Ltmp1, $4  }
0x1a: {  	[hbm4b:s5+s2] =	stream.strided.scatter [tilespmem:s31], [sflag:$0x8], $0x4000, s1, s2, $0x38;
	[tilespmem:$0x1C280] =	vst v63  }
0x1b: {  	_ =	swait.ge [sflag:s3], $0x4000  }
0x1c: {  	[sflag:s3] =	ssyncset.done $0x0  }
0x1d: {  	[sflag:s3] =	ssyncadd.s32 $0xFFFFC000  }
.LBB2_1:
0x1e: {  	s12 =	simm.s32 $0x0  }
0x1f: {  	[tilespmem:s12], [sflag:$0x1] =	stream.linear.gather [hbm4b:s4+s12], $0x200, $0x38;
	[tilespmem:$0x1C280] =	vst v63  }
0x20: {  	_ =	swait.ge [sflag:s8], $0x200  }
0x21: {  	[sflag:s8] =	ssyncset.done $0x0  }
0x22: {  	[sflag:s8] =	ssyncadd.s32 $0xFFFFFE00  }
0x23: {  	v18 =	vld [tilespmem:$0x0];
	_ =	sdelay $0x4  }
0x24: {  	(v2sf) =	vpush v18, $0x0;
	_ =	sdelay $0x1  }
0x25: {  	(v2sf) =	vpush v18, $0x1;
	_ =	sdelay $0x2  }
0x26: {  	(v2sf) =	vpush v18, $0x2;
	_ =	sdelay $0x2  }
0x27: {  	(v2sf) =	vpush v18, $0x3;
	_ =	sdelay $0x6  }
0x28: {  	s16 =	spop (v2sf)  }
0x29: {  	s12 =	sand.u32 $0xFFFFF80, s16  }
0x2a: {  	s17 =	spop (v2sf);
	s12 =	sadd.s32 s0, s12  }
0x2b: {  	[tilespmem:s10], [sflag:$0x2] =	stream.strided.gather [hbm4b:s12+s7], $0x1000, s9, s7, $0x38;
	[tilespmem:$0x1C280] =	vst v63  }
0x2c: {  	s12 =	sand.u32 $0xFFFFF80, s17  }
0x2d: {  	s13 =	simm.s32 $0x1280;
	s18 =	spop (v2sf);
	s12 =	sadd.s32 s0, s12  }
0x2e: {  	[tilespmem:s13], [sflag:$0x2] =	stream.strided.gather [hbm4b:s12+s7], $0x1000, s9, s7, $0x38;
	[tilespmem:$0x1C280] =	vst v63  }
0x2f: {  	s12 =	sand.u32 $0xFFFFF80, s18  }
0x30: {  	s19 =	simm.s32 $0x2280;
	s14 =	spop (v2sf);
	s12 =	sadd.s32 s0, s12  }
0x31: {  	[tilespmem:s19], [sflag:$0x2] =	stream.strided.gather [hbm4b:s12+s7], $0x1000, s9, s7, $0x38;
	[tilespmem:$0x1C280] =	vst v63  }
0x32: {  	s12 =	sand.u32 $0xFFFFF80, s14  }
0x33: {  	s15 =	simm.s32 $0x3280;
	s12 =	sadd.s32 s0, s12  }
0x34: {  	[tilespmem:s15], [sflag:$0x2] =	stream.strided.gather [hbm4b:s12+s7], $0x1000, s9, s7, $0x38;
	[tilespmem:$0x1C280] =	vst v63  }
0x35: {  	v18 =	vld [tilespmem:$0x4];
	_ =	sdelay $0x4  }
0x36: {  	(v2sf) =	vpush v18, $0x0;
	_ =	sdelay $0x1  }
0x37: {  	(v2sf) =	vpush v18, $0x1;
	_ =	sdelay $0x2  }
0x38: {  	(v2sf) =	vpush v18, $0x2;
	_ =	sdelay $0x2  }
0x39: {  	(v2sf) =	vpush v18, $0x3;
	_ =	sdelay $0x6  }
0x3a: {  	s16 =	spop (v2sf)  }
0x3b: {  	s12 =	sand.u32 $0xFFFFF80, s16  }
0x3c: {  	s17 =	simm.s32 $0x4280;
	s18 =	spop (v2sf);
	s12 =	sadd.s32 s0, s12  }
0x3d: {  	[tilespmem:s17], [sflag:$0x3] =	stream.strided.gather [hbm4b:s12+s7], $0x1000, s9, s7, $0x38;
	[tilespmem:$0x1C280] =	vst v63  }
0x3e: {  	s12 =	sand.u32 $0xFFFFF80, s18  }
0x3f: {  	s19 =	simm.s32 $0x5280;
	s14 =	spop (v2sf);
	s12 =	sadd.s32 s0, s12  }
0x40: {  	[tilespmem:s19], [sflag:$0x3] =	stream.strided.gather [hbm4b:s12+s7], $0x1000, s9, s7, $0x38;
	[tilespmem:$0x1C280] =	vst v63  }
0x41: {  	s12 =	sand.u32 $0xFFFFF80, s14  }
0x42: {  	s15 =	simm.s32 $0x6280;
	s16 =	spop (v2sf);
	s12 =	sadd.s32 s0, s12  }
0x43: {  	[tilespmem:s15], [sflag:$0x3] =	stream.strided.gather [hbm4b:s12+s7], $0x1000, s9, s7, $0x38;
	[tilespmem:$0x1C280] =	vst v63  }
0x44: {  	s12 =	sand.u32 $0xFFFFF80, s16  }
0x45: {  	s17 =	simm.s32 $0x7280;
	s12 =	sadd.s32 s0, s12  }
0x46: {  	[tilespmem:s17], [sflag:$0x3] =	stream.strided.gather [hbm4b:s12+s7], $0x1000, s9, s7, $0x38;
	[tilespmem:$0x1C280] =	vst v63  }
0x47: {  	v18 =	vld [tilespmem:$0x8];
	_ =	sdelay $0x4  }
0x48: {  	(v2sf) =	vpush v18, $0x0;
	_ =	sdelay $0x1  }
0x49: {  	(v2sf) =	vpush v18, $0x1;
	_ =	sdelay $0x2  }
0x4a: {  	(v2sf) =	vpush v18, $0x2;
	_ =	sdelay $0x2  }
0x4b: {  	(v2sf) =	vpush v18, $0x3;
	_ =	sdelay $0x6  }
0x4c: {  	s18 =	spop (v2sf)  }
0x4d: {  	s12 =	sand.u32 $0xFFFFF80, s18  }
0x4e: {  	s19 =	simm.s32 $0x8280;
	s13 =	spop (v2sf);
	s12 =	sadd.s32 s0, s12  }
0x4f: {  	[tilespmem:s19], [sflag:$0x4] =	stream.strided.gather [hbm4b:s12+s7], $0x1000, s9, s7, $0x38;
	[tilespmem:$0x1C280] =	vst v63  }
0x50: {  	s12 =	sand.u32 $0xFFFFF80, s13  }
0x51: {  	s14 =	simm.s32 $0x9280;
	s15 =	spop (v2sf);
	s12 =	sadd.s32 s0, s12  }
0x52: {  	[tilespmem:s14], [sflag:$0x4] =	stream.strided.gather [hbm4b:s12+s7], $0x1000, s9, s7, $0x38;
	[tilespmem:$0x1C280] =	vst v63  }
0x53: {  	s12 =	sand.u32 $0xFFFFF80, s15  }
0x54: {  	s16 =	spop (v2sf);
	s12 =	sadd.s32 s0, s12  }
0x55: {  	[tilespmem:s20], [sflag:$0x4] =	stream.strided.gather [hbm4b:s12+s7], $0x1000, s9, s7, $0x38;
	[tilespmem:$0x1C280] =	vst v63  }
0x56: {  	s12 =	sand.u32 $0xFFFFF80, s16  }
0x57: {  	s12 =	sadd.s32 s0, s12  }
0x58: {  	[tilespmem:s21], [sflag:$0x4] =	stream.strided.gather [hbm4b:s12+s7], $0x1000, s9, s7, $0x38;
	[tilespmem:$0x1C280] =	vst v63  }
0x59: {  	v18 =	vld [tilespmem:$0xC];
	_ =	sdelay $0x4  }
0x5a: {  	(v2sf) =	vpush v18, $0x0;
	_ =	sdelay $0x1  }
0x5b: {  	(v2sf) =	vpush v18, $0x1;
	_ =	sdelay $0x2  }
0x5c: {  	(v2sf) =	vpush v18, $0x2;
	_ =	sdelay $0x2  }
0x5d: {  	(v2sf) =	vpush v18, $0x3;
	_ =	sdelay $0x6  }
0x5e: {  	s17 =	spop (v2sf)  }
0x5f: {  	s12 =	sand.u32 $0xFFFFF80, s17  }
0x60: {  	s18 =	spop (v2sf);
	s12 =	sadd.s32 s0, s12  }
0x61: {  	[tilespmem:s22], [sflag:$0x5] =	stream.strided.gather [hbm4b:s12+s7], $0x1000, s9, s7, $0x38;
	[tilespmem:$0x1C280] =	vst v63  }
0x62: {  	s12 =	sand.u32 $0xFFFFF80, s18  }
0x63: {  	s19 =	spop (v2sf);
	s12 =	sadd.s32 s0, s12  }
0x64: {  	[tilespmem:s23], [sflag:$0x5] =	stream.strided.gather [hbm4b:s12+s7], $0x1000, s9, s7, $0x38;
	[tilespmem:$0x1C280] =	vst v63  }
0x65: {  	s12 =	sand.u32 $0xFFFFF80, s19  }
0x66: {  	s13 =	spop (v2sf);
	s12 =	sadd.s32 s0, s12  }
0x67: {  	[tilespmem:s24], [sflag:$0x5] =	stream.strided.gather [hbm4b:s12+s7], $0x1000, s9, s7, $0x38;
	[tilespmem:$0x1C280] =	vst v63  }
0x68: {  	s12 =	sand.u32 $0xFFFFF80, s13  }
0x69: {  	s12 =	sadd.s32 s0, s12  }
0x6a: {  	[tilespmem:s25], [sflag:$0x5] =	stream.strided.gather [hbm4b:s12+s7], $0x1000, s9, s7, $0x38;
	[tilespmem:$0x1C280] =	vst v63  }
0x6b: {  	v18 =	vld [tilespmem:$0x10];
	_ =	sdelay $0x4  }
0x6c: {  	(v2sf) =	vpush v18, $0x0  }
0x6d: {  	(v2sf) =	vpush v18, $0x1  }
0x6e: {  	(v2sf) =	vpush v18, $0x2;
	_ =	sdelay $0x5  }
0x6f: {  	(v2sf) =	vpush v18, $0x3;
	_ =	sdelay $0x6  }
0x70: {  	s14 =	spop (v2sf)  }
0x71: {  	s12 =	sand.u32 $0xFFFFF80, s14;
	s15 =	spop (v2sf)  }
0x72: {  	s12 =	sadd.s32 s0, s12;
	s16 =	sand.u32 $0xFFFFF80, s15;
	s17 =	spop (v2sf)  }
0x73: {  	[tilespmem:s26], [sflag:$0x6] =	stream.strided.gather [hbm4b:s12+s7], $0x1000, s9, s7, $0x38;
	[tilespmem:$0x1C280] =	vst v63  }
0x74: {  	s12 =	sadd.s32 s0, s16;
	s18 =	sand.u32 $0xFFFFF80, s17  }
0x75: {  	[tilespmem:s28], [sflag:$0x6] =	stream.strided.gather [hbm4b:s12+s7], $0x1000, s9, s7, $0x38;
	[tilespmem:$0x1C280] =	vst v63  }
0x76: {  	s12 =	sadd.s32 s0, s18  }
0x77: {  	[tilespmem:s29], [sflag:$0x6] =	stream.strided.gather [hbm4b:s12+s7], $0x1000, s9, s7, $0x38;
	[tilespmem:$0x1C280] =	vst v63  }
.Ltmp2:
0x78: {  	s19 =	spop (v2sf);
	(pc) =	sbr.rel .LBB2_2-.Ltmp2, $4  }
0x79: {  	s12 =	sand.u32 $0xFFFFF80, s19  }
0x7a: {  	s12 =	sadd.s32 s0, s12  }
0x7b: {  	[tilespmem:s30], [sflag:$0x6] =	stream.strided.gather [hbm4b:s12+s7], $0x1000, s9, s7, $0x38;
	[tilespmem:$0x1C280] =	vst v63  }
0x7c: {  	s13 =	simm.s32 $0x14;
	s14 =	simm.s32 $0x0;
	s12 =	simm.s32 $0x3  }
.LBB2_8:
0x7d: {  	p0 =	sgt.u32 s14, $0x7A  }
0x7e: {  	v18 =	vld @!p0 [tilespmem:s13+$0x0];
	_ =	sdelay $0x4  }
0x7f: {  	(v2sf) =	vpush @!p0 v18, $0x0;
	_ =	sdelay $0x3  }
0x80: {  	(v2sf) =	vpush @!p0 v18, $0x1;
	_ =	sdelay $0x3  }
0x81: {  	(v2sf) =	vpush @!p0 v18, $0x2;
	_ =	sdelay $0x3  }
0x82: {  	(v2sf) =	vpush @!p0 v18, $0x3;
	_ =	sdelay $0x2  }
0x83: {  	s15 =	spop @!p0 (v2sf)  }
0x84: {  	s16 =	simm.s32 @!p0 $0x400;
	s15 =	sand.u32 @!p0 $0xFFFFF80, s15  }
0x85: {  	s17 =	simm.s32 @!p0 $0x7A1400;
	s18 =	simm.s32 @!p0 $0x8280;
	s15 =	sadd.s32 @!p0 s0, s15  }
0x86: {  	[tilespmem:s18], [sflag:$0x4] =	stream.strided.gather @!p0 [hbm4b:s15+s16], $0x1000, s17, s16, $0x38;
	[tilespmem:$0x1C280] =	vst v63  }
0x87: {  	s15 =	spop @!p0 (v2sf)  }
0x88: {  	s15 =	sand.u32 @!p0 $0xFFFFF80, s15  }
0x89: {  	s18 =	simm.s32 @!p0 $0x9280;
	s15 =	sadd.s32 @!p0 s0, s15  }
0x8a: {  	[tilespmem:s18], [sflag:$0x4] =	stream.strided.gather @!p0 [hbm4b:s15+s16], $0x1000, s17, s16, $0x38;
	[tilespmem:$0x1C280] =	vst v63  }
0x8b: {  	s15 =	spop @!p0 (v2sf)  }
0x8c: {  	v18 =	vlaneseq.u32 @!p0;
	s15 =	sand.u32 @!p0 $0xFFFFF80, s15  }
0x8d: {  	v18 =	vmul.u32 @!p0 $0x80, v18;
	s18 =	simm.s32 @!p0 $0xA280;
	s15 =	sadd.s32 @!p0 s0, s15  }
0x8e: {  	[tilespmem:s18], [sflag:$0x4] =	stream.strided.gather @!p0 [hbm4b:s15+s16], $0x1000, s17, s16, $0x38;
	[tilespmem:$0x1C280] =	vst v63  }
0x8f: {  	v19 =	vor.u32 @!p0 $0xF800, v18;
	s15 =	spop @!p0 (v2sf)  }
0x90: {  	v26 =	vor.u32 @!p0 $0xF000, v18;
	v21 =	vor.u32 @!p0 $0xE800, v18;
	v20 =	vor.u32 @!p0 $0xE000, v18;
	s15 =	sand.u32 @!p0 $0xFFFFF80, s15  }
0x91: {  	v24 =	vor.u32 @!p0 $0xD800, v18;
	v22 =	vor.u32 @!p0 $0xC800, v18;
	v23 =	vor.u32 @!p0 $0xC000, v18;
	s18 =	simm.s32 @!p0 $0xB280;
	s15 =	sadd.s32 @!p0 s0, s15  }
0x92: {  	v18 =	vor.u32 @!p0 $0xD000, v18;
	v23 =	vpsel p0, v17, v23;
	v25 =	vpsel p0, v16, v22;
	[tilespmem:s18], [sflag:$0x4] =	stream.strided.gather @!p0 [hbm4b:s15+s16], $0x1000, s17, s16, $0x38;
	[tilespmem:$0x1C280] =	vst v63  }
0x93: {  	v22 =	vpsel p0, v15, v18;
	v24 =	vpsel p0, v14, v24;
	v20 =	vpsel p0, v13, v20;
	s15 =	simm.s32 @!p0 $0x5  }
0x94: {  	v21 =	vpsel p0, v12, v21;
	v18 =	vpsel p0, v11, v26;
	v19 =	vpsel p0, v10, v19;
	s15 =	simm.s32 @p0 $0x5  }
.LBB2_9:
0x95: {  	_ =	swait.ge [sflag:s15], $0x1000  }
0x96: {  	[sflag:s15] =	ssyncset.done $0x0  }
0x97: {  	[sflag:s15] =	ssyncadd.s32 $0xFFFFF000  }
0x98: {  	_ =	swait.ge [sflag:s15], $0x1000  }
0x99: {  	[sflag:s15] =	ssyncset.done $0x0  }
0x9a: {  	[sflag:s15] =	ssyncadd.s32 $0xFFFFF000  }
0x9b: {  	_ =	swait.ge [sflag:s15], $0x1000  }
0x9c: {  	[sflag:s15] =	ssyncset.done $0x0  }
0x9d: {  	[sflag:s15] =	ssyncadd.s32 $0xFFFFF000  }
0x9e: {  	_ =	swait.ge [sflag:s15], $0x1000  }
0x9f: {  	[sflag:s15] =	ssyncset.done $0x0  }
0xa0: {  	[sflag:s15] =	ssyncadd.s32 $0xFFFFF000  }
0xa1: {  	v26 =	vld [tilespmem:s13+$0xFFFFFFEC];
	_ =	sdelay $0x4  }
0xa2: {  	(v2sf) =	vpush v26, $0x0;
	_ =	sdelay $0x6  }
0xa3: {  	(v2sf) =	vpush v26, $0x1;
	_ =	sdelay $0x6  }
0xa4: {  	(v2sf) =	vpush v26, $0x2  }
0xa5: {  	s17 =	spop (v2sf)  }
0xa6: {  	s15 =	sand.u32 $0x7F, s17  }
0xa7: {  	s16 =	sadd.s32 $0xFFFFFFFD, s12;
	v23 =	vor.u32 s15, v23  }
0xa8: {  	v27 =	vmov s16;
	v25 =	vor.u32 s15, v25  }
0xa9: {  	v28 =	vshll.u32 v27, $0x3  }
0xaa: {  	v27 =	vand.u32 $0x7C, v27;
	v28 =	vand.u32 $0xC00, v28  }
0xab: {  	v27 =	vor.u32 v27, v28;
	(v2sf) =	vpush v26, $0x3  }
0xac: {  	v49 =	vor.u32 v8, v27;
	s18 =	spop (v2sf);
	v23 =	vld.idx.msk [tilespmem:v23+s10+$0x0], $0xffff  }
0xad: {  	v27 =	vor.u32 v9, v27;
	s15 =	sand.u32 $0x7F, s18;
	v25 =	vld.idx.msk [tilespmem:v25+s10+$0x0], $0xffff  }
0xae: {  	s19 =	sadd.s32 $0xFFFFFFFE, s12;
	v22 =	vor.u32 s15, v22  }
0xaf: {  	v50 =	vmov s19;
	v24 =	vor.u32 s15, v24  }
0xb0: {  	v29 =	vshll.u32 v50, $0x3  }
0xb1: {  	v51 =	vand.u32 $0x7D, v50;
	v52 =	vand.u32 $0xC00, v29;
	[tilespmem:v49+s31+$0x0] =	vst.idx.msk $0xffff, v23  }
0xb2: {  	v23 =	vor.u32 v51, v52;
	[tilespmem:v27+s31+$0x0] =	vst.idx.msk $0xffff, v25  }
0xb3: {  	s17 =	spop (v2sf);
	v53 =	vor.u32 v8, v23;
	v22 =	vld.idx.msk [tilespmem:v22+s10+$0x0], $0xffff  }
0xb4: {  	s15 =	sand.u32 $0x7F, s17;
	v23 =	vor.u32 v9, v23;
	v24 =	vld.idx.msk [tilespmem:v24+s10+$0x0], $0xffff  }
0xb5: {  	s18 =	sadd.s32 $0xFFFFFFFF, s12;
	v20 =	vor.u32 s15, v20  }
0xb6: {  	v54 =	vmov s18;
	v21 =	vor.u32 s15, v21  }
0xb7: {  	v55 =	vshll.u32 v54, $0x3  }
0xb8: {  	v56 =	vand.u32 $0x7E, v54;
	v57 =	vand.u32 $0xC00, v55;
	[tilespmem:v53+s31+$0x0] =	vst.idx.msk $0xffff, v22  }
0xb9: {  	v22 =	vor.u32 v56, v57;
	[tilespmem:v23+s31+$0x0] =	vst.idx.msk $0xffff, v24  }
0xba: {  	s19 =	spop (v2sf);
	v58 =	vor.u32 v8, v22;
	v20 =	vld.idx.msk [tilespmem:v20+s10+$0x0], $0xffff  }
0xbb: {  	s15 =	sand.u32 $0x7F, s19;
	v22 =	vor.u32 v9, v22;
	v21 =	vld.idx.msk [tilespmem:v21+s10+$0x0], $0xffff  }
0xbc: {  	v18 =	vor.u32 s15, v18  }
0xbd: {  	v59 =	vmov s12;
	v19 =	vor.u32 s15, v19  }
0xbe: {  	v60 =	vshll.u32 v59, $0x3  }
0xbf: {  	v61 =	vand.u32 $0x7F, v59;
	v62 =	vand.u32 $0xC00, v60;
	[tilespmem:v58+s31+$0x0] =	vst.idx.msk $0xffff, v20  }
0xc0: {  	v20 =	vor.u32 v61, v62;
	[tilespmem:v22+s31+$0x0] =	vst.idx.msk $0xffff, v21  }
0xc1: {  	s14 =	sadd.s32 $0x1, s14;
	v63 =	vor.u32 v8, v20;
	v18 =	vld.idx.msk [tilespmem:v18+s10+$0x0], $0xffff  }
0xc2: {  	p0 =	sne.s32 s14, $0x80;
	v20 =	vor.u32 v9, v20;
	v19 =	vld.idx.msk [tilespmem:v19+s10+$0x0], $0xffff  }
.Ltmp3:
0xc3: {  	_ = 	snop;
	(pc) =	sbr.rel @!p0 .LBB2_10-.Ltmp3, $3  }
0xc4: {  	_ =	sdelay $0x1  }
0xc5: {  	[tilespmem:v63+s31+$0x0] =	vst.idx.msk $0xffff, v18  }
0xc6: {  	s13 =	sadd.s32 $0x4, s13;
	s12 =	sadd.s32 $0x4, s12;
	[tilespmem:v20+s31+$0x0] =	vst.idx.msk $0xffff, v19  }
.LBB2_2:
0xc7: {  	s15 =	smul.u32 $0xAB, s14;
	_ =	sdelay $0x1  }
0xc8: {  	s15 =	sshrl.u32 s15, $0xA  }
0xc9: {  	s15 =	sand.u32 $0x3F, s15  }
0xca: {  	s15 =	smul.u32 $0x6, s15;
	_ =	sdelay $0x1  }
0xcb: {  	s15 =	ssub.s32 s14, s15  }
0xcc: {  	s15 =	sand.u32 $0xFF, s15  }
0xcd: {  	p0 =	sgt.s32 s15, $0x2  }
.Ltmp4:
0xce: {  	_ = 	snop;
	(pc) =	sbr.rel @p0 .LBB2_5-.Ltmp4, $1  }
0xcf: {  	_ =	sdelay $0x3  }
0xd0: {  	p0 =	seq.s32 s15, $0x0  }
.Ltmp5:
0xd1: {  	_ = 	snop;
	(pc) =	sbr.rel @p0 .LBB2_7-.Ltmp5, $1  }
0xd2: {  	_ =	sdelay $0x3  }
0xd3: {  	p0 =	seq.s32 s15, $0x1  }
0xd4: {  	p3 =	sgt.u32 @p0 s14, $0x7A  }
0xd5: {  	p4 =	por p3, !p0  }
0xd6: {  	v18 =	vld @!p4 [tilespmem:s13+$0x0];
	_ =	sdelay $0x4  }
0xd7: {  	(v2sf) =	vpush @!p4 v18, $0x0;
	_ =	sdelay $0x3  }
0xd8: {  	(v2sf) =	vpush @!p4 v18, $0x1;
	_ =	sdelay $0x3  }
0xd9: {  	(v2sf) =	vpush @!p4 v18, $0x2;
	_ =	sdelay $0x3  }
0xda: {  	(v2sf) =	vpush @!p4 v18, $0x3;
	_ =	sdelay $0x2  }
0xdb: {  	s15 =	spop @!p4 (v2sf)  }
0xdc: {  	s16 =	simm.s32 @!p4 $0x400;
	s15 =	sand.u32 @!p4 $0xFFFFF80, s15  }
0xdd: {  	s17 =	simm.s32 @!p4 $0x7A1400;
	s18 =	simm.s32 @!p4 $0x280;
	s15 =	sadd.s32 @!p4 s0, s15  }
0xde: {  	[tilespmem:s18], [sflag:$0x2] =	stream.strided.gather @!p4 [hbm4b:s15+s16], $0x1000, s17, s16, $0x38;
	[tilespmem:$0x1C280] =	vst v63  }
0xdf: {  	s15 =	spop @!p4 (v2sf)  }
0xe0: {  	s15 =	sand.u32 @!p4 $0xFFFFF80, s15  }
0xe1: {  	s18 =	simm.s32 @!p4 $0x1280;
	s15 =	sadd.s32 @!p4 s0, s15  }
0xe2: {  	[tilespmem:s18], [sflag:$0x2] =	stream.strided.gather @!p4 [hbm4b:s15+s16], $0x1000, s17, s16, $0x38;
	[tilespmem:$0x1C280] =	vst v63  }
0xe3: {  	s15 =	spop @!p4 (v2sf)  }
0xe4: {  	s15 =	sand.u32 @!p4 $0xFFFFF80, s15  }
0xe5: {  	s18 =	simm.s32 @!p4 $0x2280;
	s15 =	sadd.s32 @!p4 s0, s15  }
0xe6: {  	[tilespmem:s18], [sflag:$0x2] =	stream.strided.gather @!p4 [hbm4b:s15+s16], $0x1000, s17, s16, $0x38;
	[tilespmem:$0x1C280] =	vst v63  }
0xe7: {  	s15 =	spop @!p4 (v2sf)  }
0xe8: {  	p2 =	sgt.u32 @!p0 s14, $0x7A;
	s15 =	sand.u32 @!p4 $0xFFFFF80, s15  }
0xe9: {  	p1 =	por p2, p0;
	s18 =	simm.s32 @!p4 $0x3280;
	s15 =	sadd.s32 @!p4 s0, s15  }
0xea: {  	[tilespmem:s18], [sflag:$0x2] =	stream.strided.gather @!p4 [hbm4b:s15+s16], $0x1000, s17, s16, $0x38;
	[tilespmem:$0x1C280] =	vst v63  }
0xeb: {  	v18 =	vld @!p1 [tilespmem:s13+$0x0];
	_ =	sdelay $0x4  }
0xec: {  	(v2sf) =	vpush @!p1 v18, $0x0;
	_ =	sdelay $0x1  }
0xed: {  	(v2sf) =	vpush @!p1 v18, $0x1;
	_ =	sdelay $0x2  }
0xee: {  	(v2sf) =	vpush @!p1 v18, $0x2;
	_ =	sdelay $0x2  }
0xef: {  	v19 =	vlaneseq.u32 @!p4  }
0xf0: {  	v19 =	vmul.u32 @!p4 $0x80, v19  }
0xf1: {  	(v2sf) =	vpush @!p1 v18, $0x3  }
0xf2: {  	v20 =	vlaneseq.u32 @p0;
	v21 =	vor.u32 @!p4 $0x7000, v19  }
0xf3: {  	v22 =	vor.u32 @!p4 $0x6800, v19;
	v23 =	vor.u32 @!p4 $0x6000, v19;
	v18 =	vmul.u32 @p0 $0x80, v20  }
0xf4: {  	v24 =	vor.u32 @!p4 $0x5800, v19;
	v25 =	vor.u32 @!p4 $0x5000, v19;
	v26 =	vor.u32 @!p4 $0x4800, v19  }
0xf5: {  	v20 =	vor.u32 @!p4 $0x7800, v19;
	v19 =	vor.u32 @!p4 $0x4000, v19;
	v27 =	vor.u32 @p0 $0x7800, v18  }
0xf6: {  	s19 =	simm.s32 @!p1 $0x4280;
	v28 =	vor.u32 @p0 $0x7000, v18;
	v29 =	vor.u32 @p0 $0x6800, v18;
	v30 =	vor.u32 @p0 $0x6000, v18;
	s15 =	spop @!p1 (v2sf)  }
0xf7: {  	p3 =	por !p3, !p0;
	s17 =	simm.s32 @!p1 $0x400;
	v31 =	vor.u32 @p0 $0x5800, v18;
	v32 =	vor.u32 @p0 $0x5000, v18;
	v33 =	vor.u32 @p0 $0x4000, v18;
	s15 =	sand.u32 @!p1 $0xFFFFF80, s15  }
0xf8: {  	s18 =	simm.s32 @!p1 $0x7A1400;
	v18 =	vor.u32 @p0 $0x4800, v18;
	v19 =	vpsel p3, v19, v33;
	v33 =	vlaneseq.u32 @!p0;
	s16 =	spop @!p1 (v2sf);
	s15 =	sadd.s32 @!p1 s0, s15  }
0xf9: {  	v18 =	vpsel p3, v26, v18;
	v26 =	vpsel p3, v25, v32;
	v24 =	vpsel p3, v24, v31;
	[tilespmem:s19], [sflag:$0x3] =	stream.strided.gather @!p1 [hbm4b:s15+s17], $0x1000, s18, s17, $0x38;
	[tilespmem:$0x1C280] =	vst v63  }
0xfa: {  	v30 =	vpsel p3, v23, v30;
	v29 =	vpsel p3, v22, v29;
	v25 =	vmul.u32 @!p0 $0x80, v33;
	s15 =	sand.u32 @!p1 $0xFFFFF80, s16  }
0xfb: {  	v28 =	vpsel p3, v21, v28;
	v27 =	vpsel p3, v20, v27;
	v23 =	vlaneseq.u32 @!p1;
	s16 =	spop @!p1 (v2sf);
	s19 =	simm.s32 @!p1 $0x5280;
	s15 =	sadd.s32 @!p1 s0, s15  }
0xfc: {  	v23 =	vmul.u32 @!p1 $0x80, v23;
	v20 =	vor.u32 @!p0 $0xB800, v25;
	v21 =	vor.u32 @!p0 $0xB000, v25;
	[tilespmem:s19], [sflag:$0x3] =	stream.strided.gather @!p1 [hbm4b:s15+s17], $0x1000, s18, s17, $0x38;
	[tilespmem:$0x1C280] =	vst v63  }
0xfd: {  	v22 =	vor.u32 @!p0 $0xA800, v25;
	v31 =	vor.u32 @!p0 $0xA000, v25;
	v32 =	vor.u32 @!p0 $0x9800, v25;
	s15 =	sand.u32 @!p1 $0xFFFFF80, s16  }
0xfe: {  	v33 =	vor.u32 @!p0 $0x9000, v25;
	v34 =	vor.u32 @!p0 $0x8800, v25;
	v25 =	vor.u32 @!p0 $0x8000, v25;
	s16 =	simm.s32 @!p1 $0x6280;
	s15 =	sadd.s32 @!p1 s0, s15  }
0xff: {  	v35 =	vor.u32 @!p1 $0xB800, v23;
	v36 =	vor.u32 @!p1 $0xB000, v23;
	v37 =	vor.u32 @!p1 $0xA800, v23;
	[tilespmem:s16], [sflag:$0x3] =	stream.strided.gather @!p1 [hbm4b:s15+s17], $0x1000, s18, s17, $0x38;
	[tilespmem:$0x1C280] =	vst v63  }
0x100: {  	p2 =	por !p2, p0;
	v38 =	vor.u32 @!p1 $0xA000, v23;
	v39 =	vor.u32 @!p1 $0x9800, v23;
	v40 =	vor.u32 @!p1 $0x8000, v23;
	s15 =	spop @!p1 (v2sf)  }
0x101: {  	v41 =	vor.u32 @!p1 $0x9000, v23;
	v23 =	vor.u32 @!p1 $0x8800, v23;
	v25 =	vpsel p2, v40, v25;
	s15 =	sand.u32 @!p1 $0xFFFFF80, s15  }
.Ltmp6:
0x102: {  	v34 =	vpsel p2, v23, v34;
	v33 =	vpsel p2, v41, v33;
	v32 =	vpsel p2, v39, v32;
	s16 =	simm.s32 @!p1 $0x7280;
	s15 =	sadd.s32 @!p1 s0, s15;
	(pc) =	sbr.rel .LBB2_9-.Ltmp6, $4  }
0x103: {  	v31 =	vpsel p2, v38, v31;
	v37 =	vpsel p2, v37, v22;
	v36 =	vpsel p2, v36, v21;
	[tilespmem:s16], [sflag:$0x3] =	stream.strided.gather @!p1 [hbm4b:s15+s17], $0x1000, s18, s17, $0x38;
	[tilespmem:$0x1C280] =	vst v63  }
0x104: {  	v35 =	vpsel p2, v35, v20;
	v23 =	vpsel p0, v19, v25;
	v25 =	vpsel p0, v18, v34;
	s16 =	simm.s32 @p0 $0x3;
	s15 =	simm.s32 @!p0 $0x4  }
0x105: {  	v22 =	vpsel p0, v26, v33;
	v24 =	vpsel p0, v24, v32;
	v20 =	vpsel p0, v30, v31;
	s16 =	simm.s32 @p3 $0x3;
	s15 =	simm.s32 @p2 $0x4  }
0x106: {  	v21 =	vpsel p0, v29, v37;
	v18 =	vpsel p0, v28, v36;
	v19 =	vpsel p0, v27, v35;
	s15 =	smov.u32 @p0 s16  }
.LBB2_5:
0x107: {  	p0 =	seq.s32 s15, $0x3  }
.Ltmp7:
0x108: {  	_ = 	snop;
	(pc) =	sbr.rel @p0 .LBB2_8-.Ltmp7, $1  }
0x109: {  	_ =	sdelay $0x3  }
0x10a: {  	p0 =	seq.s32 s15, $0x4  }
0x10b: {  	p3 =	sgt.u32 @p0 s14, $0x7A  }
0x10c: {  	p4 =	por p3, !p0  }
0x10d: {  	v18 =	vld @!p4 [tilespmem:s13+$0x0];
	_ =	sdelay $0x4  }
0x10e: {  	(v2sf) =	vpush @!p4 v18, $0x0;
	_ =	sdelay $0x3  }
0x10f: {  	(v2sf) =	vpush @!p4 v18, $0x1;
	_ =	sdelay $0x3  }
0x110: {  	(v2sf) =	vpush @!p4 v18, $0x2;
	_ =	sdelay $0x3  }
0x111: {  	(v2sf) =	vpush @!p4 v18, $0x3;
	_ =	sdelay $0x2  }
0x112: {  	s15 =	spop @!p4 (v2sf)  }
0x113: {  	s16 =	simm.s32 @!p4 $0x400;
	s15 =	sand.u32 @!p4 $0xFFFFF80, s15  }
0x114: {  	s17 =	simm.s32 @!p4 $0x7A1400;
	s18 =	simm.s32 @!p4 $0xC280;
	s15 =	sadd.s32 @!p4 s0, s15  }
0x115: {  	[tilespmem:s18], [sflag:$0x5] =	stream.strided.gather @!p4 [hbm4b:s15+s16], $0x1000, s17, s16, $0x38;
	[tilespmem:$0x1C280] =	vst v63  }
0x116: {  	s15 =	spop @!p4 (v2sf)  }
0x117: {  	s15 =	sand.u32 @!p4 $0xFFFFF80, s15  }
0x118: {  	s18 =	simm.s32 @!p4 $0xD280;
	s15 =	sadd.s32 @!p4 s0, s15  }
0x119: {  	[tilespmem:s18], [sflag:$0x5] =	stream.strided.gather @!p4 [hbm4b:s15+s16], $0x1000, s17, s16, $0x38;
	[tilespmem:$0x1C280] =	vst v63  }
0x11a: {  	s15 =	spop @!p4 (v2sf)  }
0x11b: {  	s15 =	sand.u32 @!p4 $0xFFFFF80, s15  }
0x11c: {  	s18 =	simm.s32 @!p4 $0xE280;
	s15 =	sadd.s32 @!p4 s0, s15  }
0x11d: {  	[tilespmem:s18], [sflag:$0x5] =	stream.strided.gather @!p4 [hbm4b:s15+s16], $0x1000, s17, s16, $0x38;
	[tilespmem:$0x1C280] =	vst v63  }
0x11e: {  	s15 =	spop @!p4 (v2sf)  }
0x11f: {  	p2 =	sgt.u32 @!p0 s14, $0x7A;
	s15 =	sand.u32 @!p4 $0xFFFFF80, s15  }
0x120: {  	p1 =	por p2, p0;
	s18 =	simm.s32 @!p4 $0xF280;
	s15 =	sadd.s32 @!p4 s0, s15  }
0x121: {  	[tilespmem:s18], [sflag:$0x5] =	stream.strided.gather @!p4 [hbm4b:s15+s16], $0x1000, s17, s16, $0x38;
	[tilespmem:$0x1C280] =	vst v63  }
0x122: {  	v18 =	vld @!p1 [tilespmem:s13+$0x0];
	_ =	sdelay $0x4  }
0x123: {  	(v2sf) =	vpush @!p1 v18, $0x0;
	_ =	sdelay $0x1  }
0x124: {  	(v2sf) =	vpush @!p1 v18, $0x1;
	_ =	sdelay $0x2  }
0x125: {  	(v2sf) =	vpush @!p1 v18, $0x2;
	_ =	sdelay $0x2  }
0x126: {  	v19 =	vlaneseq.u32 @!p4  }
0x127: {  	v19 =	vmul.u32 @!p4 $0x80, v19  }
0x128: {  	(v2sf) =	vpush @!p1 v18, $0x3  }
0x129: {  	v20 =	vlaneseq.u32 @p0;
	v21 =	vor.u32 @!p4 $0x13000, v19  }
0x12a: {  	v22 =	vor.u32 @!p4 $0x12800, v19;
	v23 =	vor.u32 @!p4 $0x12000, v19;
	v18 =	vmul.u32 @p0 $0x80, v20  }
0x12b: {  	v24 =	vor.u32 @!p4 $0x11800, v19;
	v25 =	vor.u32 @!p4 $0x11000, v19;
	v26 =	vor.u32 @!p4 $0x10800, v19  }
0x12c: {  	v20 =	vor.u32 @!p4 $0x13800, v19;
	v19 =	vor.u32 @!p4 $0x10000, v19;
	v27 =	vor.u32 @p0 $0x13800, v18  }
0x12d: {  	s19 =	simm.s32 @!p1 $0x10280;
	v28 =	vor.u32 @p0 $0x13000, v18;
	v29 =	vor.u32 @p0 $0x12800, v18;
	v30 =	vor.u32 @p0 $0x12000, v18;
	s15 =	spop @!p1 (v2sf)  }
0x12e: {  	p3 =	por !p3, !p0;
	s17 =	simm.s32 @!p1 $0x400;
	v31 =	vor.u32 @p0 $0x11800, v18;
	v32 =	vor.u32 @p0 $0x11000, v18;
	v33 =	vor.u32 @p0 $0x10000, v18;
	s15 =	sand.u32 @!p1 $0xFFFFF80, s15  }
0x12f: {  	s18 =	simm.s32 @!p1 $0x7A1400;
	v18 =	vor.u32 @p0 $0x10800, v18;
	v19 =	vpsel p3, v19, v33;
	v33 =	vlaneseq.u32 @!p0;
	s16 =	spop @!p1 (v2sf);
	s15 =	sadd.s32 @!p1 s0, s15  }
0x130: {  	v18 =	vpsel p3, v26, v18;
	v26 =	vpsel p3, v25, v32;
	v24 =	vpsel p3, v24, v31;
	[tilespmem:s19], [sflag:$0x6] =	stream.strided.gather @!p1 [hbm4b:s15+s17], $0x1000, s18, s17, $0x38;
	[tilespmem:$0x1C280] =	vst v63  }
0x131: {  	v30 =	vpsel p3, v23, v30;
	v29 =	vpsel p3, v22, v29;
	v25 =	vmul.u32 @!p0 $0x80, v33;
	s15 =	sand.u32 @!p1 $0xFFFFF80, s16  }
0x132: {  	v28 =	vpsel p3, v21, v28;
	v27 =	vpsel p3, v20, v27;
	v23 =	vlaneseq.u32 @!p1;
	s16 =	spop @!p1 (v2sf);
	s19 =	simm.s32 @!p1 $0x11280;
	s15 =	sadd.s32 @!p1 s0, s15  }
0x133: {  	v23 =	vmul.u32 @!p1 $0x80, v23;
	v20 =	vor.u32 @!p0 $0x17800, v25;
	v21 =	vor.u32 @!p0 $0x17000, v25;
	[tilespmem:s19], [sflag:$0x6] =	stream.strided.gather @!p1 [hbm4b:s15+s17], $0x1000, s18, s17, $0x38;
	[tilespmem:$0x1C280] =	vst v63  }
0x134: {  	v22 =	vor.u32 @!p0 $0x16800, v25;
	v31 =	vor.u32 @!p0 $0x16000, v25;
	v32 =	vor.u32 @!p0 $0x15800, v25;
	s15 =	sand.u32 @!p1 $0xFFFFF80, s16  }
0x135: {  	v33 =	vor.u32 @!p0 $0x15000, v25;
	v34 =	vor.u32 @!p0 $0x14800, v25;
	v25 =	vor.u32 @!p0 $0x14000, v25;
	s16 =	simm.s32 @!p1 $0x12280;
	s15 =	sadd.s32 @!p1 s0, s15  }
0x136: {  	v35 =	vor.u32 @!p1 $0x17800, v23;
	v36 =	vor.u32 @!p1 $0x17000, v23;
	v37 =	vor.u32 @!p1 $0x16800, v23;
	[tilespmem:s16], [sflag:$0x6] =	stream.strided.gather @!p1 [hbm4b:s15+s17], $0x1000, s18, s17, $0x38;
	[tilespmem:$0x1C280] =	vst v63  }
0x137: {  	p2 =	por !p2, p0;
	v38 =	vor.u32 @!p1 $0x16000, v23;
	v39 =	vor.u32 @!p1 $0x15800, v23;
	v40 =	vor.u32 @!p1 $0x14000, v23;
	s15 =	spop @!p1 (v2sf)  }
0x138: {  	v41 =	vor.u32 @!p1 $0x15000, v23;
	v23 =	vor.u32 @!p1 $0x14800, v23;
	v25 =	vpsel p2, v40, v25;
	s15 =	sand.u32 @!p1 $0xFFFFF80, s15  }
.Ltmp8:
0x139: {  	v34 =	vpsel p2, v23, v34;
	v33 =	vpsel p2, v41, v33;
	v32 =	vpsel p2, v39, v32;
	s16 =	simm.s32 @!p1 $0x13280;
	s15 =	sadd.s32 @!p1 s0, s15;
	(pc) =	sbr.rel .LBB2_9-.Ltmp8, $4  }
0x13a: {  	v31 =	vpsel p2, v38, v31;
	v37 =	vpsel p2, v37, v22;
	v36 =	vpsel p2, v36, v21;
	[tilespmem:s16], [sflag:$0x6] =	stream.strided.gather @!p1 [hbm4b:s15+s17], $0x1000, s18, s17, $0x38;
	[tilespmem:$0x1C280] =	vst v63  }
0x13b: {  	v35 =	vpsel p2, v35, v20;
	v23 =	vpsel p0, v19, v25;
	v25 =	vpsel p0, v18, v34;
	s16 =	simm.s32 @p0 $0x6;
	s15 =	simm.s32 @!p0 $0x7  }
0x13c: {  	v22 =	vpsel p0, v26, v33;
	v24 =	vpsel p0, v24, v32;
	v20 =	vpsel p0, v30, v31;
	s16 =	simm.s32 @p3 $0x6;
	s15 =	simm.s32 @p2 $0x7  }
0x13d: {  	v21 =	vpsel p0, v29, v37;
	v18 =	vpsel p0, v28, v36;
	v19 =	vpsel p0, v27, v35;
	s15 =	smov.u32 @p0 s16  }
.LBB2_7:
0x13e: {  	p0 =	sgt.u32 s14, $0x7A  }
0x13f: {  	v18 =	vld @!p0 [tilespmem:s13+$0x0];
	_ =	sdelay $0x4  }
0x140: {  	(v2sf) =	vpush @!p0 v18, $0x0;
	_ =	sdelay $0x3  }
0x141: {  	(v2sf) =	vpush @!p0 v18, $0x1;
	_ =	sdelay $0x3  }
0x142: {  	(v2sf) =	vpush @!p0 v18, $0x2;
	_ =	sdelay $0x3  }
0x143: {  	(v2sf) =	vpush @!p0 v18, $0x3;
	_ =	sdelay $0x2  }
0x144: {  	s15 =	spop @!p0 (v2sf)  }
0x145: {  	s16 =	simm.s32 @!p0 $0x400;
	s15 =	sand.u32 @!p0 $0xFFFFF80, s15  }
0x146: {  	s17 =	simm.s32 @!p0 $0x7A1400;
	s18 =	simm.s32 @!p0 $0x14280;
	s15 =	sadd.s32 @!p0 s0, s15  }
0x147: {  	[tilespmem:s18], [sflag:$0x7] =	stream.strided.gather @!p0 [hbm4b:s15+s16], $0x1000, s17, s16, $0x38;
	[tilespmem:$0x1C280] =	vst v63  }
0x148: {  	s15 =	spop @!p0 (v2sf)  }
0x149: {  	s15 =	sand.u32 @!p0 $0xFFFFF80, s15  }
0x14a: {  	s18 =	simm.s32 @!p0 $0x15280;
	s15 =	sadd.s32 @!p0 s0, s15  }
0x14b: {  	[tilespmem:s18], [sflag:$0x7] =	stream.strided.gather @!p0 [hbm4b:s15+s16], $0x1000, s17, s16, $0x38;
	[tilespmem:$0x1C280] =	vst v63  }
0x14c: {  	s15 =	spop @!p0 (v2sf)  }
0x14d: {  	s15 =	sand.u32 @!p0 $0xFFFFF80, s15  }
0x14e: {  	v18 =	vlaneseq.u32 @!p0;
	s18 =	simm.s32 @!p0 $0x16280;
	s15 =	sadd.s32 @!p0 s0, s15  }
0x14f: {  	v18 =	vmul.u32 @!p0 $0x80, v18;
	[tilespmem:s18], [sflag:$0x7] =	stream.strided.gather @!p0 [hbm4b:s15+s16], $0x1000, s17, s16, $0x38;
	[tilespmem:$0x1C280] =	vst v63  }
0x150: {  	s15 =	spop @!p0 (v2sf)  }
.Ltmp9:
0x151: {  	v19 =	vor.u32 @!p0 $0x3800, v18;
	v26 =	vor.u32 @!p0 $0x3000, v18;
	v21 =	vor.u32 @!p0 $0x2800, v18;
	s15 =	sand.u32 @!p0 $0xFFFFF80, s15;
	(pc) =	sbr.rel .LBB2_9-.Ltmp9, $4  }
0x152: {  	v20 =	vor.u32 @!p0 $0x2000, v18;
	v24 =	vor.u32 @!p0 $0x1800, v18;
	v22 =	vor.u32 @!p0 $0x800, v18;
	s18 =	simm.s32 @!p0 $0x17280;
	s15 =	sadd.s32 @!p0 s0, s15  }
0x153: {  	v27 =	vor.u32 @!p0 $0x1000, v18;
	v23 =	vpsel p0, v0, v18;
	v25 =	vpsel p0, v7, v22;
	[tilespmem:s18], [sflag:$0x7] =	stream.strided.gather @!p0 [hbm4b:s15+s16], $0x1000, s17, s16, $0x38;
	[tilespmem:$0x1C280] =	vst v63  }
0x154: {  	v22 =	vpsel p0, v6, v27;
	v24 =	vpsel p0, v5, v24;
	v20 =	vpsel p0, v4, v20;
	s15 =	simm.s32 @!p0 $0x2  }
0x155: {  	v21 =	vpsel p0, v3, v21;
	v18 =	vpsel p0, v2, v26;
	v19 =	vpsel p0, v1, v19;
	s15 =	simm.s32 @p0 $0x2  }
.LBB2_11:
0x156: {  	_ =	sfence.sel $0x180000  }
0x157: {  	[bflag:$0x0] =	sbarrier.arrive $0xFFFF  }
0x158: {  	_ =	strace $0x90000047  }
0x159: {  	s0 =	stileid.u32;
	[bflag:$0x2] =	sbarrier.arrive $0xFFFF  }
0x15a: {  	p0 =	sne.s32 s0, $0x0;
	s0 =	rddreg [dreg:$0x3]  }
0x15b: {  	s0 =	sadd.s32 @!p0 $0x100000, s0  }
0x15c: {  	[sflag:s0] =	ssyncadd.tile.s32 @!p0 $0x1;
	_ =	shalt  }
.Lfunc_end2:
_tile_overlayer_lowered:
.L_overlay_start_2:
0x15d: {  	(tag) =	ssettag $0x2  }
0x15e: {  	s0 =	rddreg [dreg:$0x0];
	s2 =	stileid.u32  }
0x15f: {  	s1 =	rddreg [dreg:$0x1];
	p0 =	sne.s32 s2, $0x0  }
0x160: {  	s3 =	rddreg [dreg:$0x2];
	[bflag:$0x3] =	sbarrier.arrive $0xFFFF;
	s2 =	simm.s32 @!p0 $0x1C08  }
0x161: {  	[timem:s3], [sflag:s2] =	dma.local @!p0 [hbm:s0], s1  }
0x162: {  	s0 =	simm.s32 @!p0 $0x8  }
0x163: {  	_ =	swait.ge @!p0 [sflag:s0], s1  }
0x164: {  	s1 =	ssub.s32 @!p0 $0x0, s1;
	[sflag:s0] =	ssyncset.done @!p0 $0x0  }
0x165: {  	[sflag:s0] =	ssyncadd.s32 @!p0 s1  }
0x166: {  	[bflag:$0x3] =	sbarrier.arrive $0xFFFF  }
0x167: {  	_ =	shalt  }

</sc_bundles>
